<compile_context>
chip_gen: v7x
topology: tpu7x:2x2x1
jax: 0.10.2.dev20260603
libtpu: 0.0.44.dev20260713+nightly
codegen_flags: <defaults>
</compile_context>

<pallas_src>
import functools

import jax
import jax.numpy as jnp
from jax import lax
from jax.experimental import pallas as pl
from jax.experimental.pallas import tpu as pltpu
from jax.experimental.pallas import tpu_sc as plsc

B, L, V, D = 4096, 200, 1000000, 32
NC, NS = 2, 16
NW = NC * NS
RPW = B // NW
LN = 16


def _body(wid_hbm, lens_hbm, w_hbm, out_hbm,
          wid_v, lensb_v, buckb_v, rows0, rows1, out_v, w0_v, lens_sc,
          sem0, sem1):
    cid = lax.axis_index("c")
    sid = lax.axis_index("s")
    w = cid * NS + sid
    base = w * RPW

    pltpu.sync_copy(wid_hbm.at[pl.ds(base, RPW), :], wid_v.at[:, :])
    pltpu.sync_copy(w_hbm.at[pl.ds(0, 1), :], w0_v)
    pltpu.sync_copy(lens_hbm.at[pl.ds(base, RPW)], lens_sc)

    lane = lax.iota(jnp.int32, LN)
    iotaf = lane.astype(jnp.float32)

    def prep_group(g, _):
        lv = lens_sc[pl.ds(g * LN, LN)]

        def prep_row(r2, _):
            r = g * LN + r2
            len_i = jnp.max(jnp.where(lane == r2, lv, 0))
            lenf = len_i.astype(jnp.float32)
            bucket = jnp.minimum((len_i + 31) // 32 * 32, L)
            lensb_v[r, :] = jnp.full((LN,), 1.0, jnp.float32) * lenf
            buckb_v[r, :] = jnp.full((LN,), 1.0, jnp.float32) * bucket.astype(jnp.float32)
            lfb = jnp.full((LN,), 1.0, jnp.float32) * lenf
            for c in range(13):
                off = min(c * LN, L - LN)
                ids = wid_v[r, pl.ds(off, LN)]
                posf = iotaf + float(off)
                wid_v[r, pl.ds(off, LN)] = jnp.where(posf < lfb, ids, 0)
            return 0

        lax.fori_loop(0, LN, prep_row, 0)
        return 0

    lax.fori_loop(0, RPW // LN, prep_group, 0)

    def nbuckets(r):
        return (jnp.max(buckb_v[r, :]).astype(jnp.int32) + 31) // 32

    def fire(r, rows_buf, sem):
        nb = nbuckets(r)

        @pl.when(nb <= 4)
        def _():
            for k in (1, 2, 3, 4):
                @pl.when(nb == k)
                def _():
                    pltpu.async_copy(
                        w_hbm.at[wid_v.at[r, pl.ds(0, 32 * k)]],
                        rows_buf.at[pl.ds(0, 32 * k), :], sem)

        @pl.when(nb > 4)
        def _():
            pltpu.async_copy(
                w_hbm.at[wid_v.at[r, pl.ds(0, 128)]],
                rows_buf.at[pl.ds(0, 128), :], sem)

            @pl.when(nb == 5)
            def _():
                pltpu.async_copy(
                    w_hbm.at[wid_v.at[r, pl.ds(128, 32)]],
                    rows_buf.at[pl.ds(128, 32), :], sem)

            @pl.when(nb >= 6)
            def _():
                pltpu.async_copy(
                    w_hbm.at[wid_v.at[r, pl.ds(128, 72)]],
                    rows_buf.at[pl.ds(128, 72), :], sem)

    def drain(r, rows_buf, sem):
        nb = nbuckets(r)

        @pl.when(nb <= 4)
        def _():
            for k in (1, 2, 3, 4):
                @pl.when(nb == k)
                def _():
                    pltpu.make_async_copy(
                        w_hbm.at[wid_v.at[r, pl.ds(0, 32 * k)]],
                        rows_buf.at[pl.ds(0, 32 * k), :], sem).wait()

        @pl.when(nb > 4)
        def _():
            pltpu.make_async_copy(
                w_hbm.at[wid_v.at[r, pl.ds(0, 128)]],
                rows_buf.at[pl.ds(0, 128), :], sem).wait()

            @pl.when(nb == 5)
            def _():
                pltpu.make_async_copy(
                    w_hbm.at[wid_v.at[r, pl.ds(128, 32)]],
                    rows_buf.at[pl.ds(128, 32), :], sem).wait()

            @pl.when(nb >= 6)
            def _():
                pltpu.make_async_copy(
                    w_hbm.at[wid_v.at[r, pl.ds(128, 72)]],
                    rows_buf.at[pl.ds(128, 72), :], sem).wait()

    def accum(r, rows_buf):
        lfb = lensb_v[r, :]
        bfb = buckb_v[r, :]
        bk = jnp.max(bfb).astype(jnp.int32)
        zero = jnp.zeros((LN,), jnp.float32)

        def block_body(c, accs):
            accs = list(accs)
            b32 = c * 32
            for u in range(32):
                accs[2 * (u % 4)] = accs[2 * (u % 4)] + rows_buf[b32 + u, pl.ds(0, LN)]
                accs[2 * (u % 4) + 1] = accs[2 * (u % 4) + 1] + rows_buf[b32 + u, pl.ds(LN, LN)]
            return tuple(accs)

        accs = lax.fori_loop(0, bk // 32, block_body, (zero,) * 8)
        accs = list(accs)

        @pl.when(bk == L)
        def _():
            a = [rows_buf[192 + u, pl.ds(0, LN)] for u in range(8)]
            b = [rows_buf[192 + u, pl.ds(LN, LN)] for u in range(8)]
            t0 = ((a[0] + a[1]) + (a[2] + a[3])) + ((a[4] + a[5]) + (a[6] + a[7]))
            t1 = ((b[0] + b[1]) + (b[2] + b[3])) + ((b[4] + b[5]) + (b[6] + b[7]))
            out_v[r, pl.ds(0, LN)] = t0
            out_v[r, pl.ds(LN, LN)] = t1

        @pl.when(bk < L)
        def _():
            out_v[r, pl.ds(0, LN)] = zero
            out_v[r, pl.ds(LN, LN)] = zero

        acc0 = ((accs[0] + accs[2]) + (accs[4] + accs[6])) + out_v[r, pl.ds(0, LN)]
        acc1 = ((accs[1] + accs[3]) + (accs[5] + accs[7])) + out_v[r, pl.ds(LN, LN)]
        zf = bfb - lfb
        w0a = w0_v[0, pl.ds(0, LN)]
        w0b = w0_v[0, pl.ds(LN, LN)]
        out_v[r, pl.ds(0, LN)] = (acc0 - zf * w0a) / lfb
        out_v[r, pl.ds(LN, LN)] = (acc1 - zf * w0b) / lfb

    fire(0, rows0, sem0)

    def outer(k, _):
        r0 = 2 * k
        fire(r0 + 1, rows1, sem1)
        drain(r0, rows0, sem0)
        accum(r0, rows0)

        @pl.when(k < RPW // 2 - 1)
        def _():
            fire(r0 + 2, rows0, sem0)

        drain(r0 + 1, rows1, sem1)
        accum(r0 + 1, rows1)
        return 0

    lax.fori_loop(0, RPW // 2, outer, 0)
    pltpu.sync_copy(out_v.at[:, :], out_hbm.at[pl.ds(base, RPW), :])


@jax.jit
def kernel(wordids, lens, W):
    mesh = plsc.VectorSubcoreMesh(core_axis_name="c", subcore_axis_name="s")
    f = functools.partial(
        pl.kernel,
        out_type=jax.ShapeDtypeStruct((B, D), jnp.float32),
        mesh=mesh,
        compiler_params=pltpu.CompilerParams(
            needs_layout_passes=False, use_tc_tiling_on_sc=False),
        scratch_types=[
            pltpu.VMEM((RPW, L), jnp.int32),
            pltpu.VMEM((RPW, LN), jnp.float32),
            pltpu.VMEM((RPW, LN), jnp.float32),
            pltpu.VMEM((L, D), jnp.float32),
            pltpu.VMEM((L, D), jnp.float32),
            pltpu.VMEM((RPW, D), jnp.float32),
            pltpu.VMEM((1, D), jnp.float32),
            pltpu.VMEM((RPW,), jnp.int32),
            pltpu.SemaphoreType.DMA,
            pltpu.SemaphoreType.DMA,
        ],
    )(_body)
    return f(wordids, lens, W)

# --- scband reference (transcript-rebuilt; emitter-appended) ---
"""Pipeline reference for scband-embedding-encoder-37555194036556 (READ-ONLY COPY).

The authoritative reference and input builder live on the scoring server;
editing this copy changes nothing except your own understanding.
"""

import jax, jax.numpy as jnp
import numpy as np

B, L, V, D = 4096, 200, 1000000, 32

def setup_inputs(seed: int = 0) -> dict:
    key = jax.random.key(seed)
    k1, k2, k3 = jax.random.split(key, 3)
    wordids = jax.random.randint(k1, (B, L), 0, V, dtype=jnp.int64 if jax.config.jax_enable_x64 else jnp.int32)
    # lens in [1, L] to avoid division by zero (torch module divides by lens)
    lens = jax.random.randint(k2, (B,), 1, L + 1, dtype=jnp.int64 if jax.config.jax_enable_x64 else jnp.int32)
    # nn.init.kaiming_uniform_ with a=0 on weight [V, D]: fan_in = D, bound = sqrt(6 / fan_in)
    bound = float(np.sqrt(6.0 / D))
    W = jax.random.uniform(k3, (V, D), dtype=jnp.float32, minval=-bound, maxval=bound)
    return {"wordids": wordids, "lens": lens, "W": W}

def reference(wordids, lens, W):
    # embedding lookup (gather)
    embeds = jnp.take(W, wordids, axis=0)  # [B, L, D]
    N, maxlen = wordids.shape
    idxs = jnp.broadcast_to(jnp.arange(maxlen)[None, :], (N, maxlen))
    mask = (idxs < lens[:, None]).astype(embeds.dtype)  # [B, L]
    embeds = embeds * mask[:, :, None]
    out = embeds.sum(axis=1) / lens[:, None].astype(embeds.dtype)  # masked mean pool [B, D]
    return out

if __name__ == "__main__":
    import jax
    _d = setup_inputs()
    print(jax.jit(kernel)(*tuple(_d.values())))

</pallas_src>

<mosaic_0001>
#map = affine_map<(d0, d1) -> (0, 0)>
#map1 = affine_map<(d0, d1) -> (0)>
module attributes {stable_mosaic.version = 14 : i64} {
  func.func @_body(%arg0: i32, %arg1: i32, %arg2: memref<4096x200xi32, #tpu.memory_space<hbm>>, %arg3: memref<4096xi32, #tpu.memory_space<hbm>>, %arg4: memref<1000000x32xf32, #tpu.memory_space<hbm>>, %arg5: memref<4096x32xf32, #tpu.memory_space<hbm>>, %arg6: memref<128x200xi32, #tpu.memory_space<vmem>>, %arg7: memref<128x16xf32, #tpu.memory_space<vmem>>, %arg8: memref<128x16xf32, #tpu.memory_space<vmem>>, %arg9: memref<200x32xf32, #tpu.memory_space<vmem>>, %arg10: memref<200x32xf32, #tpu.memory_space<vmem>>, %arg11: memref<128x32xf32, #tpu.memory_space<vmem>>, %arg12: memref<1x32xf32, #tpu.memory_space<vmem>>, %arg13: memref<128xi32, #tpu.memory_space<vmem>>, %arg14: memref<!tpu.dma_semaphore, #tpu.memory_space<semaphore_mem>>, %arg15: memref<!tpu.dma_semaphore, #tpu.memory_space<semaphore_mem>>) attributes {dimension_semantics = [#tpu.dimension_semantics<core_parallel>, #tpu.dimension_semantics<subcore_parallel>], iteration_bounds = array<i64: 2, 16>, scalar_prefetch = 0 : i64, scratch_operands = 10 : i64, tpu.core_type = #tpu.core_type<sc_vector_subcore>, window_params = [{transform_indices = #map}, {transform_indices = #map1}, {transform_indices = #map}, {transform_indices = #map}]} {
    %mul3A = arith.constant 16 : i32
    %mul3A_0 = arith.muli %arg0, %mul3A : i32
    %add3A = arith.addi %mul3A_0, %arg1 : i32
    %mul3A_1 = arith.constant 128 : i32
    %mul3A_2 = arith.muli %add3A, %mul3A_1 : i32
    "tpu.region"() ({
      %run_scoped3A = tpu.sem_alloc : memref<!tpu.dma_semaphore, #tpu.memory_space<semaphore_mem>>
      %dma_start3A = arith.constant 0 : i32
      %dma_start3A_48 = arith.constant 0 : i32
      %dma_start3A_49 = tpu.memref_slice %arg6[%dma_start3A, %dma_start3A_48] : memref<128x200xi32, #tpu.memory_space<vmem>> -> memref<128x200xi32, #tpu.memory_space<vmem>>
      %dma_start3A_50 = arith.constant 0 : i32
      %dma_start3A_51 = tpu.memref_slice %arg2[%mul3A_2, %dma_start3A_50] : memref<4096x200xi32, #tpu.memory_space<hbm>> -> memref<128x200xi32, #tpu.memory_space<hbm>>
      %dma_start3A_52 = arith.constant 0 : i32
      %dma_start3A_53 = arith.constant 0 : i32
      %dma_start3A_54 = tpu.memref_slice %arg6[%dma_start3A_52, %dma_start3A_53] : memref<128x200xi32, #tpu.memory_space<vmem>> -> memref<128x200xi32, #tpu.memory_space<vmem>>
      %dma_start3A_55 = arith.constant 0 : i32
      %dma_start3A_56 = tpu.memref_slice %arg2[%mul3A_2, %dma_start3A_55] : memref<4096x200xi32, #tpu.memory_space<hbm>> -> memref<128x200xi32, #tpu.memory_space<hbm>>
      tpu.enqueue_dma source(%dma_start3A_56 : memref<128x200xi32, #tpu.memory_space<hbm>>) target(%dma_start3A_54 : memref<128x200xi32, #tpu.memory_space<vmem>>) target_semaphore(%run_scoped3A : memref<!tpu.dma_semaphore, #tpu.memory_space<semaphore_mem>>)
      %dma_wait3A = arith.constant 0 : i32
      %dma_wait3A_57 = arith.constant 0 : i32
      %dma_wait3A_58 = tpu.memref_slice %arg6[%dma_wait3A, %dma_wait3A_57] : memref<128x200xi32, #tpu.memory_space<vmem>> -> memref<128x200xi32, #tpu.memory_space<vmem>>
      %dma_wait3A_59 = arith.constant 0 : i32
      %dma_wait3A_60 = tpu.memref_slice %arg2[%mul3A_2, %dma_wait3A_59] : memref<4096x200xi32, #tpu.memory_space<hbm>> -> memref<128x200xi32, #tpu.memory_space<hbm>>
      %dma_wait3A_61 = arith.constant 0 : i32
      %dma_wait3A_62 = arith.constant 0 : i32
      %dma_wait3A_63 = tpu.memref_slice %arg6[%dma_wait3A_61, %dma_wait3A_62] : memref<128x200xi32, #tpu.memory_space<vmem>> -> memref<128x200xi32, #tpu.memory_space<vmem>>
      %dma_wait3A_64 = arith.constant 0 : i32
      %dma_wait3A_65 = tpu.memref_slice %arg2[%mul3A_2, %dma_wait3A_64] : memref<4096x200xi32, #tpu.memory_space<hbm>> -> memref<128x200xi32, #tpu.memory_space<hbm>>
      tpu.wait_dma2 semaphore(%run_scoped3A : memref<!tpu.dma_semaphore, #tpu.memory_space<semaphore_mem>>) src(%dma_wait3A_65 : memref<128x200xi32, #tpu.memory_space<hbm>>) dst(%dma_wait3A_63 : memref<128x200xi32, #tpu.memory_space<vmem>>)
      tpu.yield
    }) : () -> ()
    "tpu.region"() ({
      %run_scoped3A = tpu.sem_alloc : memref<!tpu.dma_semaphore, #tpu.memory_space<semaphore_mem>>
      %dma_start3A = arith.constant 0 : i32
      %dma_start3A_48 = arith.constant 0 : i32
      %dma_start3A_49 = tpu.memref_slice %arg4[%dma_start3A, %dma_start3A_48] : memref<1000000x32xf32, #tpu.memory_space<hbm>> -> memref<1x32xf32, #tpu.memory_space<hbm>>
      %dma_start3A_50 = arith.constant 0 : i32
      %dma_start3A_51 = arith.constant 0 : i32
      %dma_start3A_52 = tpu.memref_slice %arg4[%dma_start3A_50, %dma_start3A_51] : memref<1000000x32xf32, #tpu.memory_space<hbm>> -> memref<1x32xf32, #tpu.memory_space<hbm>>
      tpu.enqueue_dma source(%dma_start3A_52 : memref<1x32xf32, #tpu.memory_space<hbm>>) target(%arg12 : memref<1x32xf32, #tpu.memory_space<vmem>>) target_semaphore(%run_scoped3A : memref<!tpu.dma_semaphore, #tpu.memory_space<semaphore_mem>>)
      %dma_wait3A = arith.constant 0 : i32
      %dma_wait3A_53 = arith.constant 0 : i32
      %dma_wait3A_54 = tpu.memref_slice %arg4[%dma_wait3A, %dma_wait3A_53] : memref<1000000x32xf32, #tpu.memory_space<hbm>> -> memref<1x32xf32, #tpu.memory_space<hbm>>
      %dma_wait3A_55 = arith.constant 0 : i32
      %dma_wait3A_56 = arith.constant 0 : i32
      %dma_wait3A_57 = tpu.memref_slice %arg4[%dma_wait3A_55, %dma_wait3A_56] : memref<1000000x32xf32, #tpu.memory_space<hbm>> -> memref<1x32xf32, #tpu.memory_space<hbm>>
      tpu.wait_dma2 semaphore(%run_scoped3A : memref<!tpu.dma_semaphore, #tpu.memory_space<semaphore_mem>>) src(%dma_wait3A_57 : memref<1x32xf32, #tpu.memory_space<hbm>>) dst(%arg12 : memref<1x32xf32, #tpu.memory_space<vmem>>)
      tpu.yield
    }) : () -> ()
    "tpu.region"() ({
      %run_scoped3A = tpu.sem_alloc : memref<!tpu.dma_semaphore, #tpu.memory_space<semaphore_mem>>
      %dma_start3A = tpu.memref_slice %arg3[%mul3A_2] : memref<4096xi32, #tpu.memory_space<hbm>> -> memref<128xi32, #tpu.memory_space<hbm>>
      %dma_start3A_48 = tpu.memref_slice %arg3[%mul3A_2] : memref<4096xi32, #tpu.memory_space<hbm>> -> memref<128xi32, #tpu.memory_space<hbm>>
      tpu.enqueue_dma source(%dma_start3A_48 : memref<128xi32, #tpu.memory_space<hbm>>) target(%arg13 : memref<128xi32, #tpu.memory_space<vmem>>) target_semaphore(%run_scoped3A : memref<!tpu.dma_semaphore, #tpu.memory_space<semaphore_mem>>)
      %dma_wait3A = tpu.memref_slice %arg3[%mul3A_2] : memref<4096xi32, #tpu.memory_space<hbm>> -> memref<128xi32, #tpu.memory_space<hbm>>
      %dma_wait3A_49 = tpu.memref_slice %arg3[%mul3A_2] : memref<4096xi32, #tpu.memory_space<hbm>> -> memref<128xi32, #tpu.memory_space<hbm>>
      tpu.wait_dma2 semaphore(%run_scoped3A : memref<!tpu.dma_semaphore, #tpu.memory_space<semaphore_mem>>) src(%dma_wait3A_49 : memref<128xi32, #tpu.memory_space<hbm>>) dst(%arg13 : memref<128xi32, #tpu.memory_space<vmem>>)
      tpu.yield
    }) : () -> ()
    %iota3A = tpu.iota {dimensions = array<i32: 0>} : vector<16xi32>
    %convert_element_type3A = arith.sitofp %iota3A : vector<16xi32> to vector<16xf32>
    %scan3A = arith.constant 0 : i32
    %scan3A_3 = arith.constant 0 : i32
    %scan3A_4 = arith.constant 8 : i32
    %scan3A_5 = arith.addi %scan3A_3, %scan3A_4 : i32
    %scan3A_6 = arith.constant 1 : i32
    %scan3A_7 = scf.for %scan3A_48 = %scan3A_3 to %scan3A_5 step %scan3A_6 iter_args(%scan3A_49 = %scan3A) -> (i32)  : i32 {
      %mul3A_50 = arith.constant 16 : i32
      %mul3A_51 = arith.muli %scan3A_48, %mul3A_50 : i32
      %get3A_52 = arith.index_cast %mul3A_51 : i32 to index
      %get3A_53 = tpu.vector_load %arg13[%get3A_52] {strides = array<i32>} : memref<128xi32, #tpu.memory_space<vmem>>, vector<16xi32>,
      %scan3A_54 = arith.constant 0 : i32
      %scan3A_55 = arith.constant 0 : i32
      %scan3A_56 = arith.constant 16 : i32
      %scan3A_57 = arith.addi %scan3A_55, %scan3A_56 : i32
      %scan3A_58 = arith.constant 1 : i32
      %scan3A_59 = scf.for %scan3A_62 = %scan3A_55 to %scan3A_57 step %scan3A_58 iter_args(%scan3A_63 = %scan3A_54) -> (i32)  : i32 {
        %mul3A_64 = arith.constant 16 : i32
        %mul3A_65 = arith.muli %scan3A_48, %mul3A_64 : i32
        %add3A_66 = arith.addi %mul3A_65, %scan3A_62 : i32
        %eq3A = vector.broadcast %scan3A_62 : i32 to vector<16xi32>
        %eq3A_67 = arith.cmpi eq, %iota3A, %eq3A : vector<16xi32>
        %jit3A_68 = arith.constant 0 : i32
        %broadcast_in_dim3A = vector.broadcast %jit3A_68 : i32 to vector<16xi32>
        %select_n3A_69 = arith.select %eq3A_67, %get3A_53, %broadcast_in_dim3A : vector<16xi1>, vector<16xi32>
        %reduce_max3A_70 = arith.constant true
        %reduce_max3A_71 = vector.broadcast %reduce_max3A_70 : i1 to vector<16xi1>
        %reduce_max3A_72 = arith.constant -2147483648 : i32
        %reduce_max3A_73 = vector.broadcast %reduce_max3A_72 : i32 to vector<16xi32>
        %reduce_max3A_74 = arith.xori %select_n3A_69, %reduce_max3A_73 : vector<16xi32>
        %reduce_max3A_75 = tpu.scan <max>, %reduce_max3A_74 masked %reduce_max3A_71 : vector<16xi32>, vector<16xi1> -> vector<16xi32>
        %reduce_max3A_76 = arith.xori %reduce_max3A_75, %reduce_max3A_73 : vector<16xi32>
        %reduce_max3A_77 = vector.extract %reduce_max3A_76[15] : i32 from vector<16xi32>
        %convert_element_type3A_78 = arith.sitofp %reduce_max3A_77 : i32 to f32
        %add3A_79 = arith.constant 31 : i32
        %add3A_80 = arith.addi %reduce_max3A_77, %add3A_79 : i32
        %jit3A_81 = arith.constant 32 : i32
        %div3A_82 = arith.divsi %add3A_80, %jit3A_81 : i32
        %sign3A_83 = arith.constant 0 : i32
        %sign3A_84 = arith.cmpi sgt, %add3A_80, %sign3A_83 : i32
        %sign3A_85 = arith.extui %sign3A_84 : i1 to i32
        %sign3A_86 = arith.constant 0 : i32
        %sign3A_87 = arith.cmpi slt, %add3A_80, %sign3A_86 : i32
        %sign3A_88 = arith.extui %sign3A_87 : i1 to i32
        %sign3A_89 = arith.subi %sign3A_85, %sign3A_88 : i32
        %sign3A_90 = arith.constant 0 : i32
        %sign3A_91 = arith.cmpi sgt, %jit3A_81, %sign3A_90 : i32
        %sign3A_92 = arith.extui %sign3A_91 : i1 to i32
        %sign3A_93 = arith.constant 0 : i32
        %sign3A_94 = arith.cmpi slt, %jit3A_81, %sign3A_93 : i32
        %sign3A_95 = arith.extui %sign3A_94 : i1 to i32
        %sign3A_96 = arith.subi %sign3A_92, %sign3A_95 : i32
        %ne3A_97 = arith.cmpi ne, %sign3A_89, %sign3A_96 : i32
        %rem3A_98 = arith.remsi %add3A_80, %jit3A_81 : i32
        %ne3A_99 = arith.constant 0 : i32
        %ne3A_100 = arith.cmpi ne, %rem3A_98, %ne3A_99 : i32
        %and3A_101 = arith.andi %ne3A_97, %ne3A_100 : i1
        %sub3A_102 = arith.constant 1 : i32
        %sub3A_103 = arith.subi %div3A_82, %sub3A_102 : i32
        %select_n3A_104 = arith.select %and3A_101, %sub3A_103, %div3A_82 : i32
        %mul3A_105 = arith.constant 32 : i32
        %mul3A_106 = arith.muli %select_n3A_104, %mul3A_105 : i32
        %min3A = arith.constant 200 : i32
        %min3A_107 = arith.minsi %mul3A_106, %min3A : i32
        %broadcast_in_dim3A_108 = arith.constant 1.000000e+00 : f32
        %broadcast_in_dim3A_109 = vector.broadcast %broadcast_in_dim3A_108 : f32 to vector<16xf32>
        %mul3A_110 = vector.broadcast %convert_element_type3A_78 : f32 to vector<16xf32>
        %mul3A_111 = arith.mulf %broadcast_in_dim3A_109, %mul3A_110 : vector<16xf32>
        %swap3A = arith.index_cast %add3A_66 : i32 to index
        %swap3A_112 = arith.constant 0 : index
        %swap3A_113 = tpu.vector_load %arg7[%swap3A, %swap3A_112] {strides = array<i32>} : memref<128x16xf32, #tpu.memory_space<vmem>>, vector<16xf32>,
        tpu.vector_store %arg7[%swap3A, %swap3A_112], %mul3A_111 {strides = array<i32>} : memref<128x16xf32, #tpu.memory_space<vmem>>, vector<16xf32>,
        %broadcast_in_dim3A_114 = arith.constant 1.000000e+00 : f32
        %broadcast_in_dim3A_115 = vector.broadcast %broadcast_in_dim3A_114 : f32 to vector<16xf32>
        %convert_element_type3A_116 = arith.sitofp %min3A_107 : i32 to f32
        %mul3A_117 = vector.broadcast %convert_element_type3A_116 : f32 to vector<16xf32>
        %mul3A_118 = arith.mulf %broadcast_in_dim3A_115, %mul3A_117 : vector<16xf32>
        %swap3A_119 = arith.index_cast %add3A_66 : i32 to index
        %swap3A_120 = arith.constant 0 : index
        %swap3A_121 = tpu.vector_load %arg8[%swap3A_119, %swap3A_120] {strides = array<i32>} : memref<128x16xf32, #tpu.memory_space<vmem>>, vector<16xf32>,
        tpu.vector_store %arg8[%swap3A_119, %swap3A_120], %mul3A_118 {strides = array<i32>} : memref<128x16xf32, #tpu.memory_space<vmem>>, vector<16xf32>,
        %broadcast_in_dim3A_122 = arith.constant 1.000000e+00 : f32
        %broadcast_in_dim3A_123 = vector.broadcast %broadcast_in_dim3A_122 : f32 to vector<16xf32>
        %mul3A_124 = vector.broadcast %convert_element_type3A_78 : f32 to vector<16xf32>
        %mul3A_125 = arith.mulf %broadcast_in_dim3A_123, %mul3A_124 : vector<16xf32>
        %get3A_126 = arith.index_cast %add3A_66 : i32 to index
        %get3A_127 = arith.constant 0 : index
        %get3A_128 = tpu.vector_load %arg6[%get3A_126, %get3A_127] {strides = array<i32>} : memref<128x200xi32, #tpu.memory_space<vmem>>, vector<16xi32>,
        %add3A_129 = arith.constant 0.000000e+00 : f32
        %add3A_130 = vector.broadcast %add3A_129 : f32 to vector<16xf32>
        %add3A_131 = arith.addf %convert_element_type3A, %add3A_130 : vector<16xf32>
        %lt3A = arith.cmpf olt, %add3A_131, %mul3A_125 : vector<16xf32>
        %jit3A_132 = arith.constant 0 : i32
        %broadcast_in_dim3A_133 = vector.broadcast %jit3A_132 : i32 to vector<16xi32>
        %select_n3A_134 = arith.select %lt3A, %get3A_128, %broadcast_in_dim3A_133 : vector<16xi1>, vector<16xi32>
        %swap3A_135 = arith.index_cast %add3A_66 : i32 to index
        %swap3A_136 = arith.constant 0 : index
        %swap3A_137 = tpu.vector_load %arg6[%swap3A_135, %swap3A_136] {strides = array<i32>} : memref<128x200xi32, #tpu.memory_space<vmem>>, vector<16xi32>,
        tpu.vector_store %arg6[%swap3A_135, %swap3A_136], %select_n3A_134 {strides = array<i32>} : memref<128x200xi32, #tpu.memory_space<vmem>>, vector<16xi32>,
        %get3A_138 = arith.index_cast %add3A_66 : i32 to index
        %get3A_139 = arith.constant 16 : index
        %get3A_140 = tpu.vector_load %arg6[%get3A_138, %get3A_139] {strides = array<i32>} : memref<128x200xi32, #tpu.memory_space<vmem>>, vector<16xi32>,
        %add3A_141 = arith.constant 1.600000e+01 : f32
        %add3A_142 = vector.broadcast %add3A_141 : f32 to vector<16xf32>
        %add3A_143 = arith.addf %convert_element_type3A, %add3A_142 : vector<16xf32>
        %lt3A_144 = arith.cmpf olt, %add3A_143, %mul3A_125 : vector<16xf32>
        %jit3A_145 = arith.constant 0 : i32
        %broadcast_in_dim3A_146 = vector.broadcast %jit3A_145 : i32 to vector<16xi32>
        %select_n3A_147 = arith.select %lt3A_144, %get3A_140, %broadcast_in_dim3A_146 : vector<16xi1>, vector<16xi32>
        %swap3A_148 = arith.index_cast %add3A_66 : i32 to index
        %swap3A_149 = arith.constant 16 : index
        %swap3A_150 = tpu.vector_load %arg6[%swap3A_148, %swap3A_149] {strides = array<i32>} : memref<128x200xi32, #tpu.memory_space<vmem>>, vector<16xi32>,
        tpu.vector_store %arg6[%swap3A_148, %swap3A_149], %select_n3A_147 {strides = array<i32>} : memref<128x200xi32, #tpu.memory_space<vmem>>, vector<16xi32>,
        %get3A_151 = arith.index_cast %add3A_66 : i32 to index
        %get3A_152 = arith.constant 32 : index
        %get3A_153 = tpu.vector_load %arg6[%get3A_151, %get3A_152] {strides = array<i32>} : memref<128x200xi32, #tpu.memory_space<vmem>>, vector<16xi32>,
        %add3A_154 = arith.constant 3.200000e+01 : f32
        %add3A_155 = vector.broadcast %add3A_154 : f32 to vector<16xf32>
        %add3A_156 = arith.addf %convert_element_type3A, %add3A_155 : vector<16xf32>
        %lt3A_157 = arith.cmpf olt, %add3A_156, %mul3A_125 : vector<16xf32>
        %jit3A_158 = arith.constant 0 : i32
        %broadcast_in_dim3A_159 = vector.broadcast %jit3A_158 : i32 to vector<16xi32>
        %select_n3A_160 = arith.select %lt3A_157, %get3A_153, %broadcast_in_dim3A_159 : vector<16xi1>, vector<16xi32>
        %swap3A_161 = arith.index_cast %add3A_66 : i32 to index
        %swap3A_162 = arith.constant 32 : index
        %swap3A_163 = tpu.vector_load %arg6[%swap3A_161, %swap3A_162] {strides = array<i32>} : memref<128x200xi32, #tpu.memory_space<vmem>>, vector<16xi32>,
        tpu.vector_store %arg6[%swap3A_161, %swap3A_162], %select_n3A_160 {strides = array<i32>} : memref<128x200xi32, #tpu.memory_space<vmem>>, vector<16xi32>,
        %get3A_164 = arith.index_cast %add3A_66 : i32 to index
        %get3A_165 = arith.constant 48 : index
        %get3A_166 = tpu.vector_load %arg6[%get3A_164, %get3A_165] {strides = array<i32>} : memref<128x200xi32, #tpu.memory_space<vmem>>, vector<16xi32>,
        %add3A_167 = arith.constant 4.800000e+01 : f32
        %add3A_168 = vector.broadcast %add3A_167 : f32 to vector<16xf32>
        %add3A_169 = arith.addf %convert_element_type3A, %add3A_168 : vector<16xf32>
        %lt3A_170 = arith.cmpf olt, %add3A_169, %mul3A_125 : vector<16xf32>
        %jit3A_171 = arith.constant 0 : i32
        %broadcast_in_dim3A_172 = vector.broadcast %jit3A_171 : i32 to vector<16xi32>
        %select_n3A_173 = arith.select %lt3A_170, %get3A_166, %broadcast_in_dim3A_172 : vector<16xi1>, vector<16xi32>
        %swap3A_174 = arith.index_cast %add3A_66 : i32 to index
        %swap3A_175 = arith.constant 48 : index
        %swap3A_176 = tpu.vector_load %arg6[%swap3A_174, %swap3A_175] {strides = array<i32>} : memref<128x200xi32, #tpu.memory_space<vmem>>, vector<16xi32>,
        tpu.vector_store %arg6[%swap3A_174, %swap3A_175], %select_n3A_173 {strides = array<i32>} : memref<128x200xi32, #tpu.memory_space<vmem>>, vector<16xi32>,
        %get3A_177 = arith.index_cast %add3A_66 : i32 to index
        %get3A_178 = arith.constant 64 : index
        %get3A_179 = tpu.vector_load %arg6[%get3A_177, %get3A_178] {strides = array<i32>} : memref<128x200xi32, #tpu.memory_space<vmem>>, vector<16xi32>,
        %add3A_180 = arith.constant 6.400000e+01 : f32
        %add3A_181 = vector.broadcast %add3A_180 : f32 to vector<16xf32>
        %add3A_182 = arith.addf %convert_element_type3A, %add3A_181 : vector<16xf32>
        %lt3A_183 = arith.cmpf olt, %add3A_182, %mul3A_125 : vector<16xf32>
        %jit3A_184 = arith.constant 0 : i32
        %broadcast_in_dim3A_185 = vector.broadcast %jit3A_184 : i32 to vector<16xi32>
        %select_n3A_186 = arith.select %lt3A_183, %get3A_179, %broadcast_in_dim3A_185 : vector<16xi1>, vector<16xi32>
        %swap3A_187 = arith.index_cast %add3A_66 : i32 to index
        %swap3A_188 = arith.constant 64 : index
        %swap3A_189 = tpu.vector_load %arg6[%swap3A_187, %swap3A_188] {strides = array<i32>} : memref<128x200xi32, #tpu.memory_space<vmem>>, vector<16xi32>,
        tpu.vector_store %arg6[%swap3A_187, %swap3A_188], %select_n3A_186 {strides = array<i32>} : memref<128x200xi32, #tpu.memory_space<vmem>>, vector<16xi32>,
        %get3A_190 = arith.index_cast %add3A_66 : i32 to index
        %get3A_191 = arith.constant 80 : index
        %get3A_192 = tpu.vector_load %arg6[%get3A_190, %get3A_191] {strides = array<i32>} : memref<128x200xi32, #tpu.memory_space<vmem>>, vector<16xi32>,
        %add3A_193 = arith.constant 8.000000e+01 : f32
        %add3A_194 = vector.broadcast %add3A_193 : f32 to vector<16xf32>
        %add3A_195 = arith.addf %convert_element_type3A, %add3A_194 : vector<16xf32>
        %lt3A_196 = arith.cmpf olt, %add3A_195, %mul3A_125 : vector<16xf32>
        %jit3A_197 = arith.constant 0 : i32
        %broadcast_in_dim3A_198 = vector.broadcast %jit3A_197 : i32 to vector<16xi32>
        %select_n3A_199 = arith.select %lt3A_196, %get3A_192, %broadcast_in_dim3A_198 : vector<16xi1>, vector<16xi32>
        %swap3A_200 = arith.index_cast %add3A_66 : i32 to index
        %swap3A_201 = arith.constant 80 : index
        %swap3A_202 = tpu.vector_load %arg6[%swap3A_200, %swap3A_201] {strides = array<i32>} : memref<128x200xi32, #tpu.memory_space<vmem>>, vector<16xi32>,
        tpu.vector_store %arg6[%swap3A_200, %swap3A_201], %select_n3A_199 {strides = array<i32>} : memref<128x200xi32, #tpu.memory_space<vmem>>, vector<16xi32>,
        %get3A_203 = arith.index_cast %add3A_66 : i32 to index
        %get3A_204 = arith.constant 96 : index
        %get3A_205 = tpu.vector_load %arg6[%get3A_203, %get3A_204] {strides = array<i32>} : memref<128x200xi32, #tpu.memory_space<vmem>>, vector<16xi32>,
        %add3A_206 = arith.constant 9.600000e+01 : f32
        %add3A_207 = vector.broadcast %add3A_206 : f32 to vector<16xf32>
        %add3A_208 = arith.addf %convert_element_type3A, %add3A_207 : vector<16xf32>
        %lt3A_209 = arith.cmpf olt, %add3A_208, %mul3A_125 : vector<16xf32>
        %jit3A_210 = arith.constant 0 : i32
        %broadcast_in_dim3A_211 = vector.broadcast %jit3A_210 : i32 to vector<16xi32>
        %select_n3A_212 = arith.select %lt3A_209, %get3A_205, %broadcast_in_dim3A_211 : vector<16xi1>, vector<16xi32>
        %swap3A_213 = arith.index_cast %add3A_66 : i32 to index
        %swap3A_214 = arith.constant 96 : index
        %swap3A_215 = tpu.vector_load %arg6[%swap3A_213, %swap3A_214] {strides = array<i32>} : memref<128x200xi32, #tpu.memory_space<vmem>>, vector<16xi32>,
        tpu.vector_store %arg6[%swap3A_213, %swap3A_214], %select_n3A_212 {strides = array<i32>} : memref<128x200xi32, #tpu.memory_space<vmem>>, vector<16xi32>,
        %get3A_216 = arith.index_cast %add3A_66 : i32 to index
        %get3A_217 = arith.constant 112 : index
        %get3A_218 = tpu.vector_load %arg6[%get3A_216, %get3A_217] {strides = array<i32>} : memref<128x200xi32, #tpu.memory_space<vmem>>, vector<16xi32>,
        %add3A_219 = arith.constant 1.120000e+02 : f32
        %add3A_220 = vector.broadcast %add3A_219 : f32 to vector<16xf32>
        %add3A_221 = arith.addf %convert_element_type3A, %add3A_220 : vector<16xf32>
        %lt3A_222 = arith.cmpf olt, %add3A_221, %mul3A_125 : vector<16xf32>
        %jit3A_223 = arith.constant 0 : i32
        %broadcast_in_dim3A_224 = vector.broadcast %jit3A_223 : i32 to vector<16xi32>
        %select_n3A_225 = arith.select %lt3A_222, %get3A_218, %broadcast_in_dim3A_224 : vector<16xi1>, vector<16xi32>
        %swap3A_226 = arith.index_cast %add3A_66 : i32 to index
        %swap3A_227 = arith.constant 112 : index
        %swap3A_228 = tpu.vector_load %arg6[%swap3A_226, %swap3A_227] {strides = array<i32>} : memref<128x200xi32, #tpu.memory_space<vmem>>, vector<16xi32>,
        tpu.vector_store %arg6[%swap3A_226, %swap3A_227], %select_n3A_225 {strides = array<i32>} : memref<128x200xi32, #tpu.memory_space<vmem>>, vector<16xi32>,
        %get3A_229 = arith.index_cast %add3A_66 : i32 to index
        %get3A_230 = arith.constant 128 : index
        %get3A_231 = tpu.vector_load %arg6[%get3A_229, %get3A_230] {strides = array<i32>} : memref<128x200xi32, #tpu.memory_space<vmem>>, vector<16xi32>,
        %add3A_232 = arith.constant 1.280000e+02 : f32
        %add3A_233 = vector.broadcast %add3A_232 : f32 to vector<16xf32>
        %add3A_234 = arith.addf %convert_element_type3A, %add3A_233 : vector<16xf32>
        %lt3A_235 = arith.cmpf olt, %add3A_234, %mul3A_125 : vector<16xf32>
        %jit3A_236 = arith.constant 0 : i32
        %broadcast_in_dim3A_237 = vector.broadcast %jit3A_236 : i32 to vector<16xi32>
        %select_n3A_238 = arith.select %lt3A_235, %get3A_231, %broadcast_in_dim3A_237 : vector<16xi1>, vector<16xi32>
        %swap3A_239 = arith.index_cast %add3A_66 : i32 to index
        %swap3A_240 = arith.constant 128 : index
        %swap3A_241 = tpu.vector_load %arg6[%swap3A_239, %swap3A_240] {strides = array<i32>} : memref<128x200xi32, #tpu.memory_space<vmem>>, vector<16xi32>,
        tpu.vector_store %arg6[%swap3A_239, %swap3A_240], %select_n3A_238 {strides = array<i32>} : memref<128x200xi32, #tpu.memory_space<vmem>>, vector<16xi32>,
        %get3A_242 = arith.index_cast %add3A_66 : i32 to index
        %get3A_243 = arith.constant 144 : index
        %get3A_244 = tpu.vector_load %arg6[%get3A_242, %get3A_243] {strides = array<i32>} : memref<128x200xi32, #tpu.memory_space<vmem>>, vector<16xi32>,
        %add3A_245 = arith.constant 1.440000e+02 : f32
        %add3A_246 = vector.broadcast %add3A_245 : f32 to vector<16xf32>
        %add3A_247 = arith.addf %convert_element_type3A, %add3A_246 : vector<16xf32>
        %lt3A_248 = arith.cmpf olt, %add3A_247, %mul3A_125 : vector<16xf32>
        %jit3A_249 = arith.constant 0 : i32
        %broadcast_in_dim3A_250 = vector.broadcast %jit3A_249 : i32 to vector<16xi32>
        %select_n3A_251 = arith.select %lt3A_248, %get3A_244, %broadcast_in_dim3A_250 : vector<16xi1>, vector<16xi32>
        %swap3A_252 = arith.index_cast %add3A_66 : i32 to index
        %swap3A_253 = arith.constant 144 : index
        %swap3A_254 = tpu.vector_load %arg6[%swap3A_252, %swap3A_253] {strides = array<i32>} : memref<128x200xi32, #tpu.memory_space<vmem>>, vector<16xi32>,
        tpu.vector_store %arg6[%swap3A_252, %swap3A_253], %select_n3A_251 {strides = array<i32>} : memref<128x200xi32, #tpu.memory_space<vmem>>, vector<16xi32>,
        %get3A_255 = arith.index_cast %add3A_66 : i32 to index
        %get3A_256 = arith.constant 160 : index
        %get3A_257 = tpu.vector_load %arg6[%get3A_255, %get3A_256] {strides = array<i32>} : memref<128x200xi32, #tpu.memory_space<vmem>>, vector<16xi32>,
        %add3A_258 = arith.constant 1.600000e+02 : f32
        %add3A_259 = vector.broadcast %add3A_258 : f32 to vector<16xf32>
        %add3A_260 = arith.addf %convert_element_type3A, %add3A_259 : vector<16xf32>
        %lt3A_261 = arith.cmpf olt, %add3A_260, %mul3A_125 : vector<16xf32>
        %jit3A_262 = arith.constant 0 : i32
        %broadcast_in_dim3A_263 = vector.broadcast %jit3A_262 : i32 to vector<16xi32>
        %select_n3A_264 = arith.select %lt3A_261, %get3A_257, %broadcast_in_dim3A_263 : vector<16xi1>, vector<16xi32>
        %swap3A_265 = arith.index_cast %add3A_66 : i32 to index
        %swap3A_266 = arith.constant 160 : index
        %swap3A_267 = tpu.vector_load %arg6[%swap3A_265, %swap3A_266] {strides = array<i32>} : memref<128x200xi32, #tpu.memory_space<vmem>>, vector<16xi32>,
        tpu.vector_store %arg6[%swap3A_265, %swap3A_266], %select_n3A_264 {strides = array<i32>} : memref<128x200xi32, #tpu.memory_space<vmem>>, vector<16xi32>,
        %get3A_268 = arith.index_cast %add3A_66 : i32 to index
        %get3A_269 = arith.constant 176 : index
        %get3A_270 = tpu.vector_load %arg6[%get3A_268, %get3A_269] {strides = array<i32>} : memref<128x200xi32, #tpu.memory_space<vmem>>, vector<16xi32>,
        %add3A_271 = arith.constant 1.760000e+02 : f32
        %add3A_272 = vector.broadcast %add3A_271 : f32 to vector<16xf32>
        %add3A_273 = arith.addf %convert_element_type3A, %add3A_272 : vector<16xf32>
        %lt3A_274 = arith.cmpf olt, %add3A_273, %mul3A_125 : vector<16xf32>
        %jit3A_275 = arith.constant 0 : i32
        %broadcast_in_dim3A_276 = vector.broadcast %jit3A_275 : i32 to vector<16xi32>
        %select_n3A_277 = arith.select %lt3A_274, %get3A_270, %broadcast_in_dim3A_276 : vector<16xi1>, vector<16xi32>
        %swap3A_278 = arith.index_cast %add3A_66 : i32 to index
        %swap3A_279 = arith.constant 176 : index
        %swap3A_280 = tpu.vector_load %arg6[%swap3A_278, %swap3A_279] {strides = array<i32>} : memref<128x200xi32, #tpu.memory_space<vmem>>, vector<16xi32>,
        tpu.vector_store %arg6[%swap3A_278, %swap3A_279], %select_n3A_277 {strides = array<i32>} : memref<128x200xi32, #tpu.memory_space<vmem>>, vector<16xi32>,
        %get3A_281 = arith.index_cast %add3A_66 : i32 to index
        %get3A_282 = arith.constant 184 : index
        %get3A_283 = tpu.vector_load %arg6[%get3A_281, %get3A_282] {strides = array<i32>} : memref<128x200xi32, #tpu.memory_space<vmem>>, vector<16xi32>,
        %add3A_284 = arith.constant 1.840000e+02 : f32
        %add3A_285 = vector.broadcast %add3A_284 : f32 to vector<16xf32>
        %add3A_286 = arith.addf %convert_element_type3A, %add3A_285 : vector<16xf32>
        %lt3A_287 = arith.cmpf olt, %add3A_286, %mul3A_125 : vector<16xf32>
        %jit3A_288 = arith.constant 0 : i32
        %broadcast_in_dim3A_289 = vector.broadcast %jit3A_288 : i32 to vector<16xi32>
        %select_n3A_290 = arith.select %lt3A_287, %get3A_283, %broadcast_in_dim3A_289 : vector<16xi1>, vector<16xi32>
        %swap3A_291 = arith.index_cast %add3A_66 : i32 to index
        %swap3A_292 = arith.constant 184 : index
        %swap3A_293 = tpu.vector_load %arg6[%swap3A_291, %swap3A_292] {strides = array<i32>} : memref<128x200xi32, #tpu.memory_space<vmem>>, vector<16xi32>,
        tpu.vector_store %arg6[%swap3A_291, %swap3A_292], %select_n3A_290 {strides = array<i32>} : memref<128x200xi32, #tpu.memory_space<vmem>>, vector<16xi32>,
        %scan3A_294 = arith.constant 0 : i32
        scf.yield %scan3A_294 : i32
      }
      %scan3A_60 = arith.constant 16 : i32
      %scan3A_61 = arith.constant 0 : i32
      scf.yield %scan3A_61 : i32
    }
    %scan3A_8 = arith.constant 8 : i32
    %get3A = arith.constant 0 : i32
    %get3A_9 = arith.index_cast %get3A : i32 to index
    %get3A_10 = arith.constant 0 : index
    %get3A_11 = tpu.vector_load %arg8[%get3A_9, %get3A_10] {strides = array<i32>} : memref<128x16xf32, #tpu.memory_space<vmem>>, vector<16xf32>,
    %reduce_max3A = arith.constant true
    %reduce_max3A_12 = vector.broadcast %reduce_max3A : i1 to vector<16xi1>
    %reduce_max3A_13 = tpu.scan <max>, %get3A_11 masked %reduce_max3A_12 : vector<16xf32>, vector<16xi1> -> vector<16xf32>
    %reduce_max3A_14 = vector.extract %reduce_max3A_13[15] : f32 from vector<16xf32>
    %convert_element_type3A_15 = arith.fptosi %reduce_max3A_14 : f32 to i32
    %add3A_16 = arith.constant 31 : i32
    %add3A_17 = arith.addi %convert_element_type3A_15, %add3A_16 : i32
    %jit3A = arith.constant 32 : i32
    %div3A = arith.divsi %add3A_17, %jit3A : i32
    %sign3A = arith.constant 0 : i32
    %sign3A_18 = arith.cmpi sgt, %add3A_17, %sign3A : i32
    %sign3A_19 = arith.extui %sign3A_18 : i1 to i32
    %sign3A_20 = arith.constant 0 : i32
    %sign3A_21 = arith.cmpi slt, %add3A_17, %sign3A_20 : i32
    %sign3A_22 = arith.extui %sign3A_21 : i1 to i32
    %sign3A_23 = arith.subi %sign3A_19, %sign3A_22 : i32
    %sign3A_24 = arith.constant 0 : i32
    %sign3A_25 = arith.cmpi sgt, %jit3A, %sign3A_24 : i32
    %sign3A_26 = arith.extui %sign3A_25 : i1 to i32
    %sign3A_27 = arith.constant 0 : i32
    %sign3A_28 = arith.cmpi slt, %jit3A, %sign3A_27 : i32
    %sign3A_29 = arith.extui %sign3A_28 : i1 to i32
    %sign3A_30 = arith.subi %sign3A_26, %sign3A_29 : i32
    %ne3A = arith.cmpi ne, %sign3A_23, %sign3A_30 : i32
    %rem3A = arith.remsi %add3A_17, %jit3A : i32
    %ne3A_31 = arith.constant 0 : i32
    %ne3A_32 = arith.cmpi ne, %rem3A, %ne3A_31 : i32
    %and3A = arith.andi %ne3A, %ne3A_32 : i1
    %sub3A = arith.constant 1 : i32
    %sub3A_33 = arith.subi %div3A, %sub3A : i32
    %select_n3A = arith.select %and3A, %sub3A_33, %div3A : i32
    %le3A = arith.constant 4 : i32
    %le3A_34 = arith.cmpi sle, %select_n3A, %le3A : i32
    %convert_element_type3A_35 = arith.extui %le3A_34 : i1 to i32
    %cond3A = arith.constant 0 : i32
    %cond3A_36 = arith.cmpi ne, %convert_element_type3A_35, %cond3A : i32
    scf.if %cond3A_36 {
      %eq3A = arith.constant 1 : i32
      %eq3A_48 = arith.cmpi eq, %select_n3A, %eq3A : i32
      %convert_element_type3A_49 = arith.extui %eq3A_48 : i1 to i32
      %cond3A_50 = arith.constant 0 : i32
      %cond3A_51 = arith.cmpi ne, %convert_element_type3A_49, %cond3A_50 : i32
      scf.if %cond3A_51 {
        %dma_start3A = arith.constant 0 : i32
        %dma_start3A_67 = arith.constant 0 : i32
        %dma_start3A_68 = arith.constant 0 : i32
        %dma_start3A_69 = tpu.memref_slice %arg9[%dma_start3A_67, %dma_start3A_68] : memref<200x32xf32, #tpu.memory_space<vmem>> -> memref<32x32xf32, #tpu.memory_space<vmem>>
        %dma_start3A_70 = arith.constant 0 : i32
        %dma_start3A_71 = tpu.memref_slice %arg6[%dma_start3A, %dma_start3A_70] : memref<128x200xi32, #tpu.memory_space<vmem>> -> memref<1x32xi32, #tpu.memory_space<vmem>>
        %dma_start3A_72 = tpu.memref_squeeze %dma_start3A_71 : memref<1x32xi32, #tpu.memory_space<vmem>> -> memref<32xi32, #tpu.memory_space<vmem>>
        %dma_start3A_73 = arith.constant 0 : i32
        %dma_start3A_74 = arith.constant 0 : i32
        %dma_start3A_75 = tpu.memref_slice %arg4[%dma_start3A_73, %dma_start3A_74] : memref<1000000x32xf32, #tpu.memory_space<hbm>> -> memref<1000000x32xf32, #tpu.memory_space<hbm>>
        tpu.enqueue_indirect_dma source(%dma_start3A_75 : memref<1000000x32xf32, #tpu.memory_space<hbm>>) target(%dma_start3A_69 : memref<32x32xf32, #tpu.memory_space<vmem>>) offsets(%dma_start3A_72 : memref<32xi32, #tpu.memory_space<vmem>>) semaphore(%arg14 : memref<!tpu.dma_semaphore, #tpu.memory_space<semaphore_mem>>)
      } else {
      }
      %eq3A_52 = arith.constant 2 : i32
      %eq3A_53 = arith.cmpi eq, %select_n3A, %eq3A_52 : i32
      %convert_element_type3A_54 = arith.extui %eq3A_53 : i1 to i32
      %cond3A_55 = arith.constant 0 : i32
      %cond3A_56 = arith.cmpi ne, %convert_element_type3A_54, %cond3A_55 : i32
      scf.if %cond3A_56 {
        %dma_start3A = arith.constant 0 : i32
        %dma_start3A_67 = arith.constant 0 : i32
        %dma_start3A_68 = arith.constant 0 : i32
        %dma_start3A_69 = tpu.memref_slice %arg9[%dma_start3A_67, %dma_start3A_68] : memref<200x32xf32, #tpu.memory_space<vmem>> -> memref<64x32xf32, #tpu.memory_space<vmem>>
        %dma_start3A_70 = arith.constant 0 : i32
        %dma_start3A_71 = tpu.memref_slice %arg6[%dma_start3A, %dma_start3A_70] : memref<128x200xi32, #tpu.memory_space<vmem>> -> memref<1x64xi32, #tpu.memory_space<vmem>>
        %dma_start3A_72 = tpu.memref_squeeze %dma_start3A_71 : memref<1x64xi32, #tpu.memory_space<vmem>> -> memref<64xi32, #tpu.memory_space<vmem>>
        %dma_start3A_73 = arith.constant 0 : i32
        %dma_start3A_74 = arith.constant 0 : i32
        %dma_start3A_75 = tpu.memref_slice %arg4[%dma_start3A_73, %dma_start3A_74] : memref<1000000x32xf32, #tpu.memory_space<hbm>> -> memref<1000000x32xf32, #tpu.memory_space<hbm>>
        tpu.enqueue_indirect_dma source(%dma_start3A_75 : memref<1000000x32xf32, #tpu.memory_space<hbm>>) target(%dma_start3A_69 : memref<64x32xf32, #tpu.memory_space<vmem>>) offsets(%dma_start3A_72 : memref<64xi32, #tpu.memory_space<vmem>>) semaphore(%arg14 : memref<!tpu.dma_semaphore, #tpu.memory_space<semaphore_mem>>)
      } else {
      }
      %eq3A_57 = arith.constant 3 : i32
      %eq3A_58 = arith.cmpi eq, %select_n3A, %eq3A_57 : i32
      %convert_element_type3A_59 = arith.extui %eq3A_58 : i1 to i32
      %cond3A_60 = arith.constant 0 : i32
      %cond3A_61 = arith.cmpi ne, %convert_element_type3A_59, %cond3A_60 : i32
      scf.if %cond3A_61 {
        %dma_start3A = arith.constant 0 : i32
        %dma_start3A_67 = arith.constant 0 : i32
        %dma_start3A_68 = arith.constant 0 : i32
        %dma_start3A_69 = tpu.memref_slice %arg9[%dma_start3A_67, %dma_start3A_68] : memref<200x32xf32, #tpu.memory_space<vmem>> -> memref<96x32xf32, #tpu.memory_space<vmem>>
        %dma_start3A_70 = arith.constant 0 : i32
        %dma_start3A_71 = tpu.memref_slice %arg6[%dma_start3A, %dma_start3A_70] : memref<128x200xi32, #tpu.memory_space<vmem>> -> memref<1x96xi32, #tpu.memory_space<vmem>>
        %dma_start3A_72 = tpu.memref_squeeze %dma_start3A_71 : memref<1x96xi32, #tpu.memory_space<vmem>> -> memref<96xi32, #tpu.memory_space<vmem>>
        %dma_start3A_73 = arith.constant 0 : i32
        %dma_start3A_74 = arith.constant 0 : i32
        %dma_start3A_75 = tpu.memref_slice %arg4[%dma_start3A_73, %dma_start3A_74] : memref<1000000x32xf32, #tpu.memory_space<hbm>> -> memref<1000000x32xf32, #tpu.memory_space<hbm>>
        tpu.enqueue_indirect_dma source(%dma_start3A_75 : memref<1000000x32xf32, #tpu.memory_space<hbm>>) target(%dma_start3A_69 : memref<96x32xf32, #tpu.memory_space<vmem>>) offsets(%dma_start3A_72 : memref<96xi32, #tpu.memory_space<vmem>>) semaphore(%arg14 : memref<!tpu.dma_semaphore, #tpu.memory_space<semaphore_mem>>)
      } else {
      }
      %eq3A_62 = arith.constant 4 : i32
      %eq3A_63 = arith.cmpi eq, %select_n3A, %eq3A_62 : i32
      %convert_element_type3A_64 = arith.extui %eq3A_63 : i1 to i32
      %cond3A_65 = arith.constant 0 : i32
      %cond3A_66 = arith.cmpi ne, %convert_element_type3A_64, %cond3A_65 : i32
      scf.if %cond3A_66 {
        %dma_start3A = arith.constant 0 : i32
        %dma_start3A_67 = arith.constant 0 : i32
        %dma_start3A_68 = arith.constant 0 : i32
        %dma_start3A_69 = tpu.memref_slice %arg9[%dma_start3A_67, %dma_start3A_68] : memref<200x32xf32, #tpu.memory_space<vmem>> -> memref<128x32xf32, #tpu.memory_space<vmem>>
        %dma_start3A_70 = arith.constant 0 : i32
        %dma_start3A_71 = tpu.memref_slice %arg6[%dma_start3A, %dma_start3A_70] : memref<128x200xi32, #tpu.memory_space<vmem>> -> memref<1x128xi32, #tpu.memory_space<vmem>>
        %dma_start3A_72 = tpu.memref_squeeze %dma_start3A_71 : memref<1x128xi32, #tpu.memory_space<vmem>> -> memref<128xi32, #tpu.memory_space<vmem>>
        %dma_start3A_73 = arith.constant 0 : i32
        %dma_start3A_74 = arith.constant 0 : i32
        %dma_start3A_75 = tpu.memref_slice %arg4[%dma_start3A_73, %dma_start3A_74] : memref<1000000x32xf32, #tpu.memory_space<hbm>> -> memref<1000000x32xf32, #tpu.memory_space<hbm>>
        tpu.enqueue_indirect_dma source(%dma_start3A_75 : memref<1000000x32xf32, #tpu.memory_space<hbm>>) target(%dma_start3A_69 : memref<128x32xf32, #tpu.memory_space<vmem>>) offsets(%dma_start3A_72 : memref<128xi32, #tpu.memory_space<vmem>>) semaphore(%arg14 : memref<!tpu.dma_semaphore, #tpu.memory_space<semaphore_mem>>)
      } else {
      }
    } else {
    }
    %gt3A = arith.constant 4 : i32
    %gt3A_37 = arith.cmpi sgt, %select_n3A, %gt3A : i32
    %convert_element_type3A_38 = arith.extui %gt3A_37 : i1 to i32
    %cond3A_39 = arith.constant 0 : i32
    %cond3A_40 = arith.cmpi ne, %convert_element_type3A_38, %cond3A_39 : i32
    scf.if %cond3A_40 {
      %dma_start3A = arith.constant 0 : i32
      %dma_start3A_48 = arith.constant 0 : i32
      %dma_start3A_49 = arith.constant 0 : i32
      %dma_start3A_50 = tpu.memref_slice %arg9[%dma_start3A_48, %dma_start3A_49] : memref<200x32xf32, #tpu.memory_space<vmem>> -> memref<128x32xf32, #tpu.memory_space<vmem>>
      %dma_start3A_51 = arith.constant 0 : i32
      %dma_start3A_52 = tpu.memref_slice %arg6[%dma_start3A, %dma_start3A_51] : memref<128x200xi32, #tpu.memory_space<vmem>> -> memref<1x128xi32, #tpu.memory_space<vmem>>
      %dma_start3A_53 = tpu.memref_squeeze %dma_start3A_52 : memref<1x128xi32, #tpu.memory_space<vmem>> -> memref<128xi32, #tpu.memory_space<vmem>>
      %dma_start3A_54 = arith.constant 0 : i32
      %dma_start3A_55 = arith.constant 0 : i32
      %dma_start3A_56 = tpu.memref_slice %arg4[%dma_start3A_54, %dma_start3A_55] : memref<1000000x32xf32, #tpu.memory_space<hbm>> -> memref<1000000x32xf32, #tpu.memory_space<hbm>>
      tpu.enqueue_indirect_dma source(%dma_start3A_56 : memref<1000000x32xf32, #tpu.memory_space<hbm>>) target(%dma_start3A_50 : memref<128x32xf32, #tpu.memory_space<vmem>>) offsets(%dma_start3A_53 : memref<128xi32, #tpu.memory_space<vmem>>) semaphore(%arg14 : memref<!tpu.dma_semaphore, #tpu.memory_space<semaphore_mem>>)
      %eq3A = arith.constant 5 : i32
      %eq3A_57 = arith.cmpi eq, %select_n3A, %eq3A : i32
      %convert_element_type3A_58 = arith.extui %eq3A_57 : i1 to i32
      %cond3A_59 = arith.constant 0 : i32
      %cond3A_60 = arith.cmpi ne, %convert_element_type3A_58, %cond3A_59 : i32
      scf.if %cond3A_60 {
        %dma_start3A_65 = arith.constant 0 : i32
        %dma_start3A_66 = arith.constant 128 : i32
        %dma_start3A_67 = arith.constant 0 : i32
        %dma_start3A_68 = tpu.memref_slice %arg9[%dma_start3A_66, %dma_start3A_67] : memref<200x32xf32, #tpu.memory_space<vmem>> -> memref<32x32xf32, #tpu.memory_space<vmem>>
        %dma_start3A_69 = arith.constant 128 : i32
        %dma_start3A_70 = tpu.memref_slice %arg6[%dma_start3A_65, %dma_start3A_69] : memref<128x200xi32, #tpu.memory_space<vmem>> -> memref<1x32xi32, #tpu.memory_space<vmem>>
        %dma_start3A_71 = tpu.memref_squeeze %dma_start3A_70 : memref<1x32xi32, #tpu.memory_space<vmem>> -> memref<32xi32, #tpu.memory_space<vmem>>
        %dma_start3A_72 = arith.constant 0 : i32
        %dma_start3A_73 = arith.constant 0 : i32
        %dma_start3A_74 = tpu.memref_slice %arg4[%dma_start3A_72, %dma_start3A_73] : memref<1000000x32xf32, #tpu.memory_space<hbm>> -> memref<1000000x32xf32, #tpu.memory_space<hbm>>
        tpu.enqueue_indirect_dma source(%dma_start3A_74 : memref<1000000x32xf32, #tpu.memory_space<hbm>>) target(%dma_start3A_68 : memref<32x32xf32, #tpu.memory_space<vmem>>) offsets(%dma_start3A_71 : memref<32xi32, #tpu.memory_space<vmem>>) semaphore(%arg14 : memref<!tpu.dma_semaphore, #tpu.memory_space<semaphore_mem>>)
      } else {
      }
      %ge3A = arith.constant 6 : i32
      %ge3A_61 = arith.cmpi sge, %select_n3A, %ge3A : i32
      %convert_element_type3A_62 = arith.extui %ge3A_61 : i1 to i32
      %cond3A_63 = arith.constant 0 : i32
      %cond3A_64 = arith.cmpi ne, %convert_element_type3A_62, %cond3A_63 : i32
      scf.if %cond3A_64 {
        %dma_start3A_65 = arith.constant 0 : i32
        %dma_start3A_66 = arith.constant 128 : i32
        %dma_start3A_67 = arith.constant 0 : i32
        %dma_start3A_68 = tpu.memref_slice %arg9[%dma_start3A_66, %dma_start3A_67] : memref<200x32xf32, #tpu.memory_space<vmem>> -> memref<72x32xf32, #tpu.memory_space<vmem>>
        %dma_start3A_69 = arith.constant 128 : i32
        %dma_start3A_70 = tpu.memref_slice %arg6[%dma_start3A_65, %dma_start3A_69] : memref<128x200xi32, #tpu.memory_space<vmem>> -> memref<1x72xi32, #tpu.memory_space<vmem>>
        %dma_start3A_71 = tpu.memref_squeeze %dma_start3A_70 : memref<1x72xi32, #tpu.memory_space<vmem>> -> memref<72xi32, #tpu.memory_space<vmem>>
        %dma_start3A_72 = arith.constant 0 : i32
        %dma_start3A_73 = arith.constant 0 : i32
        %dma_start3A_74 = tpu.memref_slice %arg4[%dma_start3A_72, %dma_start3A_73] : memref<1000000x32xf32, #tpu.memory_space<hbm>> -> memref<1000000x32xf32, #tpu.memory_space<hbm>>
        tpu.enqueue_indirect_dma source(%dma_start3A_74 : memref<1000000x32xf32, #tpu.memory_space<hbm>>) target(%dma_start3A_68 : memref<72x32xf32, #tpu.memory_space<vmem>>) offsets(%dma_start3A_71 : memref<72xi32, #tpu.memory_space<vmem>>) semaphore(%arg14 : memref<!tpu.dma_semaphore, #tpu.memory_space<semaphore_mem>>)
      } else {
      }
    } else {
    }
    %scan3A_41 = arith.constant 0 : i32
    %scan3A_42 = arith.constant 0 : i32
    %scan3A_43 = arith.constant 64 : i32
    %scan3A_44 = arith.addi %scan3A_42, %scan3A_43 : i32
    %scan3A_45 = arith.constant 1 : i32
    %scan3A_46 = scf.for %scan3A_48 = %scan3A_42 to %scan3A_44 step %scan3A_45 iter_args(%scan3A_49 = %scan3A_41) -> (i32)  : i32 {
      %mul3A_50 = arith.constant 2 : i32
      %mul3A_51 = arith.muli %mul3A_50, %scan3A_48 : i32
      %add3A_52 = arith.constant 1 : i32
      %add3A_53 = arith.addi %mul3A_51, %add3A_52 : i32
      %get3A_54 = arith.index_cast %add3A_53 : i32 to index
      %get3A_55 = arith.constant 0 : index
      %get3A_56 = tpu.vector_load %arg8[%get3A_54, %get3A_55] {strides = array<i32>} : memref<128x16xf32, #tpu.memory_space<vmem>>, vector<16xf32>,
      %reduce_max3A_57 = arith.constant true
      %reduce_max3A_58 = vector.broadcast %reduce_max3A_57 : i1 to vector<16xi1>
      %reduce_max3A_59 = tpu.scan <max>, %get3A_56 masked %reduce_max3A_58 : vector<16xf32>, vector<16xi1> -> vector<16xf32>
      %reduce_max3A_60 = vector.extract %reduce_max3A_59[15] : f32 from vector<16xf32>
      %convert_element_type3A_61 = arith.fptosi %reduce_max3A_60 : f32 to i32
      %add3A_62 = arith.constant 31 : i32
      %add3A_63 = arith.addi %convert_element_type3A_61, %add3A_62 : i32
      %jit3A_64 = arith.constant 32 : i32
      %div3A_65 = arith.divsi %add3A_63, %jit3A_64 : i32
      %sign3A_66 = arith.constant 0 : i32
      %sign3A_67 = arith.cmpi sgt, %add3A_63, %sign3A_66 : i32
      %sign3A_68 = arith.extui %sign3A_67 : i1 to i32
      %sign3A_69 = arith.constant 0 : i32
      %sign3A_70 = arith.cmpi slt, %add3A_63, %sign3A_69 : i32
      %sign3A_71 = arith.extui %sign3A_70 : i1 to i32
      %sign3A_72 = arith.subi %sign3A_68, %sign3A_71 : i32
      %sign3A_73 = arith.constant 0 : i32
      %sign3A_74 = arith.cmpi sgt, %jit3A_64, %sign3A_73 : i32
      %sign3A_75 = arith.extui %sign3A_74 : i1 to i32
      %sign3A_76 = arith.constant 0 : i32
      %sign3A_77 = arith.cmpi slt, %jit3A_64, %sign3A_76 : i32
      %sign3A_78 = arith.extui %sign3A_77 : i1 to i32
      %sign3A_79 = arith.subi %sign3A_75, %sign3A_78 : i32
      %ne3A_80 = arith.cmpi ne, %sign3A_72, %sign3A_79 : i32
      %rem3A_81 = arith.remsi %add3A_63, %jit3A_64 : i32
      %ne3A_82 = arith.constant 0 : i32
      %ne3A_83 = arith.cmpi ne, %rem3A_81, %ne3A_82 : i32
      %and3A_84 = arith.andi %ne3A_80, %ne3A_83 : i1
      %sub3A_85 = arith.constant 1 : i32
      %sub3A_86 = arith.subi %div3A_65, %sub3A_85 : i32
      %select_n3A_87 = arith.select %and3A_84, %sub3A_86, %div3A_65 : i32
      %le3A_88 = arith.constant 4 : i32
      %le3A_89 = arith.cmpi sle, %select_n3A_87, %le3A_88 : i32
      %convert_element_type3A_90 = arith.extui %le3A_89 : i1 to i32
      %cond3A_91 = arith.constant 0 : i32
      %cond3A_92 = arith.cmpi ne, %convert_element_type3A_90, %cond3A_91 : i32
      scf.if %cond3A_92 {
        %eq3A_377 = arith.constant 1 : i32
        %eq3A_378 = arith.cmpi eq, %select_n3A_87, %eq3A_377 : i32
        %convert_element_type3A_379 = arith.extui %eq3A_378 : i1 to i32
        %cond3A_380 = arith.constant 0 : i32
        %cond3A_381 = arith.cmpi ne, %convert_element_type3A_379, %cond3A_380 : i32
        scf.if %cond3A_381 {
          %dma_start3A = arith.constant 0 : i32
          %dma_start3A_397 = arith.constant 0 : i32
          %dma_start3A_398 = tpu.memref_slice %arg10[%dma_start3A, %dma_start3A_397] : memref<200x32xf32, #tpu.memory_space<vmem>> -> memref<32x32xf32, #tpu.memory_space<vmem>>
          %dma_start3A_399 = arith.constant 0 : i32
          %dma_start3A_400 = tpu.memref_slice %arg6[%add3A_53, %dma_start3A_399] : memref<128x200xi32, #tpu.memory_space<vmem>> -> memref<1x32xi32, #tpu.memory_space<vmem>>
          %dma_start3A_401 = tpu.memref_squeeze %dma_start3A_400 : memref<1x32xi32, #tpu.memory_space<vmem>> -> memref<32xi32, #tpu.memory_space<vmem>>
          %dma_start3A_402 = arith.constant 0 : i32
          %dma_start3A_403 = arith.constant 0 : i32
          %dma_start3A_404 = tpu.memref_slice %arg4[%dma_start3A_402, %dma_start3A_403] : memref<1000000x32xf32, #tpu.memory_space<hbm>> -> memref<1000000x32xf32, #tpu.memory_space<hbm>>
          tpu.enqueue_indirect_dma source(%dma_start3A_404 : memref<1000000x32xf32, #tpu.memory_space<hbm>>) target(%dma_start3A_398 : memref<32x32xf32, #tpu.memory_space<vmem>>) offsets(%dma_start3A_401 : memref<32xi32, #tpu.memory_space<vmem>>) semaphore(%arg15 : memref<!tpu.dma_semaphore, #tpu.memory_space<semaphore_mem>>)
        } else {
        }
        %eq3A_382 = arith.constant 2 : i32
        %eq3A_383 = arith.cmpi eq, %select_n3A_87, %eq3A_382 : i32
        %convert_element_type3A_384 = arith.extui %eq3A_383 : i1 to i32
        %cond3A_385 = arith.constant 0 : i32
        %cond3A_386 = arith.cmpi ne, %convert_element_type3A_384, %cond3A_385 : i32
        scf.if %cond3A_386 {
          %dma_start3A = arith.constant 0 : i32
          %dma_start3A_397 = arith.constant 0 : i32
          %dma_start3A_398 = tpu.memref_slice %arg10[%dma_start3A, %dma_start3A_397] : memref<200x32xf32, #tpu.memory_space<vmem>> -> memref<64x32xf32, #tpu.memory_space<vmem>>
          %dma_start3A_399 = arith.constant 0 : i32
          %dma_start3A_400 = tpu.memref_slice %arg6[%add3A_53, %dma_start3A_399] : memref<128x200xi32, #tpu.memory_space<vmem>> -> memref<1x64xi32, #tpu.memory_space<vmem>>
          %dma_start3A_401 = tpu.memref_squeeze %dma_start3A_400 : memref<1x64xi32, #tpu.memory_space<vmem>> -> memref<64xi32, #tpu.memory_space<vmem>>
          %dma_start3A_402 = arith.constant 0 : i32
          %dma_start3A_403 = arith.constant 0 : i32
          %dma_start3A_404 = tpu.memref_slice %arg4[%dma_start3A_402, %dma_start3A_403] : memref<1000000x32xf32, #tpu.memory_space<hbm>> -> memref<1000000x32xf32, #tpu.memory_space<hbm>>
          tpu.enqueue_indirect_dma source(%dma_start3A_404 : memref<1000000x32xf32, #tpu.memory_space<hbm>>) target(%dma_start3A_398 : memref<64x32xf32, #tpu.memory_space<vmem>>) offsets(%dma_start3A_401 : memref<64xi32, #tpu.memory_space<vmem>>) semaphore(%arg15 : memref<!tpu.dma_semaphore, #tpu.memory_space<semaphore_mem>>)
        } else {
        }
        %eq3A_387 = arith.constant 3 : i32
        %eq3A_388 = arith.cmpi eq, %select_n3A_87, %eq3A_387 : i32
        %convert_element_type3A_389 = arith.extui %eq3A_388 : i1 to i32
        %cond3A_390 = arith.constant 0 : i32
        %cond3A_391 = arith.cmpi ne, %convert_element_type3A_389, %cond3A_390 : i32
        scf.if %cond3A_391 {
          %dma_start3A = arith.constant 0 : i32
          %dma_start3A_397 = arith.constant 0 : i32
          %dma_start3A_398 = tpu.memref_slice %arg10[%dma_start3A, %dma_start3A_397] : memref<200x32xf32, #tpu.memory_space<vmem>> -> memref<96x32xf32, #tpu.memory_space<vmem>>
          %dma_start3A_399 = arith.constant 0 : i32
          %dma_start3A_400 = tpu.memref_slice %arg6[%add3A_53, %dma_start3A_399] : memref<128x200xi32, #tpu.memory_space<vmem>> -> memref<1x96xi32, #tpu.memory_space<vmem>>
          %dma_start3A_401 = tpu.memref_squeeze %dma_start3A_400 : memref<1x96xi32, #tpu.memory_space<vmem>> -> memref<96xi32, #tpu.memory_space<vmem>>
          %dma_start3A_402 = arith.constant 0 : i32
          %dma_start3A_403 = arith.constant 0 : i32
          %dma_start3A_404 = tpu.memref_slice %arg4[%dma_start3A_402, %dma_start3A_403] : memref<1000000x32xf32, #tpu.memory_space<hbm>> -> memref<1000000x32xf32, #tpu.memory_space<hbm>>
          tpu.enqueue_indirect_dma source(%dma_start3A_404 : memref<1000000x32xf32, #tpu.memory_space<hbm>>) target(%dma_start3A_398 : memref<96x32xf32, #tpu.memory_space<vmem>>) offsets(%dma_start3A_401 : memref<96xi32, #tpu.memory_space<vmem>>) semaphore(%arg15 : memref<!tpu.dma_semaphore, #tpu.memory_space<semaphore_mem>>)
        } else {
        }
        %eq3A_392 = arith.constant 4 : i32
        %eq3A_393 = arith.cmpi eq, %select_n3A_87, %eq3A_392 : i32
        %convert_element_type3A_394 = arith.extui %eq3A_393 : i1 to i32
        %cond3A_395 = arith.constant 0 : i32
        %cond3A_396 = arith.cmpi ne, %convert_element_type3A_394, %cond3A_395 : i32
        scf.if %cond3A_396 {
          %dma_start3A = arith.constant 0 : i32
          %dma_start3A_397 = arith.constant 0 : i32
          %dma_start3A_398 = tpu.memref_slice %arg10[%dma_start3A, %dma_start3A_397] : memref<200x32xf32, #tpu.memory_space<vmem>> -> memref<128x32xf32, #tpu.memory_space<vmem>>
          %dma_start3A_399 = arith.constant 0 : i32
          %dma_start3A_400 = tpu.memref_slice %arg6[%add3A_53, %dma_start3A_399] : memref<128x200xi32, #tpu.memory_space<vmem>> -> memref<1x128xi32, #tpu.memory_space<vmem>>
          %dma_start3A_401 = tpu.memref_squeeze %dma_start3A_400 : memref<1x128xi32, #tpu.memory_space<vmem>> -> memref<128xi32, #tpu.memory_space<vmem>>
          %dma_start3A_402 = arith.constant 0 : i32
          %dma_start3A_403 = arith.constant 0 : i32
          %dma_start3A_404 = tpu.memref_slice %arg4[%dma_start3A_402, %dma_start3A_403] : memref<1000000x32xf32, #tpu.memory_space<hbm>> -> memref<1000000x32xf32, #tpu.memory_space<hbm>>
          tpu.enqueue_indirect_dma source(%dma_start3A_404 : memref<1000000x32xf32, #tpu.memory_space<hbm>>) target(%dma_start3A_398 : memref<128x32xf32, #tpu.memory_space<vmem>>) offsets(%dma_start3A_401 : memref<128xi32, #tpu.memory_space<vmem>>) semaphore(%arg15 : memref<!tpu.dma_semaphore, #tpu.memory_space<semaphore_mem>>)
        } else {
        }
      } else {
      }
      %gt3A_93 = arith.constant 4 : i32
      %gt3A_94 = arith.cmpi sgt, %select_n3A_87, %gt3A_93 : i32
      %convert_element_type3A_95 = arith.extui %gt3A_94 : i1 to i32
      %cond3A_96 = arith.constant 0 : i32
      %cond3A_97 = arith.cmpi ne, %convert_element_type3A_95, %cond3A_96 : i32
      scf.if %cond3A_97 {
        %dma_start3A = arith.constant 0 : i32
        %dma_start3A_377 = arith.constant 0 : i32
        %dma_start3A_378 = tpu.memref_slice %arg10[%dma_start3A, %dma_start3A_377] : memref<200x32xf32, #tpu.memory_space<vmem>> -> memref<128x32xf32, #tpu.memory_space<vmem>>
        %dma_start3A_379 = arith.constant 0 : i32
        %dma_start3A_380 = tpu.memref_slice %arg6[%add3A_53, %dma_start3A_379] : memref<128x200xi32, #tpu.memory_space<vmem>> -> memref<1x128xi32, #tpu.memory_space<vmem>>
        %dma_start3A_381 = tpu.memref_squeeze %dma_start3A_380 : memref<1x128xi32, #tpu.memory_space<vmem>> -> memref<128xi32, #tpu.memory_space<vmem>>
        %dma_start3A_382 = arith.constant 0 : i32
        %dma_start3A_383 = arith.constant 0 : i32
        %dma_start3A_384 = tpu.memref_slice %arg4[%dma_start3A_382, %dma_start3A_383] : memref<1000000x32xf32, #tpu.memory_space<hbm>> -> memref<1000000x32xf32, #tpu.memory_space<hbm>>
        tpu.enqueue_indirect_dma source(%dma_start3A_384 : memref<1000000x32xf32, #tpu.memory_space<hbm>>) target(%dma_start3A_378 : memref<128x32xf32, #tpu.memory_space<vmem>>) offsets(%dma_start3A_381 : memref<128xi32, #tpu.memory_space<vmem>>) semaphore(%arg15 : memref<!tpu.dma_semaphore, #tpu.memory_space<semaphore_mem>>)
        %eq3A_385 = arith.constant 5 : i32
        %eq3A_386 = arith.cmpi eq, %select_n3A_87, %eq3A_385 : i32
        %convert_element_type3A_387 = arith.extui %eq3A_386 : i1 to i32
        %cond3A_388 = arith.constant 0 : i32
        %cond3A_389 = arith.cmpi ne, %convert_element_type3A_387, %cond3A_388 : i32
        scf.if %cond3A_389 {
          %dma_start3A_394 = arith.constant 128 : i32
          %dma_start3A_395 = arith.constant 0 : i32
          %dma_start3A_396 = tpu.memref_slice %arg10[%dma_start3A_394, %dma_start3A_395] : memref<200x32xf32, #tpu.memory_space<vmem>> -> memref<32x32xf32, #tpu.memory_space<vmem>>
          %dma_start3A_397 = arith.constant 128 : i32
          %dma_start3A_398 = tpu.memref_slice %arg6[%add3A_53, %dma_start3A_397] : memref<128x200xi32, #tpu.memory_space<vmem>> -> memref<1x32xi32, #tpu.memory_space<vmem>>
          %dma_start3A_399 = tpu.memref_squeeze %dma_start3A_398 : memref<1x32xi32, #tpu.memory_space<vmem>> -> memref<32xi32, #tpu.memory_space<vmem>>
          %dma_start3A_400 = arith.constant 0 : i32
          %dma_start3A_401 = arith.constant 0 : i32
          %dma_start3A_402 = tpu.memref_slice %arg4[%dma_start3A_400, %dma_start3A_401] : memref<1000000x32xf32, #tpu.memory_space<hbm>> -> memref<1000000x32xf32, #tpu.memory_space<hbm>>
          tpu.enqueue_indirect_dma source(%dma_start3A_402 : memref<1000000x32xf32, #tpu.memory_space<hbm>>) target(%dma_start3A_396 : memref<32x32xf32, #tpu.memory_space<vmem>>) offsets(%dma_start3A_399 : memref<32xi32, #tpu.memory_space<vmem>>) semaphore(%arg15 : memref<!tpu.dma_semaphore, #tpu.memory_space<semaphore_mem>>)
        } else {
        }
        %ge3A = arith.constant 6 : i32
        %ge3A_390 = arith.cmpi sge, %select_n3A_87, %ge3A : i32
        %convert_element_type3A_391 = arith.extui %ge3A_390 : i1 to i32
        %cond3A_392 = arith.constant 0 : i32
        %cond3A_393 = arith.cmpi ne, %convert_element_type3A_391, %cond3A_392 : i32
        scf.if %cond3A_393 {
          %dma_start3A_394 = arith.constant 128 : i32
          %dma_start3A_395 = arith.constant 0 : i32
          %dma_start3A_396 = tpu.memref_slice %arg10[%dma_start3A_394, %dma_start3A_395] : memref<200x32xf32, #tpu.memory_space<vmem>> -> memref<72x32xf32, #tpu.memory_space<vmem>>
          %dma_start3A_397 = arith.constant 128 : i32
          %dma_start3A_398 = tpu.memref_slice %arg6[%add3A_53, %dma_start3A_397] : memref<128x200xi32, #tpu.memory_space<vmem>> -> memref<1x72xi32, #tpu.memory_space<vmem>>
          %dma_start3A_399 = tpu.memref_squeeze %dma_start3A_398 : memref<1x72xi32, #tpu.memory_space<vmem>> -> memref<72xi32, #tpu.memory_space<vmem>>
          %dma_start3A_400 = arith.constant 0 : i32
          %dma_start3A_401 = arith.constant 0 : i32
          %dma_start3A_402 = tpu.memref_slice %arg4[%dma_start3A_400, %dma_start3A_401] : memref<1000000x32xf32, #tpu.memory_space<hbm>> -> memref<1000000x32xf32, #tpu.memory_space<hbm>>
          tpu.enqueue_indirect_dma source(%dma_start3A_402 : memref<1000000x32xf32, #tpu.memory_space<hbm>>) target(%dma_start3A_396 : memref<72x32xf32, #tpu.memory_space<vmem>>) offsets(%dma_start3A_399 : memref<72xi32, #tpu.memory_space<vmem>>) semaphore(%arg15 : memref<!tpu.dma_semaphore, #tpu.memory_space<semaphore_mem>>)
        } else {
        }
      } else {
      }
      %get3A_98 = arith.index_cast %mul3A_51 : i32 to index
      %get3A_99 = arith.constant 0 : index
      %get3A_100 = tpu.vector_load %arg8[%get3A_98, %get3A_99] {strides = array<i32>} : memref<128x16xf32, #tpu.memory_space<vmem>>, vector<16xf32>,
      %reduce_max3A_101 = arith.constant true
      %reduce_max3A_102 = vector.broadcast %reduce_max3A_101 : i1 to vector<16xi1>
      %reduce_max3A_103 = tpu.scan <max>, %get3A_100 masked %reduce_max3A_102 : vector<16xf32>, vector<16xi1> -> vector<16xf32>
      %reduce_max3A_104 = vector.extract %reduce_max3A_103[15] : f32 from vector<16xf32>
      %convert_element_type3A_105 = arith.fptosi %reduce_max3A_104 : f32 to i32
      %add3A_106 = arith.constant 31 : i32
      %add3A_107 = arith.addi %convert_element_type3A_105, %add3A_106 : i32
      %jit3A_108 = arith.constant 32 : i32
      %div3A_109 = arith.divsi %add3A_107, %jit3A_108 : i32
      %sign3A_110 = arith.constant 0 : i32
      %sign3A_111 = arith.cmpi sgt, %add3A_107, %sign3A_110 : i32
      %sign3A_112 = arith.extui %sign3A_111 : i1 to i32
      %sign3A_113 = arith.constant 0 : i32
      %sign3A_114 = arith.cmpi slt, %add3A_107, %sign3A_113 : i32
      %sign3A_115 = arith.extui %sign3A_114 : i1 to i32
      %sign3A_116 = arith.subi %sign3A_112, %sign3A_115 : i32
      %sign3A_117 = arith.constant 0 : i32
      %sign3A_118 = arith.cmpi sgt, %jit3A_108, %sign3A_117 : i32
      %sign3A_119 = arith.extui %sign3A_118 : i1 to i32
      %sign3A_120 = arith.constant 0 : i32
      %sign3A_121 = arith.cmpi slt, %jit3A_108, %sign3A_120 : i32
      %sign3A_122 = arith.extui %sign3A_121 : i1 to i32
      %sign3A_123 = arith.subi %sign3A_119, %sign3A_122 : i32
      %ne3A_124 = arith.cmpi ne, %sign3A_116, %sign3A_123 : i32
      %rem3A_125 = arith.remsi %add3A_107, %jit3A_108 : i32
      %ne3A_126 = arith.constant 0 : i32
      %ne3A_127 = arith.cmpi ne, %rem3A_125, %ne3A_126 : i32
      %and3A_128 = arith.andi %ne3A_124, %ne3A_127 : i1
      %sub3A_129 = arith.constant 1 : i32
      %sub3A_130 = arith.subi %div3A_109, %sub3A_129 : i32
      %select_n3A_131 = arith.select %and3A_128, %sub3A_130, %div3A_109 : i32
      %le3A_132 = arith.constant 4 : i32
      %le3A_133 = arith.cmpi sle, %select_n3A_131, %le3A_132 : i32
      %convert_element_type3A_134 = arith.extui %le3A_133 : i1 to i32
      %cond3A_135 = arith.constant 0 : i32
      %cond3A_136 = arith.cmpi ne, %convert_element_type3A_134, %cond3A_135 : i32
      scf.if %cond3A_136 {
        %eq3A_377 = arith.constant 1 : i32
        %eq3A_378 = arith.cmpi eq, %select_n3A_131, %eq3A_377 : i32
        %convert_element_type3A_379 = arith.extui %eq3A_378 : i1 to i32
        %cond3A_380 = arith.constant 0 : i32
        %cond3A_381 = arith.cmpi ne, %convert_element_type3A_379, %cond3A_380 : i32
        scf.if %cond3A_381 {
          %dma_wait3A = arith.constant 0 : i32
          %dma_wait3A_397 = arith.constant 0 : i32
          %dma_wait3A_398 = tpu.memref_slice %arg9[%dma_wait3A, %dma_wait3A_397] : memref<200x32xf32, #tpu.memory_space<vmem>> -> memref<32x32xf32, #tpu.memory_space<vmem>>
          %dma_wait3A_399 = arith.constant 0 : i32
          %dma_wait3A_400 = tpu.memref_slice %arg6[%mul3A_51, %dma_wait3A_399] : memref<128x200xi32, #tpu.memory_space<vmem>> -> memref<1x32xi32, #tpu.memory_space<vmem>>
          %dma_wait3A_401 = tpu.memref_squeeze %dma_wait3A_400 : memref<1x32xi32, #tpu.memory_space<vmem>> -> memref<32xi32, #tpu.memory_space<vmem>>
          %dma_wait3A_402 = arith.constant 0 : i32
          %dma_wait3A_403 = arith.constant 0 : i32
          %dma_wait3A_404 = tpu.memref_slice %arg4[%dma_wait3A_402, %dma_wait3A_403] : memref<1000000x32xf32, #tpu.memory_space<hbm>> -> memref<1000000x32xf32, #tpu.memory_space<hbm>>
          tpu.wait_indirect_dma semaphore(%arg14 : memref<!tpu.dma_semaphore, #tpu.memory_space<semaphore_mem>>) src(%dma_wait3A_404 : memref<1000000x32xf32, #tpu.memory_space<hbm>>) dst(%dma_wait3A_398 : memref<32x32xf32, #tpu.memory_space<vmem>>)
        } else {
        }
        %eq3A_382 = arith.constant 2 : i32
        %eq3A_383 = arith.cmpi eq, %select_n3A_131, %eq3A_382 : i32
        %convert_element_type3A_384 = arith.extui %eq3A_383 : i1 to i32
        %cond3A_385 = arith.constant 0 : i32
        %cond3A_386 = arith.cmpi ne, %convert_element_type3A_384, %cond3A_385 : i32
        scf.if %cond3A_386 {
          %dma_wait3A = arith.constant 0 : i32
          %dma_wait3A_397 = arith.constant 0 : i32
          %dma_wait3A_398 = tpu.memref_slice %arg9[%dma_wait3A, %dma_wait3A_397] : memref<200x32xf32, #tpu.memory_space<vmem>> -> memref<64x32xf32, #tpu.memory_space<vmem>>
          %dma_wait3A_399 = arith.constant 0 : i32
          %dma_wait3A_400 = tpu.memref_slice %arg6[%mul3A_51, %dma_wait3A_399] : memref<128x200xi32, #tpu.memory_space<vmem>> -> memref<1x64xi32, #tpu.memory_space<vmem>>
          %dma_wait3A_401 = tpu.memref_squeeze %dma_wait3A_400 : memref<1x64xi32, #tpu.memory_space<vmem>> -> memref<64xi32, #tpu.memory_space<vmem>>
          %dma_wait3A_402 = arith.constant 0 : i32
          %dma_wait3A_403 = arith.constant 0 : i32
          %dma_wait3A_404 = tpu.memref_slice %arg4[%dma_wait3A_402, %dma_wait3A_403] : memref<1000000x32xf32, #tpu.memory_space<hbm>> -> memref<1000000x32xf32, #tpu.memory_space<hbm>>
          tpu.wait_indirect_dma semaphore(%arg14 : memref<!tpu.dma_semaphore, #tpu.memory_space<semaphore_mem>>) src(%dma_wait3A_404 : memref<1000000x32xf32, #tpu.memory_space<hbm>>) dst(%dma_wait3A_398 : memref<64x32xf32, #tpu.memory_space<vmem>>)
        } else {
        }
        %eq3A_387 = arith.constant 3 : i32
        %eq3A_388 = arith.cmpi eq, %select_n3A_131, %eq3A_387 : i32
        %convert_element_type3A_389 = arith.extui %eq3A_388 : i1 to i32
        %cond3A_390 = arith.constant 0 : i32
        %cond3A_391 = arith.cmpi ne, %convert_element_type3A_389, %cond3A_390 : i32
        scf.if %cond3A_391 {
          %dma_wait3A = arith.constant 0 : i32
          %dma_wait3A_397 = arith.constant 0 : i32
          %dma_wait3A_398 = tpu.memref_slice %arg9[%dma_wait3A, %dma_wait3A_397] : memref<200x32xf32, #tpu.memory_space<vmem>> -> memref<96x32xf32, #tpu.memory_space<vmem>>
          %dma_wait3A_399 = arith.constant 0 : i32
          %dma_wait3A_400 = tpu.memref_slice %arg6[%mul3A_51, %dma_wait3A_399] : memref<128x200xi32, #tpu.memory_space<vmem>> -> memref<1x96xi32, #tpu.memory_space<vmem>>
          %dma_wait3A_401 = tpu.memref_squeeze %dma_wait3A_400 : memref<1x96xi32, #tpu.memory_space<vmem>> -> memref<96xi32, #tpu.memory_space<vmem>>
          %dma_wait3A_402 = arith.constant 0 : i32
          %dma_wait3A_403 = arith.constant 0 : i32
          %dma_wait3A_404 = tpu.memref_slice %arg4[%dma_wait3A_402, %dma_wait3A_403] : memref<1000000x32xf32, #tpu.memory_space<hbm>> -> memref<1000000x32xf32, #tpu.memory_space<hbm>>
          tpu.wait_indirect_dma semaphore(%arg14 : memref<!tpu.dma_semaphore, #tpu.memory_space<semaphore_mem>>) src(%dma_wait3A_404 : memref<1000000x32xf32, #tpu.memory_space<hbm>>) dst(%dma_wait3A_398 : memref<96x32xf32, #tpu.memory_space<vmem>>)
        } else {
        }
        %eq3A_392 = arith.constant 4 : i32
        %eq3A_393 = arith.cmpi eq, %select_n3A_131, %eq3A_392 : i32
        %convert_element_type3A_394 = arith.extui %eq3A_393 : i1 to i32
        %cond3A_395 = arith.constant 0 : i32
        %cond3A_396 = arith.cmpi ne, %convert_element_type3A_394, %cond3A_395 : i32
        scf.if %cond3A_396 {
          %dma_wait3A = arith.constant 0 : i32
          %dma_wait3A_397 = arith.constant 0 : i32
          %dma_wait3A_398 = tpu.memref_slice %arg9[%dma_wait3A, %dma_wait3A_397] : memref<200x32xf32, #tpu.memory_space<vmem>> -> memref<128x32xf32, #tpu.memory_space<vmem>>
          %dma_wait3A_399 = arith.constant 0 : i32
          %dma_wait3A_400 = tpu.memref_slice %arg6[%mul3A_51, %dma_wait3A_399] : memref<128x200xi32, #tpu.memory_space<vmem>> -> memref<1x128xi32, #tpu.memory_space<vmem>>
          %dma_wait3A_401 = tpu.memref_squeeze %dma_wait3A_400 : memref<1x128xi32, #tpu.memory_space<vmem>> -> memref<128xi32, #tpu.memory_space<vmem>>
          %dma_wait3A_402 = arith.constant 0 : i32
          %dma_wait3A_403 = arith.constant 0 : i32
          %dma_wait3A_404 = tpu.memref_slice %arg4[%dma_wait3A_402, %dma_wait3A_403] : memref<1000000x32xf32, #tpu.memory_space<hbm>> -> memref<1000000x32xf32, #tpu.memory_space<hbm>>
          tpu.wait_indirect_dma semaphore(%arg14 : memref<!tpu.dma_semaphore, #tpu.memory_space<semaphore_mem>>) src(%dma_wait3A_404 : memref<1000000x32xf32, #tpu.memory_space<hbm>>) dst(%dma_wait3A_398 : memref<128x32xf32, #tpu.memory_space<vmem>>)
        } else {
        }
      } else {
      }
      %gt3A_137 = arith.constant 4 : i32
      %gt3A_138 = arith.cmpi sgt, %select_n3A_131, %gt3A_137 : i32
      %convert_element_type3A_139 = arith.extui %gt3A_138 : i1 to i32
      %cond3A_140 = arith.constant 0 : i32
      %cond3A_141 = arith.cmpi ne, %convert_element_type3A_139, %cond3A_140 : i32
      scf.if %cond3A_141 {
        %dma_wait3A = arith.constant 0 : i32
        %dma_wait3A_377 = arith.constant 0 : i32
        %dma_wait3A_378 = tpu.memref_slice %arg9[%dma_wait3A, %dma_wait3A_377] : memref<200x32xf32, #tpu.memory_space<vmem>> -> memref<128x32xf32, #tpu.memory_space<vmem>>
        %dma_wait3A_379 = arith.constant 0 : i32
        %dma_wait3A_380 = tpu.memref_slice %arg6[%mul3A_51, %dma_wait3A_379] : memref<128x200xi32, #tpu.memory_space<vmem>> -> memref<1x128xi32, #tpu.memory_space<vmem>>
        %dma_wait3A_381 = tpu.memref_squeeze %dma_wait3A_380 : memref<1x128xi32, #tpu.memory_space<vmem>> -> memref<128xi32, #tpu.memory_space<vmem>>
        %dma_wait3A_382 = arith.constant 0 : i32
        %dma_wait3A_383 = arith.constant 0 : i32
        %dma_wait3A_384 = tpu.memref_slice %arg4[%dma_wait3A_382, %dma_wait3A_383] : memref<1000000x32xf32, #tpu.memory_space<hbm>> -> memref<1000000x32xf32, #tpu.memory_space<hbm>>
        tpu.wait_indirect_dma semaphore(%arg14 : memref<!tpu.dma_semaphore, #tpu.memory_space<semaphore_mem>>) src(%dma_wait3A_384 : memref<1000000x32xf32, #tpu.memory_space<hbm>>) dst(%dma_wait3A_378 : memref<128x32xf32, #tpu.memory_space<vmem>>)
        %eq3A_385 = arith.constant 5 : i32
        %eq3A_386 = arith.cmpi eq, %select_n3A_131, %eq3A_385 : i32
        %convert_element_type3A_387 = arith.extui %eq3A_386 : i1 to i32
        %cond3A_388 = arith.constant 0 : i32
        %cond3A_389 = arith.cmpi ne, %convert_element_type3A_387, %cond3A_388 : i32
        scf.if %cond3A_389 {
          %dma_wait3A_394 = arith.constant 128 : i32
          %dma_wait3A_395 = arith.constant 0 : i32
          %dma_wait3A_396 = tpu.memref_slice %arg9[%dma_wait3A_394, %dma_wait3A_395] : memref<200x32xf32, #tpu.memory_space<vmem>> -> memref<32x32xf32, #tpu.memory_space<vmem>>
          %dma_wait3A_397 = arith.constant 128 : i32
          %dma_wait3A_398 = tpu.memref_slice %arg6[%mul3A_51, %dma_wait3A_397] : memref<128x200xi32, #tpu.memory_space<vmem>> -> memref<1x32xi32, #tpu.memory_space<vmem>>
          %dma_wait3A_399 = tpu.memref_squeeze %dma_wait3A_398 : memref<1x32xi32, #tpu.memory_space<vmem>> -> memref<32xi32, #tpu.memory_space<vmem>>
          %dma_wait3A_400 = arith.constant 0 : i32
          %dma_wait3A_401 = arith.constant 0 : i32
          %dma_wait3A_402 = tpu.memref_slice %arg4[%dma_wait3A_400, %dma_wait3A_401] : memref<1000000x32xf32, #tpu.memory_space<hbm>> -> memref<1000000x32xf32, #tpu.memory_space<hbm>>
          tpu.wait_indirect_dma semaphore(%arg14 : memref<!tpu.dma_semaphore, #tpu.memory_space<semaphore_mem>>) src(%dma_wait3A_402 : memref<1000000x32xf32, #tpu.memory_space<hbm>>) dst(%dma_wait3A_396 : memref<32x32xf32, #tpu.memory_space<vmem>>)
        } else {
        }
        %ge3A = arith.constant 6 : i32
        %ge3A_390 = arith.cmpi sge, %select_n3A_131, %ge3A : i32
        %convert_element_type3A_391 = arith.extui %ge3A_390 : i1 to i32
        %cond3A_392 = arith.constant 0 : i32
        %cond3A_393 = arith.cmpi ne, %convert_element_type3A_391, %cond3A_392 : i32
        scf.if %cond3A_393 {
          %dma_wait3A_394 = arith.constant 128 : i32
          %dma_wait3A_395 = arith.constant 0 : i32
          %dma_wait3A_396 = tpu.memref_slice %arg9[%dma_wait3A_394, %dma_wait3A_395] : memref<200x32xf32, #tpu.memory_space<vmem>> -> memref<72x32xf32, #tpu.memory_space<vmem>>
          %dma_wait3A_397 = arith.constant 128 : i32
          %dma_wait3A_398 = tpu.memref_slice %arg6[%mul3A_51, %dma_wait3A_397] : memref<128x200xi32, #tpu.memory_space<vmem>> -> memref<1x72xi32, #tpu.memory_space<vmem>>
          %dma_wait3A_399 = tpu.memref_squeeze %dma_wait3A_398 : memref<1x72xi32, #tpu.memory_space<vmem>> -> memref<72xi32, #tpu.memory_space<vmem>>
          %dma_wait3A_400 = arith.constant 0 : i32
          %dma_wait3A_401 = arith.constant 0 : i32
          %dma_wait3A_402 = tpu.memref_slice %arg4[%dma_wait3A_400, %dma_wait3A_401] : memref<1000000x32xf32, #tpu.memory_space<hbm>> -> memref<1000000x32xf32, #tpu.memory_space<hbm>>
          tpu.wait_indirect_dma semaphore(%arg14 : memref<!tpu.dma_semaphore, #tpu.memory_space<semaphore_mem>>) src(%dma_wait3A_402 : memref<1000000x32xf32, #tpu.memory_space<hbm>>) dst(%dma_wait3A_396 : memref<72x32xf32, #tpu.memory_space<vmem>>)
        } else {
        }
      } else {
      }
      %get3A_142 = arith.index_cast %mul3A_51 : i32 to index
      %get3A_143 = arith.constant 0 : index
      %get3A_144 = tpu.vector_load %arg7[%get3A_142, %get3A_143] {strides = array<i32>} : memref<128x16xf32, #tpu.memory_space<vmem>>, vector<16xf32>,
      %get3A_145 = arith.index_cast %mul3A_51 : i32 to index
      %get3A_146 = arith.constant 0 : index
      %get3A_147 = tpu.vector_load %arg8[%get3A_145, %get3A_146] {strides = array<i32>} : memref<128x16xf32, #tpu.memory_space<vmem>>, vector<16xf32>,
      %reduce_max3A_148 = arith.constant true
      %reduce_max3A_149 = vector.broadcast %reduce_max3A_148 : i1 to vector<16xi1>
      %reduce_max3A_150 = tpu.scan <max>, %get3A_147 masked %reduce_max3A_149 : vector<16xf32>, vector<16xi1> -> vector<16xf32>
      %reduce_max3A_151 = vector.extract %reduce_max3A_150[15] : f32 from vector<16xf32>
      %convert_element_type3A_152 = arith.fptosi %reduce_max3A_151 : f32 to i32
      %broadcast_in_dim3A = arith.constant 0.000000e+00 : f32
      %broadcast_in_dim3A_153 = vector.broadcast %broadcast_in_dim3A : f32 to vector<16xf32>
      %jit3A_154 = arith.constant 32 : i32
      %div3A_155 = arith.divsi %convert_element_type3A_152, %jit3A_154 : i32
      %sign3A_156 = arith.constant 0 : i32
      %sign3A_157 = arith.cmpi sgt, %convert_element_type3A_152, %sign3A_156 : i32
      %sign3A_158 = arith.extui %sign3A_157 : i1 to i32
      %sign3A_159 = arith.constant 0 : i32
      %sign3A_160 = arith.cmpi slt, %convert_element_type3A_152, %sign3A_159 : i32
      %sign3A_161 = arith.extui %sign3A_160 : i1 to i32
      %sign3A_162 = arith.subi %sign3A_158, %sign3A_161 : i32
      %sign3A_163 = arith.constant 0 : i32
      %sign3A_164 = arith.cmpi sgt, %jit3A_154, %sign3A_163 : i32
      %sign3A_165 = arith.extui %sign3A_164 : i1 to i32
      %sign3A_166 = arith.constant 0 : i32
      %sign3A_167 = arith.cmpi slt, %jit3A_154, %sign3A_166 : i32
      %sign3A_168 = arith.extui %sign3A_167 : i1 to i32
      %sign3A_169 = arith.subi %sign3A_165, %sign3A_168 : i32
      %ne3A_170 = arith.cmpi ne, %sign3A_162, %sign3A_169 : i32
      %rem3A_171 = arith.remsi %convert_element_type3A_152, %jit3A_154 : i32
      %ne3A_172 = arith.constant 0 : i32
      %ne3A_173 = arith.cmpi ne, %rem3A_171, %ne3A_172 : i32
      %and3A_174 = arith.andi %ne3A_170, %ne3A_173 : i1
      %sub3A_175 = arith.constant 1 : i32
      %sub3A_176 = arith.subi %div3A_155, %sub3A_175 : i32
      %select_n3A_177 = arith.select %and3A_174, %sub3A_176, %div3A_155 : i32
      %while3A = arith.constant 0 : i32
      %while3A_178 = arith.subi %select_n3A_177, %while3A : i32
      %while3A_179 = arith.addi %while3A, %while3A_178 : i32
      %while3A_180 = arith.constant 1 : i32
      %while3A_181 = arith.divsi %while3A_178, %while3A_180 : i32
      %while3A_182 = arith.muli %while3A_181, %while3A_180 : i32
      %while3A_183 = arith.addi %while3A, %while3A_182 : i32
      %while3A_184 = arith.constant 1 : i32
      %while3A_185:8 = scf.for %while3A_377 = %while3A to %while3A_183 step %while3A_184 iter_args(%while3A_378 = %broadcast_in_dim3A_153, %while3A_379 = %broadcast_in_dim3A_153, %while3A_380 = %broadcast_in_dim3A_153, %while3A_381 = %broadcast_in_dim3A_153, %while3A_382 = %broadcast_in_dim3A_153, %while3A_383 = %broadcast_in_dim3A_153, %while3A_384 = %broadcast_in_dim3A_153, %while3A_385 = %broadcast_in_dim3A_153) -> (vector<16xf32>, vector<16xf32>, vector<16xf32>, vector<16xf32>, vector<16xf32>, vector<16xf32>, vector<16xf32>, vector<16xf32>)  : i32 {
        %mul3A_386 = arith.constant 32 : i32
        %mul3A_387 = arith.muli %while3A_377, %mul3A_386 : i32
        %add3A_388 = arith.constant 0 : i32
        %add3A_389 = arith.addi %mul3A_387, %add3A_388 : i32
        %get3A_390 = arith.index_cast %add3A_389 : i32 to index
        %get3A_391 = arith.constant 0 : index
        %get3A_392 = tpu.vector_load %arg9[%get3A_390, %get3A_391] {strides = array<i32>} : memref<200x32xf32, #tpu.memory_space<vmem>>, vector<16xf32>,
        %add3A_393 = arith.addf %while3A_378, %get3A_392 : vector<16xf32>
        %add3A_394 = arith.constant 0 : i32
        %add3A_395 = arith.addi %mul3A_387, %add3A_394 : i32
        %get3A_396 = arith.index_cast %add3A_395 : i32 to index
        %get3A_397 = arith.constant 16 : index
        %get3A_398 = tpu.vector_load %arg9[%get3A_396, %get3A_397] {strides = array<i32>} : memref<200x32xf32, #tpu.memory_space<vmem>>, vector<16xf32>,
        %add3A_399 = arith.addf %while3A_379, %get3A_398 : vector<16xf32>
        %add3A_400 = arith.constant 1 : i32
        %add3A_401 = arith.addi %mul3A_387, %add3A_400 : i32
        %get3A_402 = arith.index_cast %add3A_401 : i32 to index
        %get3A_403 = arith.constant 0 : index
        %get3A_404 = tpu.vector_load %arg9[%get3A_402, %get3A_403] {strides = array<i32>} : memref<200x32xf32, #tpu.memory_space<vmem>>, vector<16xf32>,
        %add3A_405 = arith.addf %while3A_380, %get3A_404 : vector<16xf32>
        %add3A_406 = arith.constant 1 : i32
        %add3A_407 = arith.addi %mul3A_387, %add3A_406 : i32
        %get3A_408 = arith.index_cast %add3A_407 : i32 to index
        %get3A_409 = arith.constant 16 : index
        %get3A_410 = tpu.vector_load %arg9[%get3A_408, %get3A_409] {strides = array<i32>} : memref<200x32xf32, #tpu.memory_space<vmem>>, vector<16xf32>,
        %add3A_411 = arith.addf %while3A_381, %get3A_410 : vector<16xf32>
        %add3A_412 = arith.constant 2 : i32
        %add3A_413 = arith.addi %mul3A_387, %add3A_412 : i32
        %get3A_414 = arith.index_cast %add3A_413 : i32 to index
        %get3A_415 = arith.constant 0 : index
        %get3A_416 = tpu.vector_load %arg9[%get3A_414, %get3A_415] {strides = array<i32>} : memref<200x32xf32, #tpu.memory_space<vmem>>, vector<16xf32>,
        %add3A_417 = arith.addf %while3A_382, %get3A_416 : vector<16xf32>
        %add3A_418 = arith.constant 2 : i32
        %add3A_419 = arith.addi %mul3A_387, %add3A_418 : i32
        %get3A_420 = arith.index_cast %add3A_419 : i32 to index
        %get3A_421 = arith.constant 16 : index
        %get3A_422 = tpu.vector_load %arg9[%get3A_420, %get3A_421] {strides = array<i32>} : memref<200x32xf32, #tpu.memory_space<vmem>>, vector<16xf32>,
        %add3A_423 = arith.addf %while3A_383, %get3A_422 : vector<16xf32>
        %add3A_424 = arith.constant 3 : i32
        %add3A_425 = arith.addi %mul3A_387, %add3A_424 : i32
        %get3A_426 = arith.index_cast %add3A_425 : i32 to index
        %get3A_427 = arith.constant 0 : index
        %get3A_428 = tpu.vector_load %arg9[%get3A_426, %get3A_427] {strides = array<i32>} : memref<200x32xf32, #tpu.memory_space<vmem>>, vector<16xf32>,
        %add3A_429 = arith.addf %while3A_384, %get3A_428 : vector<16xf32>
        %add3A_430 = arith.constant 3 : i32
        %add3A_431 = arith.addi %mul3A_387, %add3A_430 : i32
        %get3A_432 = arith.index_cast %add3A_431 : i32 to index
        %get3A_433 = arith.constant 16 : index
        %get3A_434 = tpu.vector_load %arg9[%get3A_432, %get3A_433] {strides = array<i32>} : memref<200x32xf32, #tpu.memory_space<vmem>>, vector<16xf32>,
        %add3A_435 = arith.addf %while3A_385, %get3A_434 : vector<16xf32>
        %add3A_436 = arith.constant 4 : i32
        %add3A_437 = arith.addi %mul3A_387, %add3A_436 : i32
        %get3A_438 = arith.index_cast %add3A_437 : i32 to index
        %get3A_439 = arith.constant 0 : index
        %get3A_440 = tpu.vector_load %arg9[%get3A_438, %get3A_439] {strides = array<i32>} : memref<200x32xf32, #tpu.memory_space<vmem>>, vector<16xf32>,
        %add3A_441 = arith.addf %add3A_393, %get3A_440 : vector<16xf32>
        %add3A_442 = arith.constant 4 : i32
        %add3A_443 = arith.addi %mul3A_387, %add3A_442 : i32
        %get3A_444 = arith.index_cast %add3A_443 : i32 to index
        %get3A_445 = arith.constant 16 : index
        %get3A_446 = tpu.vector_load %arg9[%get3A_444, %get3A_445] {strides = array<i32>} : memref<200x32xf32, #tpu.memory_space<vmem>>, vector<16xf32>,
        %add3A_447 = arith.addf %add3A_399, %get3A_446 : vector<16xf32>
        %add3A_448 = arith.constant 5 : i32
        %add3A_449 = arith.addi %mul3A_387, %add3A_448 : i32
        %get3A_450 = arith.index_cast %add3A_449 : i32 to index
        %get3A_451 = arith.constant 0 : index
        %get3A_452 = tpu.vector_load %arg9[%get3A_450, %get3A_451] {strides = array<i32>} : memref<200x32xf32, #tpu.memory_space<vmem>>, vector<16xf32>,
        %add3A_453 = arith.addf %add3A_405, %get3A_452 : vector<16xf32>
        %add3A_454 = arith.constant 5 : i32
        %add3A_455 = arith.addi %mul3A_387, %add3A_454 : i32
        %get3A_456 = arith.index_cast %add3A_455 : i32 to index
        %get3A_457 = arith.constant 16 : index
        %get3A_458 = tpu.vector_load %arg9[%get3A_456, %get3A_457] {strides = array<i32>} : memref<200x32xf32, #tpu.memory_space<vmem>>, vector<16xf32>,
        %add3A_459 = arith.addf %add3A_411, %get3A_458 : vector<16xf32>
        %add3A_460 = arith.constant 6 : i32
        %add3A_461 = arith.addi %mul3A_387, %add3A_460 : i32
        %get3A_462 = arith.index_cast %add3A_461 : i32 to index
        %get3A_463 = arith.constant 0 : index
        %get3A_464 = tpu.vector_load %arg9[%get3A_462, %get3A_463] {strides = array<i32>} : memref<200x32xf32, #tpu.memory_space<vmem>>, vector<16xf32>,
        %add3A_465 = arith.addf %add3A_417, %get3A_464 : vector<16xf32>
        %add3A_466 = arith.constant 6 : i32
        %add3A_467 = arith.addi %mul3A_387, %add3A_466 : i32
        %get3A_468 = arith.index_cast %add3A_467 : i32 to index
        %get3A_469 = arith.constant 16 : index
        %get3A_470 = tpu.vector_load %arg9[%get3A_468, %get3A_469] {strides = array<i32>} : memref<200x32xf32, #tpu.memory_space<vmem>>, vector<16xf32>,
        %add3A_471 = arith.addf %add3A_423, %get3A_470 : vector<16xf32>
        %add3A_472 = arith.constant 7 : i32
        %add3A_473 = arith.addi %mul3A_387, %add3A_472 : i32
        %get3A_474 = arith.index_cast %add3A_473 : i32 to index
        %get3A_475 = arith.constant 0 : index
        %get3A_476 = tpu.vector_load %arg9[%get3A_474, %get3A_475] {strides = array<i32>} : memref<200x32xf32, #tpu.memory_space<vmem>>, vector<16xf32>,
        %add3A_477 = arith.addf %add3A_429, %get3A_476 : vector<16xf32>
        %add3A_478 = arith.constant 7 : i32
        %add3A_479 = arith.addi %mul3A_387, %add3A_478 : i32
        %get3A_480 = arith.index_cast %add3A_479 : i32 to index
        %get3A_481 = arith.constant 16 : index
        %get3A_482 = tpu.vector_load %arg9[%get3A_480, %get3A_481] {strides = array<i32>} : memref<200x32xf32, #tpu.memory_space<vmem>>, vector<16xf32>,
        %add3A_483 = arith.addf %add3A_435, %get3A_482 : vector<16xf32>
        %add3A_484 = arith.constant 8 : i32
        %add3A_485 = arith.addi %mul3A_387, %add3A_484 : i32
        %get3A_486 = arith.index_cast %add3A_485 : i32 to index
        %get3A_487 = arith.constant 0 : index
        %get3A_488 = tpu.vector_load %arg9[%get3A_486, %get3A_487] {strides = array<i32>} : memref<200x32xf32, #tpu.memory_space<vmem>>, vector<16xf32>,
        %add3A_489 = arith.addf %add3A_441, %get3A_488 : vector<16xf32>
        %add3A_490 = arith.constant 8 : i32
        %add3A_491 = arith.addi %mul3A_387, %add3A_490 : i32
        %get3A_492 = arith.index_cast %add3A_491 : i32 to index
        %get3A_493 = arith.constant 16 : index
        %get3A_494 = tpu.vector_load %arg9[%get3A_492, %get3A_493] {strides = array<i32>} : memref<200x32xf32, #tpu.memory_space<vmem>>, vector<16xf32>,
        %add3A_495 = arith.addf %add3A_447, %get3A_494 : vector<16xf32>
        %add3A_496 = arith.constant 9 : i32
        %add3A_497 = arith.addi %mul3A_387, %add3A_496 : i32
        %get3A_498 = arith.index_cast %add3A_497 : i32 to index
        %get3A_499 = arith.constant 0 : index
        %get3A_500 = tpu.vector_load %arg9[%get3A_498, %get3A_499] {strides = array<i32>} : memref<200x32xf32, #tpu.memory_space<vmem>>, vector<16xf32>,
        %add3A_501 = arith.addf %add3A_453, %get3A_500 : vector<16xf32>
        %add3A_502 = arith.constant 9 : i32
        %add3A_503 = arith.addi %mul3A_387, %add3A_502 : i32
        %get3A_504 = arith.index_cast %add3A_503 : i32 to index
        %get3A_505 = arith.constant 16 : index
        %get3A_506 = tpu.vector_load %arg9[%get3A_504, %get3A_505] {strides = array<i32>} : memref<200x32xf32, #tpu.memory_space<vmem>>, vector<16xf32>,
        %add3A_507 = arith.addf %add3A_459, %get3A_506 : vector<16xf32>
        %add3A_508 = arith.constant 10 : i32
        %add3A_509 = arith.addi %mul3A_387, %add3A_508 : i32
        %get3A_510 = arith.index_cast %add3A_509 : i32 to index
        %get3A_511 = arith.constant 0 : index
        %get3A_512 = tpu.vector_load %arg9[%get3A_510, %get3A_511] {strides = array<i32>} : memref<200x32xf32, #tpu.memory_space<vmem>>, vector<16xf32>,
        %add3A_513 = arith.addf %add3A_465, %get3A_512 : vector<16xf32>
        %add3A_514 = arith.constant 10 : i32
        %add3A_515 = arith.addi %mul3A_387, %add3A_514 : i32
        %get3A_516 = arith.index_cast %add3A_515 : i32 to index
        %get3A_517 = arith.constant 16 : index
        %get3A_518 = tpu.vector_load %arg9[%get3A_516, %get3A_517] {strides = array<i32>} : memref<200x32xf32, #tpu.memory_space<vmem>>, vector<16xf32>,
        %add3A_519 = arith.addf %add3A_471, %get3A_518 : vector<16xf32>
        %add3A_520 = arith.constant 11 : i32
        %add3A_521 = arith.addi %mul3A_387, %add3A_520 : i32
        %get3A_522 = arith.index_cast %add3A_521 : i32 to index
        %get3A_523 = arith.constant 0 : index
        %get3A_524 = tpu.vector_load %arg9[%get3A_522, %get3A_523] {strides = array<i32>} : memref<200x32xf32, #tpu.memory_space<vmem>>, vector<16xf32>,
        %add3A_525 = arith.addf %add3A_477, %get3A_524 : vector<16xf32>
        %add3A_526 = arith.constant 11 : i32
        %add3A_527 = arith.addi %mul3A_387, %add3A_526 : i32
        %get3A_528 = arith.index_cast %add3A_527 : i32 to index
        %get3A_529 = arith.constant 16 : index
        %get3A_530 = tpu.vector_load %arg9[%get3A_528, %get3A_529] {strides = array<i32>} : memref<200x32xf32, #tpu.memory_space<vmem>>, vector<16xf32>,
        %add3A_531 = arith.addf %add3A_483, %get3A_530 : vector<16xf32>
        %add3A_532 = arith.constant 12 : i32
        %add3A_533 = arith.addi %mul3A_387, %add3A_532 : i32
        %get3A_534 = arith.index_cast %add3A_533 : i32 to index
        %get3A_535 = arith.constant 0 : index
        %get3A_536 = tpu.vector_load %arg9[%get3A_534, %get3A_535] {strides = array<i32>} : memref<200x32xf32, #tpu.memory_space<vmem>>, vector<16xf32>,
        %add3A_537 = arith.addf %add3A_489, %get3A_536 : vector<16xf32>
        %add3A_538 = arith.constant 12 : i32
        %add3A_539 = arith.addi %mul3A_387, %add3A_538 : i32
        %get3A_540 = arith.index_cast %add3A_539 : i32 to index
        %get3A_541 = arith.constant 16 : index
        %get3A_542 = tpu.vector_load %arg9[%get3A_540, %get3A_541] {strides = array<i32>} : memref<200x32xf32, #tpu.memory_space<vmem>>, vector<16xf32>,
        %add3A_543 = arith.addf %add3A_495, %get3A_542 : vector<16xf32>
        %add3A_544 = arith.constant 13 : i32
        %add3A_545 = arith.addi %mul3A_387, %add3A_544 : i32
        %get3A_546 = arith.index_cast %add3A_545 : i32 to index
        %get3A_547 = arith.constant 0 : index
        %get3A_548 = tpu.vector_load %arg9[%get3A_546, %get3A_547] {strides = array<i32>} : memref<200x32xf32, #tpu.memory_space<vmem>>, vector<16xf32>,
        %add3A_549 = arith.addf %add3A_501, %get3A_548 : vector<16xf32>
        %add3A_550 = arith.constant 13 : i32
        %add3A_551 = arith.addi %mul3A_387, %add3A_550 : i32
        %get3A_552 = arith.index_cast %add3A_551 : i32 to index
        %get3A_553 = arith.constant 16 : index
        %get3A_554 = tpu.vector_load %arg9[%get3A_552, %get3A_553] {strides = array<i32>} : memref<200x32xf32, #tpu.memory_space<vmem>>, vector<16xf32>,
        %add3A_555 = arith.addf %add3A_507, %get3A_554 : vector<16xf32>
        %add3A_556 = arith.constant 14 : i32
        %add3A_557 = arith.addi %mul3A_387, %add3A_556 : i32
        %get3A_558 = arith.index_cast %add3A_557 : i32 to index
        %get3A_559 = arith.constant 0 : index
        %get3A_560 = tpu.vector_load %arg9[%get3A_558, %get3A_559] {strides = array<i32>} : memref<200x32xf32, #tpu.memory_space<vmem>>, vector<16xf32>,
        %add3A_561 = arith.addf %add3A_513, %get3A_560 : vector<16xf32>
        %add3A_562 = arith.constant 14 : i32
        %add3A_563 = arith.addi %mul3A_387, %add3A_562 : i32
        %get3A_564 = arith.index_cast %add3A_563 : i32 to index
        %get3A_565 = arith.constant 16 : index
        %get3A_566 = tpu.vector_load %arg9[%get3A_564, %get3A_565] {strides = array<i32>} : memref<200x32xf32, #tpu.memory_space<vmem>>, vector<16xf32>,
        %add3A_567 = arith.addf %add3A_519, %get3A_566 : vector<16xf32>
        %add3A_568 = arith.constant 15 : i32
        %add3A_569 = arith.addi %mul3A_387, %add3A_568 : i32
        %get3A_570 = arith.index_cast %add3A_569 : i32 to index
        %get3A_571 = arith.constant 0 : index
        %get3A_572 = tpu.vector_load %arg9[%get3A_570, %get3A_571] {strides = array<i32>} : memref<200x32xf32, #tpu.memory_space<vmem>>, vector<16xf32>,
        %add3A_573 = arith.addf %add3A_525, %get3A_572 : vector<16xf32>
        %add3A_574 = arith.constant 15 : i32
        %add3A_575 = arith.addi %mul3A_387, %add3A_574 : i32
        %get3A_576 = arith.index_cast %add3A_575 : i32 to index
        %get3A_577 = arith.constant 16 : index
        %get3A_578 = tpu.vector_load %arg9[%get3A_576, %get3A_577] {strides = array<i32>} : memref<200x32xf32, #tpu.memory_space<vmem>>, vector<16xf32>,
        %add3A_579 = arith.addf %add3A_531, %get3A_578 : vector<16xf32>
        %add3A_580 = arith.constant 16 : i32
        %add3A_581 = arith.addi %mul3A_387, %add3A_580 : i32
        %get3A_582 = arith.index_cast %add3A_581 : i32 to index
        %get3A_583 = arith.constant 0 : index
        %get3A_584 = tpu.vector_load %arg9[%get3A_582, %get3A_583] {strides = array<i32>} : memref<200x32xf32, #tpu.memory_space<vmem>>, vector<16xf32>,
        %add3A_585 = arith.addf %add3A_537, %get3A_584 : vector<16xf32>
        %add3A_586 = arith.constant 16 : i32
        %add3A_587 = arith.addi %mul3A_387, %add3A_586 : i32
        %get3A_588 = arith.index_cast %add3A_587 : i32 to index
        %get3A_589 = arith.constant 16 : index
        %get3A_590 = tpu.vector_load %arg9[%get3A_588, %get3A_589] {strides = array<i32>} : memref<200x32xf32, #tpu.memory_space<vmem>>, vector<16xf32>,
        %add3A_591 = arith.addf %add3A_543, %get3A_590 : vector<16xf32>
        %add3A_592 = arith.constant 17 : i32
        %add3A_593 = arith.addi %mul3A_387, %add3A_592 : i32
        %get3A_594 = arith.index_cast %add3A_593 : i32 to index
        %get3A_595 = arith.constant 0 : index
        %get3A_596 = tpu.vector_load %arg9[%get3A_594, %get3A_595] {strides = array<i32>} : memref<200x32xf32, #tpu.memory_space<vmem>>, vector<16xf32>,
        %add3A_597 = arith.addf %add3A_549, %get3A_596 : vector<16xf32>
        %add3A_598 = arith.constant 17 : i32
        %add3A_599 = arith.addi %mul3A_387, %add3A_598 : i32
        %get3A_600 = arith.index_cast %add3A_599 : i32 to index
        %get3A_601 = arith.constant 16 : index
        %get3A_602 = tpu.vector_load %arg9[%get3A_600, %get3A_601] {strides = array<i32>} : memref<200x32xf32, #tpu.memory_space<vmem>>, vector<16xf32>,
        %add3A_603 = arith.addf %add3A_555, %get3A_602 : vector<16xf32>
        %add3A_604 = arith.constant 18 : i32
        %add3A_605 = arith.addi %mul3A_387, %add3A_604 : i32
        %get3A_606 = arith.index_cast %add3A_605 : i32 to index
        %get3A_607 = arith.constant 0 : index
        %get3A_608 = tpu.vector_load %arg9[%get3A_606, %get3A_607] {strides = array<i32>} : memref<200x32xf32, #tpu.memory_space<vmem>>, vector<16xf32>,
        %add3A_609 = arith.addf %add3A_561, %get3A_608 : vector<16xf32>
        %add3A_610 = arith.constant 18 : i32
        %add3A_611 = arith.addi %mul3A_387, %add3A_610 : i32
        %get3A_612 = arith.index_cast %add3A_611 : i32 to index
        %get3A_613 = arith.constant 16 : index
        %get3A_614 = tpu.vector_load %arg9[%get3A_612, %get3A_613] {strides = array<i32>} : memref<200x32xf32, #tpu.memory_space<vmem>>, vector<16xf32>,
        %add3A_615 = arith.addf %add3A_567, %get3A_614 : vector<16xf32>
        %add3A_616 = arith.constant 19 : i32
        %add3A_617 = arith.addi %mul3A_387, %add3A_616 : i32
        %get3A_618 = arith.index_cast %add3A_617 : i32 to index
        %get3A_619 = arith.constant 0 : index
        %get3A_620 = tpu.vector_load %arg9[%get3A_618, %get3A_619] {strides = array<i32>} : memref<200x32xf32, #tpu.memory_space<vmem>>, vector<16xf32>,
        %add3A_621 = arith.addf %add3A_573, %get3A_620 : vector<16xf32>
        %add3A_622 = arith.constant 19 : i32
        %add3A_623 = arith.addi %mul3A_387, %add3A_622 : i32
        %get3A_624 = arith.index_cast %add3A_623 : i32 to index
        %get3A_625 = arith.constant 16 : index
        %get3A_626 = tpu.vector_load %arg9[%get3A_624, %get3A_625] {strides = array<i32>} : memref<200x32xf32, #tpu.memory_space<vmem>>, vector<16xf32>,
        %add3A_627 = arith.addf %add3A_579, %get3A_626 : vector<16xf32>
        %add3A_628 = arith.constant 20 : i32
        %add3A_629 = arith.addi %mul3A_387, %add3A_628 : i32
        %get3A_630 = arith.index_cast %add3A_629 : i32 to index
        %get3A_631 = arith.constant 0 : index
        %get3A_632 = tpu.vector_load %arg9[%get3A_630, %get3A_631] {strides = array<i32>} : memref<200x32xf32, #tpu.memory_space<vmem>>, vector<16xf32>,
        %add3A_633 = arith.addf %add3A_585, %get3A_632 : vector<16xf32>
        %add3A_634 = arith.constant 20 : i32
        %add3A_635 = arith.addi %mul3A_387, %add3A_634 : i32
        %get3A_636 = arith.index_cast %add3A_635 : i32 to index
        %get3A_637 = arith.constant 16 : index
        %get3A_638 = tpu.vector_load %arg9[%get3A_636, %get3A_637] {strides = array<i32>} : memref<200x32xf32, #tpu.memory_space<vmem>>, vector<16xf32>,
        %add3A_639 = arith.addf %add3A_591, %get3A_638 : vector<16xf32>
        %add3A_640 = arith.constant 21 : i32
        %add3A_641 = arith.addi %mul3A_387, %add3A_640 : i32
        %get3A_642 = arith.index_cast %add3A_641 : i32 to index
        %get3A_643 = arith.constant 0 : index
        %get3A_644 = tpu.vector_load %arg9[%get3A_642, %get3A_643] {strides = array<i32>} : memref<200x32xf32, #tpu.memory_space<vmem>>, vector<16xf32>,
        %add3A_645 = arith.addf %add3A_597, %get3A_644 : vector<16xf32>
        %add3A_646 = arith.constant 21 : i32
        %add3A_647 = arith.addi %mul3A_387, %add3A_646 : i32
        %get3A_648 = arith.index_cast %add3A_647 : i32 to index
        %get3A_649 = arith.constant 16 : index
        %get3A_650 = tpu.vector_load %arg9[%get3A_648, %get3A_649] {strides = array<i32>} : memref<200x32xf32, #tpu.memory_space<vmem>>, vector<16xf32>,
        %add3A_651 = arith.addf %add3A_603, %get3A_650 : vector<16xf32>
        %add3A_652 = arith.constant 22 : i32
        %add3A_653 = arith.addi %mul3A_387, %add3A_652 : i32
        %get3A_654 = arith.index_cast %add3A_653 : i32 to index
        %get3A_655 = arith.constant 0 : index
        %get3A_656 = tpu.vector_load %arg9[%get3A_654, %get3A_655] {strides = array<i32>} : memref<200x32xf32, #tpu.memory_space<vmem>>, vector<16xf32>,
        %add3A_657 = arith.addf %add3A_609, %get3A_656 : vector<16xf32>
        %add3A_658 = arith.constant 22 : i32
        %add3A_659 = arith.addi %mul3A_387, %add3A_658 : i32
        %get3A_660 = arith.index_cast %add3A_659 : i32 to index
        %get3A_661 = arith.constant 16 : index
        %get3A_662 = tpu.vector_load %arg9[%get3A_660, %get3A_661] {strides = array<i32>} : memref<200x32xf32, #tpu.memory_space<vmem>>, vector<16xf32>,
        %add3A_663 = arith.addf %add3A_615, %get3A_662 : vector<16xf32>
        %add3A_664 = arith.constant 23 : i32
        %add3A_665 = arith.addi %mul3A_387, %add3A_664 : i32
        %get3A_666 = arith.index_cast %add3A_665 : i32 to index
        %get3A_667 = arith.constant 0 : index
        %get3A_668 = tpu.vector_load %arg9[%get3A_666, %get3A_667] {strides = array<i32>} : memref<200x32xf32, #tpu.memory_space<vmem>>, vector<16xf32>,
        %add3A_669 = arith.addf %add3A_621, %get3A_668 : vector<16xf32>
        %add3A_670 = arith.constant 23 : i32
        %add3A_671 = arith.addi %mul3A_387, %add3A_670 : i32
        %get3A_672 = arith.index_cast %add3A_671 : i32 to index
        %get3A_673 = arith.constant 16 : index
        %get3A_674 = tpu.vector_load %arg9[%get3A_672, %get3A_673] {strides = array<i32>} : memref<200x32xf32, #tpu.memory_space<vmem>>, vector<16xf32>,
        %add3A_675 = arith.addf %add3A_627, %get3A_674 : vector<16xf32>
        %add3A_676 = arith.constant 24 : i32
        %add3A_677 = arith.addi %mul3A_387, %add3A_676 : i32
        %get3A_678 = arith.index_cast %add3A_677 : i32 to index
        %get3A_679 = arith.constant 0 : index
        %get3A_680 = tpu.vector_load %arg9[%get3A_678, %get3A_679] {strides = array<i32>} : memref<200x32xf32, #tpu.memory_space<vmem>>, vector<16xf32>,
        %add3A_681 = arith.addf %add3A_633, %get3A_680 : vector<16xf32>
        %add3A_682 = arith.constant 24 : i32
        %add3A_683 = arith.addi %mul3A_387, %add3A_682 : i32
        %get3A_684 = arith.index_cast %add3A_683 : i32 to index
        %get3A_685 = arith.constant 16 : index
        %get3A_686 = tpu.vector_load %arg9[%get3A_684, %get3A_685] {strides = array<i32>} : memref<200x32xf32, #tpu.memory_space<vmem>>, vector<16xf32>,
        %add3A_687 = arith.addf %add3A_639, %get3A_686 : vector<16xf32>
        %add3A_688 = arith.constant 25 : i32
        %add3A_689 = arith.addi %mul3A_387, %add3A_688 : i32
        %get3A_690 = arith.index_cast %add3A_689 : i32 to index
        %get3A_691 = arith.constant 0 : index
        %get3A_692 = tpu.vector_load %arg9[%get3A_690, %get3A_691] {strides = array<i32>} : memref<200x32xf32, #tpu.memory_space<vmem>>, vector<16xf32>,
        %add3A_693 = arith.addf %add3A_645, %get3A_692 : vector<16xf32>
        %add3A_694 = arith.constant 25 : i32
        %add3A_695 = arith.addi %mul3A_387, %add3A_694 : i32
        %get3A_696 = arith.index_cast %add3A_695 : i32 to index
        %get3A_697 = arith.constant 16 : index
        %get3A_698 = tpu.vector_load %arg9[%get3A_696, %get3A_697] {strides = array<i32>} : memref<200x32xf32, #tpu.memory_space<vmem>>, vector<16xf32>,
        %add3A_699 = arith.addf %add3A_651, %get3A_698 : vector<16xf32>
        %add3A_700 = arith.constant 26 : i32
        %add3A_701 = arith.addi %mul3A_387, %add3A_700 : i32
        %get3A_702 = arith.index_cast %add3A_701 : i32 to index
        %get3A_703 = arith.constant 0 : index
        %get3A_704 = tpu.vector_load %arg9[%get3A_702, %get3A_703] {strides = array<i32>} : memref<200x32xf32, #tpu.memory_space<vmem>>, vector<16xf32>,
        %add3A_705 = arith.addf %add3A_657, %get3A_704 : vector<16xf32>
        %add3A_706 = arith.constant 26 : i32
        %add3A_707 = arith.addi %mul3A_387, %add3A_706 : i32
        %get3A_708 = arith.index_cast %add3A_707 : i32 to index
        %get3A_709 = arith.constant 16 : index
        %get3A_710 = tpu.vector_load %arg9[%get3A_708, %get3A_709] {strides = array<i32>} : memref<200x32xf32, #tpu.memory_space<vmem>>, vector<16xf32>,
        %add3A_711 = arith.addf %add3A_663, %get3A_710 : vector<16xf32>
        %add3A_712 = arith.constant 27 : i32
        %add3A_713 = arith.addi %mul3A_387, %add3A_712 : i32
        %get3A_714 = arith.index_cast %add3A_713 : i32 to index
        %get3A_715 = arith.constant 0 : index
        %get3A_716 = tpu.vector_load %arg9[%get3A_714, %get3A_715] {strides = array<i32>} : memref<200x32xf32, #tpu.memory_space<vmem>>, vector<16xf32>,
        %add3A_717 = arith.addf %add3A_669, %get3A_716 : vector<16xf32>
        %add3A_718 = arith.constant 27 : i32
        %add3A_719 = arith.addi %mul3A_387, %add3A_718 : i32
        %get3A_720 = arith.index_cast %add3A_719 : i32 to index
        %get3A_721 = arith.constant 16 : index
        %get3A_722 = tpu.vector_load %arg9[%get3A_720, %get3A_721] {strides = array<i32>} : memref<200x32xf32, #tpu.memory_space<vmem>>, vector<16xf32>,
        %add3A_723 = arith.addf %add3A_675, %get3A_722 : vector<16xf32>
        %add3A_724 = arith.constant 28 : i32
        %add3A_725 = arith.addi %mul3A_387, %add3A_724 : i32
        %get3A_726 = arith.index_cast %add3A_725 : i32 to index
        %get3A_727 = arith.constant 0 : index
        %get3A_728 = tpu.vector_load %arg9[%get3A_726, %get3A_727] {strides = array<i32>} : memref<200x32xf32, #tpu.memory_space<vmem>>, vector<16xf32>,
        %add3A_729 = arith.addf %add3A_681, %get3A_728 : vector<16xf32>
        %add3A_730 = arith.constant 28 : i32
        %add3A_731 = arith.addi %mul3A_387, %add3A_730 : i32
        %get3A_732 = arith.index_cast %add3A_731 : i32 to index
        %get3A_733 = arith.constant 16 : index
        %get3A_734 = tpu.vector_load %arg9[%get3A_732, %get3A_733] {strides = array<i32>} : memref<200x32xf32, #tpu.memory_space<vmem>>, vector<16xf32>,
        %add3A_735 = arith.addf %add3A_687, %get3A_734 : vector<16xf32>
        %add3A_736 = arith.constant 29 : i32
        %add3A_737 = arith.addi %mul3A_387, %add3A_736 : i32
        %get3A_738 = arith.index_cast %add3A_737 : i32 to index
        %get3A_739 = arith.constant 0 : index
        %get3A_740 = tpu.vector_load %arg9[%get3A_738, %get3A_739] {strides = array<i32>} : memref<200x32xf32, #tpu.memory_space<vmem>>, vector<16xf32>,
        %add3A_741 = arith.addf %add3A_693, %get3A_740 : vector<16xf32>
        %add3A_742 = arith.constant 29 : i32
        %add3A_743 = arith.addi %mul3A_387, %add3A_742 : i32
        %get3A_744 = arith.index_cast %add3A_743 : i32 to index
        %get3A_745 = arith.constant 16 : index
        %get3A_746 = tpu.vector_load %arg9[%get3A_744, %get3A_745] {strides = array<i32>} : memref<200x32xf32, #tpu.memory_space<vmem>>, vector<16xf32>,
        %add3A_747 = arith.addf %add3A_699, %get3A_746 : vector<16xf32>
        %add3A_748 = arith.constant 30 : i32
        %add3A_749 = arith.addi %mul3A_387, %add3A_748 : i32
        %get3A_750 = arith.index_cast %add3A_749 : i32 to index
        %get3A_751 = arith.constant 0 : index
        %get3A_752 = tpu.vector_load %arg9[%get3A_750, %get3A_751] {strides = array<i32>} : memref<200x32xf32, #tpu.memory_space<vmem>>, vector<16xf32>,
        %add3A_753 = arith.addf %add3A_705, %get3A_752 : vector<16xf32>
        %add3A_754 = arith.constant 30 : i32
        %add3A_755 = arith.addi %mul3A_387, %add3A_754 : i32
        %get3A_756 = arith.index_cast %add3A_755 : i32 to index
        %get3A_757 = arith.constant 16 : index
        %get3A_758 = tpu.vector_load %arg9[%get3A_756, %get3A_757] {strides = array<i32>} : memref<200x32xf32, #tpu.memory_space<vmem>>, vector<16xf32>,
        %add3A_759 = arith.addf %add3A_711, %get3A_758 : vector<16xf32>
        %add3A_760 = arith.constant 31 : i32
        %add3A_761 = arith.addi %mul3A_387, %add3A_760 : i32
        %get3A_762 = arith.index_cast %add3A_761 : i32 to index
        %get3A_763 = arith.constant 0 : index
        %get3A_764 = tpu.vector_load %arg9[%get3A_762, %get3A_763] {strides = array<i32>} : memref<200x32xf32, #tpu.memory_space<vmem>>, vector<16xf32>,
        %add3A_765 = arith.addf %add3A_717, %get3A_764 : vector<16xf32>
        %add3A_766 = arith.constant 31 : i32
        %add3A_767 = arith.addi %mul3A_387, %add3A_766 : i32
        %get3A_768 = arith.index_cast %add3A_767 : i32 to index
        %get3A_769 = arith.constant 16 : index
        %get3A_770 = tpu.vector_load %arg9[%get3A_768, %get3A_769] {strides = array<i32>} : memref<200x32xf32, #tpu.memory_space<vmem>>, vector<16xf32>,
        %add3A_771 = arith.addf %add3A_723, %get3A_770 : vector<16xf32>
        scf.yield %add3A_729, %add3A_735, %add3A_741, %add3A_747, %add3A_753, %add3A_759, %add3A_765, %add3A_771 : vector<16xf32>, vector<16xf32>, vector<16xf32>, vector<16xf32>, vector<16xf32>, vector<16xf32>, vector<16xf32>, vector<16xf32>
      }
      %while3A_186 = arith.constant 1 : i32
      %while3A_187:8 = scf.for %while3A_377 = %while3A_183 to %while3A_179 step %while3A_186 iter_args(%while3A_378 = %while3A_185#0, %while3A_379 = %while3A_185#1, %while3A_380 = %while3A_185#2, %while3A_381 = %while3A_185#3, %while3A_382 = %while3A_185#4, %while3A_383 = %while3A_185#5, %while3A_384 = %while3A_185#6, %while3A_385 = %while3A_185#7) -> (vector<16xf32>, vector<16xf32>, vector<16xf32>, vector<16xf32>, vector<16xf32>, vector<16xf32>, vector<16xf32>, vector<16xf32>)  : i32 {
        %mul3A_386 = arith.constant 32 : i32
        %mul3A_387 = arith.muli %while3A_377, %mul3A_386 : i32
        %add3A_388 = arith.constant 0 : i32
        %add3A_389 = arith.addi %mul3A_387, %add3A_388 : i32
        %get3A_390 = arith.index_cast %add3A_389 : i32 to index
        %get3A_391 = arith.constant 0 : index
        %get3A_392 = tpu.vector_load %arg9[%get3A_390, %get3A_391] {strides = array<i32>} : memref<200x32xf32, #tpu.memory_space<vmem>>, vector<16xf32>,
        %add3A_393 = arith.addf %while3A_378, %get3A_392 : vector<16xf32>
        %add3A_394 = arith.constant 0 : i32
        %add3A_395 = arith.addi %mul3A_387, %add3A_394 : i32
        %get3A_396 = arith.index_cast %add3A_395 : i32 to index
        %get3A_397 = arith.constant 16 : index
        %get3A_398 = tpu.vector_load %arg9[%get3A_396, %get3A_397] {strides = array<i32>} : memref<200x32xf32, #tpu.memory_space<vmem>>, vector<16xf32>,
        %add3A_399 = arith.addf %while3A_379, %get3A_398 : vector<16xf32>
        %add3A_400 = arith.constant 1 : i32
        %add3A_401 = arith.addi %mul3A_387, %add3A_400 : i32
        %get3A_402 = arith.index_cast %add3A_401 : i32 to index
        %get3A_403 = arith.constant 0 : index
        %get3A_404 = tpu.vector_load %arg9[%get3A_402, %get3A_403] {strides = array<i32>} : memref<200x32xf32, #tpu.memory_space<vmem>>, vector<16xf32>,
        %add3A_405 = arith.addf %while3A_380, %get3A_404 : vector<16xf32>
        %add3A_406 = arith.constant 1 : i32
        %add3A_407 = arith.addi %mul3A_387, %add3A_406 : i32
        %get3A_408 = arith.index_cast %add3A_407 : i32 to index
        %get3A_409 = arith.constant 16 : index
        %get3A_410 = tpu.vector_load %arg9[%get3A_408, %get3A_409] {strides = array<i32>} : memref<200x32xf32, #tpu.memory_space<vmem>>, vector<16xf32>,
        %add3A_411 = arith.addf %while3A_381, %get3A_410 : vector<16xf32>
        %add3A_412 = arith.constant 2 : i32
        %add3A_413 = arith.addi %mul3A_387, %add3A_412 : i32
        %get3A_414 = arith.index_cast %add3A_413 : i32 to index
        %get3A_415 = arith.constant 0 : index
        %get3A_416 = tpu.vector_load %arg9[%get3A_414, %get3A_415] {strides = array<i32>} : memref<200x32xf32, #tpu.memory_space<vmem>>, vector<16xf32>,
        %add3A_417 = arith.addf %while3A_382, %get3A_416 : vector<16xf32>
        %add3A_418 = arith.constant 2 : i32
        %add3A_419 = arith.addi %mul3A_387, %add3A_418 : i32
        %get3A_420 = arith.index_cast %add3A_419 : i32 to index
        %get3A_421 = arith.constant 16 : index
        %get3A_422 = tpu.vector_load %arg9[%get3A_420, %get3A_421] {strides = array<i32>} : memref<200x32xf32, #tpu.memory_space<vmem>>, vector<16xf32>,
        %add3A_423 = arith.addf %while3A_383, %get3A_422 : vector<16xf32>
        %add3A_424 = arith.constant 3 : i32
        %add3A_425 = arith.addi %mul3A_387, %add3A_424 : i32
        %get3A_426 = arith.index_cast %add3A_425 : i32 to index
        %get3A_427 = arith.constant 0 : index
        %get3A_428 = tpu.vector_load %arg9[%get3A_426, %get3A_427] {strides = array<i32>} : memref<200x32xf32, #tpu.memory_space<vmem>>, vector<16xf32>,
        %add3A_429 = arith.addf %while3A_384, %get3A_428 : vector<16xf32>
        %add3A_430 = arith.constant 3 : i32
        %add3A_431 = arith.addi %mul3A_387, %add3A_430 : i32
        %get3A_432 = arith.index_cast %add3A_431 : i32 to index
        %get3A_433 = arith.constant 16 : index
        %get3A_434 = tpu.vector_load %arg9[%get3A_432, %get3A_433] {strides = array<i32>} : memref<200x32xf32, #tpu.memory_space<vmem>>, vector<16xf32>,
        %add3A_435 = arith.addf %while3A_385, %get3A_434 : vector<16xf32>
        %add3A_436 = arith.constant 4 : i32
        %add3A_437 = arith.addi %mul3A_387, %add3A_436 : i32
        %get3A_438 = arith.index_cast %add3A_437 : i32 to index
        %get3A_439 = arith.constant 0 : index
        %get3A_440 = tpu.vector_load %arg9[%get3A_438, %get3A_439] {strides = array<i32>} : memref<200x32xf32, #tpu.memory_space<vmem>>, vector<16xf32>,
        %add3A_441 = arith.addf %add3A_393, %get3A_440 : vector<16xf32>
        %add3A_442 = arith.constant 4 : i32
        %add3A_443 = arith.addi %mul3A_387, %add3A_442 : i32
        %get3A_444 = arith.index_cast %add3A_443 : i32 to index
        %get3A_445 = arith.constant 16 : index
        %get3A_446 = tpu.vector_load %arg9[%get3A_444, %get3A_445] {strides = array<i32>} : memref<200x32xf32, #tpu.memory_space<vmem>>, vector<16xf32>,
        %add3A_447 = arith.addf %add3A_399, %get3A_446 : vector<16xf32>
        %add3A_448 = arith.constant 5 : i32
        %add3A_449 = arith.addi %mul3A_387, %add3A_448 : i32
        %get3A_450 = arith.index_cast %add3A_449 : i32 to index
        %get3A_451 = arith.constant 0 : index
        %get3A_452 = tpu.vector_load %arg9[%get3A_450, %get3A_451] {strides = array<i32>} : memref<200x32xf32, #tpu.memory_space<vmem>>, vector<16xf32>,
        %add3A_453 = arith.addf %add3A_405, %get3A_452 : vector<16xf32>
        %add3A_454 = arith.constant 5 : i32
        %add3A_455 = arith.addi %mul3A_387, %add3A_454 : i32
        %get3A_456 = arith.index_cast %add3A_455 : i32 to index
        %get3A_457 = arith.constant 16 : index
        %get3A_458 = tpu.vector_load %arg9[%get3A_456, %get3A_457] {strides = array<i32>} : memref<200x32xf32, #tpu.memory_space<vmem>>, vector<16xf32>,
        %add3A_459 = arith.addf %add3A_411, %get3A_458 : vector<16xf32>
        %add3A_460 = arith.constant 6 : i32
        %add3A_461 = arith.addi %mul3A_387, %add3A_460 : i32
        %get3A_462 = arith.index_cast %add3A_461 : i32 to index
        %get3A_463 = arith.constant 0 : index
        %get3A_464 = tpu.vector_load %arg9[%get3A_462, %get3A_463] {strides = array<i32>} : memref<200x32xf32, #tpu.memory_space<vmem>>, vector<16xf32>,
        %add3A_465 = arith.addf %add3A_417, %get3A_464 : vector<16xf32>
        %add3A_466 = arith.constant 6 : i32
        %add3A_467 = arith.addi %mul3A_387, %add3A_466 : i32
        %get3A_468 = arith.index_cast %add3A_467 : i32 to index
        %get3A_469 = arith.constant 16 : index
        %get3A_470 = tpu.vector_load %arg9[%get3A_468, %get3A_469] {strides = array<i32>} : memref<200x32xf32, #tpu.memory_space<vmem>>, vector<16xf32>,
        %add3A_471 = arith.addf %add3A_423, %get3A_470 : vector<16xf32>
        %add3A_472 = arith.constant 7 : i32
        %add3A_473 = arith.addi %mul3A_387, %add3A_472 : i32
        %get3A_474 = arith.index_cast %add3A_473 : i32 to index
        %get3A_475 = arith.constant 0 : index
        %get3A_476 = tpu.vector_load %arg9[%get3A_474, %get3A_475] {strides = array<i32>} : memref<200x32xf32, #tpu.memory_space<vmem>>, vector<16xf32>,
        %add3A_477 = arith.addf %add3A_429, %get3A_476 : vector<16xf32>
        %add3A_478 = arith.constant 7 : i32
        %add3A_479 = arith.addi %mul3A_387, %add3A_478 : i32
        %get3A_480 = arith.index_cast %add3A_479 : i32 to index
        %get3A_481 = arith.constant 16 : index
        %get3A_482 = tpu.vector_load %arg9[%get3A_480, %get3A_481] {strides = array<i32>} : memref<200x32xf32, #tpu.memory_space<vmem>>, vector<16xf32>,
        %add3A_483 = arith.addf %add3A_435, %get3A_482 : vector<16xf32>
        %add3A_484 = arith.constant 8 : i32
        %add3A_485 = arith.addi %mul3A_387, %add3A_484 : i32
        %get3A_486 = arith.index_cast %add3A_485 : i32 to index
        %get3A_487 = arith.constant 0 : index
        %get3A_488 = tpu.vector_load %arg9[%get3A_486, %get3A_487] {strides = array<i32>} : memref<200x32xf32, #tpu.memory_space<vmem>>, vector<16xf32>,
        %add3A_489 = arith.addf %add3A_441, %get3A_488 : vector<16xf32>
        %add3A_490 = arith.constant 8 : i32
        %add3A_491 = arith.addi %mul3A_387, %add3A_490 : i32
        %get3A_492 = arith.index_cast %add3A_491 : i32 to index
        %get3A_493 = arith.constant 16 : index
        %get3A_494 = tpu.vector_load %arg9[%get3A_492, %get3A_493] {strides = array<i32>} : memref<200x32xf32, #tpu.memory_space<vmem>>, vector<16xf32>,
        %add3A_495 = arith.addf %add3A_447, %get3A_494 : vector<16xf32>
        %add3A_496 = arith.constant 9 : i32
        %add3A_497 = arith.addi %mul3A_387, %add3A_496 : i32
        %get3A_498 = arith.index_cast %add3A_497 : i32 to index
        %get3A_499 = arith.constant 0 : index
        %get3A_500 = tpu.vector_load %arg9[%get3A_498, %get3A_499] {strides = array<i32>} : memref<200x32xf32, #tpu.memory_space<vmem>>, vector<16xf32>,
        %add3A_501 = arith.addf %add3A_453, %get3A_500 : vector<16xf32>
        %add3A_502 = arith.constant 9 : i32
        %add3A_503 = arith.addi %mul3A_387, %add3A_502 : i32
        %get3A_504 = arith.index_cast %add3A_503 : i32 to index
        %get3A_505 = arith.constant 16 : index
        %get3A_506 = tpu.vector_load %arg9[%get3A_504, %get3A_505] {strides = array<i32>} : memref<200x32xf32, #tpu.memory_space<vmem>>, vector<16xf32>,
        %add3A_507 = arith.addf %add3A_459, %get3A_506 : vector<16xf32>
        %add3A_508 = arith.constant 10 : i32
        %add3A_509 = arith.addi %mul3A_387, %add3A_508 : i32
        %get3A_510 = arith.index_cast %add3A_509 : i32 to index
        %get3A_511 = arith.constant 0 : index
        %get3A_512 = tpu.vector_load %arg9[%get3A_510, %get3A_511] {strides = array<i32>} : memref<200x32xf32, #tpu.memory_space<vmem>>, vector<16xf32>,
        %add3A_513 = arith.addf %add3A_465, %get3A_512 : vector<16xf32>
        %add3A_514 = arith.constant 10 : i32
        %add3A_515 = arith.addi %mul3A_387, %add3A_514 : i32
        %get3A_516 = arith.index_cast %add3A_515 : i32 to index
        %get3A_517 = arith.constant 16 : index
        %get3A_518 = tpu.vector_load %arg9[%get3A_516, %get3A_517] {strides = array<i32>} : memref<200x32xf32, #tpu.memory_space<vmem>>, vector<16xf32>,
        %add3A_519 = arith.addf %add3A_471, %get3A_518 : vector<16xf32>
        %add3A_520 = arith.constant 11 : i32
        %add3A_521 = arith.addi %mul3A_387, %add3A_520 : i32
        %get3A_522 = arith.index_cast %add3A_521 : i32 to index
        %get3A_523 = arith.constant 0 : index
        %get3A_524 = tpu.vector_load %arg9[%get3A_522, %get3A_523] {strides = array<i32>} : memref<200x32xf32, #tpu.memory_space<vmem>>, vector<16xf32>,
        %add3A_525 = arith.addf %add3A_477, %get3A_524 : vector<16xf32>
        %add3A_526 = arith.constant 11 : i32
        %add3A_527 = arith.addi %mul3A_387, %add3A_526 : i32
        %get3A_528 = arith.index_cast %add3A_527 : i32 to index
        %get3A_529 = arith.constant 16 : index
        %get3A_530 = tpu.vector_load %arg9[%get3A_528, %get3A_529] {strides = array<i32>} : memref<200x32xf32, #tpu.memory_space<vmem>>, vector<16xf32>,
        %add3A_531 = arith.addf %add3A_483, %get3A_530 : vector<16xf32>
        %add3A_532 = arith.constant 12 : i32
        %add3A_533 = arith.addi %mul3A_387, %add3A_532 : i32
        %get3A_534 = arith.index_cast %add3A_533 : i32 to index
        %get3A_535 = arith.constant 0 : index
        %get3A_536 = tpu.vector_load %arg9[%get3A_534, %get3A_535] {strides = array<i32>} : memref<200x32xf32, #tpu.memory_space<vmem>>, vector<16xf32>,
        %add3A_537 = arith.addf %add3A_489, %get3A_536 : vector<16xf32>
        %add3A_538 = arith.constant 12 : i32
        %add3A_539 = arith.addi %mul3A_387, %add3A_538 : i32
        %get3A_540 = arith.index_cast %add3A_539 : i32 to index
        %get3A_541 = arith.constant 16 : index
        %get3A_542 = tpu.vector_load %arg9[%get3A_540, %get3A_541] {strides = array<i32>} : memref<200x32xf32, #tpu.memory_space<vmem>>, vector<16xf32>,
        %add3A_543 = arith.addf %add3A_495, %get3A_542 : vector<16xf32>
        %add3A_544 = arith.constant 13 : i32
        %add3A_545 = arith.addi %mul3A_387, %add3A_544 : i32
        %get3A_546 = arith.index_cast %add3A_545 : i32 to index
        %get3A_547 = arith.constant 0 : index
        %get3A_548 = tpu.vector_load %arg9[%get3A_546, %get3A_547] {strides = array<i32>} : memref<200x32xf32, #tpu.memory_space<vmem>>, vector<16xf32>,
        %add3A_549 = arith.addf %add3A_501, %get3A_548 : vector<16xf32>
        %add3A_550 = arith.constant 13 : i32
        %add3A_551 = arith.addi %mul3A_387, %add3A_550 : i32
        %get3A_552 = arith.index_cast %add3A_551 : i32 to index
        %get3A_553 = arith.constant 16 : index
        %get3A_554 = tpu.vector_load %arg9[%get3A_552, %get3A_553] {strides = array<i32>} : memref<200x32xf32, #tpu.memory_space<vmem>>, vector<16xf32>,
        %add3A_555 = arith.addf %add3A_507, %get3A_554 : vector<16xf32>
        %add3A_556 = arith.constant 14 : i32
        %add3A_557 = arith.addi %mul3A_387, %add3A_556 : i32
        %get3A_558 = arith.index_cast %add3A_557 : i32 to index
        %get3A_559 = arith.constant 0 : index
        %get3A_560 = tpu.vector_load %arg9[%get3A_558, %get3A_559] {strides = array<i32>} : memref<200x32xf32, #tpu.memory_space<vmem>>, vector<16xf32>,
        %add3A_561 = arith.addf %add3A_513, %get3A_560 : vector<16xf32>
        %add3A_562 = arith.constant 14 : i32
        %add3A_563 = arith.addi %mul3A_387, %add3A_562 : i32
        %get3A_564 = arith.index_cast %add3A_563 : i32 to index
        %get3A_565 = arith.constant 16 : index
        %get3A_566 = tpu.vector_load %arg9[%get3A_564, %get3A_565] {strides = array<i32>} : memref<200x32xf32, #tpu.memory_space<vmem>>, vector<16xf32>,
        %add3A_567 = arith.addf %add3A_519, %get3A_566 : vector<16xf32>
        %add3A_568 = arith.constant 15 : i32
        %add3A_569 = arith.addi %mul3A_387, %add3A_568 : i32
        %get3A_570 = arith.index_cast %add3A_569 : i32 to index
        %get3A_571 = arith.constant 0 : index
        %get3A_572 = tpu.vector_load %arg9[%get3A_570, %get3A_571] {strides = array<i32>} : memref<200x32xf32, #tpu.memory_space<vmem>>, vector<16xf32>,
        %add3A_573 = arith.addf %add3A_525, %get3A_572 : vector<16xf32>
        %add3A_574 = arith.constant 15 : i32
        %add3A_575 = arith.addi %mul3A_387, %add3A_574 : i32
        %get3A_576 = arith.index_cast %add3A_575 : i32 to index
        %get3A_577 = arith.constant 16 : index
        %get3A_578 = tpu.vector_load %arg9[%get3A_576, %get3A_577] {strides = array<i32>} : memref<200x32xf32, #tpu.memory_space<vmem>>, vector<16xf32>,
        %add3A_579 = arith.addf %add3A_531, %get3A_578 : vector<16xf32>
        %add3A_580 = arith.constant 16 : i32
        %add3A_581 = arith.addi %mul3A_387, %add3A_580 : i32
        %get3A_582 = arith.index_cast %add3A_581 : i32 to index
        %get3A_583 = arith.constant 0 : index
        %get3A_584 = tpu.vector_load %arg9[%get3A_582, %get3A_583] {strides = array<i32>} : memref<200x32xf32, #tpu.memory_space<vmem>>, vector<16xf32>,
        %add3A_585 = arith.addf %add3A_537, %get3A_584 : vector<16xf32>
        %add3A_586 = arith.constant 16 : i32
        %add3A_587 = arith.addi %mul3A_387, %add3A_586 : i32
        %get3A_588 = arith.index_cast %add3A_587 : i32 to index
        %get3A_589 = arith.constant 16 : index
        %get3A_590 = tpu.vector_load %arg9[%get3A_588, %get3A_589] {strides = array<i32>} : memref<200x32xf32, #tpu.memory_space<vmem>>, vector<16xf32>,
        %add3A_591 = arith.addf %add3A_543, %get3A_590 : vector<16xf32>
        %add3A_592 = arith.constant 17 : i32
        %add3A_593 = arith.addi %mul3A_387, %add3A_592 : i32
        %get3A_594 = arith.index_cast %add3A_593 : i32 to index
        %get3A_595 = arith.constant 0 : index
        %get3A_596 = tpu.vector_load %arg9[%get3A_594, %get3A_595] {strides = array<i32>} : memref<200x32xf32, #tpu.memory_space<vmem>>, vector<16xf32>,
        %add3A_597 = arith.addf %add3A_549, %get3A_596 : vector<16xf32>
        %add3A_598 = arith.constant 17 : i32
        %add3A_599 = arith.addi %mul3A_387, %add3A_598 : i32
        %get3A_600 = arith.index_cast %add3A_599 : i32 to index
        %get3A_601 = arith.constant 16 : index
        %get3A_602 = tpu.vector_load %arg9[%get3A_600, %get3A_601] {strides = array<i32>} : memref<200x32xf32, #tpu.memory_space<vmem>>, vector<16xf32>,
        %add3A_603 = arith.addf %add3A_555, %get3A_602 : vector<16xf32>
        %add3A_604 = arith.constant 18 : i32
        %add3A_605 = arith.addi %mul3A_387, %add3A_604 : i32
        %get3A_606 = arith.index_cast %add3A_605 : i32 to index
        %get3A_607 = arith.constant 0 : index
        %get3A_608 = tpu.vector_load %arg9[%get3A_606, %get3A_607] {strides = array<i32>} : memref<200x32xf32, #tpu.memory_space<vmem>>, vector<16xf32>,
        %add3A_609 = arith.addf %add3A_561, %get3A_608 : vector<16xf32>
        %add3A_610 = arith.constant 18 : i32
        %add3A_611 = arith.addi %mul3A_387, %add3A_610 : i32
        %get3A_612 = arith.index_cast %add3A_611 : i32 to index
        %get3A_613 = arith.constant 16 : index
        %get3A_614 = tpu.vector_load %arg9[%get3A_612, %get3A_613] {strides = array<i32>} : memref<200x32xf32, #tpu.memory_space<vmem>>, vector<16xf32>,
        %add3A_615 = arith.addf %add3A_567, %get3A_614 : vector<16xf32>
        %add3A_616 = arith.constant 19 : i32
        %add3A_617 = arith.addi %mul3A_387, %add3A_616 : i32
        %get3A_618 = arith.index_cast %add3A_617 : i32 to index
        %get3A_619 = arith.constant 0 : index
        %get3A_620 = tpu.vector_load %arg9[%get3A_618, %get3A_619] {strides = array<i32>} : memref<200x32xf32, #tpu.memory_space<vmem>>, vector<16xf32>,
        %add3A_621 = arith.addf %add3A_573, %get3A_620 : vector<16xf32>
        %add3A_622 = arith.constant 19 : i32
        %add3A_623 = arith.addi %mul3A_387, %add3A_622 : i32
        %get3A_624 = arith.index_cast %add3A_623 : i32 to index
        %get3A_625 = arith.constant 16 : index
        %get3A_626 = tpu.vector_load %arg9[%get3A_624, %get3A_625] {strides = array<i32>} : memref<200x32xf32, #tpu.memory_space<vmem>>, vector<16xf32>,
        %add3A_627 = arith.addf %add3A_579, %get3A_626 : vector<16xf32>
        %add3A_628 = arith.constant 20 : i32
        %add3A_629 = arith.addi %mul3A_387, %add3A_628 : i32
        %get3A_630 = arith.index_cast %add3A_629 : i32 to index
        %get3A_631 = arith.constant 0 : index
        %get3A_632 = tpu.vector_load %arg9[%get3A_630, %get3A_631] {strides = array<i32>} : memref<200x32xf32, #tpu.memory_space<vmem>>, vector<16xf32>,
        %add3A_633 = arith.addf %add3A_585, %get3A_632 : vector<16xf32>
        %add3A_634 = arith.constant 20 : i32
        %add3A_635 = arith.addi %mul3A_387, %add3A_634 : i32
        %get3A_636 = arith.index_cast %add3A_635 : i32 to index
        %get3A_637 = arith.constant 16 : index
        %get3A_638 = tpu.vector_load %arg9[%get3A_636, %get3A_637] {strides = array<i32>} : memref<200x32xf32, #tpu.memory_space<vmem>>, vector<16xf32>,
        %add3A_639 = arith.addf %add3A_591, %get3A_638 : vector<16xf32>
        %add3A_640 = arith.constant 21 : i32
        %add3A_641 = arith.addi %mul3A_387, %add3A_640 : i32
        %get3A_642 = arith.index_cast %add3A_641 : i32 to index
        %get3A_643 = arith.constant 0 : index
        %get3A_644 = tpu.vector_load %arg9[%get3A_642, %get3A_643] {strides = array<i32>} : memref<200x32xf32, #tpu.memory_space<vmem>>, vector<16xf32>,
        %add3A_645 = arith.addf %add3A_597, %get3A_644 : vector<16xf32>
        %add3A_646 = arith.constant 21 : i32
        %add3A_647 = arith.addi %mul3A_387, %add3A_646 : i32
        %get3A_648 = arith.index_cast %add3A_647 : i32 to index
        %get3A_649 = arith.constant 16 : index
        %get3A_650 = tpu.vector_load %arg9[%get3A_648, %get3A_649] {strides = array<i32>} : memref<200x32xf32, #tpu.memory_space<vmem>>, vector<16xf32>,
        %add3A_651 = arith.addf %add3A_603, %get3A_650 : vector<16xf32>
        %add3A_652 = arith.constant 22 : i32
        %add3A_653 = arith.addi %mul3A_387, %add3A_652 : i32
        %get3A_654 = arith.index_cast %add3A_653 : i32 to index
        %get3A_655 = arith.constant 0 : index
        %get3A_656 = tpu.vector_load %arg9[%get3A_654, %get3A_655] {strides = array<i32>} : memref<200x32xf32, #tpu.memory_space<vmem>>, vector<16xf32>,
        %add3A_657 = arith.addf %add3A_609, %get3A_656 : vector<16xf32>
        %add3A_658 = arith.constant 22 : i32
        %add3A_659 = arith.addi %mul3A_387, %add3A_658 : i32
        %get3A_660 = arith.index_cast %add3A_659 : i32 to index
        %get3A_661 = arith.constant 16 : index
        %get3A_662 = tpu.vector_load %arg9[%get3A_660, %get3A_661] {strides = array<i32>} : memref<200x32xf32, #tpu.memory_space<vmem>>, vector<16xf32>,
        %add3A_663 = arith.addf %add3A_615, %get3A_662 : vector<16xf32>
        %add3A_664 = arith.constant 23 : i32
        %add3A_665 = arith.addi %mul3A_387, %add3A_664 : i32
        %get3A_666 = arith.index_cast %add3A_665 : i32 to index
        %get3A_667 = arith.constant 0 : index
        %get3A_668 = tpu.vector_load %arg9[%get3A_666, %get3A_667] {strides = array<i32>} : memref<200x32xf32, #tpu.memory_space<vmem>>, vector<16xf32>,
        %add3A_669 = arith.addf %add3A_621, %get3A_668 : vector<16xf32>
        %add3A_670 = arith.constant 23 : i32
        %add3A_671 = arith.addi %mul3A_387, %add3A_670 : i32
        %get3A_672 = arith.index_cast %add3A_671 : i32 to index
        %get3A_673 = arith.constant 16 : index
        %get3A_674 = tpu.vector_load %arg9[%get3A_672, %get3A_673] {strides = array<i32>} : memref<200x32xf32, #tpu.memory_space<vmem>>, vector<16xf32>,
        %add3A_675 = arith.addf %add3A_627, %get3A_674 : vector<16xf32>
        %add3A_676 = arith.constant 24 : i32
        %add3A_677 = arith.addi %mul3A_387, %add3A_676 : i32
        %get3A_678 = arith.index_cast %add3A_677 : i32 to index
        %get3A_679 = arith.constant 0 : index
        %get3A_680 = tpu.vector_load %arg9[%get3A_678, %get3A_679] {strides = array<i32>} : memref<200x32xf32, #tpu.memory_space<vmem>>, vector<16xf32>,
        %add3A_681 = arith.addf %add3A_633, %get3A_680 : vector<16xf32>
        %add3A_682 = arith.constant 24 : i32
        %add3A_683 = arith.addi %mul3A_387, %add3A_682 : i32
        %get3A_684 = arith.index_cast %add3A_683 : i32 to index
        %get3A_685 = arith.constant 16 : index
        %get3A_686 = tpu.vector_load %arg9[%get3A_684, %get3A_685] {strides = array<i32>} : memref<200x32xf32, #tpu.memory_space<vmem>>, vector<16xf32>,
        %add3A_687 = arith.addf %add3A_639, %get3A_686 : vector<16xf32>
        %add3A_688 = arith.constant 25 : i32
        %add3A_689 = arith.addi %mul3A_387, %add3A_688 : i32
        %get3A_690 = arith.index_cast %add3A_689 : i32 to index
        %get3A_691 = arith.constant 0 : index
        %get3A_692 = tpu.vector_load %arg9[%get3A_690, %get3A_691] {strides = array<i32>} : memref<200x32xf32, #tpu.memory_space<vmem>>, vector<16xf32>,
        %add3A_693 = arith.addf %add3A_645, %get3A_692 : vector<16xf32>
        %add3A_694 = arith.constant 25 : i32
        %add3A_695 = arith.addi %mul3A_387, %add3A_694 : i32
        %get3A_696 = arith.index_cast %add3A_695 : i32 to index
        %get3A_697 = arith.constant 16 : index
        %get3A_698 = tpu.vector_load %arg9[%get3A_696, %get3A_697] {strides = array<i32>} : memref<200x32xf32, #tpu.memory_space<vmem>>, vector<16xf32>,
        %add3A_699 = arith.addf %add3A_651, %get3A_698 : vector<16xf32>
        %add3A_700 = arith.constant 26 : i32
        %add3A_701 = arith.addi %mul3A_387, %add3A_700 : i32
        %get3A_702 = arith.index_cast %add3A_701 : i32 to index
        %get3A_703 = arith.constant 0 : index
        %get3A_704 = tpu.vector_load %arg9[%get3A_702, %get3A_703] {strides = array<i32>} : memref<200x32xf32, #tpu.memory_space<vmem>>, vector<16xf32>,
        %add3A_705 = arith.addf %add3A_657, %get3A_704 : vector<16xf32>
        %add3A_706 = arith.constant 26 : i32
        %add3A_707 = arith.addi %mul3A_387, %add3A_706 : i32
        %get3A_708 = arith.index_cast %add3A_707 : i32 to index
        %get3A_709 = arith.constant 16 : index
        %get3A_710 = tpu.vector_load %arg9[%get3A_708, %get3A_709] {strides = array<i32>} : memref<200x32xf32, #tpu.memory_space<vmem>>, vector<16xf32>,
        %add3A_711 = arith.addf %add3A_663, %get3A_710 : vector<16xf32>
        %add3A_712 = arith.constant 27 : i32
        %add3A_713 = arith.addi %mul3A_387, %add3A_712 : i32
        %get3A_714 = arith.index_cast %add3A_713 : i32 to index
        %get3A_715 = arith.constant 0 : index
        %get3A_716 = tpu.vector_load %arg9[%get3A_714, %get3A_715] {strides = array<i32>} : memref<200x32xf32, #tpu.memory_space<vmem>>, vector<16xf32>,
        %add3A_717 = arith.addf %add3A_669, %get3A_716 : vector<16xf32>
        %add3A_718 = arith.constant 27 : i32
        %add3A_719 = arith.addi %mul3A_387, %add3A_718 : i32
        %get3A_720 = arith.index_cast %add3A_719 : i32 to index
        %get3A_721 = arith.constant 16 : index
        %get3A_722 = tpu.vector_load %arg9[%get3A_720, %get3A_721] {strides = array<i32>} : memref<200x32xf32, #tpu.memory_space<vmem>>, vector<16xf32>,
        %add3A_723 = arith.addf %add3A_675, %get3A_722 : vector<16xf32>
        %add3A_724 = arith.constant 28 : i32
        %add3A_725 = arith.addi %mul3A_387, %add3A_724 : i32
        %get3A_726 = arith.index_cast %add3A_725 : i32 to index
        %get3A_727 = arith.constant 0 : index
        %get3A_728 = tpu.vector_load %arg9[%get3A_726, %get3A_727] {strides = array<i32>} : memref<200x32xf32, #tpu.memory_space<vmem>>, vector<16xf32>,
        %add3A_729 = arith.addf %add3A_681, %get3A_728 : vector<16xf32>
        %add3A_730 = arith.constant 28 : i32
        %add3A_731 = arith.addi %mul3A_387, %add3A_730 : i32
        %get3A_732 = arith.index_cast %add3A_731 : i32 to index
        %get3A_733 = arith.constant 16 : index
        %get3A_734 = tpu.vector_load %arg9[%get3A_732, %get3A_733] {strides = array<i32>} : memref<200x32xf32, #tpu.memory_space<vmem>>, vector<16xf32>,
        %add3A_735 = arith.addf %add3A_687, %get3A_734 : vector<16xf32>
        %add3A_736 = arith.constant 29 : i32
        %add3A_737 = arith.addi %mul3A_387, %add3A_736 : i32
        %get3A_738 = arith.index_cast %add3A_737 : i32 to index
        %get3A_739 = arith.constant 0 : index
        %get3A_740 = tpu.vector_load %arg9[%get3A_738, %get3A_739] {strides = array<i32>} : memref<200x32xf32, #tpu.memory_space<vmem>>, vector<16xf32>,
        %add3A_741 = arith.addf %add3A_693, %get3A_740 : vector<16xf32>
        %add3A_742 = arith.constant 29 : i32
        %add3A_743 = arith.addi %mul3A_387, %add3A_742 : i32
        %get3A_744 = arith.index_cast %add3A_743 : i32 to index
        %get3A_745 = arith.constant 16 : index
        %get3A_746 = tpu.vector_load %arg9[%get3A_744, %get3A_745] {strides = array<i32>} : memref<200x32xf32, #tpu.memory_space<vmem>>, vector<16xf32>,
        %add3A_747 = arith.addf %add3A_699, %get3A_746 : vector<16xf32>
        %add3A_748 = arith.constant 30 : i32
        %add3A_749 = arith.addi %mul3A_387, %add3A_748 : i32
        %get3A_750 = arith.index_cast %add3A_749 : i32 to index
        %get3A_751 = arith.constant 0 : index
        %get3A_752 = tpu.vector_load %arg9[%get3A_750, %get3A_751] {strides = array<i32>} : memref<200x32xf32, #tpu.memory_space<vmem>>, vector<16xf32>,
        %add3A_753 = arith.addf %add3A_705, %get3A_752 : vector<16xf32>
        %add3A_754 = arith.constant 30 : i32
        %add3A_755 = arith.addi %mul3A_387, %add3A_754 : i32
        %get3A_756 = arith.index_cast %add3A_755 : i32 to index
        %get3A_757 = arith.constant 16 : index
        %get3A_758 = tpu.vector_load %arg9[%get3A_756, %get3A_757] {strides = array<i32>} : memref<200x32xf32, #tpu.memory_space<vmem>>, vector<16xf32>,
        %add3A_759 = arith.addf %add3A_711, %get3A_758 : vector<16xf32>
        %add3A_760 = arith.constant 31 : i32
        %add3A_761 = arith.addi %mul3A_387, %add3A_760 : i32
        %get3A_762 = arith.index_cast %add3A_761 : i32 to index
        %get3A_763 = arith.constant 0 : index
        %get3A_764 = tpu.vector_load %arg9[%get3A_762, %get3A_763] {strides = array<i32>} : memref<200x32xf32, #tpu.memory_space<vmem>>, vector<16xf32>,
        %add3A_765 = arith.addf %add3A_717, %get3A_764 : vector<16xf32>
        %add3A_766 = arith.constant 31 : i32
        %add3A_767 = arith.addi %mul3A_387, %add3A_766 : i32
        %get3A_768 = arith.index_cast %add3A_767 : i32 to index
        %get3A_769 = arith.constant 16 : index
        %get3A_770 = tpu.vector_load %arg9[%get3A_768, %get3A_769] {strides = array<i32>} : memref<200x32xf32, #tpu.memory_space<vmem>>, vector<16xf32>,
        %add3A_771 = arith.addf %add3A_723, %get3A_770 : vector<16xf32>
        scf.yield %add3A_729, %add3A_735, %add3A_741, %add3A_747, %add3A_753, %add3A_759, %add3A_765, %add3A_771 : vector<16xf32>, vector<16xf32>, vector<16xf32>, vector<16xf32>, vector<16xf32>, vector<16xf32>, vector<16xf32>, vector<16xf32>
      }
      %eq3A = arith.constant 200 : i32
      %eq3A_188 = arith.cmpi eq, %convert_element_type3A_152, %eq3A : i32
      %convert_element_type3A_189 = arith.extui %eq3A_188 : i1 to i32
      %cond3A_190 = arith.constant 0 : i32
      %cond3A_191 = arith.cmpi ne, %convert_element_type3A_189, %cond3A_190 : i32
      scf.if %cond3A_191 {
        %get3A_377 = arith.constant 192 : i32
        %get3A_378 = arith.index_cast %get3A_377 : i32 to index
        %get3A_379 = arith.constant 0 : index
        %get3A_380 = tpu.vector_load %arg9[%get3A_378, %get3A_379] {strides = array<i32>} : memref<200x32xf32, #tpu.memory_space<vmem>>, vector<16xf32>,
        %get3A_381 = arith.constant 193 : i32
        %get3A_382 = arith.index_cast %get3A_381 : i32 to index
        %get3A_383 = arith.constant 0 : index
        %get3A_384 = tpu.vector_load %arg9[%get3A_382, %get3A_383] {strides = array<i32>} : memref<200x32xf32, #tpu.memory_space<vmem>>, vector<16xf32>,
        %get3A_385 = arith.constant 194 : i32
        %get3A_386 = arith.index_cast %get3A_385 : i32 to index
        %get3A_387 = arith.constant 0 : index
        %get3A_388 = tpu.vector_load %arg9[%get3A_386, %get3A_387] {strides = array<i32>} : memref<200x32xf32, #tpu.memory_space<vmem>>, vector<16xf32>,
        %get3A_389 = arith.constant 195 : i32
        %get3A_390 = arith.index_cast %get3A_389 : i32 to index
        %get3A_391 = arith.constant 0 : index
        %get3A_392 = tpu.vector_load %arg9[%get3A_390, %get3A_391] {strides = array<i32>} : memref<200x32xf32, #tpu.memory_space<vmem>>, vector<16xf32>,
        %get3A_393 = arith.constant 196 : i32
        %get3A_394 = arith.index_cast %get3A_393 : i32 to index
        %get3A_395 = arith.constant 0 : index
        %get3A_396 = tpu.vector_load %arg9[%get3A_394, %get3A_395] {strides = array<i32>} : memref<200x32xf32, #tpu.memory_space<vmem>>, vector<16xf32>,
        %get3A_397 = arith.constant 197 : i32
        %get3A_398 = arith.index_cast %get3A_397 : i32 to index
        %get3A_399 = arith.constant 0 : index
        %get3A_400 = tpu.vector_load %arg9[%get3A_398, %get3A_399] {strides = array<i32>} : memref<200x32xf32, #tpu.memory_space<vmem>>, vector<16xf32>,
        %get3A_401 = arith.constant 198 : i32
        %get3A_402 = arith.index_cast %get3A_401 : i32 to index
        %get3A_403 = arith.constant 0 : index
        %get3A_404 = tpu.vector_load %arg9[%get3A_402, %get3A_403] {strides = array<i32>} : memref<200x32xf32, #tpu.memory_space<vmem>>, vector<16xf32>,
        %get3A_405 = arith.constant 199 : i32
        %get3A_406 = arith.index_cast %get3A_405 : i32 to index
        %get3A_407 = arith.constant 0 : index
        %get3A_408 = tpu.vector_load %arg9[%get3A_406, %get3A_407] {strides = array<i32>} : memref<200x32xf32, #tpu.memory_space<vmem>>, vector<16xf32>,
        %get3A_409 = arith.constant 192 : i32
        %get3A_410 = arith.index_cast %get3A_409 : i32 to index
        %get3A_411 = arith.constant 16 : index
        %get3A_412 = tpu.vector_load %arg9[%get3A_410, %get3A_411] {strides = array<i32>} : memref<200x32xf32, #tpu.memory_space<vmem>>, vector<16xf32>,
        %get3A_413 = arith.constant 193 : i32
        %get3A_414 = arith.index_cast %get3A_413 : i32 to index
        %get3A_415 = arith.constant 16 : index
        %get3A_416 = tpu.vector_load %arg9[%get3A_414, %get3A_415] {strides = array<i32>} : memref<200x32xf32, #tpu.memory_space<vmem>>, vector<16xf32>,
        %get3A_417 = arith.constant 194 : i32
        %get3A_418 = arith.index_cast %get3A_417 : i32 to index
        %get3A_419 = arith.constant 16 : index
        %get3A_420 = tpu.vector_load %arg9[%get3A_418, %get3A_419] {strides = array<i32>} : memref<200x32xf32, #tpu.memory_space<vmem>>, vector<16xf32>,
        %get3A_421 = arith.constant 195 : i32
        %get3A_422 = arith.index_cast %get3A_421 : i32 to index
        %get3A_423 = arith.constant 16 : index
        %get3A_424 = tpu.vector_load %arg9[%get3A_422, %get3A_423] {strides = array<i32>} : memref<200x32xf32, #tpu.memory_space<vmem>>, vector<16xf32>,
        %get3A_425 = arith.constant 196 : i32
        %get3A_426 = arith.index_cast %get3A_425 : i32 to index
        %get3A_427 = arith.constant 16 : index
        %get3A_428 = tpu.vector_load %arg9[%get3A_426, %get3A_427] {strides = array<i32>} : memref<200x32xf32, #tpu.memory_space<vmem>>, vector<16xf32>,
        %get3A_429 = arith.constant 197 : i32
        %get3A_430 = arith.index_cast %get3A_429 : i32 to index
        %get3A_431 = arith.constant 16 : index
        %get3A_432 = tpu.vector_load %arg9[%get3A_430, %get3A_431] {strides = array<i32>} : memref<200x32xf32, #tpu.memory_space<vmem>>, vector<16xf32>,
        %get3A_433 = arith.constant 198 : i32
        %get3A_434 = arith.index_cast %get3A_433 : i32 to index
        %get3A_435 = arith.constant 16 : index
        %get3A_436 = tpu.vector_load %arg9[%get3A_434, %get3A_435] {strides = array<i32>} : memref<200x32xf32, #tpu.memory_space<vmem>>, vector<16xf32>,
        %get3A_437 = arith.constant 199 : i32
        %get3A_438 = arith.index_cast %get3A_437 : i32 to index
        %get3A_439 = arith.constant 16 : index
        %get3A_440 = tpu.vector_load %arg9[%get3A_438, %get3A_439] {strides = array<i32>} : memref<200x32xf32, #tpu.memory_space<vmem>>, vector<16xf32>,
        %add3A_441 = arith.addf %get3A_380, %get3A_384 : vector<16xf32>
        %add3A_442 = arith.addf %get3A_388, %get3A_392 : vector<16xf32>
        %add3A_443 = arith.addf %add3A_441, %add3A_442 : vector<16xf32>
        %add3A_444 = arith.addf %get3A_396, %get3A_400 : vector<16xf32>
        %add3A_445 = arith.addf %get3A_404, %get3A_408 : vector<16xf32>
        %add3A_446 = arith.addf %add3A_444, %add3A_445 : vector<16xf32>
        %add3A_447 = arith.addf %add3A_443, %add3A_446 : vector<16xf32>
        %add3A_448 = arith.addf %get3A_412, %get3A_416 : vector<16xf32>
        %add3A_449 = arith.addf %get3A_420, %get3A_424 : vector<16xf32>
        %add3A_450 = arith.addf %add3A_448, %add3A_449 : vector<16xf32>
        %add3A_451 = arith.addf %get3A_428, %get3A_432 : vector<16xf32>
        %add3A_452 = arith.addf %get3A_436, %get3A_440 : vector<16xf32>
        %add3A_453 = arith.addf %add3A_451, %add3A_452 : vector<16xf32>
        %add3A_454 = arith.addf %add3A_450, %add3A_453 : vector<16xf32>
        %swap3A_455 = arith.index_cast %mul3A_51 : i32 to index
        %swap3A_456 = arith.constant 0 : index
        %swap3A_457 = tpu.vector_load %arg11[%swap3A_455, %swap3A_456] {strides = array<i32>} : memref<128x32xf32, #tpu.memory_space<vmem>>, vector<16xf32>,
        tpu.vector_store %arg11[%swap3A_455, %swap3A_456], %add3A_447 {strides = array<i32>} : memref<128x32xf32, #tpu.memory_space<vmem>>, vector<16xf32>,
        %swap3A_458 = arith.index_cast %mul3A_51 : i32 to index
        %swap3A_459 = arith.constant 16 : index
        %swap3A_460 = tpu.vector_load %arg11[%swap3A_458, %swap3A_459] {strides = array<i32>} : memref<128x32xf32, #tpu.memory_space<vmem>>, vector<16xf32>,
        tpu.vector_store %arg11[%swap3A_458, %swap3A_459], %add3A_454 {strides = array<i32>} : memref<128x32xf32, #tpu.memory_space<vmem>>, vector<16xf32>,
      } else {
      }
      %lt3A = arith.constant 200 : i32
      %lt3A_192 = arith.cmpi slt, %convert_element_type3A_152, %lt3A : i32
      %convert_element_type3A_193 = arith.extui %lt3A_192 : i1 to i32
      %cond3A_194 = arith.constant 0 : i32
      %cond3A_195 = arith.cmpi ne, %convert_element_type3A_193, %cond3A_194 : i32
      scf.if %cond3A_195 {
        %swap3A_377 = arith.index_cast %mul3A_51 : i32 to index
        %swap3A_378 = arith.constant 0 : index
        %swap3A_379 = tpu.vector_load %arg11[%swap3A_377, %swap3A_378] {strides = array<i32>} : memref<128x32xf32, #tpu.memory_space<vmem>>, vector<16xf32>,
        tpu.vector_store %arg11[%swap3A_377, %swap3A_378], %broadcast_in_dim3A_153 {strides = array<i32>} : memref<128x32xf32, #tpu.memory_space<vmem>>, vector<16xf32>,
        %swap3A_380 = arith.index_cast %mul3A_51 : i32 to index
        %swap3A_381 = arith.constant 16 : index
        %swap3A_382 = tpu.vector_load %arg11[%swap3A_380, %swap3A_381] {strides = array<i32>} : memref<128x32xf32, #tpu.memory_space<vmem>>, vector<16xf32>,
        tpu.vector_store %arg11[%swap3A_380, %swap3A_381], %broadcast_in_dim3A_153 {strides = array<i32>} : memref<128x32xf32, #tpu.memory_space<vmem>>, vector<16xf32>,
      } else {
      }
      %add3A_196 = arith.addf %while3A_187#0, %while3A_187#2 : vector<16xf32>
      %add3A_197 = arith.addf %while3A_187#4, %while3A_187#6 : vector<16xf32>
      %add3A_198 = arith.addf %add3A_196, %add3A_197 : vector<16xf32>
      %get3A_199 = arith.index_cast %mul3A_51 : i32 to index
      %get3A_200 = arith.constant 0 : index
      %get3A_201 = tpu.vector_load %arg11[%get3A_199, %get3A_200] {strides = array<i32>} : memref<128x32xf32, #tpu.memory_space<vmem>>, vector<16xf32>,
      %add3A_202 = arith.addf %add3A_198, %get3A_201 : vector<16xf32>
      %add3A_203 = arith.addf %while3A_187#1, %while3A_187#3 : vector<16xf32>
      %add3A_204 = arith.addf %while3A_187#5, %while3A_187#7 : vector<16xf32>
      %add3A_205 = arith.addf %add3A_203, %add3A_204 : vector<16xf32>
      %get3A_206 = arith.index_cast %mul3A_51 : i32 to index
      %get3A_207 = arith.constant 16 : index
      %get3A_208 = tpu.vector_load %arg11[%get3A_206, %get3A_207] {strides = array<i32>} : memref<128x32xf32, #tpu.memory_space<vmem>>, vector<16xf32>,
      %add3A_209 = arith.addf %add3A_205, %get3A_208 : vector<16xf32>
      %sub3A_210 = arith.subf %get3A_147, %get3A_144 : vector<16xf32>
      %get3A_211 = arith.constant 0 : i32
      %get3A_212 = arith.index_cast %get3A_211 : i32 to index
      %get3A_213 = arith.constant 0 : index
      %get3A_214 = tpu.vector_load %arg12[%get3A_212, %get3A_213] {strides = array<i32>} : memref<1x32xf32, #tpu.memory_space<vmem>>, vector<16xf32>,
      %get3A_215 = arith.constant 0 : i32
      %get3A_216 = arith.index_cast %get3A_215 : i32 to index
      %get3A_217 = arith.constant 16 : index
      %get3A_218 = tpu.vector_load %arg12[%get3A_216, %get3A_217] {strides = array<i32>} : memref<1x32xf32, #tpu.memory_space<vmem>>, vector<16xf32>,
      %mul3A_219 = arith.mulf %sub3A_210, %get3A_214 : vector<16xf32>
      %sub3A_220 = arith.subf %add3A_202, %mul3A_219 : vector<16xf32>
      %div3A_221 = arith.divf %sub3A_220, %get3A_144 : vector<16xf32>
      %swap3A = arith.index_cast %mul3A_51 : i32 to index
      %swap3A_222 = arith.constant 0 : index
      %swap3A_223 = tpu.vector_load %arg11[%swap3A, %swap3A_222] {strides = array<i32>} : memref<128x32xf32, #tpu.memory_space<vmem>>, vector<16xf32>,
      tpu.vector_store %arg11[%swap3A, %swap3A_222], %div3A_221 {strides = array<i32>} : memref<128x32xf32, #tpu.memory_space<vmem>>, vector<16xf32>,
      %mul3A_224 = arith.mulf %sub3A_210, %get3A_218 : vector<16xf32>
      %sub3A_225 = arith.subf %add3A_209, %mul3A_224 : vector<16xf32>
      %div3A_226 = arith.divf %sub3A_225, %get3A_144 : vector<16xf32>
      %swap3A_227 = arith.index_cast %mul3A_51 : i32 to index
      %swap3A_228 = arith.constant 16 : index
      %swap3A_229 = tpu.vector_load %arg11[%swap3A_227, %swap3A_228] {strides = array<i32>} : memref<128x32xf32, #tpu.memory_space<vmem>>, vector<16xf32>,
      tpu.vector_store %arg11[%swap3A_227, %swap3A_228], %div3A_226 {strides = array<i32>} : memref<128x32xf32, #tpu.memory_space<vmem>>, vector<16xf32>,
      %lt3A_230 = arith.constant 63 : i32
      %lt3A_231 = arith.cmpi slt, %scan3A_48, %lt3A_230 : i32
      %convert_element_type3A_232 = arith.extui %lt3A_231 : i1 to i32
      %cond3A_233 = arith.constant 0 : i32
      %cond3A_234 = arith.cmpi ne, %convert_element_type3A_232, %cond3A_233 : i32
      scf.if %cond3A_234 {
        %add3A_377 = arith.constant 2 : i32
        %add3A_378 = arith.addi %mul3A_51, %add3A_377 : i32
        %get3A_379 = arith.index_cast %add3A_378 : i32 to index
        %get3A_380 = arith.constant 0 : index
        %get3A_381 = tpu.vector_load %arg8[%get3A_379, %get3A_380] {strides = array<i32>} : memref<128x16xf32, #tpu.memory_space<vmem>>, vector<16xf32>,
        %reduce_max3A_382 = arith.constant true
        %reduce_max3A_383 = vector.broadcast %reduce_max3A_382 : i1 to vector<16xi1>
        %reduce_max3A_384 = tpu.scan <max>, %get3A_381 masked %reduce_max3A_383 : vector<16xf32>, vector<16xi1> -> vector<16xf32>
        %reduce_max3A_385 = vector.extract %reduce_max3A_384[15] : f32 from vector<16xf32>
        %convert_element_type3A_386 = arith.fptosi %reduce_max3A_385 : f32 to i32
        %add3A_387 = arith.constant 31 : i32
        %add3A_388 = arith.addi %convert_element_type3A_386, %add3A_387 : i32
        %jit3A_389 = arith.constant 32 : i32
        %div3A_390 = arith.divsi %add3A_388, %jit3A_389 : i32
        %sign3A_391 = arith.constant 0 : i32
        %sign3A_392 = arith.cmpi sgt, %add3A_388, %sign3A_391 : i32
        %sign3A_393 = arith.extui %sign3A_392 : i1 to i32
        %sign3A_394 = arith.constant 0 : i32
        %sign3A_395 = arith.cmpi slt, %add3A_388, %sign3A_394 : i32
        %sign3A_396 = arith.extui %sign3A_395 : i1 to i32
        %sign3A_397 = arith.subi %sign3A_393, %sign3A_396 : i32
        %sign3A_398 = arith.constant 0 : i32
        %sign3A_399 = arith.cmpi sgt, %jit3A_389, %sign3A_398 : i32
        %sign3A_400 = arith.extui %sign3A_399 : i1 to i32
        %sign3A_401 = arith.constant 0 : i32
        %sign3A_402 = arith.cmpi slt, %jit3A_389, %sign3A_401 : i32
        %sign3A_403 = arith.extui %sign3A_402 : i1 to i32
        %sign3A_404 = arith.subi %sign3A_400, %sign3A_403 : i32
        %ne3A_405 = arith.cmpi ne, %sign3A_397, %sign3A_404 : i32
        %rem3A_406 = arith.remsi %add3A_388, %jit3A_389 : i32
        %ne3A_407 = arith.constant 0 : i32
        %ne3A_408 = arith.cmpi ne, %rem3A_406, %ne3A_407 : i32
        %and3A_409 = arith.andi %ne3A_405, %ne3A_408 : i1
        %sub3A_410 = arith.constant 1 : i32
        %sub3A_411 = arith.subi %div3A_390, %sub3A_410 : i32
        %select_n3A_412 = arith.select %and3A_409, %sub3A_411, %div3A_390 : i32
        %le3A_413 = arith.constant 4 : i32
        %le3A_414 = arith.cmpi sle, %select_n3A_412, %le3A_413 : i32
        %convert_element_type3A_415 = arith.extui %le3A_414 : i1 to i32
        %cond3A_416 = arith.constant 0 : i32
        %cond3A_417 = arith.cmpi ne, %convert_element_type3A_415, %cond3A_416 : i32
        scf.if %cond3A_417 {
          %eq3A_423 = arith.constant 1 : i32
          %eq3A_424 = arith.cmpi eq, %select_n3A_412, %eq3A_423 : i32
          %convert_element_type3A_425 = arith.extui %eq3A_424 : i1 to i32
          %cond3A_426 = arith.constant 0 : i32
          %cond3A_427 = arith.cmpi ne, %convert_element_type3A_425, %cond3A_426 : i32
          scf.if %cond3A_427 {
            %dma_start3A = arith.constant 0 : i32
            %dma_start3A_443 = arith.constant 0 : i32
            %dma_start3A_444 = tpu.memref_slice %arg9[%dma_start3A, %dma_start3A_443] : memref<200x32xf32, #tpu.memory_space<vmem>> -> memref<32x32xf32, #tpu.memory_space<vmem>>
            %dma_start3A_445 = arith.constant 0 : i32
            %dma_start3A_446 = tpu.memref_slice %arg6[%add3A_378, %dma_start3A_445] : memref<128x200xi32, #tpu.memory_space<vmem>> -> memref<1x32xi32, #tpu.memory_space<vmem>>
            %dma_start3A_447 = tpu.memref_squeeze %dma_start3A_446 : memref<1x32xi32, #tpu.memory_space<vmem>> -> memref<32xi32, #tpu.memory_space<vmem>>
            %dma_start3A_448 = arith.constant 0 : i32
            %dma_start3A_449 = arith.constant 0 : i32
            %dma_start3A_450 = tpu.memref_slice %arg4[%dma_start3A_448, %dma_start3A_449] : memref<1000000x32xf32, #tpu.memory_space<hbm>> -> memref<1000000x32xf32, #tpu.memory_space<hbm>>
            tpu.enqueue_indirect_dma source(%dma_start3A_450 : memref<1000000x32xf32, #tpu.memory_space<hbm>>) target(%dma_start3A_444 : memref<32x32xf32, #tpu.memory_space<vmem>>) offsets(%dma_start3A_447 : memref<32xi32, #tpu.memory_space<vmem>>) semaphore(%arg14 : memref<!tpu.dma_semaphore, #tpu.memory_space<semaphore_mem>>)
          } else {
          }
          %eq3A_428 = arith.constant 2 : i32
          %eq3A_429 = arith.cmpi eq, %select_n3A_412, %eq3A_428 : i32
          %convert_element_type3A_430 = arith.extui %eq3A_429 : i1 to i32
          %cond3A_431 = arith.constant 0 : i32
          %cond3A_432 = arith.cmpi ne, %convert_element_type3A_430, %cond3A_431 : i32
          scf.if %cond3A_432 {
            %dma_start3A = arith.constant 0 : i32
            %dma_start3A_443 = arith.constant 0 : i32
            %dma_start3A_444 = tpu.memref_slice %arg9[%dma_start3A, %dma_start3A_443] : memref<200x32xf32, #tpu.memory_space<vmem>> -> memref<64x32xf32, #tpu.memory_space<vmem>>
            %dma_start3A_445 = arith.constant 0 : i32
            %dma_start3A_446 = tpu.memref_slice %arg6[%add3A_378, %dma_start3A_445] : memref<128x200xi32, #tpu.memory_space<vmem>> -> memref<1x64xi32, #tpu.memory_space<vmem>>
            %dma_start3A_447 = tpu.memref_squeeze %dma_start3A_446 : memref<1x64xi32, #tpu.memory_space<vmem>> -> memref<64xi32, #tpu.memory_space<vmem>>
            %dma_start3A_448 = arith.constant 0 : i32
            %dma_start3A_449 = arith.constant 0 : i32
            %dma_start3A_450 = tpu.memref_slice %arg4[%dma_start3A_448, %dma_start3A_449] : memref<1000000x32xf32, #tpu.memory_space<hbm>> -> memref<1000000x32xf32, #tpu.memory_space<hbm>>
            tpu.enqueue_indirect_dma source(%dma_start3A_450 : memref<1000000x32xf32, #tpu.memory_space<hbm>>) target(%dma_start3A_444 : memref<64x32xf32, #tpu.memory_space<vmem>>) offsets(%dma_start3A_447 : memref<64xi32, #tpu.memory_space<vmem>>) semaphore(%arg14 : memref<!tpu.dma_semaphore, #tpu.memory_space<semaphore_mem>>)
          } else {
          }
          %eq3A_433 = arith.constant 3 : i32
          %eq3A_434 = arith.cmpi eq, %select_n3A_412, %eq3A_433 : i32
          %convert_element_type3A_435 = arith.extui %eq3A_434 : i1 to i32
          %cond3A_436 = arith.constant 0 : i32
          %cond3A_437 = arith.cmpi ne, %convert_element_type3A_435, %cond3A_436 : i32
          scf.if %cond3A_437 {
            %dma_start3A = arith.constant 0 : i32
            %dma_start3A_443 = arith.constant 0 : i32
            %dma_start3A_444 = tpu.memref_slice %arg9[%dma_start3A, %dma_start3A_443] : memref<200x32xf32, #tpu.memory_space<vmem>> -> memref<96x32xf32, #tpu.memory_space<vmem>>
            %dma_start3A_445 = arith.constant 0 : i32
            %dma_start3A_446 = tpu.memref_slice %arg6[%add3A_378, %dma_start3A_445] : memref<128x200xi32, #tpu.memory_space<vmem>> -> memref<1x96xi32, #tpu.memory_space<vmem>>
            %dma_start3A_447 = tpu.memref_squeeze %dma_start3A_446 : memref<1x96xi32, #tpu.memory_space<vmem>> -> memref<96xi32, #tpu.memory_space<vmem>>
            %dma_start3A_448 = arith.constant 0 : i32
            %dma_start3A_449 = arith.constant 0 : i32
            %dma_start3A_450 = tpu.memref_slice %arg4[%dma_start3A_448, %dma_start3A_449] : memref<1000000x32xf32, #tpu.memory_space<hbm>> -> memref<1000000x32xf32, #tpu.memory_space<hbm>>
            tpu.enqueue_indirect_dma source(%dma_start3A_450 : memref<1000000x32xf32, #tpu.memory_space<hbm>>) target(%dma_start3A_444 : memref<96x32xf32, #tpu.memory_space<vmem>>) offsets(%dma_start3A_447 : memref<96xi32, #tpu.memory_space<vmem>>) semaphore(%arg14 : memref<!tpu.dma_semaphore, #tpu.memory_space<semaphore_mem>>)
          } else {
          }
          %eq3A_438 = arith.constant 4 : i32
          %eq3A_439 = arith.cmpi eq, %select_n3A_412, %eq3A_438 : i32
          %convert_element_type3A_440 = arith.extui %eq3A_439 : i1 to i32
          %cond3A_441 = arith.constant 0 : i32
          %cond3A_442 = arith.cmpi ne, %convert_element_type3A_440, %cond3A_441 : i32
          scf.if %cond3A_442 {
            %dma_start3A = arith.constant 0 : i32
            %dma_start3A_443 = arith.constant 0 : i32
            %dma_start3A_444 = tpu.memref_slice %arg9[%dma_start3A, %dma_start3A_443] : memref<200x32xf32, #tpu.memory_space<vmem>> -> memref<128x32xf32, #tpu.memory_space<vmem>>
            %dma_start3A_445 = arith.constant 0 : i32
            %dma_start3A_446 = tpu.memref_slice %arg6[%add3A_378, %dma_start3A_445] : memref<128x200xi32, #tpu.memory_space<vmem>> -> memref<1x128xi32, #tpu.memory_space<vmem>>
            %dma_start3A_447 = tpu.memref_squeeze %dma_start3A_446 : memref<1x128xi32, #tpu.memory_space<vmem>> -> memref<128xi32, #tpu.memory_space<vmem>>
            %dma_start3A_448 = arith.constant 0 : i32
            %dma_start3A_449 = arith.constant 0 : i32
            %dma_start3A_450 = tpu.memref_slice %arg4[%dma_start3A_448, %dma_start3A_449] : memref<1000000x32xf32, #tpu.memory_space<hbm>> -> memref<1000000x32xf32, #tpu.memory_space<hbm>>
            tpu.enqueue_indirect_dma source(%dma_start3A_450 : memref<1000000x32xf32, #tpu.memory_space<hbm>>) target(%dma_start3A_444 : memref<128x32xf32, #tpu.memory_space<vmem>>) offsets(%dma_start3A_447 : memref<128xi32, #tpu.memory_space<vmem>>) semaphore(%arg14 : memref<!tpu.dma_semaphore, #tpu.memory_space<semaphore_mem>>)
          } else {
          }
        } else {
        }
        %gt3A_418 = arith.constant 4 : i32
        %gt3A_419 = arith.cmpi sgt, %select_n3A_412, %gt3A_418 : i32
        %convert_element_type3A_420 = arith.extui %gt3A_419 : i1 to i32
        %cond3A_421 = arith.constant 0 : i32
        %cond3A_422 = arith.cmpi ne, %convert_element_type3A_420, %cond3A_421 : i32
        scf.if %cond3A_422 {
          %dma_start3A = arith.constant 0 : i32
          %dma_start3A_423 = arith.constant 0 : i32
          %dma_start3A_424 = tpu.memref_slice %arg9[%dma_start3A, %dma_start3A_423] : memref<200x32xf32, #tpu.memory_space<vmem>> -> memref<128x32xf32, #tpu.memory_space<vmem>>
          %dma_start3A_425 = arith.constant 0 : i32
          %dma_start3A_426 = tpu.memref_slice %arg6[%add3A_378, %dma_start3A_425] : memref<128x200xi32, #tpu.memory_space<vmem>> -> memref<1x128xi32, #tpu.memory_space<vmem>>
          %dma_start3A_427 = tpu.memref_squeeze %dma_start3A_426 : memref<1x128xi32, #tpu.memory_space<vmem>> -> memref<128xi32, #tpu.memory_space<vmem>>
          %dma_start3A_428 = arith.constant 0 : i32
          %dma_start3A_429 = arith.constant 0 : i32
          %dma_start3A_430 = tpu.memref_slice %arg4[%dma_start3A_428, %dma_start3A_429] : memref<1000000x32xf32, #tpu.memory_space<hbm>> -> memref<1000000x32xf32, #tpu.memory_space<hbm>>
          tpu.enqueue_indirect_dma source(%dma_start3A_430 : memref<1000000x32xf32, #tpu.memory_space<hbm>>) target(%dma_start3A_424 : memref<128x32xf32, #tpu.memory_space<vmem>>) offsets(%dma_start3A_427 : memref<128xi32, #tpu.memory_space<vmem>>) semaphore(%arg14 : memref<!tpu.dma_semaphore, #tpu.memory_space<semaphore_mem>>)
          %eq3A_431 = arith.constant 5 : i32
          %eq3A_432 = arith.cmpi eq, %select_n3A_412, %eq3A_431 : i32
          %convert_element_type3A_433 = arith.extui %eq3A_432 : i1 to i32
          %cond3A_434 = arith.constant 0 : i32
          %cond3A_435 = arith.cmpi ne, %convert_element_type3A_433, %cond3A_434 : i32
          scf.if %cond3A_435 {
            %dma_start3A_440 = arith.constant 128 : i32
            %dma_start3A_441 = arith.constant 0 : i32
            %dma_start3A_442 = tpu.memref_slice %arg9[%dma_start3A_440, %dma_start3A_441] : memref<200x32xf32, #tpu.memory_space<vmem>> -> memref<32x32xf32, #tpu.memory_space<vmem>>
            %dma_start3A_443 = arith.constant 128 : i32
            %dma_start3A_444 = tpu.memref_slice %arg6[%add3A_378, %dma_start3A_443] : memref<128x200xi32, #tpu.memory_space<vmem>> -> memref<1x32xi32, #tpu.memory_space<vmem>>
            %dma_start3A_445 = tpu.memref_squeeze %dma_start3A_444 : memref<1x32xi32, #tpu.memory_space<vmem>> -> memref<32xi32, #tpu.memory_space<vmem>>
            %dma_start3A_446 = arith.constant 0 : i32
            %dma_start3A_447 = arith.constant 0 : i32
            %dma_start3A_448 = tpu.memref_slice %arg4[%dma_start3A_446, %dma_start3A_447] : memref<1000000x32xf32, #tpu.memory_space<hbm>> -> memref<1000000x32xf32, #tpu.memory_space<hbm>>
            tpu.enqueue_indirect_dma source(%dma_start3A_448 : memref<1000000x32xf32, #tpu.memory_space<hbm>>) target(%dma_start3A_442 : memref<32x32xf32, #tpu.memory_space<vmem>>) offsets(%dma_start3A_445 : memref<32xi32, #tpu.memory_space<vmem>>) semaphore(%arg14 : memref<!tpu.dma_semaphore, #tpu.memory_space<semaphore_mem>>)
          } else {
          }
          %ge3A = arith.constant 6 : i32
          %ge3A_436 = arith.cmpi sge, %select_n3A_412, %ge3A : i32
          %convert_element_type3A_437 = arith.extui %ge3A_436 : i1 to i32
          %cond3A_438 = arith.constant 0 : i32
          %cond3A_439 = arith.cmpi ne, %convert_element_type3A_437, %cond3A_438 : i32
          scf.if %cond3A_439 {
            %dma_start3A_440 = arith.constant 128 : i32
            %dma_start3A_441 = arith.constant 0 : i32
            %dma_start3A_442 = tpu.memref_slice %arg9[%dma_start3A_440, %dma_start3A_441] : memref<200x32xf32, #tpu.memory_space<vmem>> -> memref<72x32xf32, #tpu.memory_space<vmem>>
            %dma_start3A_443 = arith.constant 128 : i32
            %dma_start3A_444 = tpu.memref_slice %arg6[%add3A_378, %dma_start3A_443] : memref<128x200xi32, #tpu.memory_space<vmem>> -> memref<1x72xi32, #tpu.memory_space<vmem>>
            %dma_start3A_445 = tpu.memref_squeeze %dma_start3A_444 : memref<1x72xi32, #tpu.memory_space<vmem>> -> memref<72xi32, #tpu.memory_space<vmem>>
            %dma_start3A_446 = arith.constant 0 : i32
            %dma_start3A_447 = arith.constant 0 : i32
            %dma_start3A_448 = tpu.memref_slice %arg4[%dma_start3A_446, %dma_start3A_447] : memref<1000000x32xf32, #tpu.memory_space<hbm>> -> memref<1000000x32xf32, #tpu.memory_space<hbm>>
            tpu.enqueue_indirect_dma source(%dma_start3A_448 : memref<1000000x32xf32, #tpu.memory_space<hbm>>) target(%dma_start3A_442 : memref<72x32xf32, #tpu.memory_space<vmem>>) offsets(%dma_start3A_445 : memref<72xi32, #tpu.memory_space<vmem>>) semaphore(%arg14 : memref<!tpu.dma_semaphore, #tpu.memory_space<semaphore_mem>>)
          } else {
          }
        } else {
        }
      } else {
      }
      %add3A_235 = arith.constant 1 : i32
      %add3A_236 = arith.addi %mul3A_51, %add3A_235 : i32
      %get3A_237 = arith.index_cast %add3A_236 : i32 to index
      %get3A_238 = arith.constant 0 : index
      %get3A_239 = tpu.vector_load %arg8[%get3A_237, %get3A_238] {strides = array<i32>} : memref<128x16xf32, #tpu.memory_space<vmem>>, vector<16xf32>,
      %reduce_max3A_240 = arith.constant true
      %reduce_max3A_241 = vector.broadcast %reduce_max3A_240 : i1 to vector<16xi1>
      %reduce_max3A_242 = tpu.scan <max>, %get3A_239 masked %reduce_max3A_241 : vector<16xf32>, vector<16xi1> -> vector<16xf32>
      %reduce_max3A_243 = vector.extract %reduce_max3A_242[15] : f32 from vector<16xf32>
      %convert_element_type3A_244 = arith.fptosi %reduce_max3A_243 : f32 to i32
      %add3A_245 = arith.constant 31 : i32
      %add3A_246 = arith.addi %convert_element_type3A_244, %add3A_245 : i32
      %jit3A_247 = arith.constant 32 : i32
      %div3A_248 = arith.divsi %add3A_246, %jit3A_247 : i32
      %sign3A_249 = arith.constant 0 : i32
      %sign3A_250 = arith.cmpi sgt, %add3A_246, %sign3A_249 : i32
      %sign3A_251 = arith.extui %sign3A_250 : i1 to i32
      %sign3A_252 = arith.constant 0 : i32
      %sign3A_253 = arith.cmpi slt, %add3A_246, %sign3A_252 : i32
      %sign3A_254 = arith.extui %sign3A_253 : i1 to i32
      %sign3A_255 = arith.subi %sign3A_251, %sign3A_254 : i32
      %sign3A_256 = arith.constant 0 : i32
      %sign3A_257 = arith.cmpi sgt, %jit3A_247, %sign3A_256 : i32
      %sign3A_258 = arith.extui %sign3A_257 : i1 to i32
      %sign3A_259 = arith.constant 0 : i32
      %sign3A_260 = arith.cmpi slt, %jit3A_247, %sign3A_259 : i32
      %sign3A_261 = arith.extui %sign3A_260 : i1 to i32
      %sign3A_262 = arith.subi %sign3A_258, %sign3A_261 : i32
      %ne3A_263 = arith.cmpi ne, %sign3A_255, %sign3A_262 : i32
      %rem3A_264 = arith.remsi %add3A_246, %jit3A_247 : i32
      %ne3A_265 = arith.constant 0 : i32
      %ne3A_266 = arith.cmpi ne, %rem3A_264, %ne3A_265 : i32
      %and3A_267 = arith.andi %ne3A_263, %ne3A_266 : i1
      %sub3A_268 = arith.constant 1 : i32
      %sub3A_269 = arith.subi %div3A_248, %sub3A_268 : i32
      %select_n3A_270 = arith.select %and3A_267, %sub3A_269, %div3A_248 : i32
      %le3A_271 = arith.constant 4 : i32
      %le3A_272 = arith.cmpi sle, %select_n3A_270, %le3A_271 : i32
      %convert_element_type3A_273 = arith.extui %le3A_272 : i1 to i32
      %cond3A_274 = arith.constant 0 : i32
      %cond3A_275 = arith.cmpi ne, %convert_element_type3A_273, %cond3A_274 : i32
      scf.if %cond3A_275 {
        %eq3A_377 = arith.constant 1 : i32
        %eq3A_378 = arith.cmpi eq, %select_n3A_270, %eq3A_377 : i32
        %convert_element_type3A_379 = arith.extui %eq3A_378 : i1 to i32
        %cond3A_380 = arith.constant 0 : i32
        %cond3A_381 = arith.cmpi ne, %convert_element_type3A_379, %cond3A_380 : i32
        scf.if %cond3A_381 {
          %dma_wait3A = arith.constant 0 : i32
          %dma_wait3A_397 = arith.constant 0 : i32
          %dma_wait3A_398 = tpu.memref_slice %arg10[%dma_wait3A, %dma_wait3A_397] : memref<200x32xf32, #tpu.memory_space<vmem>> -> memref<32x32xf32, #tpu.memory_space<vmem>>
          %dma_wait3A_399 = arith.constant 0 : i32
          %dma_wait3A_400 = tpu.memref_slice %arg6[%add3A_236, %dma_wait3A_399] : memref<128x200xi32, #tpu.memory_space<vmem>> -> memref<1x32xi32, #tpu.memory_space<vmem>>
          %dma_wait3A_401 = tpu.memref_squeeze %dma_wait3A_400 : memref<1x32xi32, #tpu.memory_space<vmem>> -> memref<32xi32, #tpu.memory_space<vmem>>
          %dma_wait3A_402 = arith.constant 0 : i32
          %dma_wait3A_403 = arith.constant 0 : i32
          %dma_wait3A_404 = tpu.memref_slice %arg4[%dma_wait3A_402, %dma_wait3A_403] : memref<1000000x32xf32, #tpu.memory_space<hbm>> -> memref<1000000x32xf32, #tpu.memory_space<hbm>>
          tpu.wait_indirect_dma semaphore(%arg15 : memref<!tpu.dma_semaphore, #tpu.memory_space<semaphore_mem>>) src(%dma_wait3A_404 : memref<1000000x32xf32, #tpu.memory_space<hbm>>) dst(%dma_wait3A_398 : memref<32x32xf32, #tpu.memory_space<vmem>>)
        } else {
        }
        %eq3A_382 = arith.constant 2 : i32
        %eq3A_383 = arith.cmpi eq, %select_n3A_270, %eq3A_382 : i32
        %convert_element_type3A_384 = arith.extui %eq3A_383 : i1 to i32
        %cond3A_385 = arith.constant 0 : i32
        %cond3A_386 = arith.cmpi ne, %convert_element_type3A_384, %cond3A_385 : i32
        scf.if %cond3A_386 {
          %dma_wait3A = arith.constant 0 : i32
          %dma_wait3A_397 = arith.constant 0 : i32
          %dma_wait3A_398 = tpu.memref_slice %arg10[%dma_wait3A, %dma_wait3A_397] : memref<200x32xf32, #tpu.memory_space<vmem>> -> memref<64x32xf32, #tpu.memory_space<vmem>>
          %dma_wait3A_399 = arith.constant 0 : i32
          %dma_wait3A_400 = tpu.memref_slice %arg6[%add3A_236, %dma_wait3A_399] : memref<128x200xi32, #tpu.memory_space<vmem>> -> memref<1x64xi32, #tpu.memory_space<vmem>>
          %dma_wait3A_401 = tpu.memref_squeeze %dma_wait3A_400 : memref<1x64xi32, #tpu.memory_space<vmem>> -> memref<64xi32, #tpu.memory_space<vmem>>
          %dma_wait3A_402 = arith.constant 0 : i32
          %dma_wait3A_403 = arith.constant 0 : i32
          %dma_wait3A_404 = tpu.memref_slice %arg4[%dma_wait3A_402, %dma_wait3A_403] : memref<1000000x32xf32, #tpu.memory_space<hbm>> -> memref<1000000x32xf32, #tpu.memory_space<hbm>>
          tpu.wait_indirect_dma semaphore(%arg15 : memref<!tpu.dma_semaphore, #tpu.memory_space<semaphore_mem>>) src(%dma_wait3A_404 : memref<1000000x32xf32, #tpu.memory_space<hbm>>) dst(%dma_wait3A_398 : memref<64x32xf32, #tpu.memory_space<vmem>>)
        } else {
        }
        %eq3A_387 = arith.constant 3 : i32
        %eq3A_388 = arith.cmpi eq, %select_n3A_270, %eq3A_387 : i32
        %convert_element_type3A_389 = arith.extui %eq3A_388 : i1 to i32
        %cond3A_390 = arith.constant 0 : i32
        %cond3A_391 = arith.cmpi ne, %convert_element_type3A_389, %cond3A_390 : i32
        scf.if %cond3A_391 {
          %dma_wait3A = arith.constant 0 : i32
          %dma_wait3A_397 = arith.constant 0 : i32
          %dma_wait3A_398 = tpu.memref_slice %arg10[%dma_wait3A, %dma_wait3A_397] : memref<200x32xf32, #tpu.memory_space<vmem>> -> memref<96x32xf32, #tpu.memory_space<vmem>>
          %dma_wait3A_399 = arith.constant 0 : i32
          %dma_wait3A_400 = tpu.memref_slice %arg6[%add3A_236, %dma_wait3A_399] : memref<128x200xi32, #tpu.memory_space<vmem>> -> memref<1x96xi32, #tpu.memory_space<vmem>>
          %dma_wait3A_401 = tpu.memref_squeeze %dma_wait3A_400 : memref<1x96xi32, #tpu.memory_space<vmem>> -> memref<96xi32, #tpu.memory_space<vmem>>
          %dma_wait3A_402 = arith.constant 0 : i32
          %dma_wait3A_403 = arith.constant 0 : i32
          %dma_wait3A_404 = tpu.memref_slice %arg4[%dma_wait3A_402, %dma_wait3A_403] : memref<1000000x32xf32, #tpu.memory_space<hbm>> -> memref<1000000x32xf32, #tpu.memory_space<hbm>>
          tpu.wait_indirect_dma semaphore(%arg15 : memref<!tpu.dma_semaphore, #tpu.memory_space<semaphore_mem>>) src(%dma_wait3A_404 : memref<1000000x32xf32, #tpu.memory_space<hbm>>) dst(%dma_wait3A_398 : memref<96x32xf32, #tpu.memory_space<vmem>>)
        } else {
        }
        %eq3A_392 = arith.constant 4 : i32
        %eq3A_393 = arith.cmpi eq, %select_n3A_270, %eq3A_392 : i32
        %convert_element_type3A_394 = arith.extui %eq3A_393 : i1 to i32
        %cond3A_395 = arith.constant 0 : i32
        %cond3A_396 = arith.cmpi ne, %convert_element_type3A_394, %cond3A_395 : i32
        scf.if %cond3A_396 {
          %dma_wait3A = arith.constant 0 : i32
          %dma_wait3A_397 = arith.constant 0 : i32
          %dma_wait3A_398 = tpu.memref_slice %arg10[%dma_wait3A, %dma_wait3A_397] : memref<200x32xf32, #tpu.memory_space<vmem>> -> memref<128x32xf32, #tpu.memory_space<vmem>>
          %dma_wait3A_399 = arith.constant 0 : i32
          %dma_wait3A_400 = tpu.memref_slice %arg6[%add3A_236, %dma_wait3A_399] : memref<128x200xi32, #tpu.memory_space<vmem>> -> memref<1x128xi32, #tpu.memory_space<vmem>>
          %dma_wait3A_401 = tpu.memref_squeeze %dma_wait3A_400 : memref<1x128xi32, #tpu.memory_space<vmem>> -> memref<128xi32, #tpu.memory_space<vmem>>
          %dma_wait3A_402 = arith.constant 0 : i32
          %dma_wait3A_403 = arith.constant 0 : i32
          %dma_wait3A_404 = tpu.memref_slice %arg4[%dma_wait3A_402, %dma_wait3A_403] : memref<1000000x32xf32, #tpu.memory_space<hbm>> -> memref<1000000x32xf32, #tpu.memory_space<hbm>>
          tpu.wait_indirect_dma semaphore(%arg15 : memref<!tpu.dma_semaphore, #tpu.memory_space<semaphore_mem>>) src(%dma_wait3A_404 : memref<1000000x32xf32, #tpu.memory_space<hbm>>) dst(%dma_wait3A_398 : memref<128x32xf32, #tpu.memory_space<vmem>>)
        } else {
        }
      } else {
      }
      %gt3A_276 = arith.constant 4 : i32
      %gt3A_277 = arith.cmpi sgt, %select_n3A_270, %gt3A_276 : i32
      %convert_element_type3A_278 = arith.extui %gt3A_277 : i1 to i32
      %cond3A_279 = arith.constant 0 : i32
      %cond3A_280 = arith.cmpi ne, %convert_element_type3A_278, %cond3A_279 : i32
      scf.if %cond3A_280 {
        %dma_wait3A = arith.constant 0 : i32
        %dma_wait3A_377 = arith.constant 0 : i32
        %dma_wait3A_378 = tpu.memref_slice %arg10[%dma_wait3A, %dma_wait3A_377] : memref<200x32xf32, #tpu.memory_space<vmem>> -> memref<128x32xf32, #tpu.memory_space<vmem>>
        %dma_wait3A_379 = arith.constant 0 : i32
        %dma_wait3A_380 = tpu.memref_slice %arg6[%add3A_236, %dma_wait3A_379] : memref<128x200xi32, #tpu.memory_space<vmem>> -> memref<1x128xi32, #tpu.memory_space<vmem>>
        %dma_wait3A_381 = tpu.memref_squeeze %dma_wait3A_380 : memref<1x128xi32, #tpu.memory_space<vmem>> -> memref<128xi32, #tpu.memory_space<vmem>>
        %dma_wait3A_382 = arith.constant 0 : i32
        %dma_wait3A_383 = arith.constant 0 : i32
        %dma_wait3A_384 = tpu.memref_slice %arg4[%dma_wait3A_382, %dma_wait3A_383] : memref<1000000x32xf32, #tpu.memory_space<hbm>> -> memref<1000000x32xf32, #tpu.memory_space<hbm>>
        tpu.wait_indirect_dma semaphore(%arg15 : memref<!tpu.dma_semaphore, #tpu.memory_space<semaphore_mem>>) src(%dma_wait3A_384 : memref<1000000x32xf32, #tpu.memory_space<hbm>>) dst(%dma_wait3A_378 : memref<128x32xf32, #tpu.memory_space<vmem>>)
        %eq3A_385 = arith.constant 5 : i32
        %eq3A_386 = arith.cmpi eq, %select_n3A_270, %eq3A_385 : i32
        %convert_element_type3A_387 = arith.extui %eq3A_386 : i1 to i32
        %cond3A_388 = arith.constant 0 : i32
        %cond3A_389 = arith.cmpi ne, %convert_element_type3A_387, %cond3A_388 : i32
        scf.if %cond3A_389 {
          %dma_wait3A_394 = arith.constant 128 : i32
          %dma_wait3A_395 = arith.constant 0 : i32
          %dma_wait3A_396 = tpu.memref_slice %arg10[%dma_wait3A_394, %dma_wait3A_395] : memref<200x32xf32, #tpu.memory_space<vmem>> -> memref<32x32xf32, #tpu.memory_space<vmem>>
          %dma_wait3A_397 = arith.constant 128 : i32
          %dma_wait3A_398 = tpu.memref_slice %arg6[%add3A_236, %dma_wait3A_397] : memref<128x200xi32, #tpu.memory_space<vmem>> -> memref<1x32xi32, #tpu.memory_space<vmem>>
          %dma_wait3A_399 = tpu.memref_squeeze %dma_wait3A_398 : memref<1x32xi32, #tpu.memory_space<vmem>> -> memref<32xi32, #tpu.memory_space<vmem>>
          %dma_wait3A_400 = arith.constant 0 : i32
          %dma_wait3A_401 = arith.constant 0 : i32
          %dma_wait3A_402 = tpu.memref_slice %arg4[%dma_wait3A_400, %dma_wait3A_401] : memref<1000000x32xf32, #tpu.memory_space<hbm>> -> memref<1000000x32xf32, #tpu.memory_space<hbm>>
          tpu.wait_indirect_dma semaphore(%arg15 : memref<!tpu.dma_semaphore, #tpu.memory_space<semaphore_mem>>) src(%dma_wait3A_402 : memref<1000000x32xf32, #tpu.memory_space<hbm>>) dst(%dma_wait3A_396 : memref<32x32xf32, #tpu.memory_space<vmem>>)
        } else {
        }
        %ge3A = arith.constant 6 : i32
        %ge3A_390 = arith.cmpi sge, %select_n3A_270, %ge3A : i32
        %convert_element_type3A_391 = arith.extui %ge3A_390 : i1 to i32
        %cond3A_392 = arith.constant 0 : i32
        %cond3A_393 = arith.cmpi ne, %convert_element_type3A_391, %cond3A_392 : i32
        scf.if %cond3A_393 {
          %dma_wait3A_394 = arith.constant 128 : i32
          %dma_wait3A_395 = arith.constant 0 : i32
          %dma_wait3A_396 = tpu.memref_slice %arg10[%dma_wait3A_394, %dma_wait3A_395] : memref<200x32xf32, #tpu.memory_space<vmem>> -> memref<72x32xf32, #tpu.memory_space<vmem>>
          %dma_wait3A_397 = arith.constant 128 : i32
          %dma_wait3A_398 = tpu.memref_slice %arg6[%add3A_236, %dma_wait3A_397] : memref<128x200xi32, #tpu.memory_space<vmem>> -> memref<1x72xi32, #tpu.memory_space<vmem>>
          %dma_wait3A_399 = tpu.memref_squeeze %dma_wait3A_398 : memref<1x72xi32, #tpu.memory_space<vmem>> -> memref<72xi32, #tpu.memory_space<vmem>>
          %dma_wait3A_400 = arith.constant 0 : i32
          %dma_wait3A_401 = arith.constant 0 : i32
          %dma_wait3A_402 = tpu.memref_slice %arg4[%dma_wait3A_400, %dma_wait3A_401] : memref<1000000x32xf32, #tpu.memory_space<hbm>> -> memref<1000000x32xf32, #tpu.memory_space<hbm>>
          tpu.wait_indirect_dma semaphore(%arg15 : memref<!tpu.dma_semaphore, #tpu.memory_space<semaphore_mem>>) src(%dma_wait3A_402 : memref<1000000x32xf32, #tpu.memory_space<hbm>>) dst(%dma_wait3A_396 : memref<72x32xf32, #tpu.memory_space<vmem>>)
        } else {
        }
      } else {
      }
      %add3A_281 = arith.constant 1 : i32
      %add3A_282 = arith.addi %mul3A_51, %add3A_281 : i32
      %get3A_283 = arith.index_cast %add3A_282 : i32 to index
      %get3A_284 = arith.constant 0 : index
      %get3A_285 = tpu.vector_load %arg7[%get3A_283, %get3A_284] {strides = array<i32>} : memref<128x16xf32, #tpu.memory_space<vmem>>, vector<16xf32>,
      %get3A_286 = arith.index_cast %add3A_282 : i32 to index
      %get3A_287 = arith.constant 0 : index
      %get3A_288 = tpu.vector_load %arg8[%get3A_286, %get3A_287] {strides = array<i32>} : memref<128x16xf32, #tpu.memory_space<vmem>>, vector<16xf32>,
      %reduce_max3A_289 = arith.constant true
      %reduce_max3A_290 = vector.broadcast %reduce_max3A_289 : i1 to vector<16xi1>
      %reduce_max3A_291 = tpu.scan <max>, %get3A_288 masked %reduce_max3A_290 : vector<16xf32>, vector<16xi1> -> vector<16xf32>
      %reduce_max3A_292 = vector.extract %reduce_max3A_291[15] : f32 from vector<16xf32>
      %convert_element_type3A_293 = arith.fptosi %reduce_max3A_292 : f32 to i32
      %broadcast_in_dim3A_294 = arith.constant 0.000000e+00 : f32
      %broadcast_in_dim3A_295 = vector.broadcast %broadcast_in_dim3A_294 : f32 to vector<16xf32>
      %jit3A_296 = arith.constant 32 : i32
      %div3A_297 = arith.divsi %convert_element_type3A_293, %jit3A_296 : i32
      %sign3A_298 = arith.constant 0 : i32
      %sign3A_299 = arith.cmpi sgt, %convert_element_type3A_293, %sign3A_298 : i32
      %sign3A_300 = arith.extui %sign3A_299 : i1 to i32
      %sign3A_301 = arith.constant 0 : i32
      %sign3A_302 = arith.cmpi slt, %convert_element_type3A_293, %sign3A_301 : i32
      %sign3A_303 = arith.extui %sign3A_302 : i1 to i32
      %sign3A_304 = arith.subi %sign3A_300, %sign3A_303 : i32
      %sign3A_305 = arith.constant 0 : i32
      %sign3A_306 = arith.cmpi sgt, %jit3A_296, %sign3A_305 : i32
      %sign3A_307 = arith.extui %sign3A_306 : i1 to i32
      %sign3A_308 = arith.constant 0 : i32
      %sign3A_309 = arith.cmpi slt, %jit3A_296, %sign3A_308 : i32
      %sign3A_310 = arith.extui %sign3A_309 : i1 to i32
      %sign3A_311 = arith.subi %sign3A_307, %sign3A_310 : i32
      %ne3A_312 = arith.cmpi ne, %sign3A_304, %sign3A_311 : i32
      %rem3A_313 = arith.remsi %convert_element_type3A_293, %jit3A_296 : i32
      %ne3A_314 = arith.constant 0 : i32
      %ne3A_315 = arith.cmpi ne, %rem3A_313, %ne3A_314 : i32
      %and3A_316 = arith.andi %ne3A_312, %ne3A_315 : i1
      %sub3A_317 = arith.constant 1 : i32
      %sub3A_318 = arith.subi %div3A_297, %sub3A_317 : i32
      %select_n3A_319 = arith.select %and3A_316, %sub3A_318, %div3A_297 : i32
      %while3A_320 = arith.constant 0 : i32
      %while3A_321 = arith.subi %select_n3A_319, %while3A_320 : i32
      %while3A_322 = arith.addi %while3A_320, %while3A_321 : i32
      %while3A_323 = arith.constant 1 : i32
      %while3A_324 = arith.divsi %while3A_321, %while3A_323 : i32
      %while3A_325 = arith.muli %while3A_324, %while3A_323 : i32
      %while3A_326 = arith.addi %while3A_320, %while3A_325 : i32
      %while3A_327 = arith.constant 1 : i32
      %while3A_328:8 = scf.for %while3A_377 = %while3A_320 to %while3A_326 step %while3A_327 iter_args(%while3A_378 = %broadcast_in_dim3A_295, %while3A_379 = %broadcast_in_dim3A_295, %while3A_380 = %broadcast_in_dim3A_295, %while3A_381 = %broadcast_in_dim3A_295, %while3A_382 = %broadcast_in_dim3A_295, %while3A_383 = %broadcast_in_dim3A_295, %while3A_384 = %broadcast_in_dim3A_295, %while3A_385 = %broadcast_in_dim3A_295) -> (vector<16xf32>, vector<16xf32>, vector<16xf32>, vector<16xf32>, vector<16xf32>, vector<16xf32>, vector<16xf32>, vector<16xf32>)  : i32 {
        %mul3A_386 = arith.constant 32 : i32
        %mul3A_387 = arith.muli %while3A_377, %mul3A_386 : i32
        %add3A_388 = arith.constant 0 : i32
        %add3A_389 = arith.addi %mul3A_387, %add3A_388 : i32
        %get3A_390 = arith.index_cast %add3A_389 : i32 to index
        %get3A_391 = arith.constant 0 : index
        %get3A_392 = tpu.vector_load %arg10[%get3A_390, %get3A_391] {strides = array<i32>} : memref<200x32xf32, #tpu.memory_space<vmem>>, vector<16xf32>,
        %add3A_393 = arith.addf %while3A_378, %get3A_392 : vector<16xf32>
        %add3A_394 = arith.constant 0 : i32
        %add3A_395 = arith.addi %mul3A_387, %add3A_394 : i32
        %get3A_396 = arith.index_cast %add3A_395 : i32 to index
        %get3A_397 = arith.constant 16 : index
        %get3A_398 = tpu.vector_load %arg10[%get3A_396, %get3A_397] {strides = array<i32>} : memref<200x32xf32, #tpu.memory_space<vmem>>, vector<16xf32>,
        %add3A_399 = arith.addf %while3A_379, %get3A_398 : vector<16xf32>
        %add3A_400 = arith.constant 1 : i32
        %add3A_401 = arith.addi %mul3A_387, %add3A_400 : i32
        %get3A_402 = arith.index_cast %add3A_401 : i32 to index
        %get3A_403 = arith.constant 0 : index
        %get3A_404 = tpu.vector_load %arg10[%get3A_402, %get3A_403] {strides = array<i32>} : memref<200x32xf32, #tpu.memory_space<vmem>>, vector<16xf32>,
        %add3A_405 = arith.addf %while3A_380, %get3A_404 : vector<16xf32>
        %add3A_406 = arith.constant 1 : i32
        %add3A_407 = arith.addi %mul3A_387, %add3A_406 : i32
        %get3A_408 = arith.index_cast %add3A_407 : i32 to index
        %get3A_409 = arith.constant 16 : index
        %get3A_410 = tpu.vector_load %arg10[%get3A_408, %get3A_409] {strides = array<i32>} : memref<200x32xf32, #tpu.memory_space<vmem>>, vector<16xf32>,
        %add3A_411 = arith.addf %while3A_381, %get3A_410 : vector<16xf32>
        %add3A_412 = arith.constant 2 : i32
        %add3A_413 = arith.addi %mul3A_387, %add3A_412 : i32
        %get3A_414 = arith.index_cast %add3A_413 : i32 to index
        %get3A_415 = arith.constant 0 : index
        %get3A_416 = tpu.vector_load %arg10[%get3A_414, %get3A_415] {strides = array<i32>} : memref<200x32xf32, #tpu.memory_space<vmem>>, vector<16xf32>,
        %add3A_417 = arith.addf %while3A_382, %get3A_416 : vector<16xf32>
        %add3A_418 = arith.constant 2 : i32
        %add3A_419 = arith.addi %mul3A_387, %add3A_418 : i32
        %get3A_420 = arith.index_cast %add3A_419 : i32 to index
        %get3A_421 = arith.constant 16 : index
        %get3A_422 = tpu.vector_load %arg10[%get3A_420, %get3A_421] {strides = array<i32>} : memref<200x32xf32, #tpu.memory_space<vmem>>, vector<16xf32>,
        %add3A_423 = arith.addf %while3A_383, %get3A_422 : vector<16xf32>
        %add3A_424 = arith.constant 3 : i32
        %add3A_425 = arith.addi %mul3A_387, %add3A_424 : i32
        %get3A_426 = arith.index_cast %add3A_425 : i32 to index
        %get3A_427 = arith.constant 0 : index
        %get3A_428 = tpu.vector_load %arg10[%get3A_426, %get3A_427] {strides = array<i32>} : memref<200x32xf32, #tpu.memory_space<vmem>>, vector<16xf32>,
        %add3A_429 = arith.addf %while3A_384, %get3A_428 : vector<16xf32>
        %add3A_430 = arith.constant 3 : i32
        %add3A_431 = arith.addi %mul3A_387, %add3A_430 : i32
        %get3A_432 = arith.index_cast %add3A_431 : i32 to index
        %get3A_433 = arith.constant 16 : index
        %get3A_434 = tpu.vector_load %arg10[%get3A_432, %get3A_433] {strides = array<i32>} : memref<200x32xf32, #tpu.memory_space<vmem>>, vector<16xf32>,
        %add3A_435 = arith.addf %while3A_385, %get3A_434 : vector<16xf32>
        %add3A_436 = arith.constant 4 : i32
        %add3A_437 = arith.addi %mul3A_387, %add3A_436 : i32
        %get3A_438 = arith.index_cast %add3A_437 : i32 to index
        %get3A_439 = arith.constant 0 : index
        %get3A_440 = tpu.vector_load %arg10[%get3A_438, %get3A_439] {strides = array<i32>} : memref<200x32xf32, #tpu.memory_space<vmem>>, vector<16xf32>,
        %add3A_441 = arith.addf %add3A_393, %get3A_440 : vector<16xf32>
        %add3A_442 = arith.constant 4 : i32
        %add3A_443 = arith.addi %mul3A_387, %add3A_442 : i32
        %get3A_444 = arith.index_cast %add3A_443 : i32 to index
        %get3A_445 = arith.constant 16 : index
        %get3A_446 = tpu.vector_load %arg10[%get3A_444, %get3A_445] {strides = array<i32>} : memref<200x32xf32, #tpu.memory_space<vmem>>, vector<16xf32>,
        %add3A_447 = arith.addf %add3A_399, %get3A_446 : vector<16xf32>
        %add3A_448 = arith.constant 5 : i32
        %add3A_449 = arith.addi %mul3A_387, %add3A_448 : i32
        %get3A_450 = arith.index_cast %add3A_449 : i32 to index
        %get3A_451 = arith.constant 0 : index
        %get3A_452 = tpu.vector_load %arg10[%get3A_450, %get3A_451] {strides = array<i32>} : memref<200x32xf32, #tpu.memory_space<vmem>>, vector<16xf32>,
        %add3A_453 = arith.addf %add3A_405, %get3A_452 : vector<16xf32>
        %add3A_454 = arith.constant 5 : i32
        %add3A_455 = arith.addi %mul3A_387, %add3A_454 : i32
        %get3A_456 = arith.index_cast %add3A_455 : i32 to index
        %get3A_457 = arith.constant 16 : index
        %get3A_458 = tpu.vector_load %arg10[%get3A_456, %get3A_457] {strides = array<i32>} : memref<200x32xf32, #tpu.memory_space<vmem>>, vector<16xf32>,
        %add3A_459 = arith.addf %add3A_411, %get3A_458 : vector<16xf32>
        %add3A_460 = arith.constant 6 : i32
        %add3A_461 = arith.addi %mul3A_387, %add3A_460 : i32
        %get3A_462 = arith.index_cast %add3A_461 : i32 to index
        %get3A_463 = arith.constant 0 : index
        %get3A_464 = tpu.vector_load %arg10[%get3A_462, %get3A_463] {strides = array<i32>} : memref<200x32xf32, #tpu.memory_space<vmem>>, vector<16xf32>,
        %add3A_465 = arith.addf %add3A_417, %get3A_464 : vector<16xf32>
        %add3A_466 = arith.constant 6 : i32
        %add3A_467 = arith.addi %mul3A_387, %add3A_466 : i32
        %get3A_468 = arith.index_cast %add3A_467 : i32 to index
        %get3A_469 = arith.constant 16 : index
        %get3A_470 = tpu.vector_load %arg10[%get3A_468, %get3A_469] {strides = array<i32>} : memref<200x32xf32, #tpu.memory_space<vmem>>, vector<16xf32>,
        %add3A_471 = arith.addf %add3A_423, %get3A_470 : vector<16xf32>
        %add3A_472 = arith.constant 7 : i32
        %add3A_473 = arith.addi %mul3A_387, %add3A_472 : i32
        %get3A_474 = arith.index_cast %add3A_473 : i32 to index
        %get3A_475 = arith.constant 0 : index
        %get3A_476 = tpu.vector_load %arg10[%get3A_474, %get3A_475] {strides = array<i32>} : memref<200x32xf32, #tpu.memory_space<vmem>>, vector<16xf32>,
        %add3A_477 = arith.addf %add3A_429, %get3A_476 : vector<16xf32>
        %add3A_478 = arith.constant 7 : i32
        %add3A_479 = arith.addi %mul3A_387, %add3A_478 : i32
        %get3A_480 = arith.index_cast %add3A_479 : i32 to index
        %get3A_481 = arith.constant 16 : index
        %get3A_482 = tpu.vector_load %arg10[%get3A_480, %get3A_481] {strides = array<i32>} : memref<200x32xf32, #tpu.memory_space<vmem>>, vector<16xf32>,
        %add3A_483 = arith.addf %add3A_435, %get3A_482 : vector<16xf32>
        %add3A_484 = arith.constant 8 : i32
        %add3A_485 = arith.addi %mul3A_387, %add3A_484 : i32
        %get3A_486 = arith.index_cast %add3A_485 : i32 to index
        %get3A_487 = arith.constant 0 : index
        %get3A_488 = tpu.vector_load %arg10[%get3A_486, %get3A_487] {strides = array<i32>} : memref<200x32xf32, #tpu.memory_space<vmem>>, vector<16xf32>,
        %add3A_489 = arith.addf %add3A_441, %get3A_488 : vector<16xf32>
        %add3A_490 = arith.constant 8 : i32
        %add3A_491 = arith.addi %mul3A_387, %add3A_490 : i32
        %get3A_492 = arith.index_cast %add3A_491 : i32 to index
        %get3A_493 = arith.constant 16 : index
        %get3A_494 = tpu.vector_load %arg10[%get3A_492, %get3A_493] {strides = array<i32>} : memref<200x32xf32, #tpu.memory_space<vmem>>, vector<16xf32>,
        %add3A_495 = arith.addf %add3A_447, %get3A_494 : vector<16xf32>
        %add3A_496 = arith.constant 9 : i32
        %add3A_497 = arith.addi %mul3A_387, %add3A_496 : i32
        %get3A_498 = arith.index_cast %add3A_497 : i32 to index
        %get3A_499 = arith.constant 0 : index
        %get3A_500 = tpu.vector_load %arg10[%get3A_498, %get3A_499] {strides = array<i32>} : memref<200x32xf32, #tpu.memory_space<vmem>>, vector<16xf32>,
        %add3A_501 = arith.addf %add3A_453, %get3A_500 : vector<16xf32>
        %add3A_502 = arith.constant 9 : i32
        %add3A_503 = arith.addi %mul3A_387, %add3A_502 : i32
        %get3A_504 = arith.index_cast %add3A_503 : i32 to index
        %get3A_505 = arith.constant 16 : index
        %get3A_506 = tpu.vector_load %arg10[%get3A_504, %get3A_505] {strides = array<i32>} : memref<200x32xf32, #tpu.memory_space<vmem>>, vector<16xf32>,
        %add3A_507 = arith.addf %add3A_459, %get3A_506 : vector<16xf32>
        %add3A_508 = arith.constant 10 : i32
        %add3A_509 = arith.addi %mul3A_387, %add3A_508 : i32
        %get3A_510 = arith.index_cast %add3A_509 : i32 to index
        %get3A_511 = arith.constant 0 : index
        %get3A_512 = tpu.vector_load %arg10[%get3A_510, %get3A_511] {strides = array<i32>} : memref<200x32xf32, #tpu.memory_space<vmem>>, vector<16xf32>,
        %add3A_513 = arith.addf %add3A_465, %get3A_512 : vector<16xf32>
        %add3A_514 = arith.constant 10 : i32
        %add3A_515 = arith.addi %mul3A_387, %add3A_514 : i32
        %get3A_516 = arith.index_cast %add3A_515 : i32 to index
        %get3A_517 = arith.constant 16 : index
        %get3A_518 = tpu.vector_load %arg10[%get3A_516, %get3A_517] {strides = array<i32>} : memref<200x32xf32, #tpu.memory_space<vmem>>, vector<16xf32>,
        %add3A_519 = arith.addf %add3A_471, %get3A_518 : vector<16xf32>
        %add3A_520 = arith.constant 11 : i32
        %add3A_521 = arith.addi %mul3A_387, %add3A_520 : i32
        %get3A_522 = arith.index_cast %add3A_521 : i32 to index
        %get3A_523 = arith.constant 0 : index
        %get3A_524 = tpu.vector_load %arg10[%get3A_522, %get3A_523] {strides = array<i32>} : memref<200x32xf32, #tpu.memory_space<vmem>>, vector<16xf32>,
        %add3A_525 = arith.addf %add3A_477, %get3A_524 : vector<16xf32>
        %add3A_526 = arith.constant 11 : i32
        %add3A_527 = arith.addi %mul3A_387, %add3A_526 : i32
        %get3A_528 = arith.index_cast %add3A_527 : i32 to index
        %get3A_529 = arith.constant 16 : index
        %get3A_530 = tpu.vector_load %arg10[%get3A_528, %get3A_529] {strides = array<i32>} : memref<200x32xf32, #tpu.memory_space<vmem>>, vector<16xf32>,
        %add3A_531 = arith.addf %add3A_483, %get3A_530 : vector<16xf32>
        %add3A_532 = arith.constant 12 : i32
        %add3A_533 = arith.addi %mul3A_387, %add3A_532 : i32
        %get3A_534 = arith.index_cast %add3A_533 : i32 to index
        %get3A_535 = arith.constant 0 : index
        %get3A_536 = tpu.vector_load %arg10[%get3A_534, %get3A_535] {strides = array<i32>} : memref<200x32xf32, #tpu.memory_space<vmem>>, vector<16xf32>,
        %add3A_537 = arith.addf %add3A_489, %get3A_536 : vector<16xf32>
        %add3A_538 = arith.constant 12 : i32
        %add3A_539 = arith.addi %mul3A_387, %add3A_538 : i32
        %get3A_540 = arith.index_cast %add3A_539 : i32 to index
        %get3A_541 = arith.constant 16 : index
        %get3A_542 = tpu.vector_load %arg10[%get3A_540, %get3A_541] {strides = array<i32>} : memref<200x32xf32, #tpu.memory_space<vmem>>, vector<16xf32>,
        %add3A_543 = arith.addf %add3A_495, %get3A_542 : vector<16xf32>
        %add3A_544 = arith.constant 13 : i32
        %add3A_545 = arith.addi %mul3A_387, %add3A_544 : i32
        %get3A_546 = arith.index_cast %add3A_545 : i32 to index
        %get3A_547 = arith.constant 0 : index
        %get3A_548 = tpu.vector_load %arg10[%get3A_546, %get3A_547] {strides = array<i32>} : memref<200x32xf32, #tpu.memory_space<vmem>>, vector<16xf32>,
        %add3A_549 = arith.addf %add3A_501, %get3A_548 : vector<16xf32>
        %add3A_550 = arith.constant 13 : i32
        %add3A_551 = arith.addi %mul3A_387, %add3A_550 : i32
        %get3A_552 = arith.index_cast %add3A_551 : i32 to index
        %get3A_553 = arith.constant 16 : index
        %get3A_554 = tpu.vector_load %arg10[%get3A_552, %get3A_553] {strides = array<i32>} : memref<200x32xf32, #tpu.memory_space<vmem>>, vector<16xf32>,
        %add3A_555 = arith.addf %add3A_507, %get3A_554 : vector<16xf32>
        %add3A_556 = arith.constant 14 : i32
        %add3A_557 = arith.addi %mul3A_387, %add3A_556 : i32
        %get3A_558 = arith.index_cast %add3A_557 : i32 to index
        %get3A_559 = arith.constant 0 : index
        %get3A_560 = tpu.vector_load %arg10[%get3A_558, %get3A_559] {strides = array<i32>} : memref<200x32xf32, #tpu.memory_space<vmem>>, vector<16xf32>,
        %add3A_561 = arith.addf %add3A_513, %get3A_560 : vector<16xf32>
        %add3A_562 = arith.constant 14 : i32
        %add3A_563 = arith.addi %mul3A_387, %add3A_562 : i32
        %get3A_564 = arith.index_cast %add3A_563 : i32 to index
        %get3A_565 = arith.constant 16 : index
        %get3A_566 = tpu.vector_load %arg10[%get3A_564, %get3A_565] {strides = array<i32>} : memref<200x32xf32, #tpu.memory_space<vmem>>, vector<16xf32>,
        %add3A_567 = arith.addf %add3A_519, %get3A_566 : vector<16xf32>
        %add3A_568 = arith.constant 15 : i32
        %add3A_569 = arith.addi %mul3A_387, %add3A_568 : i32
        %get3A_570 = arith.index_cast %add3A_569 : i32 to index
        %get3A_571 = arith.constant 0 : index
        %get3A_572 = tpu.vector_load %arg10[%get3A_570, %get3A_571] {strides = array<i32>} : memref<200x32xf32, #tpu.memory_space<vmem>>, vector<16xf32>,
        %add3A_573 = arith.addf %add3A_525, %get3A_572 : vector<16xf32>
        %add3A_574 = arith.constant 15 : i32
        %add3A_575 = arith.addi %mul3A_387, %add3A_574 : i32
        %get3A_576 = arith.index_cast %add3A_575 : i32 to index
        %get3A_577 = arith.constant 16 : index
        %get3A_578 = tpu.vector_load %arg10[%get3A_576, %get3A_577] {strides = array<i32>} : memref<200x32xf32, #tpu.memory_space<vmem>>, vector<16xf32>,
        %add3A_579 = arith.addf %add3A_531, %get3A_578 : vector<16xf32>
        %add3A_580 = arith.constant 16 : i32
        %add3A_581 = arith.addi %mul3A_387, %add3A_580 : i32
        %get3A_582 = arith.index_cast %add3A_581 : i32 to index
        %get3A_583 = arith.constant 0 : index
        %get3A_584 = tpu.vector_load %arg10[%get3A_582, %get3A_583] {strides = array<i32>} : memref<200x32xf32, #tpu.memory_space<vmem>>, vector<16xf32>,
        %add3A_585 = arith.addf %add3A_537, %get3A_584 : vector<16xf32>
        %add3A_586 = arith.constant 16 : i32
        %add3A_587 = arith.addi %mul3A_387, %add3A_586 : i32
        %get3A_588 = arith.index_cast %add3A_587 : i32 to index
        %get3A_589 = arith.constant 16 : index
        %get3A_590 = tpu.vector_load %arg10[%get3A_588, %get3A_589] {strides = array<i32>} : memref<200x32xf32, #tpu.memory_space<vmem>>, vector<16xf32>,
        %add3A_591 = arith.addf %add3A_543, %get3A_590 : vector<16xf32>
        %add3A_592 = arith.constant 17 : i32
        %add3A_593 = arith.addi %mul3A_387, %add3A_592 : i32
        %get3A_594 = arith.index_cast %add3A_593 : i32 to index
        %get3A_595 = arith.constant 0 : index
        %get3A_596 = tpu.vector_load %arg10[%get3A_594, %get3A_595] {strides = array<i32>} : memref<200x32xf32, #tpu.memory_space<vmem>>, vector<16xf32>,
        %add3A_597 = arith.addf %add3A_549, %get3A_596 : vector<16xf32>
        %add3A_598 = arith.constant 17 : i32
        %add3A_599 = arith.addi %mul3A_387, %add3A_598 : i32
        %get3A_600 = arith.index_cast %add3A_599 : i32 to index
        %get3A_601 = arith.constant 16 : index
        %get3A_602 = tpu.vector_load %arg10[%get3A_600, %get3A_601] {strides = array<i32>} : memref<200x32xf32, #tpu.memory_space<vmem>>, vector<16xf32>,
        %add3A_603 = arith.addf %add3A_555, %get3A_602 : vector<16xf32>
        %add3A_604 = arith.constant 18 : i32
        %add3A_605 = arith.addi %mul3A_387, %add3A_604 : i32
        %get3A_606 = arith.index_cast %add3A_605 : i32 to index
        %get3A_607 = arith.constant 0 : index
        %get3A_608 = tpu.vector_load %arg10[%get3A_606, %get3A_607] {strides = array<i32>} : memref<200x32xf32, #tpu.memory_space<vmem>>, vector<16xf32>,
        %add3A_609 = arith.addf %add3A_561, %get3A_608 : vector<16xf32>
        %add3A_610 = arith.constant 18 : i32
        %add3A_611 = arith.addi %mul3A_387, %add3A_610 : i32
        %get3A_612 = arith.index_cast %add3A_611 : i32 to index
        %get3A_613 = arith.constant 16 : index
        %get3A_614 = tpu.vector_load %arg10[%get3A_612, %get3A_613] {strides = array<i32>} : memref<200x32xf32, #tpu.memory_space<vmem>>, vector<16xf32>,
        %add3A_615 = arith.addf %add3A_567, %get3A_614 : vector<16xf32>
        %add3A_616 = arith.constant 19 : i32
        %add3A_617 = arith.addi %mul3A_387, %add3A_616 : i32
        %get3A_618 = arith.index_cast %add3A_617 : i32 to index
        %get3A_619 = arith.constant 0 : index
        %get3A_620 = tpu.vector_load %arg10[%get3A_618, %get3A_619] {strides = array<i32>} : memref<200x32xf32, #tpu.memory_space<vmem>>, vector<16xf32>,
        %add3A_621 = arith.addf %add3A_573, %get3A_620 : vector<16xf32>
        %add3A_622 = arith.constant 19 : i32
        %add3A_623 = arith.addi %mul3A_387, %add3A_622 : i32
        %get3A_624 = arith.index_cast %add3A_623 : i32 to index
        %get3A_625 = arith.constant 16 : index
        %get3A_626 = tpu.vector_load %arg10[%get3A_624, %get3A_625] {strides = array<i32>} : memref<200x32xf32, #tpu.memory_space<vmem>>, vector<16xf32>,
        %add3A_627 = arith.addf %add3A_579, %get3A_626 : vector<16xf32>
        %add3A_628 = arith.constant 20 : i32
        %add3A_629 = arith.addi %mul3A_387, %add3A_628 : i32
        %get3A_630 = arith.index_cast %add3A_629 : i32 to index
        %get3A_631 = arith.constant 0 : index
        %get3A_632 = tpu.vector_load %arg10[%get3A_630, %get3A_631] {strides = array<i32>} : memref<200x32xf32, #tpu.memory_space<vmem>>, vector<16xf32>,
        %add3A_633 = arith.addf %add3A_585, %get3A_632 : vector<16xf32>
        %add3A_634 = arith.constant 20 : i32
        %add3A_635 = arith.addi %mul3A_387, %add3A_634 : i32
        %get3A_636 = arith.index_cast %add3A_635 : i32 to index
        %get3A_637 = arith.constant 16 : index
        %get3A_638 = tpu.vector_load %arg10[%get3A_636, %get3A_637] {strides = array<i32>} : memref<200x32xf32, #tpu.memory_space<vmem>>, vector<16xf32>,
        %add3A_639 = arith.addf %add3A_591, %get3A_638 : vector<16xf32>
        %add3A_640 = arith.constant 21 : i32
        %add3A_641 = arith.addi %mul3A_387, %add3A_640 : i32
        %get3A_642 = arith.index_cast %add3A_641 : i32 to index
        %get3A_643 = arith.constant 0 : index
        %get3A_644 = tpu.vector_load %arg10[%get3A_642, %get3A_643] {strides = array<i32>} : memref<200x32xf32, #tpu.memory_space<vmem>>, vector<16xf32>,
        %add3A_645 = arith.addf %add3A_597, %get3A_644 : vector<16xf32>
        %add3A_646 = arith.constant 21 : i32
        %add3A_647 = arith.addi %mul3A_387, %add3A_646 : i32
        %get3A_648 = arith.index_cast %add3A_647 : i32 to index
        %get3A_649 = arith.constant 16 : index
        %get3A_650 = tpu.vector_load %arg10[%get3A_648, %get3A_649] {strides = array<i32>} : memref<200x32xf32, #tpu.memory_space<vmem>>, vector<16xf32>,
        %add3A_651 = arith.addf %add3A_603, %get3A_650 : vector<16xf32>
        %add3A_652 = arith.constant 22 : i32
        %add3A_653 = arith.addi %mul3A_387, %add3A_652 : i32
        %get3A_654 = arith.index_cast %add3A_653 : i32 to index
        %get3A_655 = arith.constant 0 : index
        %get3A_656 = tpu.vector_load %arg10[%get3A_654, %get3A_655] {strides = array<i32>} : memref<200x32xf32, #tpu.memory_space<vmem>>, vector<16xf32>,
        %add3A_657 = arith.addf %add3A_609, %get3A_656 : vector<16xf32>
        %add3A_658 = arith.constant 22 : i32
        %add3A_659 = arith.addi %mul3A_387, %add3A_658 : i32
        %get3A_660 = arith.index_cast %add3A_659 : i32 to index
        %get3A_661 = arith.constant 16 : index
        %get3A_662 = tpu.vector_load %arg10[%get3A_660, %get3A_661] {strides = array<i32>} : memref<200x32xf32, #tpu.memory_space<vmem>>, vector<16xf32>,
        %add3A_663 = arith.addf %add3A_615, %get3A_662 : vector<16xf32>
        %add3A_664 = arith.constant 23 : i32
        %add3A_665 = arith.addi %mul3A_387, %add3A_664 : i32
        %get3A_666 = arith.index_cast %add3A_665 : i32 to index
        %get3A_667 = arith.constant 0 : index
        %get3A_668 = tpu.vector_load %arg10[%get3A_666, %get3A_667] {strides = array<i32>} : memref<200x32xf32, #tpu.memory_space<vmem>>, vector<16xf32>,
        %add3A_669 = arith.addf %add3A_621, %get3A_668 : vector<16xf32>
        %add3A_670 = arith.constant 23 : i32
        %add3A_671 = arith.addi %mul3A_387, %add3A_670 : i32
        %get3A_672 = arith.index_cast %add3A_671 : i32 to index
        %get3A_673 = arith.constant 16 : index
        %get3A_674 = tpu.vector_load %arg10[%get3A_672, %get3A_673] {strides = array<i32>} : memref<200x32xf32, #tpu.memory_space<vmem>>, vector<16xf32>,
        %add3A_675 = arith.addf %add3A_627, %get3A_674 : vector<16xf32>
        %add3A_676 = arith.constant 24 : i32
        %add3A_677 = arith.addi %mul3A_387, %add3A_676 : i32
        %get3A_678 = arith.index_cast %add3A_677 : i32 to index
        %get3A_679 = arith.constant 0 : index
        %get3A_680 = tpu.vector_load %arg10[%get3A_678, %get3A_679] {strides = array<i32>} : memref<200x32xf32, #tpu.memory_space<vmem>>, vector<16xf32>,
        %add3A_681 = arith.addf %add3A_633, %get3A_680 : vector<16xf32>
        %add3A_682 = arith.constant 24 : i32
        %add3A_683 = arith.addi %mul3A_387, %add3A_682 : i32
        %get3A_684 = arith.index_cast %add3A_683 : i32 to index
        %get3A_685 = arith.constant 16 : index
        %get3A_686 = tpu.vector_load %arg10[%get3A_684, %get3A_685] {strides = array<i32>} : memref<200x32xf32, #tpu.memory_space<vmem>>, vector<16xf32>,
        %add3A_687 = arith.addf %add3A_639, %get3A_686 : vector<16xf32>
        %add3A_688 = arith.constant 25 : i32
        %add3A_689 = arith.addi %mul3A_387, %add3A_688 : i32
        %get3A_690 = arith.index_cast %add3A_689 : i32 to index
        %get3A_691 = arith.constant 0 : index
        %get3A_692 = tpu.vector_load %arg10[%get3A_690, %get3A_691] {strides = array<i32>} : memref<200x32xf32, #tpu.memory_space<vmem>>, vector<16xf32>,
        %add3A_693 = arith.addf %add3A_645, %get3A_692 : vector<16xf32>
        %add3A_694 = arith.constant 25 : i32
        %add3A_695 = arith.addi %mul3A_387, %add3A_694 : i32
        %get3A_696 = arith.index_cast %add3A_695 : i32 to index
        %get3A_697 = arith.constant 16 : index
        %get3A_698 = tpu.vector_load %arg10[%get3A_696, %get3A_697] {strides = array<i32>} : memref<200x32xf32, #tpu.memory_space<vmem>>, vector<16xf32>,
        %add3A_699 = arith.addf %add3A_651, %get3A_698 : vector<16xf32>
        %add3A_700 = arith.constant 26 : i32
        %add3A_701 = arith.addi %mul3A_387, %add3A_700 : i32
        %get3A_702 = arith.index_cast %add3A_701 : i32 to index
        %get3A_703 = arith.constant 0 : index
        %get3A_704 = tpu.vector_load %arg10[%get3A_702, %get3A_703] {strides = array<i32>} : memref<200x32xf32, #tpu.memory_space<vmem>>, vector<16xf32>,
        %add3A_705 = arith.addf %add3A_657, %get3A_704 : vector<16xf32>
        %add3A_706 = arith.constant 26 : i32
        %add3A_707 = arith.addi %mul3A_387, %add3A_706 : i32
        %get3A_708 = arith.index_cast %add3A_707 : i32 to index
        %get3A_709 = arith.constant 16 : index
        %get3A_710 = tpu.vector_load %arg10[%get3A_708, %get3A_709] {strides = array<i32>} : memref<200x32xf32, #tpu.memory_space<vmem>>, vector<16xf32>,
        %add3A_711 = arith.addf %add3A_663, %get3A_710 : vector<16xf32>
        %add3A_712 = arith.constant 27 : i32
        %add3A_713 = arith.addi %mul3A_387, %add3A_712 : i32
        %get3A_714 = arith.index_cast %add3A_713 : i32 to index
        %get3A_715 = arith.constant 0 : index
        %get3A_716 = tpu.vector_load %arg10[%get3A_714, %get3A_715] {strides = array<i32>} : memref<200x32xf32, #tpu.memory_space<vmem>>, vector<16xf32>,
        %add3A_717 = arith.addf %add3A_669, %get3A_716 : vector<16xf32>
        %add3A_718 = arith.constant 27 : i32
        %add3A_719 = arith.addi %mul3A_387, %add3A_718 : i32
        %get3A_720 = arith.index_cast %add3A_719 : i32 to index
        %get3A_721 = arith.constant 16 : index
        %get3A_722 = tpu.vector_load %arg10[%get3A_720, %get3A_721] {strides = array<i32>} : memref<200x32xf32, #tpu.memory_space<vmem>>, vector<16xf32>,
        %add3A_723 = arith.addf %add3A_675, %get3A_722 : vector<16xf32>
        %add3A_724 = arith.constant 28 : i32
        %add3A_725 = arith.addi %mul3A_387, %add3A_724 : i32
        %get3A_726 = arith.index_cast %add3A_725 : i32 to index
        %get3A_727 = arith.constant 0 : index
        %get3A_728 = tpu.vector_load %arg10[%get3A_726, %get3A_727] {strides = array<i32>} : memref<200x32xf32, #tpu.memory_space<vmem>>, vector<16xf32>,
        %add3A_729 = arith.addf %add3A_681, %get3A_728 : vector<16xf32>
        %add3A_730 = arith.constant 28 : i32
        %add3A_731 = arith.addi %mul3A_387, %add3A_730 : i32
        %get3A_732 = arith.index_cast %add3A_731 : i32 to index
        %get3A_733 = arith.constant 16 : index
        %get3A_734 = tpu.vector_load %arg10[%get3A_732, %get3A_733] {strides = array<i32>} : memref<200x32xf32, #tpu.memory_space<vmem>>, vector<16xf32>,
        %add3A_735 = arith.addf %add3A_687, %get3A_734 : vector<16xf32>
        %add3A_736 = arith.constant 29 : i32
        %add3A_737 = arith.addi %mul3A_387, %add3A_736 : i32
        %get3A_738 = arith.index_cast %add3A_737 : i32 to index
        %get3A_739 = arith.constant 0 : index
        %get3A_740 = tpu.vector_load %arg10[%get3A_738, %get3A_739] {strides = array<i32>} : memref<200x32xf32, #tpu.memory_space<vmem>>, vector<16xf32>,
        %add3A_741 = arith.addf %add3A_693, %get3A_740 : vector<16xf32>
        %add3A_742 = arith.constant 29 : i32
        %add3A_743 = arith.addi %mul3A_387, %add3A_742 : i32
        %get3A_744 = arith.index_cast %add3A_743 : i32 to index
        %get3A_745 = arith.constant 16 : index
        %get3A_746 = tpu.vector_load %arg10[%get3A_744, %get3A_745] {strides = array<i32>} : memref<200x32xf32, #tpu.memory_space<vmem>>, vector<16xf32>,
        %add3A_747 = arith.addf %add3A_699, %get3A_746 : vector<16xf32>
        %add3A_748 = arith.constant 30 : i32
        %add3A_749 = arith.addi %mul3A_387, %add3A_748 : i32
        %get3A_750 = arith.index_cast %add3A_749 : i32 to index
        %get3A_751 = arith.constant 0 : index
        %get3A_752 = tpu.vector_load %arg10[%get3A_750, %get3A_751] {strides = array<i32>} : memref<200x32xf32, #tpu.memory_space<vmem>>, vector<16xf32>,
        %add3A_753 = arith.addf %add3A_705, %get3A_752 : vector<16xf32>
        %add3A_754 = arith.constant 30 : i32
        %add3A_755 = arith.addi %mul3A_387, %add3A_754 : i32
        %get3A_756 = arith.index_cast %add3A_755 : i32 to index
        %get3A_757 = arith.constant 16 : index
        %get3A_758 = tpu.vector_load %arg10[%get3A_756, %get3A_757] {strides = array<i32>} : memref<200x32xf32, #tpu.memory_space<vmem>>, vector<16xf32>,
        %add3A_759 = arith.addf %add3A_711, %get3A_758 : vector<16xf32>
        %add3A_760 = arith.constant 31 : i32
        %add3A_761 = arith.addi %mul3A_387, %add3A_760 : i32
        %get3A_762 = arith.index_cast %add3A_761 : i32 to index
        %get3A_763 = arith.constant 0 : index
        %get3A_764 = tpu.vector_load %arg10[%get3A_762, %get3A_763] {strides = array<i32>} : memref<200x32xf32, #tpu.memory_space<vmem>>, vector<16xf32>,
        %add3A_765 = arith.addf %add3A_717, %get3A_764 : vector<16xf32>
        %add3A_766 = arith.constant 31 : i32
        %add3A_767 = arith.addi %mul3A_387, %add3A_766 : i32
        %get3A_768 = arith.index_cast %add3A_767 : i32 to index
        %get3A_769 = arith.constant 16 : index
        %get3A_770 = tpu.vector_load %arg10[%get3A_768, %get3A_769] {strides = array<i32>} : memref<200x32xf32, #tpu.memory_space<vmem>>, vector<16xf32>,
        %add3A_771 = arith.addf %add3A_723, %get3A_770 : vector<16xf32>
        scf.yield %add3A_729, %add3A_735, %add3A_741, %add3A_747, %add3A_753, %add3A_759, %add3A_765, %add3A_771 : vector<16xf32>, vector<16xf32>, vector<16xf32>, vector<16xf32>, vector<16xf32>, vector<16xf32>, vector<16xf32>, vector<16xf32>
      }
      %while3A_329 = arith.constant 1 : i32
      %while3A_330:8 = scf.for %while3A_377 = %while3A_326 to %while3A_322 step %while3A_329 iter_args(%while3A_378 = %while3A_328#0, %while3A_379 = %while3A_328#1, %while3A_380 = %while3A_328#2, %while3A_381 = %while3A_328#3, %while3A_382 = %while3A_328#4, %while3A_383 = %while3A_328#5, %while3A_384 = %while3A_328#6, %while3A_385 = %while3A_328#7) -> (vector<16xf32>, vector<16xf32>, vector<16xf32>, vector<16xf32>, vector<16xf32>, vector<16xf32>, vector<16xf32>, vector<16xf32>)  : i32 {
        %mul3A_386 = arith.constant 32 : i32
        %mul3A_387 = arith.muli %while3A_377, %mul3A_386 : i32
        %add3A_388 = arith.constant 0 : i32
        %add3A_389 = arith.addi %mul3A_387, %add3A_388 : i32
        %get3A_390 = arith.index_cast %add3A_389 : i32 to index
        %get3A_391 = arith.constant 0 : index
        %get3A_392 = tpu.vector_load %arg10[%get3A_390, %get3A_391] {strides = array<i32>} : memref<200x32xf32, #tpu.memory_space<vmem>>, vector<16xf32>,
        %add3A_393 = arith.addf %while3A_378, %get3A_392 : vector<16xf32>
        %add3A_394 = arith.constant 0 : i32
        %add3A_395 = arith.addi %mul3A_387, %add3A_394 : i32
        %get3A_396 = arith.index_cast %add3A_395 : i32 to index
        %get3A_397 = arith.constant 16 : index
        %get3A_398 = tpu.vector_load %arg10[%get3A_396, %get3A_397] {strides = array<i32>} : memref<200x32xf32, #tpu.memory_space<vmem>>, vector<16xf32>,
        %add3A_399 = arith.addf %while3A_379, %get3A_398 : vector<16xf32>
        %add3A_400 = arith.constant 1 : i32
        %add3A_401 = arith.addi %mul3A_387, %add3A_400 : i32
        %get3A_402 = arith.index_cast %add3A_401 : i32 to index
        %get3A_403 = arith.constant 0 : index
        %get3A_404 = tpu.vector_load %arg10[%get3A_402, %get3A_403] {strides = array<i32>} : memref<200x32xf32, #tpu.memory_space<vmem>>, vector<16xf32>,
        %add3A_405 = arith.addf %while3A_380, %get3A_404 : vector<16xf32>
        %add3A_406 = arith.constant 1 : i32
        %add3A_407 = arith.addi %mul3A_387, %add3A_406 : i32
        %get3A_408 = arith.index_cast %add3A_407 : i32 to index
        %get3A_409 = arith.constant 16 : index
        %get3A_410 = tpu.vector_load %arg10[%get3A_408, %get3A_409] {strides = array<i32>} : memref<200x32xf32, #tpu.memory_space<vmem>>, vector<16xf32>,
        %add3A_411 = arith.addf %while3A_381, %get3A_410 : vector<16xf32>
        %add3A_412 = arith.constant 2 : i32
        %add3A_413 = arith.addi %mul3A_387, %add3A_412 : i32
        %get3A_414 = arith.index_cast %add3A_413 : i32 to index
        %get3A_415 = arith.constant 0 : index
        %get3A_416 = tpu.vector_load %arg10[%get3A_414, %get3A_415] {strides = array<i32>} : memref<200x32xf32, #tpu.memory_space<vmem>>, vector<16xf32>,
        %add3A_417 = arith.addf %while3A_382, %get3A_416 : vector<16xf32>
        %add3A_418 = arith.constant 2 : i32
        %add3A_419 = arith.addi %mul3A_387, %add3A_418 : i32
        %get3A_420 = arith.index_cast %add3A_419 : i32 to index
        %get3A_421 = arith.constant 16 : index
        %get3A_422 = tpu.vector_load %arg10[%get3A_420, %get3A_421] {strides = array<i32>} : memref<200x32xf32, #tpu.memory_space<vmem>>, vector<16xf32>,
        %add3A_423 = arith.addf %while3A_383, %get3A_422 : vector<16xf32>
        %add3A_424 = arith.constant 3 : i32
        %add3A_425 = arith.addi %mul3A_387, %add3A_424 : i32
        %get3A_426 = arith.index_cast %add3A_425 : i32 to index
        %get3A_427 = arith.constant 0 : index
        %get3A_428 = tpu.vector_load %arg10[%get3A_426, %get3A_427] {strides = array<i32>} : memref<200x32xf32, #tpu.memory_space<vmem>>, vector<16xf32>,
        %add3A_429 = arith.addf %while3A_384, %get3A_428 : vector<16xf32>
        %add3A_430 = arith.constant 3 : i32
        %add3A_431 = arith.addi %mul3A_387, %add3A_430 : i32
        %get3A_432 = arith.index_cast %add3A_431 : i32 to index
        %get3A_433 = arith.constant 16 : index
        %get3A_434 = tpu.vector_load %arg10[%get3A_432, %get3A_433] {strides = array<i32>} : memref<200x32xf32, #tpu.memory_space<vmem>>, vector<16xf32>,
        %add3A_435 = arith.addf %while3A_385, %get3A_434 : vector<16xf32>
        %add3A_436 = arith.constant 4 : i32
        %add3A_437 = arith.addi %mul3A_387, %add3A_436 : i32
        %get3A_438 = arith.index_cast %add3A_437 : i32 to index
        %get3A_439 = arith.constant 0 : index
        %get3A_440 = tpu.vector_load %arg10[%get3A_438, %get3A_439] {strides = array<i32>} : memref<200x32xf32, #tpu.memory_space<vmem>>, vector<16xf32>,
        %add3A_441 = arith.addf %add3A_393, %get3A_440 : vector<16xf32>
        %add3A_442 = arith.constant 4 : i32
        %add3A_443 = arith.addi %mul3A_387, %add3A_442 : i32
        %get3A_444 = arith.index_cast %add3A_443 : i32 to index
        %get3A_445 = arith.constant 16 : index
        %get3A_446 = tpu.vector_load %arg10[%get3A_444, %get3A_445] {strides = array<i32>} : memref<200x32xf32, #tpu.memory_space<vmem>>, vector<16xf32>,
        %add3A_447 = arith.addf %add3A_399, %get3A_446 : vector<16xf32>
        %add3A_448 = arith.constant 5 : i32
        %add3A_449 = arith.addi %mul3A_387, %add3A_448 : i32
        %get3A_450 = arith.index_cast %add3A_449 : i32 to index
        %get3A_451 = arith.constant 0 : index
        %get3A_452 = tpu.vector_load %arg10[%get3A_450, %get3A_451] {strides = array<i32>} : memref<200x32xf32, #tpu.memory_space<vmem>>, vector<16xf32>,
        %add3A_453 = arith.addf %add3A_405, %get3A_452 : vector<16xf32>
        %add3A_454 = arith.constant 5 : i32
        %add3A_455 = arith.addi %mul3A_387, %add3A_454 : i32
        %get3A_456 = arith.index_cast %add3A_455 : i32 to index
        %get3A_457 = arith.constant 16 : index
        %get3A_458 = tpu.vector_load %arg10[%get3A_456, %get3A_457] {strides = array<i32>} : memref<200x32xf32, #tpu.memory_space<vmem>>, vector<16xf32>,
        %add3A_459 = arith.addf %add3A_411, %get3A_458 : vector<16xf32>
        %add3A_460 = arith.constant 6 : i32
        %add3A_461 = arith.addi %mul3A_387, %add3A_460 : i32
        %get3A_462 = arith.index_cast %add3A_461 : i32 to index
        %get3A_463 = arith.constant 0 : index
        %get3A_464 = tpu.vector_load %arg10[%get3A_462, %get3A_463] {strides = array<i32>} : memref<200x32xf32, #tpu.memory_space<vmem>>, vector<16xf32>,
        %add3A_465 = arith.addf %add3A_417, %get3A_464 : vector<16xf32>
        %add3A_466 = arith.constant 6 : i32
        %add3A_467 = arith.addi %mul3A_387, %add3A_466 : i32
        %get3A_468 = arith.index_cast %add3A_467 : i32 to index
        %get3A_469 = arith.constant 16 : index
        %get3A_470 = tpu.vector_load %arg10[%get3A_468, %get3A_469] {strides = array<i32>} : memref<200x32xf32, #tpu.memory_space<vmem>>, vector<16xf32>,
        %add3A_471 = arith.addf %add3A_423, %get3A_470 : vector<16xf32>
        %add3A_472 = arith.constant 7 : i32
        %add3A_473 = arith.addi %mul3A_387, %add3A_472 : i32
        %get3A_474 = arith.index_cast %add3A_473 : i32 to index
        %get3A_475 = arith.constant 0 : index
        %get3A_476 = tpu.vector_load %arg10[%get3A_474, %get3A_475] {strides = array<i32>} : memref<200x32xf32, #tpu.memory_space<vmem>>, vector<16xf32>,
        %add3A_477 = arith.addf %add3A_429, %get3A_476 : vector<16xf32>
        %add3A_478 = arith.constant 7 : i32
        %add3A_479 = arith.addi %mul3A_387, %add3A_478 : i32
        %get3A_480 = arith.index_cast %add3A_479 : i32 to index
        %get3A_481 = arith.constant 16 : index
        %get3A_482 = tpu.vector_load %arg10[%get3A_480, %get3A_481] {strides = array<i32>} : memref<200x32xf32, #tpu.memory_space<vmem>>, vector<16xf32>,
        %add3A_483 = arith.addf %add3A_435, %get3A_482 : vector<16xf32>
        %add3A_484 = arith.constant 8 : i32
        %add3A_485 = arith.addi %mul3A_387, %add3A_484 : i32
        %get3A_486 = arith.index_cast %add3A_485 : i32 to index
        %get3A_487 = arith.constant 0 : index
        %get3A_488 = tpu.vector_load %arg10[%get3A_486, %get3A_487] {strides = array<i32>} : memref<200x32xf32, #tpu.memory_space<vmem>>, vector<16xf32>,
        %add3A_489 = arith.addf %add3A_441, %get3A_488 : vector<16xf32>
        %add3A_490 = arith.constant 8 : i32
        %add3A_491 = arith.addi %mul3A_387, %add3A_490 : i32
        %get3A_492 = arith.index_cast %add3A_491 : i32 to index
        %get3A_493 = arith.constant 16 : index
        %get3A_494 = tpu.vector_load %arg10[%get3A_492, %get3A_493] {strides = array<i32>} : memref<200x32xf32, #tpu.memory_space<vmem>>, vector<16xf32>,
        %add3A_495 = arith.addf %add3A_447, %get3A_494 : vector<16xf32>
        %add3A_496 = arith.constant 9 : i32
        %add3A_497 = arith.addi %mul3A_387, %add3A_496 : i32
        %get3A_498 = arith.index_cast %add3A_497 : i32 to index
        %get3A_499 = arith.constant 0 : index
        %get3A_500 = tpu.vector_load %arg10[%get3A_498, %get3A_499] {strides = array<i32>} : memref<200x32xf32, #tpu.memory_space<vmem>>, vector<16xf32>,
        %add3A_501 = arith.addf %add3A_453, %get3A_500 : vector<16xf32>
        %add3A_502 = arith.constant 9 : i32
        %add3A_503 = arith.addi %mul3A_387, %add3A_502 : i32
        %get3A_504 = arith.index_cast %add3A_503 : i32 to index
        %get3A_505 = arith.constant 16 : index
        %get3A_506 = tpu.vector_load %arg10[%get3A_504, %get3A_505] {strides = array<i32>} : memref<200x32xf32, #tpu.memory_space<vmem>>, vector<16xf32>,
        %add3A_507 = arith.addf %add3A_459, %get3A_506 : vector<16xf32>
        %add3A_508 = arith.constant 10 : i32
        %add3A_509 = arith.addi %mul3A_387, %add3A_508 : i32
        %get3A_510 = arith.index_cast %add3A_509 : i32 to index
        %get3A_511 = arith.constant 0 : index
        %get3A_512 = tpu.vector_load %arg10[%get3A_510, %get3A_511] {strides = array<i32>} : memref<200x32xf32, #tpu.memory_space<vmem>>, vector<16xf32>,
        %add3A_513 = arith.addf %add3A_465, %get3A_512 : vector<16xf32>
        %add3A_514 = arith.constant 10 : i32
        %add3A_515 = arith.addi %mul3A_387, %add3A_514 : i32
        %get3A_516 = arith.index_cast %add3A_515 : i32 to index
        %get3A_517 = arith.constant 16 : index
        %get3A_518 = tpu.vector_load %arg10[%get3A_516, %get3A_517] {strides = array<i32>} : memref<200x32xf32, #tpu.memory_space<vmem>>, vector<16xf32>,
        %add3A_519 = arith.addf %add3A_471, %get3A_518 : vector<16xf32>
        %add3A_520 = arith.constant 11 : i32
        %add3A_521 = arith.addi %mul3A_387, %add3A_520 : i32
        %get3A_522 = arith.index_cast %add3A_521 : i32 to index
        %get3A_523 = arith.constant 0 : index
        %get3A_524 = tpu.vector_load %arg10[%get3A_522, %get3A_523] {strides = array<i32>} : memref<200x32xf32, #tpu.memory_space<vmem>>, vector<16xf32>,
        %add3A_525 = arith.addf %add3A_477, %get3A_524 : vector<16xf32>
        %add3A_526 = arith.constant 11 : i32
        %add3A_527 = arith.addi %mul3A_387, %add3A_526 : i32
        %get3A_528 = arith.index_cast %add3A_527 : i32 to index
        %get3A_529 = arith.constant 16 : index
        %get3A_530 = tpu.vector_load %arg10[%get3A_528, %get3A_529] {strides = array<i32>} : memref<200x32xf32, #tpu.memory_space<vmem>>, vector<16xf32>,
        %add3A_531 = arith.addf %add3A_483, %get3A_530 : vector<16xf32>
        %add3A_532 = arith.constant 12 : i32
        %add3A_533 = arith.addi %mul3A_387, %add3A_532 : i32
        %get3A_534 = arith.index_cast %add3A_533 : i32 to index
        %get3A_535 = arith.constant 0 : index
        %get3A_536 = tpu.vector_load %arg10[%get3A_534, %get3A_535] {strides = array<i32>} : memref<200x32xf32, #tpu.memory_space<vmem>>, vector<16xf32>,
        %add3A_537 = arith.addf %add3A_489, %get3A_536 : vector<16xf32>
        %add3A_538 = arith.constant 12 : i32
        %add3A_539 = arith.addi %mul3A_387, %add3A_538 : i32
        %get3A_540 = arith.index_cast %add3A_539 : i32 to index
        %get3A_541 = arith.constant 16 : index
        %get3A_542 = tpu.vector_load %arg10[%get3A_540, %get3A_541] {strides = array<i32>} : memref<200x32xf32, #tpu.memory_space<vmem>>, vector<16xf32>,
        %add3A_543 = arith.addf %add3A_495, %get3A_542 : vector<16xf32>
        %add3A_544 = arith.constant 13 : i32
        %add3A_545 = arith.addi %mul3A_387, %add3A_544 : i32
        %get3A_546 = arith.index_cast %add3A_545 : i32 to index
        %get3A_547 = arith.constant 0 : index
        %get3A_548 = tpu.vector_load %arg10[%get3A_546, %get3A_547] {strides = array<i32>} : memref<200x32xf32, #tpu.memory_space<vmem>>, vector<16xf32>,
        %add3A_549 = arith.addf %add3A_501, %get3A_548 : vector<16xf32>
        %add3A_550 = arith.constant 13 : i32
        %add3A_551 = arith.addi %mul3A_387, %add3A_550 : i32
        %get3A_552 = arith.index_cast %add3A_551 : i32 to index
        %get3A_553 = arith.constant 16 : index
        %get3A_554 = tpu.vector_load %arg10[%get3A_552, %get3A_553] {strides = array<i32>} : memref<200x32xf32, #tpu.memory_space<vmem>>, vector<16xf32>,
        %add3A_555 = arith.addf %add3A_507, %get3A_554 : vector<16xf32>
        %add3A_556 = arith.constant 14 : i32
        %add3A_557 = arith.addi %mul3A_387, %add3A_556 : i32
        %get3A_558 = arith.index_cast %add3A_557 : i32 to index
        %get3A_559 = arith.constant 0 : index
        %get3A_560 = tpu.vector_load %arg10[%get3A_558, %get3A_559] {strides = array<i32>} : memref<200x32xf32, #tpu.memory_space<vmem>>, vector<16xf32>,
        %add3A_561 = arith.addf %add3A_513, %get3A_560 : vector<16xf32>
        %add3A_562 = arith.constant 14 : i32
        %add3A_563 = arith.addi %mul3A_387, %add3A_562 : i32
        %get3A_564 = arith.index_cast %add3A_563 : i32 to index
        %get3A_565 = arith.constant 16 : index
        %get3A_566 = tpu.vector_load %arg10[%get3A_564, %get3A_565] {strides = array<i32>} : memref<200x32xf32, #tpu.memory_space<vmem>>, vector<16xf32>,
        %add3A_567 = arith.addf %add3A_519, %get3A_566 : vector<16xf32>
        %add3A_568 = arith.constant 15 : i32
        %add3A_569 = arith.addi %mul3A_387, %add3A_568 : i32
        %get3A_570 = arith.index_cast %add3A_569 : i32 to index
        %get3A_571 = arith.constant 0 : index
        %get3A_572 = tpu.vector_load %arg10[%get3A_570, %get3A_571] {strides = array<i32>} : memref<200x32xf32, #tpu.memory_space<vmem>>, vector<16xf32>,
        %add3A_573 = arith.addf %add3A_525, %get3A_572 : vector<16xf32>
        %add3A_574 = arith.constant 15 : i32
        %add3A_575 = arith.addi %mul3A_387, %add3A_574 : i32
        %get3A_576 = arith.index_cast %add3A_575 : i32 to index
        %get3A_577 = arith.constant 16 : index
        %get3A_578 = tpu.vector_load %arg10[%get3A_576, %get3A_577] {strides = array<i32>} : memref<200x32xf32, #tpu.memory_space<vmem>>, vector<16xf32>,
        %add3A_579 = arith.addf %add3A_531, %get3A_578 : vector<16xf32>
        %add3A_580 = arith.constant 16 : i32
        %add3A_581 = arith.addi %mul3A_387, %add3A_580 : i32
        %get3A_582 = arith.index_cast %add3A_581 : i32 to index
        %get3A_583 = arith.constant 0 : index
        %get3A_584 = tpu.vector_load %arg10[%get3A_582, %get3A_583] {strides = array<i32>} : memref<200x32xf32, #tpu.memory_space<vmem>>, vector<16xf32>,
        %add3A_585 = arith.addf %add3A_537, %get3A_584 : vector<16xf32>
        %add3A_586 = arith.constant 16 : i32
        %add3A_587 = arith.addi %mul3A_387, %add3A_586 : i32
        %get3A_588 = arith.index_cast %add3A_587 : i32 to index
        %get3A_589 = arith.constant 16 : index
        %get3A_590 = tpu.vector_load %arg10[%get3A_588, %get3A_589] {strides = array<i32>} : memref<200x32xf32, #tpu.memory_space<vmem>>, vector<16xf32>,
        %add3A_591 = arith.addf %add3A_543, %get3A_590 : vector<16xf32>
        %add3A_592 = arith.constant 17 : i32
        %add3A_593 = arith.addi %mul3A_387, %add3A_592 : i32
        %get3A_594 = arith.index_cast %add3A_593 : i32 to index
        %get3A_595 = arith.constant 0 : index
        %get3A_596 = tpu.vector_load %arg10[%get3A_594, %get3A_595] {strides = array<i32>} : memref<200x32xf32, #tpu.memory_space<vmem>>, vector<16xf32>,
        %add3A_597 = arith.addf %add3A_549, %get3A_596 : vector<16xf32>
        %add3A_598 = arith.constant 17 : i32
        %add3A_599 = arith.addi %mul3A_387, %add3A_598 : i32
        %get3A_600 = arith.index_cast %add3A_599 : i32 to index
        %get3A_601 = arith.constant 16 : index
        %get3A_602 = tpu.vector_load %arg10[%get3A_600, %get3A_601] {strides = array<i32>} : memref<200x32xf32, #tpu.memory_space<vmem>>, vector<16xf32>,
        %add3A_603 = arith.addf %add3A_555, %get3A_602 : vector<16xf32>
        %add3A_604 = arith.constant 18 : i32
        %add3A_605 = arith.addi %mul3A_387, %add3A_604 : i32
        %get3A_606 = arith.index_cast %add3A_605 : i32 to index
        %get3A_607 = arith.constant 0 : index
        %get3A_608 = tpu.vector_load %arg10[%get3A_606, %get3A_607] {strides = array<i32>} : memref<200x32xf32, #tpu.memory_space<vmem>>, vector<16xf32>,
        %add3A_609 = arith.addf %add3A_561, %get3A_608 : vector<16xf32>
        %add3A_610 = arith.constant 18 : i32
        %add3A_611 = arith.addi %mul3A_387, %add3A_610 : i32
        %get3A_612 = arith.index_cast %add3A_611 : i32 to index
        %get3A_613 = arith.constant 16 : index
        %get3A_614 = tpu.vector_load %arg10[%get3A_612, %get3A_613] {strides = array<i32>} : memref<200x32xf32, #tpu.memory_space<vmem>>, vector<16xf32>,
        %add3A_615 = arith.addf %add3A_567, %get3A_614 : vector<16xf32>
        %add3A_616 = arith.constant 19 : i32
        %add3A_617 = arith.addi %mul3A_387, %add3A_616 : i32
        %get3A_618 = arith.index_cast %add3A_617 : i32 to index
        %get3A_619 = arith.constant 0 : index
        %get3A_620 = tpu.vector_load %arg10[%get3A_618, %get3A_619] {strides = array<i32>} : memref<200x32xf32, #tpu.memory_space<vmem>>, vector<16xf32>,
        %add3A_621 = arith.addf %add3A_573, %get3A_620 : vector<16xf32>
        %add3A_622 = arith.constant 19 : i32
        %add3A_623 = arith.addi %mul3A_387, %add3A_622 : i32
        %get3A_624 = arith.index_cast %add3A_623 : i32 to index
        %get3A_625 = arith.constant 16 : index
        %get3A_626 = tpu.vector_load %arg10[%get3A_624, %get3A_625] {strides = array<i32>} : memref<200x32xf32, #tpu.memory_space<vmem>>, vector<16xf32>,
        %add3A_627 = arith.addf %add3A_579, %get3A_626 : vector<16xf32>
        %add3A_628 = arith.constant 20 : i32
        %add3A_629 = arith.addi %mul3A_387, %add3A_628 : i32
        %get3A_630 = arith.index_cast %add3A_629 : i32 to index
        %get3A_631 = arith.constant 0 : index
        %get3A_632 = tpu.vector_load %arg10[%get3A_630, %get3A_631] {strides = array<i32>} : memref<200x32xf32, #tpu.memory_space<vmem>>, vector<16xf32>,
        %add3A_633 = arith.addf %add3A_585, %get3A_632 : vector<16xf32>
        %add3A_634 = arith.constant 20 : i32
        %add3A_635 = arith.addi %mul3A_387, %add3A_634 : i32
        %get3A_636 = arith.index_cast %add3A_635 : i32 to index
        %get3A_637 = arith.constant 16 : index
        %get3A_638 = tpu.vector_load %arg10[%get3A_636, %get3A_637] {strides = array<i32>} : memref<200x32xf32, #tpu.memory_space<vmem>>, vector<16xf32>,
        %add3A_639 = arith.addf %add3A_591, %get3A_638 : vector<16xf32>
        %add3A_640 = arith.constant 21 : i32
        %add3A_641 = arith.addi %mul3A_387, %add3A_640 : i32
        %get3A_642 = arith.index_cast %add3A_641 : i32 to index
        %get3A_643 = arith.constant 0 : index
        %get3A_644 = tpu.vector_load %arg10[%get3A_642, %get3A_643] {strides = array<i32>} : memref<200x32xf32, #tpu.memory_space<vmem>>, vector<16xf32>,
        %add3A_645 = arith.addf %add3A_597, %get3A_644 : vector<16xf32>
        %add3A_646 = arith.constant 21 : i32
        %add3A_647 = arith.addi %mul3A_387, %add3A_646 : i32
        %get3A_648 = arith.index_cast %add3A_647 : i32 to index
        %get3A_649 = arith.constant 16 : index
        %get3A_650 = tpu.vector_load %arg10[%get3A_648, %get3A_649] {strides = array<i32>} : memref<200x32xf32, #tpu.memory_space<vmem>>, vector<16xf32>,
        %add3A_651 = arith.addf %add3A_603, %get3A_650 : vector<16xf32>
        %add3A_652 = arith.constant 22 : i32
        %add3A_653 = arith.addi %mul3A_387, %add3A_652 : i32
        %get3A_654 = arith.index_cast %add3A_653 : i32 to index
        %get3A_655 = arith.constant 0 : index
        %get3A_656 = tpu.vector_load %arg10[%get3A_654, %get3A_655] {strides = array<i32>} : memref<200x32xf32, #tpu.memory_space<vmem>>, vector<16xf32>,
        %add3A_657 = arith.addf %add3A_609, %get3A_656 : vector<16xf32>
        %add3A_658 = arith.constant 22 : i32
        %add3A_659 = arith.addi %mul3A_387, %add3A_658 : i32
        %get3A_660 = arith.index_cast %add3A_659 : i32 to index
        %get3A_661 = arith.constant 16 : index
        %get3A_662 = tpu.vector_load %arg10[%get3A_660, %get3A_661] {strides = array<i32>} : memref<200x32xf32, #tpu.memory_space<vmem>>, vector<16xf32>,
        %add3A_663 = arith.addf %add3A_615, %get3A_662 : vector<16xf32>
        %add3A_664 = arith.constant 23 : i32
        %add3A_665 = arith.addi %mul3A_387, %add3A_664 : i32
        %get3A_666 = arith.index_cast %add3A_665 : i32 to index
        %get3A_667 = arith.constant 0 : index
        %get3A_668 = tpu.vector_load %arg10[%get3A_666, %get3A_667] {strides = array<i32>} : memref<200x32xf32, #tpu.memory_space<vmem>>, vector<16xf32>,
        %add3A_669 = arith.addf %add3A_621, %get3A_668 : vector<16xf32>
        %add3A_670 = arith.constant 23 : i32
        %add3A_671 = arith.addi %mul3A_387, %add3A_670 : i32
        %get3A_672 = arith.index_cast %add3A_671 : i32 to index
        %get3A_673 = arith.constant 16 : index
        %get3A_674 = tpu.vector_load %arg10[%get3A_672, %get3A_673] {strides = array<i32>} : memref<200x32xf32, #tpu.memory_space<vmem>>, vector<16xf32>,
        %add3A_675 = arith.addf %add3A_627, %get3A_674 : vector<16xf32>
        %add3A_676 = arith.constant 24 : i32
        %add3A_677 = arith.addi %mul3A_387, %add3A_676 : i32
        %get3A_678 = arith.index_cast %add3A_677 : i32 to index
        %get3A_679 = arith.constant 0 : index
        %get3A_680 = tpu.vector_load %arg10[%get3A_678, %get3A_679] {strides = array<i32>} : memref<200x32xf32, #tpu.memory_space<vmem>>, vector<16xf32>,
        %add3A_681 = arith.addf %add3A_633, %get3A_680 : vector<16xf32>
        %add3A_682 = arith.constant 24 : i32
        %add3A_683 = arith.addi %mul3A_387, %add3A_682 : i32
        %get3A_684 = arith.index_cast %add3A_683 : i32 to index
        %get3A_685 = arith.constant 16 : index
        %get3A_686 = tpu.vector_load %arg10[%get3A_684, %get3A_685] {strides = array<i32>} : memref<200x32xf32, #tpu.memory_space<vmem>>, vector<16xf32>,
        %add3A_687 = arith.addf %add3A_639, %get3A_686 : vector<16xf32>
        %add3A_688 = arith.constant 25 : i32
        %add3A_689 = arith.addi %mul3A_387, %add3A_688 : i32
        %get3A_690 = arith.index_cast %add3A_689 : i32 to index
        %get3A_691 = arith.constant 0 : index
        %get3A_692 = tpu.vector_load %arg10[%get3A_690, %get3A_691] {strides = array<i32>} : memref<200x32xf32, #tpu.memory_space<vmem>>, vector<16xf32>,
        %add3A_693 = arith.addf %add3A_645, %get3A_692 : vector<16xf32>
        %add3A_694 = arith.constant 25 : i32
        %add3A_695 = arith.addi %mul3A_387, %add3A_694 : i32
        %get3A_696 = arith.index_cast %add3A_695 : i32 to index
        %get3A_697 = arith.constant 16 : index
        %get3A_698 = tpu.vector_load %arg10[%get3A_696, %get3A_697] {strides = array<i32>} : memref<200x32xf32, #tpu.memory_space<vmem>>, vector<16xf32>,
        %add3A_699 = arith.addf %add3A_651, %get3A_698 : vector<16xf32>
        %add3A_700 = arith.constant 26 : i32
        %add3A_701 = arith.addi %mul3A_387, %add3A_700 : i32
        %get3A_702 = arith.index_cast %add3A_701 : i32 to index
        %get3A_703 = arith.constant 0 : index
        %get3A_704 = tpu.vector_load %arg10[%get3A_702, %get3A_703] {strides = array<i32>} : memref<200x32xf32, #tpu.memory_space<vmem>>, vector<16xf32>,
        %add3A_705 = arith.addf %add3A_657, %get3A_704 : vector<16xf32>
        %add3A_706 = arith.constant 26 : i32
        %add3A_707 = arith.addi %mul3A_387, %add3A_706 : i32
        %get3A_708 = arith.index_cast %add3A_707 : i32 to index
        %get3A_709 = arith.constant 16 : index
        %get3A_710 = tpu.vector_load %arg10[%get3A_708, %get3A_709] {strides = array<i32>} : memref<200x32xf32, #tpu.memory_space<vmem>>, vector<16xf32>,
        %add3A_711 = arith.addf %add3A_663, %get3A_710 : vector<16xf32>
        %add3A_712 = arith.constant 27 : i32
        %add3A_713 = arith.addi %mul3A_387, %add3A_712 : i32
        %get3A_714 = arith.index_cast %add3A_713 : i32 to index
        %get3A_715 = arith.constant 0 : index
        %get3A_716 = tpu.vector_load %arg10[%get3A_714, %get3A_715] {strides = array<i32>} : memref<200x32xf32, #tpu.memory_space<vmem>>, vector<16xf32>,
        %add3A_717 = arith.addf %add3A_669, %get3A_716 : vector<16xf32>
        %add3A_718 = arith.constant 27 : i32
        %add3A_719 = arith.addi %mul3A_387, %add3A_718 : i32
        %get3A_720 = arith.index_cast %add3A_719 : i32 to index
        %get3A_721 = arith.constant 16 : index
        %get3A_722 = tpu.vector_load %arg10[%get3A_720, %get3A_721] {strides = array<i32>} : memref<200x32xf32, #tpu.memory_space<vmem>>, vector<16xf32>,
        %add3A_723 = arith.addf %add3A_675, %get3A_722 : vector<16xf32>
        %add3A_724 = arith.constant 28 : i32
        %add3A_725 = arith.addi %mul3A_387, %add3A_724 : i32
        %get3A_726 = arith.index_cast %add3A_725 : i32 to index
        %get3A_727 = arith.constant 0 : index
        %get3A_728 = tpu.vector_load %arg10[%get3A_726, %get3A_727] {strides = array<i32>} : memref<200x32xf32, #tpu.memory_space<vmem>>, vector<16xf32>,
        %add3A_729 = arith.addf %add3A_681, %get3A_728 : vector<16xf32>
        %add3A_730 = arith.constant 28 : i32
        %add3A_731 = arith.addi %mul3A_387, %add3A_730 : i32
        %get3A_732 = arith.index_cast %add3A_731 : i32 to index
        %get3A_733 = arith.constant 16 : index
        %get3A_734 = tpu.vector_load %arg10[%get3A_732, %get3A_733] {strides = array<i32>} : memref<200x32xf32, #tpu.memory_space<vmem>>, vector<16xf32>,
        %add3A_735 = arith.addf %add3A_687, %get3A_734 : vector<16xf32>
        %add3A_736 = arith.constant 29 : i32
        %add3A_737 = arith.addi %mul3A_387, %add3A_736 : i32
        %get3A_738 = arith.index_cast %add3A_737 : i32 to index
        %get3A_739 = arith.constant 0 : index
        %get3A_740 = tpu.vector_load %arg10[%get3A_738, %get3A_739] {strides = array<i32>} : memref<200x32xf32, #tpu.memory_space<vmem>>, vector<16xf32>,
        %add3A_741 = arith.addf %add3A_693, %get3A_740 : vector<16xf32>
        %add3A_742 = arith.constant 29 : i32
        %add3A_743 = arith.addi %mul3A_387, %add3A_742 : i32
        %get3A_744 = arith.index_cast %add3A_743 : i32 to index
        %get3A_745 = arith.constant 16 : index
        %get3A_746 = tpu.vector_load %arg10[%get3A_744, %get3A_745] {strides = array<i32>} : memref<200x32xf32, #tpu.memory_space<vmem>>, vector<16xf32>,
        %add3A_747 = arith.addf %add3A_699, %get3A_746 : vector<16xf32>
        %add3A_748 = arith.constant 30 : i32
        %add3A_749 = arith.addi %mul3A_387, %add3A_748 : i32
        %get3A_750 = arith.index_cast %add3A_749 : i32 to index
        %get3A_751 = arith.constant 0 : index
        %get3A_752 = tpu.vector_load %arg10[%get3A_750, %get3A_751] {strides = array<i32>} : memref<200x32xf32, #tpu.memory_space<vmem>>, vector<16xf32>,
        %add3A_753 = arith.addf %add3A_705, %get3A_752 : vector<16xf32>
        %add3A_754 = arith.constant 30 : i32
        %add3A_755 = arith.addi %mul3A_387, %add3A_754 : i32
        %get3A_756 = arith.index_cast %add3A_755 : i32 to index
        %get3A_757 = arith.constant 16 : index
        %get3A_758 = tpu.vector_load %arg10[%get3A_756, %get3A_757] {strides = array<i32>} : memref<200x32xf32, #tpu.memory_space<vmem>>, vector<16xf32>,
        %add3A_759 = arith.addf %add3A_711, %get3A_758 : vector<16xf32>
        %add3A_760 = arith.constant 31 : i32
        %add3A_761 = arith.addi %mul3A_387, %add3A_760 : i32
        %get3A_762 = arith.index_cast %add3A_761 : i32 to index
        %get3A_763 = arith.constant 0 : index
        %get3A_764 = tpu.vector_load %arg10[%get3A_762, %get3A_763] {strides = array<i32>} : memref<200x32xf32, #tpu.memory_space<vmem>>, vector<16xf32>,
        %add3A_765 = arith.addf %add3A_717, %get3A_764 : vector<16xf32>
        %add3A_766 = arith.constant 31 : i32
        %add3A_767 = arith.addi %mul3A_387, %add3A_766 : i32
        %get3A_768 = arith.index_cast %add3A_767 : i32 to index
        %get3A_769 = arith.constant 16 : index
        %get3A_770 = tpu.vector_load %arg10[%get3A_768, %get3A_769] {strides = array<i32>} : memref<200x32xf32, #tpu.memory_space<vmem>>, vector<16xf32>,
        %add3A_771 = arith.addf %add3A_723, %get3A_770 : vector<16xf32>
        scf.yield %add3A_729, %add3A_735, %add3A_741, %add3A_747, %add3A_753, %add3A_759, %add3A_765, %add3A_771 : vector<16xf32>, vector<16xf32>, vector<16xf32>, vector<16xf32>, vector<16xf32>, vector<16xf32>, vector<16xf32>, vector<16xf32>
      }
      %eq3A_331 = arith.constant 200 : i32
      %eq3A_332 = arith.cmpi eq, %convert_element_type3A_293, %eq3A_331 : i32
      %convert_element_type3A_333 = arith.extui %eq3A_332 : i1 to i32
      %cond3A_334 = arith.constant 0 : i32
      %cond3A_335 = arith.cmpi ne, %convert_element_type3A_333, %cond3A_334 : i32
      scf.if %cond3A_335 {
        %get3A_377 = arith.constant 192 : i32
        %get3A_378 = arith.index_cast %get3A_377 : i32 to index
        %get3A_379 = arith.constant 0 : index
        %get3A_380 = tpu.vector_load %arg10[%get3A_378, %get3A_379] {strides = array<i32>} : memref<200x32xf32, #tpu.memory_space<vmem>>, vector<16xf32>,
        %get3A_381 = arith.constant 193 : i32
        %get3A_382 = arith.index_cast %get3A_381 : i32 to index
        %get3A_383 = arith.constant 0 : index
        %get3A_384 = tpu.vector_load %arg10[%get3A_382, %get3A_383] {strides = array<i32>} : memref<200x32xf32, #tpu.memory_space<vmem>>, vector<16xf32>,
        %get3A_385 = arith.constant 194 : i32
        %get3A_386 = arith.index_cast %get3A_385 : i32 to index
        %get3A_387 = arith.constant 0 : index
        %get3A_388 = tpu.vector_load %arg10[%get3A_386, %get3A_387] {strides = array<i32>} : memref<200x32xf32, #tpu.memory_space<vmem>>, vector<16xf32>,
        %get3A_389 = arith.constant 195 : i32
        %get3A_390 = arith.index_cast %get3A_389 : i32 to index
        %get3A_391 = arith.constant 0 : index
        %get3A_392 = tpu.vector_load %arg10[%get3A_390, %get3A_391] {strides = array<i32>} : memref<200x32xf32, #tpu.memory_space<vmem>>, vector<16xf32>,
        %get3A_393 = arith.constant 196 : i32
        %get3A_394 = arith.index_cast %get3A_393 : i32 to index
        %get3A_395 = arith.constant 0 : index
        %get3A_396 = tpu.vector_load %arg10[%get3A_394, %get3A_395] {strides = array<i32>} : memref<200x32xf32, #tpu.memory_space<vmem>>, vector<16xf32>,
        %get3A_397 = arith.constant 197 : i32
        %get3A_398 = arith.index_cast %get3A_397 : i32 to index
        %get3A_399 = arith.constant 0 : index
        %get3A_400 = tpu.vector_load %arg10[%get3A_398, %get3A_399] {strides = array<i32>} : memref<200x32xf32, #tpu.memory_space<vmem>>, vector<16xf32>,
        %get3A_401 = arith.constant 198 : i32
        %get3A_402 = arith.index_cast %get3A_401 : i32 to index
        %get3A_403 = arith.constant 0 : index
        %get3A_404 = tpu.vector_load %arg10[%get3A_402, %get3A_403] {strides = array<i32>} : memref<200x32xf32, #tpu.memory_space<vmem>>, vector<16xf32>,
        %get3A_405 = arith.constant 199 : i32
        %get3A_406 = arith.index_cast %get3A_405 : i32 to index
        %get3A_407 = arith.constant 0 : index
        %get3A_408 = tpu.vector_load %arg10[%get3A_406, %get3A_407] {strides = array<i32>} : memref<200x32xf32, #tpu.memory_space<vmem>>, vector<16xf32>,
        %get3A_409 = arith.constant 192 : i32
        %get3A_410 = arith.index_cast %get3A_409 : i32 to index
        %get3A_411 = arith.constant 16 : index
        %get3A_412 = tpu.vector_load %arg10[%get3A_410, %get3A_411] {strides = array<i32>} : memref<200x32xf32, #tpu.memory_space<vmem>>, vector<16xf32>,
        %get3A_413 = arith.constant 193 : i32
        %get3A_414 = arith.index_cast %get3A_413 : i32 to index
        %get3A_415 = arith.constant 16 : index
        %get3A_416 = tpu.vector_load %arg10[%get3A_414, %get3A_415] {strides = array<i32>} : memref<200x32xf32, #tpu.memory_space<vmem>>, vector<16xf32>,
        %get3A_417 = arith.constant 194 : i32
        %get3A_418 = arith.index_cast %get3A_417 : i32 to index
        %get3A_419 = arith.constant 16 : index
        %get3A_420 = tpu.vector_load %arg10[%get3A_418, %get3A_419] {strides = array<i32>} : memref<200x32xf32, #tpu.memory_space<vmem>>, vector<16xf32>,
        %get3A_421 = arith.constant 195 : i32
        %get3A_422 = arith.index_cast %get3A_421 : i32 to index
        %get3A_423 = arith.constant 16 : index
        %get3A_424 = tpu.vector_load %arg10[%get3A_422, %get3A_423] {strides = array<i32>} : memref<200x32xf32, #tpu.memory_space<vmem>>, vector<16xf32>,
        %get3A_425 = arith.constant 196 : i32
        %get3A_426 = arith.index_cast %get3A_425 : i32 to index
        %get3A_427 = arith.constant 16 : index
        %get3A_428 = tpu.vector_load %arg10[%get3A_426, %get3A_427] {strides = array<i32>} : memref<200x32xf32, #tpu.memory_space<vmem>>, vector<16xf32>,
        %get3A_429 = arith.constant 197 : i32
        %get3A_430 = arith.index_cast %get3A_429 : i32 to index
        %get3A_431 = arith.constant 16 : index
        %get3A_432 = tpu.vector_load %arg10[%get3A_430, %get3A_431] {strides = array<i32>} : memref<200x32xf32, #tpu.memory_space<vmem>>, vector<16xf32>,
        %get3A_433 = arith.constant 198 : i32
        %get3A_434 = arith.index_cast %get3A_433 : i32 to index
        %get3A_435 = arith.constant 16 : index
        %get3A_436 = tpu.vector_load %arg10[%get3A_434, %get3A_435] {strides = array<i32>} : memref<200x32xf32, #tpu.memory_space<vmem>>, vector<16xf32>,
        %get3A_437 = arith.constant 199 : i32
        %get3A_438 = arith.index_cast %get3A_437 : i32 to index
        %get3A_439 = arith.constant 16 : index
        %get3A_440 = tpu.vector_load %arg10[%get3A_438, %get3A_439] {strides = array<i32>} : memref<200x32xf32, #tpu.memory_space<vmem>>, vector<16xf32>,
        %add3A_441 = arith.addf %get3A_380, %get3A_384 : vector<16xf32>
        %add3A_442 = arith.addf %get3A_388, %get3A_392 : vector<16xf32>
        %add3A_443 = arith.addf %add3A_441, %add3A_442 : vector<16xf32>
        %add3A_444 = arith.addf %get3A_396, %get3A_400 : vector<16xf32>
        %add3A_445 = arith.addf %get3A_404, %get3A_408 : vector<16xf32>
        %add3A_446 = arith.addf %add3A_444, %add3A_445 : vector<16xf32>
        %add3A_447 = arith.addf %add3A_443, %add3A_446 : vector<16xf32>
        %add3A_448 = arith.addf %get3A_412, %get3A_416 : vector<16xf32>
        %add3A_449 = arith.addf %get3A_420, %get3A_424 : vector<16xf32>
        %add3A_450 = arith.addf %add3A_448, %add3A_449 : vector<16xf32>
        %add3A_451 = arith.addf %get3A_428, %get3A_432 : vector<16xf32>
        %add3A_452 = arith.addf %get3A_436, %get3A_440 : vector<16xf32>
        %add3A_453 = arith.addf %add3A_451, %add3A_452 : vector<16xf32>
        %add3A_454 = arith.addf %add3A_450, %add3A_453 : vector<16xf32>
        %swap3A_455 = arith.index_cast %add3A_282 : i32 to index
        %swap3A_456 = arith.constant 0 : index
        %swap3A_457 = tpu.vector_load %arg11[%swap3A_455, %swap3A_456] {strides = array<i32>} : memref<128x32xf32, #tpu.memory_space<vmem>>, vector<16xf32>,
        tpu.vector_store %arg11[%swap3A_455, %swap3A_456], %add3A_447 {strides = array<i32>} : memref<128x32xf32, #tpu.memory_space<vmem>>, vector<16xf32>,
        %swap3A_458 = arith.index_cast %add3A_282 : i32 to index
        %swap3A_459 = arith.constant 16 : index
        %swap3A_460 = tpu.vector_load %arg11[%swap3A_458, %swap3A_459] {strides = array<i32>} : memref<128x32xf32, #tpu.memory_space<vmem>>, vector<16xf32>,
        tpu.vector_store %arg11[%swap3A_458, %swap3A_459], %add3A_454 {strides = array<i32>} : memref<128x32xf32, #tpu.memory_space<vmem>>, vector<16xf32>,
      } else {
      }
      %lt3A_336 = arith.constant 200 : i32
      %lt3A_337 = arith.cmpi slt, %convert_element_type3A_293, %lt3A_336 : i32
      %convert_element_type3A_338 = arith.extui %lt3A_337 : i1 to i32
      %cond3A_339 = arith.constant 0 : i32
      %cond3A_340 = arith.cmpi ne, %convert_element_type3A_338, %cond3A_339 : i32
      scf.if %cond3A_340 {
        %swap3A_377 = arith.index_cast %add3A_282 : i32 to index
        %swap3A_378 = arith.constant 0 : index
        %swap3A_379 = tpu.vector_load %arg11[%swap3A_377, %swap3A_378] {strides = array<i32>} : memref<128x32xf32, #tpu.memory_space<vmem>>, vector<16xf32>,
        tpu.vector_store %arg11[%swap3A_377, %swap3A_378], %broadcast_in_dim3A_295 {strides = array<i32>} : memref<128x32xf32, #tpu.memory_space<vmem>>, vector<16xf32>,
        %swap3A_380 = arith.index_cast %add3A_282 : i32 to index
        %swap3A_381 = arith.constant 16 : index
        %swap3A_382 = tpu.vector_load %arg11[%swap3A_380, %swap3A_381] {strides = array<i32>} : memref<128x32xf32, #tpu.memory_space<vmem>>, vector<16xf32>,
        tpu.vector_store %arg11[%swap3A_380, %swap3A_381], %broadcast_in_dim3A_295 {strides = array<i32>} : memref<128x32xf32, #tpu.memory_space<vmem>>, vector<16xf32>,
      } else {
      }
      %add3A_341 = arith.addf %while3A_330#0, %while3A_330#2 : vector<16xf32>
      %add3A_342 = arith.addf %while3A_330#4, %while3A_330#6 : vector<16xf32>
      %add3A_343 = arith.addf %add3A_341, %add3A_342 : vector<16xf32>
      %get3A_344 = arith.index_cast %add3A_282 : i32 to index
      %get3A_345 = arith.constant 0 : index
      %get3A_346 = tpu.vector_load %arg11[%get3A_344, %get3A_345] {strides = array<i32>} : memref<128x32xf32, #tpu.memory_space<vmem>>, vector<16xf32>,
      %add3A_347 = arith.addf %add3A_343, %get3A_346 : vector<16xf32>
      %add3A_348 = arith.addf %while3A_330#1, %while3A_330#3 : vector<16xf32>
      %add3A_349 = arith.addf %while3A_330#5, %while3A_330#7 : vector<16xf32>
      %add3A_350 = arith.addf %add3A_348, %add3A_349 : vector<16xf32>
      %get3A_351 = arith.index_cast %add3A_282 : i32 to index
      %get3A_352 = arith.constant 16 : index
      %get3A_353 = tpu.vector_load %arg11[%get3A_351, %get3A_352] {strides = array<i32>} : memref<128x32xf32, #tpu.memory_space<vmem>>, vector<16xf32>,
      %add3A_354 = arith.addf %add3A_350, %get3A_353 : vector<16xf32>
      %sub3A_355 = arith.subf %get3A_288, %get3A_285 : vector<16xf32>
      %get3A_356 = arith.constant 0 : i32
      %get3A_357 = arith.index_cast %get3A_356 : i32 to index
      %get3A_358 = arith.constant 0 : index
      %get3A_359 = tpu.vector_load %arg12[%get3A_357, %get3A_358] {strides = array<i32>} : memref<1x32xf32, #tpu.memory_space<vmem>>, vector<16xf32>,
      %get3A_360 = arith.constant 0 : i32
      %get3A_361 = arith.index_cast %get3A_360 : i32 to index
      %get3A_362 = arith.constant 16 : index
      %get3A_363 = tpu.vector_load %arg12[%get3A_361, %get3A_362] {strides = array<i32>} : memref<1x32xf32, #tpu.memory_space<vmem>>, vector<16xf32>,
      %mul3A_364 = arith.mulf %sub3A_355, %get3A_359 : vector<16xf32>
      %sub3A_365 = arith.subf %add3A_347, %mul3A_364 : vector<16xf32>
      %div3A_366 = arith.divf %sub3A_365, %get3A_285 : vector<16xf32>
      %swap3A_367 = arith.index_cast %add3A_282 : i32 to index
      %swap3A_368 = arith.constant 0 : index
      %swap3A_369 = tpu.vector_load %arg11[%swap3A_367, %swap3A_368] {strides = array<i32>} : memref<128x32xf32, #tpu.memory_space<vmem>>, vector<16xf32>,
      tpu.vector_store %arg11[%swap3A_367, %swap3A_368], %div3A_366 {strides = array<i32>} : memref<128x32xf32, #tpu.memory_space<vmem>>, vector<16xf32>,
      %mul3A_370 = arith.mulf %sub3A_355, %get3A_363 : vector<16xf32>
      %sub3A_371 = arith.subf %add3A_354, %mul3A_370 : vector<16xf32>
      %div3A_372 = arith.divf %sub3A_371, %get3A_285 : vector<16xf32>
      %swap3A_373 = arith.index_cast %add3A_282 : i32 to index
      %swap3A_374 = arith.constant 16 : index
      %swap3A_375 = tpu.vector_load %arg11[%swap3A_373, %swap3A_374] {strides = array<i32>} : memref<128x32xf32, #tpu.memory_space<vmem>>, vector<16xf32>,
      tpu.vector_store %arg11[%swap3A_373, %swap3A_374], %div3A_372 {strides = array<i32>} : memref<128x32xf32, #tpu.memory_space<vmem>>, vector<16xf32>,
      %scan3A_376 = arith.constant 0 : i32
      scf.yield %scan3A_376 : i32
    }
    %scan3A_47 = arith.constant 64 : i32
    "tpu.region"() ({
      %run_scoped3A = tpu.sem_alloc : memref<!tpu.dma_semaphore, #tpu.memory_space<semaphore_mem>>
      %dma_start3A = arith.constant 0 : i32
      %dma_start3A_48 = arith.constant 0 : i32
      %dma_start3A_49 = tpu.memref_slice %arg11[%dma_start3A, %dma_start3A_48] : memref<128x32xf32, #tpu.memory_space<vmem>> -> memref<128x32xf32, #tpu.memory_space<vmem>>
      %dma_start3A_50 = arith.constant 0 : i32
      %dma_start3A_51 = tpu.memref_slice %arg5[%mul3A_2, %dma_start3A_50] : memref<4096x32xf32, #tpu.memory_space<hbm>> -> memref<128x32xf32, #tpu.memory_space<hbm>>
      %dma_start3A_52 = arith.constant 0 : i32
      %dma_start3A_53 = tpu.memref_slice %arg5[%mul3A_2, %dma_start3A_52] : memref<4096x32xf32, #tpu.memory_space<hbm>> -> memref<128x32xf32, #tpu.memory_space<hbm>>
      %dma_start3A_54 = arith.constant 0 : i32
      %dma_start3A_55 = arith.constant 0 : i32
      %dma_start3A_56 = tpu.memref_slice %arg11[%dma_start3A_54, %dma_start3A_55] : memref<128x32xf32, #tpu.memory_space<vmem>> -> memref<128x32xf32, #tpu.memory_space<vmem>>
      tpu.enqueue_dma source(%dma_start3A_56 : memref<128x32xf32, #tpu.memory_space<vmem>>) target(%dma_start3A_53 : memref<128x32xf32, #tpu.memory_space<hbm>>) target_semaphore(%run_scoped3A : memref<!tpu.dma_semaphore, #tpu.memory_space<semaphore_mem>>)
      %dma_wait3A = arith.constant 0 : i32
      %dma_wait3A_57 = arith.constant 0 : i32
      %dma_wait3A_58 = tpu.memref_slice %arg11[%dma_wait3A, %dma_wait3A_57] : memref<128x32xf32, #tpu.memory_space<vmem>> -> memref<128x32xf32, #tpu.memory_space<vmem>>
      %dma_wait3A_59 = arith.constant 0 : i32
      %dma_wait3A_60 = tpu.memref_slice %arg5[%mul3A_2, %dma_wait3A_59] : memref<4096x32xf32, #tpu.memory_space<hbm>> -> memref<128x32xf32, #tpu.memory_space<hbm>>
      %dma_wait3A_61 = arith.constant 0 : i32
      %dma_wait3A_62 = tpu.memref_slice %arg5[%mul3A_2, %dma_wait3A_61] : memref<4096x32xf32, #tpu.memory_space<hbm>> -> memref<128x32xf32, #tpu.memory_space<hbm>>
      %dma_wait3A_63 = arith.constant 0 : i32
      %dma_wait3A_64 = arith.constant 0 : i32
      %dma_wait3A_65 = tpu.memref_slice %arg11[%dma_wait3A_63, %dma_wait3A_64] : memref<128x32xf32, #tpu.memory_space<vmem>> -> memref<128x32xf32, #tpu.memory_space<vmem>>
      tpu.wait_dma2 semaphore(%run_scoped3A : memref<!tpu.dma_semaphore, #tpu.memory_space<semaphore_mem>>) src(%dma_wait3A_65 : memref<128x32xf32, #tpu.memory_space<vmem>>) dst(%dma_wait3A_62 : memref<128x32xf32, #tpu.memory_space<hbm>>)
      tpu.yield
    }) : () -> ()
    return
  }
}

</mosaic_0001>

<sc_bundles>
// kernel: kernel.3.cloned.1.call-start
scs
__scs_entry_jumppad:
0x0: {  	(pc) =	sbr.rel $0x88, $3  }
0x1: {  	(tag) =	ssettag $0x0;
	lr =	simm.s32 $0x1  }
0x2: {  	[smem:$0x3F9E] =	sst lr;
	_ =	strace $0xD0000000  }
0x3: {  	_ = 	snop  }
0x4: {  	_ = 	snop  }
0x5: {  	_ = 	snop  }
0x6: {  	_ = 	snop  }
0x7: {  	_ = 	snop  }
__scs_overlays_trampoline_lowered:
0x8: {  	[smem:$0x3FAD] =	sst s0  }
0x9: {  	[smem:$0x3FAE] =	sst s1  }
0xa: {  	[smem:$0x3FAF] =	sst s2  }
0xb: {  	[smem:$0x3FB0] =	sst s3  }
0xc: {  	[smem:$0x3FB1] =	sst s4  }
0xd: {  	[smem:$0x3FB2] =	sst s5  }
0xe: {  	[smem:$0x3FB3] =	sst s6  }
0xf: {  	[smem:$0x3FB4] =	sst s7  }
0x10: {  	[smem:$0x3FB5] =	sst s8  }
0x11: {  	[smem:$0x3FB6] =	sst s9;
	s0 =	simm.s32 @!p0 $0x0  }
0x12: {  	s1 =	sld [smem:$0x3F9C];
	s0 =	simm.s32 @p0 $0x1  }
0x13: {  	[smem:$0x3FB7] =	sst s0;
	s0 =	simm.s32 @!p1 $0x0  }
0x14: {  	s2 =	sld [smem:$0x3F9B];
	s0 =	simm.s32 @p1 $0x1  }
0x15: {  	[smem:$0x3FB8] =	sst s0;
	s0 =	simm.s32 @!p2 $0x0  }
0x16: {  	s3 =	sld [smem:$0x3FDB];
	s0 =	simm.s32 @p2 $0x1  }
0x17: {  	s4 =	simm.s32 $0x1BF5;
	[smem:$0x3FBA] =	sst s0  }
0x18: {  	s0 =	sld [smem:$0x3F9D];
	_ =	swait.ge [sflag:s4], $0x0  }
0x19: {  	s7 =	sld [smem:$0x3F9E]  }
0x1a: {  	s8 =	sadd.s32 $0xFFFFE003, lr  }
0x1b: {  	s9 =	sadd.s32 $0xFFFFFEF7, lr;
	s5 =	simm.s32 $0xFFFFFFFF;
	p2 =	slt.u32 s8, $0xFFFFF086  }
0x1c: {  	p1 =	slt.u32 s9, $0xF7A;
	s5 =	simm.s32 @!p2 $0x0  }
0x1d: {  	s5 =	simm.s32 @p1 $0x1;
	p0 =	seq.s32 s7, s2  }
0x1e: {  	s7 =	smul.u32 @!p0 $0xF7A, s2;
	p2 =	seq.s32 @!p0 s5, $0x0  }
0x1f: {  	s9 =	smul.u32 $0xF7A, s1;
	s8 =	simm.s32 @!p0 $0x1BF5;
	p2 =	por !p2, p0  }
0x20: {  	[sflag:s8] =	ssyncset.s32 @!p0 $0xFFFFF086;
	s6 =	sadd.s32 @!p0 s3, s7;
	s7 =	simm.s32 @!p0 $0x108  }
0x21: {  	s3 =	sadd.s32 s3, s9;
	s6 =	sadd.s32 @!p0 $0x88, s6;
	s7 =	simm.s32 @p2 $0x1082  }
0x22: {  	[simem:s7], [sflag:s8] =	dma.local @!p0 [hbm:s6], $0xF7A  }
0x23: {  	s9 =	sor.u32 $0xD0000000, s2;
	s6 =	simm.s32 $0x108;
	_ =	swait.ge @!p0 [sflag:s8], $0x0  }
0x24: {  	s3 =	sadd.s32 $0x88, s3;
	s6 =	simm.s32 @!p1 $0x1082;
	[sflag:s4] =	ssyncset.s32 $0xFFFFF086  }
0x25: {  	[simem:s6], [sflag:s4] =	dma.local [hbm:s3], $0xF7A  }
0x26: {  	[smem:$0x3F9E] =	sst s1;
	(tag) =	ssettag s2;
	_ =	strace s9  }
0x27: {  	s1 =	sld [smem:$0x3FAE]  }
0x28: {  	s2 =	sld [smem:$0x3FAF]  }
0x29: {  	s4 =	sld [smem:$0x3FB1]  }
0x2a: {  	p0 =	seq.s32 s5, $0x0;
	s5 =	sld [smem:$0x3FB2]  }
0x2b: {  	s6 =	sld [smem:$0x3FB3]  }
0x2c: {  	s7 =	sld [smem:$0x3FB4]  }
0x2d: {  	s3 =	simm.s32 $0x108;
	s8 =	sld [smem:$0x3FB5]  }
0x2e: {  	s3 =	simm.s32 @!p0 $0x1082;
	s9 =	sld [smem:$0x3FB6]  }
0x2f: {  	lr =	sadd.s32 s0, s3;
	s0 =	sld [smem:$0x3FAD]  }
0x30: {  	s3 =	sld [smem:$0x3FB0]  }
0x31: {  	[smem:$0x3FB9] =	sst s10  }
0x32: {  	s10 =	sld [smem:$0x3FB7];
	_ =	sdelay $0x3  }
0x33: {  	p0 =	seq.s32 s10, $0x1;
	s10 =	sld [smem:$0x3FB9];
	_ =	sdelay $0x3  }
0x34: {  	[smem:$0x3FB9] =	sst s10  }
0x35: {  	s10 =	sld [smem:$0x3FB8];
	_ =	sdelay $0x3  }
0x36: {  	p1 =	seq.s32 s10, $0x1;
	s10 =	sld [smem:$0x3FB9];
	_ =	sdelay $0x3  }
0x37: {  	[smem:$0x3FB9] =	sst s10  }
0x38: {  	s10 =	sld [smem:$0x3FBA]  }
0x39: {  	_ = 	snop;
	(pc) =	sbr.ind lr, $3  }
0x3a: {  	_ = 	snop  }
0x3b: {  	_ = 	snop  }
0x3c: {  	p2 =	seq.s32 s10, $0x1;
	s10 =	sld [smem:$0x3FB9]  }
0x3d: {  	_ =	shalt  }
0x3e: {  	_ =	shalt  }
0x3f: {  	_ =	shalt  }
0x40: {  	_ =	shalt  }
0x41: {  	_ =	shalt  }
0x42: {  	_ =	shalt  }
0x43: {  	_ =	shalt  }
0x44: {  	_ =	shalt  }
0x45: {  	_ =	shalt  }
0x46: {  	_ =	shalt  }
0x47: {  	_ =	shalt  }
0x48: {  	_ =	shalt  }
0x49: {  	_ =	shalt  }
0x4a: {  	_ =	shalt  }
0x4b: {  	_ =	shalt  }
0x4c: {  	_ =	shalt  }
0x4d: {  	_ =	shalt  }
0x4e: {  	_ =	shalt  }
0x4f: {  	_ =	shalt  }
0x50: {  	_ =	shalt  }
0x51: {  	_ =	shalt  }
0x52: {  	_ =	shalt  }
0x53: {  	_ =	shalt  }
0x54: {  	_ =	shalt  }
0x55: {  	_ =	shalt  }
0x56: {  	_ =	shalt  }
0x57: {  	_ =	shalt  }
0x58: {  	_ =	shalt  }
0x59: {  	_ =	shalt  }
0x5a: {  	_ =	shalt  }
0x5b: {  	_ =	shalt  }
0x5c: {  	_ =	shalt  }
0x5d: {  	_ =	shalt  }
0x5e: {  	_ =	shalt  }
0x5f: {  	_ =	shalt  }
0x60: {  	_ =	shalt  }
0x61: {  	_ =	shalt  }
0x62: {  	_ =	shalt  }
0x63: {  	_ =	shalt  }
0x64: {  	_ =	shalt  }
0x65: {  	_ =	shalt  }
0x66: {  	_ =	shalt  }
0x67: {  	_ =	shalt  }
0x68: {  	_ =	shalt  }
0x69: {  	_ =	shalt  }
0x6a: {  	_ =	shalt  }
0x6b: {  	_ =	shalt  }
0x6c: {  	_ =	shalt  }
0x6d: {  	_ =	shalt  }
0x6e: {  	_ =	shalt  }
0x6f: {  	_ =	shalt  }
0x70: {  	_ =	shalt  }
0x71: {  	_ =	shalt  }
0x72: {  	_ =	shalt  }
0x73: {  	_ =	shalt  }
0x74: {  	_ =	shalt  }
0x75: {  	_ =	shalt  }
0x76: {  	_ =	shalt  }
0x77: {  	_ =	shalt  }
0x78: {  	_ =	shalt  }
0x79: {  	_ =	shalt  }
0x7a: {  	_ =	shalt  }
0x7b: {  	_ =	shalt  }
0x7c: {  	_ =	shalt  }
0x7d: {  	_ =	shalt  }
0x7e: {  	_ =	shalt  }
0x7f: {  	_ =	shalt  }
0x80: {  	_ =	shalt  }
0x81: {  	_ =	shalt  }
0x82: {  	_ =	shalt  }
0x83: {  	_ =	shalt  }
0x84: {  	_ =	shalt  }
0x85: {  	_ =	shalt  }
0x86: {  	_ =	shalt  }
0x87: {  	_ =	shalt  }
.Lfunc_end0:
.L_simem_size_0:
called_computation_lowered:
.L_overlay_start_0:
0x88: {  	s2 =	sld [smem:$0x3FD9]  }
0x89: {  	s3 =	sld [smem:$0x3FFE];
	_ =	sdelay $0x1  }
0x8a: {  	s1 =	srdreg.scid  }
0x8b: {  	s0 =	sand.u32 $0x1, s1  }
0x8c: {  	s17 =	sshll.u32 s0, $0xA;
	s2 =	sadd.s32 s3, s2  }
0x8d: {  	s2 =	sadd.s32 s2, s17  }
0x8e: {  	[smem:$0x3FC5] =	sst s2  }
0x8f: {  	_ = 	snop  }
0x90: {  	s2 =	sld [smem:$0x3FC8]  }
0x91: {  	s18 =	sld [smem:$0x3FD0];
	(tm) =	ssettm $0x1  }
0x92: {  	s4 =	sld [smem:$0x3FFB];
	_ =	sdelay $0x3  }
0x93: {  	_ =	strace s4  }
0x94: {  	s4 =	sld [smem:$0x3FFC];
	_ =	sdelay $0x3  }
0x95: {  	_ =	strace s4  }
0x96: {  	s4 =	sld [smem:$0x3FFD];
	_ =	sdelay $0x3  }
0x97: {  	_ =	strace s4  }
0x98: {  	_ =	strace $0x8FFFFFFF  }
0x99: {  	s19 =	sld [smem:$0x3FDB];
	_ =	sdelay $0x1  }
0x9a: {  	s5 =	simm.s32 $_scs_section_size  }
0x9b: {  	s6 =	simm.s32 $_size__tile_overlayer_lowered;
	s7 =	simm.s32 $_tile_overlayer_lowered  }
0x9c: {  	s22 =	simm.s32 $0x1BFF;
	s21 =	sshll.u32 s7, $0x1;
	s4 =	sadd.s32 s5, s19  }
0x9d: {  	s8 =	simm.s32 $0x0;
	s20 =	sshll.u32 s6, $0x1;
	s6 =	sadd.s32 s21, s4  }
0x9e: {  	[timem:s8], [sflag:s22] =	dma.local [hbm:s6], s20  }
0x9f: {  	_ =	swait.ge [sflag:s22], s20  }
0xa0: {  	s5 =	ssub.s32 $0x0, s20;
	[sflag:s22] =	ssyncset.done $0x0  }
0xa1: {  	[sflag:s22] =	ssyncadd.s32 s5;
	_ =	sdelay $0x1  }
0xa2: {  	s23 =	simm.s32 $0x1B8B  }
0xa3: {  	_ =	swait.ge [sflag:s23], $0x1  }
0xa4: {  	[sflag:s23] =	ssyncset.done $0x0  }
0xa5: {  	s25 =	simm.s32 $0x1B8E;
	s24 =	sld [smem:$0x3FFE];
	[sflag:s23] =	ssyncadd.s32 $0xFFFFFFFF  }
0xa6: {  	s26 =	simm.s32 $execute0_lowered;
	[smem:$0x3FD2] =	sst s25  }
0xa7: {  	s6 =	sshll.u32 s26, $0x1;
	_ =	strace $0x80000046;
	[dreg:$0x1] =	wrdreg $0xFFFFFFFF  }
0xa8: {  	s28 =	simm.s32 $_size_execute0_lowered;
	s4 =	sadd.s32 s4, s6;
	[dreg:$0x0] =	wrdreg $0x0  }
0xa9: {  	s6 =	sshll.u32 s28, $0x1;
	[dreg:$0x2] =	wrdreg s4  }
0xaa: {  	[dreg:$0x3] =	wrdreg s6  }
0xab: {  	[dreg:$0x4] =	wrdreg $0xC0  }
0xac: {  	_ =	task [dreg:s8], $0x5FFFF  }
0xad: {  	[dreg:$0x1] =	wrdreg $0xFFFFFFFF  }
0xae: {  	[dreg:$0x0] =	wrdreg $0x60  }
0xaf: {  	[dreg:$0x2] =	wrdreg s24  }
0xb0: {  	[dreg:$0x3] =	wrdreg s2  }
0xb1: {  	[dreg:$0x4] =	wrdreg s18  }
0xb2: {  	[dreg:$0x5] =	wrdreg $0x9  }
0xb3: {  	_ =	task.clear_ibuf [dreg:s8], $0x6FFFF;
	_ =	strace $0x90000046  }
0xb4: {  	s29 =	simm.s32 $0x9;
	_ =	strace $0x80000048  }
0xb5: {  	_ =	swait.ge [sflag:s29], $0x1  }
0xb6: {  	[sflag:s29] =	ssyncadd.s32 $0xFFFFFFFF  }
0xb7: {  	_ =	strace $0x90000048  }
0xb8: {  	_ =	sfence  }
0xb9: {  	s30 =	sld [smem:$0x0];
	_ =	sdelay $0x2  }
0xba: {  	s31 =	sshll.u32 s1, $0xD;
	s1 =	sshrl.u32 s1, $0x2  }
0xbb: {  	s3 =	sand.u32 $0x4000, s31;
	s1 =	sadd.s32 s1, s30  }
0xbc: {  	s0 =	sor.u32 s3, s0;
	s1 =	sshll.u32 s1, $0x11  }
0xbd: {  	s0 =	sor.u32 s1, s0  }
0xbe: {  	s0 =	sadd.s32 $0x8F2B, s0  }
0xbf: {  	[sflag:s0] =	ssyncadd.remote.s32 $0x1  }
0xc0: {  	_ =	sfence.sel $0xFFFF  }
0xc1: {  	[dreg:$0x0] =	wrdreg $0xFFFFFFFF;
	(pc) =	sbr.abs _section_cstart, $3  }
0xc2: {  	[dreg:$0x1] =	wrdreg $0xFFFFFFFF  }
0xc3: {  	_ =	task.clear_ibuf [dreg:s8], $0x2FFFF;
	_ =	strace $0x9FFFFFFF  }
0xc4: {  	(tm) =	ssettm $0x7FFFFFFF  }
0xc5: {  	_ =	shalt  }
tec
execute0_lowered:
.L_overlay_start_1:
0x0: {  	(tag) =	ssettag $0x1  }
0x1: {  	v0 =	vimm.f32 $1.500000000e+01;
	vm14 =	vcmask $0x300  }
0x2: {  	vm13 =	vcmask $0x704;
	vm12 =	vcmask $0xB08;
	vm11 =	vcmask $0xF0C  }
0x3: {  	vm10 =	vcmask $0x1310;
	vm9 =	vcmask $0x1714;
	vm8 =	vcmask $0x1B18  }
0x4: {  	vm7 =	vcmask $0x1F1C;
	vm6 =	vcmask $0x2320;
	vm5 =	vcmask $0x2724  }
0x5: {  	vm4 =	vcmask $0x2B28;
	vm3 =	vcmask $0x2F2C;
	vm2 =	vcmask $0x3330  }
0x6: {  	vm1 =	vcmask $0x3734;
	vm0 =	vcmask $0x3B38;
	v2 =	vimm.f32 $3.100000000e+01  }
0x7: {  	v3 =	vimm.f32 $4.700000000e+01;
	v4 =	vimm.f32 $6.300000000e+01;
	v5 =	vimm.f32 $7.900000000e+01  }
0x8: {  	v6 =	vimm.f32 $9.500000000e+01;
	v7 =	vimm.f32 $1.110000000e+02;
	v8 =	vimm.f32 $1.270000000e+02  }
0x9: {  	v9 =	vimm.f32 $1.430000000e+02;
	v10 =	vimm.f32 $1.590000000e+02;
	v11 =	vimm.f32 $1.750000000e+02  }
0xa: {  	v12 =	vimm.f32 $1.910000000e+02;
	v13 =	vimm.f32 $1.990000000e+02;
	v0 =	vsel vm14, $0x0, v0  }
0xb: {  	v2 =	vsel vm14, $0x41800000, v2;
	v3 =	vsel vm14, $0x42000000, v3;
	v4 =	vsel vm14, $0x42400000, v4  }
0xc: {  	v5 =	vsel vm14, $0x42800000, v5;
	v6 =	vsel vm14, $0x42A00000, v6;
	v7 =	vsel vm14, $0x42C00000, v7  }
0xd: {  	v8 =	vsel vm14, $0x42E00000, v8;
	v9 =	vsel vm14, $0x43000000, v9;
	v10 =	vsel vm14, $0x43100000, v10  }
0xe: {  	v11 =	vsel vm14, $0x43200000, v11;
	v12 =	vsel vm14, $0x43300000, v12;
	v13 =	vsel vm14, $0x43380000, v13  }
0xf: {  	v0 =	vsel vm13, $0x3F800000, v0;
	v2 =	vsel vm13, $0x41880000, v2;
	v3 =	vsel vm13, $0x42040000, v3  }
0x10: {  	v4 =	vsel vm13, $0x42440000, v4;
	v5 =	vsel vm13, $0x42820000, v5;
	v6 =	vsel vm13, $0x42A20000, v6  }
0x11: {  	v7 =	vsel vm13, $0x42C20000, v7;
	v8 =	vsel vm13, $0x42E20000, v8;
	v9 =	vsel vm13, $0x43010000, v9  }
0x12: {  	v10 =	vsel vm13, $0x43110000, v10;
	v11 =	vsel vm13, $0x43210000, v11;
	v12 =	vsel vm13, $0x43310000, v12  }
0x13: {  	v13 =	vsel vm13, $0x43390000, v13;
	v0 =	vsel vm12, $0x40000000, v0;
	v2 =	vsel vm12, $0x41900000, v2  }
0x14: {  	v3 =	vsel vm12, $0x42080000, v3;
	v4 =	vsel vm12, $0x42480000, v4;
	v5 =	vsel vm12, $0x42840000, v5  }
0x15: {  	v6 =	vsel vm12, $0x42A40000, v6;
	v7 =	vsel vm12, $0x42C40000, v7;
	v8 =	vsel vm12, $0x42E40000, v8  }
0x16: {  	v9 =	vsel vm12, $0x43020000, v9;
	v10 =	vsel vm12, $0x43120000, v10;
	v11 =	vsel vm12, $0x43220000, v11  }
0x17: {  	v12 =	vsel vm12, $0x43320000, v12;
	v13 =	vsel vm12, $0x433A0000, v13;
	v0 =	vsel vm11, $0x40400000, v0  }
0x18: {  	v2 =	vsel vm11, $0x41980000, v2;
	v3 =	vsel vm11, $0x420C0000, v3;
	v4 =	vsel vm11, $0x424C0000, v4  }
0x19: {  	v5 =	vsel vm11, $0x42860000, v5;
	v6 =	vsel vm11, $0x42A60000, v6;
	v7 =	vsel vm11, $0x42C60000, v7  }
0x1a: {  	v8 =	vsel vm11, $0x42E60000, v8;
	v9 =	vsel vm11, $0x43030000, v9;
	v10 =	vsel vm11, $0x43130000, v10  }
0x1b: {  	v11 =	vsel vm11, $0x43230000, v11;
	v12 =	vsel vm11, $0x43330000, v12;
	v13 =	vsel vm11, $0x433B0000, v13  }
0x1c: {  	v0 =	vsel vm10, $0x40800000, v0;
	v2 =	vsel vm10, $0x41A00000, v2;
	v3 =	vsel vm10, $0x42100000, v3  }
0x1d: {  	v4 =	vsel vm10, $0x42500000, v4;
	v5 =	vsel vm10, $0x42880000, v5;
	v6 =	vsel vm10, $0x42A80000, v6  }
0x1e: {  	v7 =	vsel vm10, $0x42C80000, v7;
	v8 =	vsel vm10, $0x42E80000, v8;
	v9 =	vsel vm10, $0x43040000, v9  }
0x1f: {  	v10 =	vsel vm10, $0x43140000, v10;
	v11 =	vsel vm10, $0x43240000, v11;
	v12 =	vsel vm10, $0x43340000, v12  }
0x20: {  	v13 =	vsel vm10, $0x433C0000, v13;
	v0 =	vsel vm9, $0x40A00000, v0;
	v2 =	vsel vm9, $0x41A80000, v2  }
0x21: {  	v3 =	vsel vm9, $0x42140000, v3;
	v4 =	vsel vm9, $0x42540000, v4;
	v5 =	vsel vm9, $0x428A0000, v5  }
0x22: {  	v6 =	vsel vm9, $0x42AA0000, v6;
	v7 =	vsel vm9, $0x42CA0000, v7;
	v8 =	vsel vm9, $0x42EA0000, v8  }
0x23: {  	v9 =	vsel vm9, $0x43050000, v9;
	v10 =	vsel vm9, $0x43150000, v10;
	v11 =	vsel vm9, $0x43250000, v11  }
0x24: {  	v12 =	vsel vm9, $0x43350000, v12;
	v13 =	vsel vm9, $0x433D0000, v13;
	v0 =	vsel vm8, $0x40C00000, v0  }
0x25: {  	v2 =	vsel vm8, $0x41B00000, v2;
	v3 =	vsel vm8, $0x42180000, v3;
	v4 =	vsel vm8, $0x42580000, v4  }
0x26: {  	v5 =	vsel vm8, $0x428C0000, v5;
	v6 =	vsel vm8, $0x42AC0000, v6;
	v7 =	vsel vm8, $0x42CC0000, v7  }
0x27: {  	v8 =	vsel vm8, $0x42EC0000, v8;
	v9 =	vsel vm8, $0x43060000, v9;
	v10 =	vsel vm8, $0x43160000, v10  }
0x28: {  	v11 =	vsel vm8, $0x43260000, v11;
	v12 =	vsel vm8, $0x43360000, v12;
	v13 =	vsel vm8, $0x433E0000, v13  }
0x29: {  	v0 =	vsel vm7, $0x40E00000, v0;
	v2 =	vsel vm7, $0x41B80000, v2;
	v3 =	vsel vm7, $0x421C0000, v3  }
0x2a: {  	v4 =	vsel vm7, $0x425C0000, v4;
	v5 =	vsel vm7, $0x428E0000, v5;
	v6 =	vsel vm7, $0x42AE0000, v6  }
0x2b: {  	v7 =	vsel vm7, $0x42CE0000, v7;
	v8 =	vsel vm7, $0x42EE0000, v8;
	v9 =	vsel vm7, $0x43070000, v9  }
0x2c: {  	v10 =	vsel vm7, $0x43170000, v10;
	v11 =	vsel vm7, $0x43270000, v11;
	v12 =	vsel vm7, $0x43370000, v12  }
0x2d: {  	v13 =	vsel vm7, $0x433F0000, v13;
	v0 =	vsel vm6, $0x41000000, v0;
	v2 =	vsel vm6, $0x41C00000, v2  }
0x2e: {  	v3 =	vsel vm6, $0x42200000, v3;
	v4 =	vsel vm6, $0x42600000, v4;
	v5 =	vsel vm6, $0x42900000, v5  }
0x2f: {  	v6 =	vsel vm6, $0x42B00000, v6;
	v7 =	vsel vm6, $0x42D00000, v7;
	v8 =	vsel vm6, $0x42F00000, v8  }
0x30: {  	v9 =	vsel vm6, $0x43080000, v9;
	v10 =	vsel vm6, $0x43180000, v10;
	v11 =	vsel vm6, $0x43280000, v11  }
0x31: {  	v12 =	vsel vm6, $0x43380000, v12;
	v13 =	vsel vm6, $0x43400000, v13;
	v0 =	vsel vm5, $0x41100000, v0  }
0x32: {  	v2 =	vsel vm5, $0x41C80000, v2;
	v3 =	vsel vm5, $0x42240000, v3;
	v4 =	vsel vm5, $0x42640000, v4  }
0x33: {  	v5 =	vsel vm5, $0x42920000, v5;
	v6 =	vsel vm5, $0x42B20000, v6;
	v7 =	vsel vm5, $0x42D20000, v7  }
0x34: {  	v8 =	vsel vm5, $0x42F20000, v8;
	v9 =	vsel vm5, $0x43090000, v9;
	v10 =	vsel vm5, $0x43190000, v10  }
0x35: {  	v11 =	vsel vm5, $0x43290000, v11;
	v12 =	vsel vm5, $0x43390000, v12;
	v13 =	vsel vm5, $0x43410000, v13  }
0x36: {  	v0 =	vsel vm4, $0x41200000, v0;
	v2 =	vsel vm4, $0x41D00000, v2;
	v3 =	vsel vm4, $0x42280000, v3  }
0x37: {  	v4 =	vsel vm4, $0x42680000, v4;
	v5 =	vsel vm4, $0x42940000, v5;
	v6 =	vsel vm4, $0x42B40000, v6  }
0x38: {  	v7 =	vsel vm4, $0x42D40000, v7;
	v8 =	vsel vm4, $0x42F40000, v8;
	v9 =	vsel vm4, $0x430A0000, v9  }
0x39: {  	v10 =	vsel vm4, $0x431A0000, v10;
	v11 =	vsel vm4, $0x432A0000, v11;
	v12 =	vsel vm4, $0x433A0000, v12  }
0x3a: {  	v13 =	vsel vm4, $0x43420000, v13;
	v0 =	vsel vm3, $0x41300000, v0;
	v2 =	vsel vm3, $0x41D80000, v2  }
0x3b: {  	v3 =	vsel vm3, $0x422C0000, v3;
	v4 =	vsel vm3, $0x426C0000, v4;
	v5 =	vsel vm3, $0x42960000, v5  }
0x3c: {  	v6 =	vsel vm3, $0x42B60000, v6;
	v7 =	vsel vm3, $0x42D60000, v7;
	v8 =	vsel vm3, $0x42F60000, v8  }
0x3d: {  	v9 =	vsel vm3, $0x430B0000, v9;
	v10 =	vsel vm3, $0x431B0000, v10;
	v11 =	vsel vm3, $0x432B0000, v11  }
0x3e: {  	v12 =	vsel vm3, $0x433B0000, v12;
	v13 =	vsel vm3, $0x43430000, v13;
	v0 =	vsel vm2, $0x41400000, v0  }
0x3f: {  	v2 =	vsel vm2, $0x41E00000, v2;
	v3 =	vsel vm2, $0x42300000, v3;
	v4 =	vsel vm2, $0x42700000, v4  }
0x40: {  	v5 =	vsel vm2, $0x42980000, v5;
	v6 =	vsel vm2, $0x42B80000, v6;
	v7 =	vsel vm2, $0x42D80000, v7  }
0x41: {  	s3 =	rddreg [dreg:$0x0];
	s1 =	srdreg.scid;
	v8 =	vsel vm2, $0x42F80000, v8;
	v9 =	vsel vm2, $0x430C0000, v9;
	v10 =	vsel vm2, $0x431C0000, v10  }
0x42: {  	s5 =	rddreg [dreg:$0x1];
	s0 =	stileid.u32;
	v11 =	vsel vm2, $0x432C0000, v11;
	v12 =	vsel vm2, $0x433C0000, v12;
	v13 =	vsel vm2, $0x43440000, v13  }
0x43: {  	s6 =	rddreg [dreg:$0x2];
	s2 =	simm.s32 $0x0;
	s4 =	sand.u32 $0x1, s1;
	v1 =	vsel vm1, $0x41500000, v0;
	v0 =	vlaneseq.u32;
	v2 =	vsel vm1, $0x41E80000, v2  }
0x44: {  	s11 =	simm.s32 $0xA600;
	s8 =	sshll.u32 s0, $0x7;
	s7 =	sshll.u32 s4, $0xB;
	v3 =	vsel vm1, $0x42340000, v3;
	v4 =	vsel vm1, $0x42740000, v4;
	v5 =	vsel vm1, $0x429A0000, v5  }
0x45: {  	s12 =	simm.s32 $0x0;
	s1 =	rddreg [dreg:$0x3];
	s7 =	sor.u32 s8, s7;
	v6 =	vsel vm1, $0x42BA0000, v6;
	v7 =	vsel vm1, $0x42DA0000, v7;
	v8 =	vsel vm1, $0x42FA0000, v8  }
0x46: {  	[smem:$0x7FF] =	sst s2;
	s4 =	ssub.s32 $0x2, s4;
	s8 =	smul.u32 $0x19, s7;
	v9 =	vsel vm1, $0x430D0000, v9;
	v10 =	vsel vm1, $0x431D0000, v10;
	v11 =	vsel vm1, $0x432D0000, v11  }
.Ltmp0:
0x47: {  	_ =	strace $0x80000047;
	s9 =	sshrl.u32 s4, $0x1;
	v12 =	vsel vm1, $0x433D0000, v12;
	v13 =	vsel vm1, $0x43450000, v13;
	v1 =	vsel vm0, $0x41600000, v1;
	(pc) =	sbr.rel .LBB2_1-.Ltmp0, $4  }
0x48: {  	s9 =	ssub.s32 s4, s9;
	s10 =	sshrl.u32 s7, $0x3;
	s7 =	sshll.u32 s7, $0x2;
	v2 =	vsel vm0, $0x41F00000, v2;
	v3 =	vsel vm0, $0x42380000, v3;
	v4 =	vsel vm0, $0x42780000, v4  }
0x49: {  	s5 =	sadd.s32 s5, s10;
	s6 =	sadd.s32 s6, s7;
	s7 =	smax.u32 s9, $0x1;
	v5 =	vsel vm0, $0x429C0000, v5;
	v6 =	vsel vm0, $0x42BC0000, v6;
	v7 =	vsel vm0, $0x42DC0000, v7  }
0x4a: {  	s9 =	simm.s32 $0xB600;
	s10 =	simm.s32 $0xB620;
	s8 =	sadd.s32 s8, s3;
	v8 =	vsel vm0, $0x42FC0000, v8;
	v9 =	vsel vm0, $0x430E0000, v9;
	v10 =	vsel vm0, $0x431E0000, v10  }
0x4b: {  	s3 =	sadd.s32 $0xF42A00, s3;
	s4 =	sadd.s32 $0x600, s8;
	s8 =	simm.s32 $0x3;
	v11 =	vsel vm0, $0x432E0000, v11;
	v12 =	vsel vm0, $0x433E0000, v12;
	v13 =	vsel vm0, $0x43460000, v13  }
.LBB2_27:
0x4c: {  	s12 =	sadd.s32 $0x1, s12  }
0x4d: {  	p0 =	sne.s32 s12, s7  }
.Ltmp1:
0x4e: {  	_ = 	snop;
	(pc) =	sbr.rel @!p0 .LBB2_28-.Ltmp1, $4  }
0x4f: {  	[hbm4b:s6+s2] =	stream.linear.scatter [tilespmem:s11], [sflag:$0x3], $0x1000, $0x38;
	[tilespmem:$0xB6A0] =	vst v63  }
0x50: {  	_ =	swait.ge [sflag:s8], $0x1000  }
0x51: {  	[sflag:s8] =	ssyncset.done $0x0  }
0x52: {  	[sflag:s8] =	ssyncadd.s32 $0xFFFFF000  }
.LBB2_1:
0x53: {  	[tilespmem:s2], [sflag:$0x3] =	stream.linear.gather [hbm4b:s4+s2], $0x6400, $0x38;
	[tilespmem:$0xB6A0] =	vst v63  }
0x54: {  	_ =	swait.ge [sflag:s8], $0x6400  }
0x55: {  	[sflag:s8] =	ssyncset.done $0x0  }
0x56: {  	[sflag:s8] =	ssyncadd.s32 $0xFFFF9C00  }
0x57: {  	[tilespmem:s9], [sflag:$0x3] =	stream.linear.gather [hbm4b:s3+s2], $0x20, $0x38;
	[tilespmem:$0xB6A0] =	vst v63  }
0x58: {  	_ =	swait.ge [sflag:s8], $0x20  }
0x59: {  	[sflag:s8] =	ssyncset.done $0x0  }
0x5a: {  	[sflag:s8] =	ssyncadd.s32 $0xFFFFFFE0  }
0x5b: {  	[tilespmem:s10], [sflag:$0x3] =	stream.linear.gather [hbm4b:s5+s2], $0x80, $0x38;
	[tilespmem:$0xB6A0] =	vst v63  }
0x5c: {  	_ =	swait.ge [sflag:s8], $0x80  }
0x5d: {  	s13 =	simm.s32 $0x6C00;
	s14 =	simm.s32 $0x6400;
	[sflag:s8] =	ssyncset.done $0x0  }
0x5e: {  	s15 =	simm.s32 $0x60;
	s16 =	simm.s32 $0x0;
	[sflag:s8] =	ssyncadd.s32 $0xFFFFFF80  }
.LBB2_2:
0x5f: {  	s17 =	sshll.u32 s16, $0x4  }
0x60: {  	v14 =	vld [tilespmem:s17+$0xB620];
	_ =	sdelay $0x2  }
0x61: {  	s22 =	simm.s32 $0x0  }
0x62: {  	v15 =	vmov s22  }
0x63: {  	vm0 =	veq.s32 v15, v0;
	v14 =	vxor.u32 $0x80000000, v14  }
0x64: {  	v15 =	vnsel vm0, $0x80000000, v14  }
0x65: {  	(xrf0) =	vmax.scan.msk.u32 $0xffff, v15;
	_ =	sdelay $0x5  }
0x66: {  	v15, _, _ =	vpop (xrf0)  }
0x67: {  	(v2sf) =	vpush v15, $0xF;
	_ =	sdelay $0x2  }
0x68: {  	s23 =	simm.s32 $0x1  }
0x69: {  	v15 =	vmov s23  }
0x6a: {  	vm0 =	veq.s32 v15, v0  }
0x6b: {  	v15 =	vnsel vm0, $0x80000000, v14  }
0x6c: {  	(xrf0) =	vmax.scan.msk.u32 $0xffff, v15;
	_ =	sdelay $0x5  }
0x6d: {  	v15, _, _ =	vpop (xrf0)  }
0x6e: {  	(v2sf) =	vpush v15, $0xF  }
0x6f: {  	s24 =	spop (v2sf)  }
0x70: {  	s18 =	sadd.s32 $0x8000001F, s24  }
0x71: {  	s19 =	sand.u32 $0x1F, s18  }
0x72: {  	s20 =	sshra.s32 s18, $0x1F;
	p0 =	slt.s32 s18, $0x1;
	p1 =	sne.s32 s19, $0x0  }
0x73: {  	s25 =	sshrl.u32 s20, $0x1B;
	p0 =	por !p0, !p1  }
0x74: {  	s19 =	simm.s32 $0x1;
	s18 =	sadd.s32 s25, s18;
	p0 =	por !p0, !p0  }
0x75: {  	s18 =	sshrl.u32 s18, $0x5;
	s19 =	simm.s32 @!p0 $0x0  }
0x76: {  	s18 =	ssub.s32 s18, s19  }
0x77: {  	s18 =	sshll.u32 s18, $0x5  }
0x78: {  	s17 =	sxor.u32 $0x80000000, s24;
	p0 =	slt.s32 s18, $0xC8  }
0x79: {  	s17 =	scvt.s32.f32 s17;
	s18 =	simm.s32 @!p0 $0xC8  }
0x7a: {  	s26 =	simm.s32 $0x2;
	s18 =	scvt.s32.f32 s18  }
0x7b: {  	v17 =	vmov s26;
	v15 =	vmov s17  }
0x7c: {  	vm1 =	veq.s32 v17, v0;
	[tilespmem:s14+$0x0] =	vst v15;
	v16 =	vmov s18  }
0x7d: {  	v19 =	vnsel vm1, $0x80000000, v14;
	s24 =	simm.s32 $0x3;
	s20 =	smov.u32 s15;
	s28 =	spop (v2sf);
	[tilespmem:s13+$0x0] =	vst v16  }
0x7e: {  	(xrf0) =	vmax.scan.msk.u32 $0xffff, v19;
	s19 =	smov.u32 s13;
	s29 =	sxor.u32 $0x80000000, s28;
	s18 =	sadd.s32 $0x8000001F, s28;
	v16 =	vld [tilespmem:s15+$0x20]  }
0x7f: {  	s21 =	scvt.s32.f32 s29;
	s30 =	sshra.s32 s18, $0x1F;
	s31 =	sand.u32 $0x1F, s18;
	v18 =	vld [tilespmem:s15+$0x50]  }
0x80: {  	vm4 =	vgt.f32 v15, v9;
	p5 =	slt.s32 s18, $0x1;
	s17 =	sshrl.u32 s30, $0x1B;
	p6 =	sne.s32 s31, $0x0;
	v17 =	vld [tilespmem:s15+$0xFFFFFFA0]  }
0x81: {  	vm0 =	vgt.f32 v15, v11;
	vm1 =	vgt.f32 v15, v10;
	vm2 =	vgt.f32 v15, v4;
	v20 =	vld [tilespmem:s15+$0x10];
	s18 =	sadd.s32 s17, s18;
	p0 =	por !p5, !p6;
	s17 =	sadd.s32 $0xC8, s15  }
0x82: {  	vm5 =	vgt.f32 v15, v5;
	vm6 =	vgt.f32 v15, v12;
	vm3 =	vgt.f32 v15, v6;
	v19 =	vld [tilespmem:s15+$0xFFFFFFB0];
	s23 =	sshrl.u32 s18, $0x5;
	p1 =	por !p0, !p0;
	s18 =	sadd.s32 $0x10, s14  }
.LBB2_3:
0x83: {  	s25 =	simm.s32 $0x1;
	s19 =	sadd.s32 $0x10, s19  }
0x84: {  	v21, _, _ =	vpop (xrf0);
	vm7 =	vgt.f32 v15, v1;
	v22 =	vld [tilespmem:s20+$0xFFFFFFE0];
	s26 =	smov.u32 s24;
	s22 =	sadd.s32 $0x1, s24;
	s25 =	simm.s32 @!p1 $0x0  }
0x85: {  	p0 =	sne.s32 s24, $0xF;
	v16 =	vnsel vm4, $0x0, v16;
	v18 =	vnsel vm6, $0x0, v18;
	(v2sf) =	vpush v21, $0xF;
	s23 =	ssub.s32 s23, s25;
	v21 =	vld [tilespmem:s20+$0xFFFFFFD0]  }
0x86: {  	vm4 =	vgt.f32 v15, v8;
	v17 =	vnsel vm7, $0x0, v17;
	s23 =	sshll.u32 s23, $0x5;
	v23 =	vld [tilespmem:s20+$0xFFFFFFC0];
	[tilespmem:s20+$0x50] =	vst v18  }
0x87: {  	vm6 =	vgt.f32 v15, v2;
	v18 =	vnsel vm4, $0x0, v20;
	p1 =	slt.s32 s23, $0xC8;
	[tilespmem:s20+$0x20] =	vst v16;
	v16 =	vld [tilespmem:s20+$0x58]  }
0x88: {  	v19 =	vnsel vm6, $0x0, v19;
	s23 =	simm.s32 @!p1 $0xC8;
	v20 =	vld [tilespmem:s20+$0x0];
	[tilespmem:s20+$0x10] =	vst v18  }
0x89: {  	s23 =	scvt.s32.f32 s23;
	[tilespmem:s20+$0xFFFFFFA0] =	vst v17;
	v17 =	vnsel vm5, $0x0, v22;
	v18 =	vld [tilespmem:s20+$0x30]  }
0x8a: {  	vm6 =	vgt.f32 v15, v13;
	v22 =	vmov s21;
	vm5 =	vgt.f32 v15, v3;
	[tilespmem:s20+$0xFFFFFFE0] =	vst v17;
	v17 =	vld [tilespmem:s20+$0xFFFFFFF0]  }
0x8b: {  	vm4 =	vgt.f32 v22, v9;
	v24 =	vmov s23;
	[tilespmem:s20+$0xFFFFFFB0] =	vst v19;
	v19 =	vnsel vm5, $0x0, v23;
	v23 =	vld [tilespmem:s20+$0x40]  }
0x8c: {  	[tilespmem:s20+$0xFFFFFFC0] =	vst v19;
	v19 =	vnsel vm2, $0x0, v21;
	vm2 =	vgt.f32 v15, v7;
	v16 =	vnsel vm6, $0x0, v16;
	v15 =	vmovc v22  }
0x8d: {  	v20 =	vnsel vm2, $0x0, v20;
	[tilespmem:s20+$0x58] =	vst v16  }
0x8e: {  	[tilespmem:s20+$0x0] =	vst v20;
	v16 =	vnsel vm1, $0x0, v18  }
0x8f: {  	v17 =	vnsel vm3, $0x0, v17;
	[tilespmem:s20+$0x30] =	vst v16  }
0x90: {  	[tilespmem:s20+$0xFFFFFFF0] =	vst v17;
	v16 =	vnsel vm0, $0x0, v23  }
0x91: {  	v17 =	vmov s26;
	[tilespmem:s20+$0x40] =	vst v16  }
0x92: {  	vm0 =	vgt.f32 v15, v11;
	vm1 =	veq.s32 v17, v0;
	[tilespmem:s20+$0xFFFFFFD0] =	vst v19;
	s20 =	smov.u32 s17  }
0x93: {  	v16 =	vnsel vm1, $0x80000000, v14;
	vm1 =	vgt.f32 v15, v10;
	[tilespmem:s18+$0x0] =	vst v15  }
0x94: {  	s18 =	sadd.s32 $0x10, s18;
	(xrf0) =	vmax.scan.msk.u32 $0xffff, v16;
	s21 =	spop (v2sf);
	[tilespmem:s19+$0x0] =	vst v24  }
.Ltmp2:
0x95: {  	vm2 =	vgt.f32 v15, v4;
	s23 =	sxor.u32 $0x80000000, s21;
	s24 =	sadd.s32 $0x8000001F, s21;
	v16 =	vld [tilespmem:s17+$0x20];
	(pc) =	sbr.rel @p0 .LBB2_3-.Ltmp2, $4  }
0x96: {  	vm5 =	vgt.f32 v15, v5;
	vm6 =	vgt.f32 v15, v12;
	s21 =	scvt.s32.f32 s23;
	s23 =	sshra.s32 s24, $0x1F;
	s25 =	sand.u32 $0x1F, s24;
	v18 =	vld [tilespmem:s17+$0x50]  }
0x97: {  	vm3 =	vgt.f32 v15, v6;
	p1 =	slt.s32 s24, $0x1;
	s23 =	sshrl.u32 s23, $0x1B;
	p2 =	sne.s32 s25, $0x0;
	v17 =	vld [tilespmem:s17+$0xFFFFFFA0]  }
0x98: {  	s17 =	sadd.s32 $0xC8, s17;
	s23 =	sadd.s32 s23, s24;
	p1 =	por !p1, !p2;
	v20 =	vld [tilespmem:s20+$0x10]  }
0x99: {  	s24 =	smov.u32 s22;
	s23 =	sshrl.u32 s23, $0x5;
	p1 =	por !p1, !p1;
	v19 =	vld [tilespmem:s20+$0xFFFFFFB0]  }
0x9a: {  	v14 =	vld [tilespmem:s20+$0xFFFFFFE0]  }
0x9b: {  	v16 =	vnsel vm4, $0x0, v16;
	v21 =	vld [tilespmem:s20+$0x0]  }
0x9c: {  	vm9 =	vgt.f32 v15, v1;
	v33 =	vld [tilespmem:s20+$0xFFFFFFF0];
	v18 =	vnsel vm6, $0x0, v18;
	[tilespmem:s20+$0x20] =	vst v16  }
0x9d: {  	vm8 =	vgt.f32 v15, v8;
	[tilespmem:s20+$0x50] =	vst v18;
	v17 =	vnsel vm9, $0x0, v17  }
0x9e: {  	v22 =	vld [tilespmem:s20+$0xFFFFFFD0];
	v20 =	vnsel vm8, $0x0, v20;
	[tilespmem:s20+$0xFFFFFFA0] =	vst v17  }
0x9f: {  	v30 =	vld [tilespmem:s20+$0xFFFFFFC0];
	vm10 =	vgt.f32 v15, v2;
	vm13 =	vgt.f32 v15, v7;
	[tilespmem:s20+$0x10] =	vst v20;
	v14 =	vnsel vm5, $0x0, v14  }
0xa0: {  	vm11 =	vgt.f32 v15, v3;
	vm12 =	vgt.f32 v15, v13;
	v15, _, _ =	vpop (xrf0);
	v31 =	vld [tilespmem:s20+$0x58];
	v35 =	vnsel vm13, $0x0, v21;
	[tilespmem:s20+$0xFFFFFFE0] =	vst v14  }
0xa1: {  	v32 =	vld [tilespmem:s20+$0x30];
	s22 =	simm.s32 $0x1;
	(v2sf) =	vpush v15, $0xF;
	v15 =	vnsel vm3, $0x0, v33;
	[tilespmem:s20+$0x0] =	vst v35  }
0xa2: {  	v34 =	vld [tilespmem:s20+$0x40];
	s22 =	simm.s32 @!p1 $0x0;
	v14 =	vnsel vm10, $0x0, v19;
	[tilespmem:s20+$0xFFFFFFF0] =	vst v15  }
0xa3: {  	s22 =	ssub.s32 s23, s22;
	v15 =	vnsel vm2, $0x0, v22;
	[tilespmem:s20+$0xFFFFFFB0] =	vst v14  }
0xa4: {  	s22 =	sshll.u32 s22, $0x5;
	v14 =	vnsel vm11, $0x0, v30;
	[tilespmem:s20+$0xFFFFFFD0] =	vst v15  }
0xa5: {  	p0 =	slt.s32 s22, $0xC8;
	[tilespmem:s20+$0xFFFFFFC0] =	vst v14;
	v14 =	vnsel vm12, $0x0, v31  }
0xa6: {  	s22 =	simm.s32 @!p0 $0xC8;
	[tilespmem:s20+$0x58] =	vst v14;
	v14 =	vnsel vm1, $0x0, v32  }
0xa7: {  	s22 =	scvt.s32.f32 s22;
	[tilespmem:s20+$0x30] =	vst v14;
	v14 =	vnsel vm0, $0x0, v34  }
0xa8: {  	[tilespmem:s20+$0x40] =	vst v14;
	v14 =	vmov s21  }
0xa9: {  	s19 =	sadd.s32 $0x10, s19;
	v15 =	vmov s22;
	[tilespmem:s18+$0x0] =	vst v14  }
0xaa: {  	[tilespmem:s19+$0x0] =	vst v15  }
0xab: {  	v15 =	vld [tilespmem:s17+$0x50]  }
0xac: {  	v16 =	vld [tilespmem:s17+$0x20]  }
0xad: {  	v37 =	vld [tilespmem:s17+$0x10]  }
0xae: {  	v38 =	vld [tilespmem:s17+$0xFFFFFFE0]  }
0xaf: {  	vm14 =	vgt.f32 v14, v12;
	v36 =	vld [tilespmem:s17+$0xFFFFFFA0]  }
0xb0: {  	vm15 =	vgt.f32 v14, v9;
	v39 =	vld [tilespmem:s17+$0xFFFFFFB0];
	v15 =	vnsel vm14, $0x0, v15  }
0xb1: {  	vm4 =	vgt.f32 v14, v8;
	v41 =	vld [tilespmem:s17+$0x0];
	s24 =	spop (v2sf);
	v16 =	vnsel vm15, $0x0, v16;
	[tilespmem:s17+$0x50] =	vst v15  }
0xb2: {  	vm5 =	vgt.f32 v14, v5;
	v46 =	vld [tilespmem:s17+$0xFFFFFFF0];
	s25 =	sadd.s32 $0x8000001F, s24;
	v18 =	vnsel vm4, $0x0, v37;
	[tilespmem:s17+$0x20] =	vst v16  }
0xb3: {  	vm6 =	vgt.f32 v14, v1;
	v47 =	vld [tilespmem:s17+$0x40];
	s26 =	sand.u32 $0x1F, s25;
	v43 =	vnsel vm5, $0x0, v38;
	[tilespmem:s17+$0x10] =	vst v18  }
0xb4: {  	vm7 =	vgt.f32 v14, v2;
	s28 =	sshra.s32 s25, $0x1F;
	p5 =	slt.s32 s25, $0x1;
	p6 =	sne.s32 s26, $0x0;
	v17 =	vnsel vm6, $0x0, v36;
	v15 =	vld [tilespmem:s17+$0xFFFFFFC0];
	[tilespmem:s17+$0xFFFFFFE0] =	vst v43  }
0xb5: {  	vm10 =	vgt.f32 v14, v7;
	s29 =	sshrl.u32 s28, $0x1B;
	v45 =	vnsel vm7, $0x0, v39;
	p0 =	por !p5, !p6;
	[tilespmem:s17+$0xFFFFFFA0] =	vst v17;
	v40 =	vld [tilespmem:s17+$0x58]  }
0xb6: {  	s22 =	simm.s32 $0x1;
	vm8 =	vgt.f32 v14, v3;
	vm12 =	vgt.f32 v14, v6;
	v44 =	vld [tilespmem:s17+$0x30];
	v48 =	vnsel vm10, $0x0, v41;
	s21 =	sadd.s32 s29, s25;
	[tilespmem:s17+$0xFFFFFFB0] =	vst v45;
	p0 =	por !p0, !p0  }
0xb7: {  	vm9 =	vgt.f32 v14, v13;
	vm13 =	vgt.f32 v14, v11;
	v42 =	vld [tilespmem:s17+$0xFFFFFFD0];
	v49 =	vnsel vm12, $0x0, v46;
	[tilespmem:s17+$0x0] =	vst v48;
	s21 =	sshrl.u32 s21, $0x5;
	s22 =	simm.s32 @!p0 $0x0  }
0xb8: {  	vm11 =	vgt.f32 v14, v10;
	vm14 =	vgt.f32 v14, v4;
	v14 =	vnsel vm13, $0x0, v47;
	[tilespmem:s17+$0xFFFFFFF0] =	vst v49;
	s21 =	ssub.s32 s21, s22  }
0xb9: {  	[tilespmem:s17+$0x40] =	vst v14;
	s21 =	sshll.u32 s21, $0x5;
	v15 =	vnsel vm8, $0x0, v15  }
0xba: {  	s20 =	sxor.u32 $0x80000000, s24;
	p0 =	slt.s32 s21, $0xC8;
	[tilespmem:s17+$0xFFFFFFC0] =	vst v15;
	v15 =	vnsel vm9, $0x0, v40  }
0xbb: {  	s20 =	scvt.s32.f32 s20;
	s21 =	simm.s32 @!p0 $0xC8;
	[tilespmem:s17+$0x58] =	vst v15;
	v15 =	vnsel vm11, $0x0, v44  }
0xbc: {  	s21 =	scvt.s32.f32 s21;
	[tilespmem:s17+$0x30] =	vst v15;
	v15 =	vnsel vm14, $0x0, v42  }
0xbd: {  	s30 =	sadd.s32 $0x10, s18;
	v14 =	vmov s20;
	[tilespmem:s17+$0xFFFFFFD0] =	vst v15  }
0xbe: {  	s19 =	sadd.s32 $0x10, s19;
	v15 =	vmov s21;
	[tilespmem:s30+$0x0] =	vst v14  }
0xbf: {  	s31 =	sadd.s32 $0xC8, s17;
	[tilespmem:s19+$0x0] =	vst v15  }
0xc0: {  	v15 =	vld [tilespmem:s31+$0x50]  }
0xc1: {  	v16 =	vld [tilespmem:s31+$0x20]  }
0xc2: {  	v51 =	vld [tilespmem:s31+$0xFFFFFFA0]  }
0xc3: {  	v53 =	vld [tilespmem:s31+$0xFFFFFFB0]  }
0xc4: {  	vm15 =	vgt.f32 v14, v12;
	v50 =	vld [tilespmem:s31+$0x10]  }
0xc5: {  	vm4 =	vgt.f32 v14, v9;
	v52 =	vld [tilespmem:s31+$0xFFFFFFE0];
	v15 =	vnsel vm15, $0x0, v15  }
0xc6: {  	vm6 =	vgt.f32 v14, v1;
	v54 =	vld [tilespmem:s31+$0xFFFFFFC0];
	v16 =	vnsel vm4, $0x0, v16;
	[tilespmem:s31+$0x50] =	vst v15  }
0xc7: {  	vm8 =	vgt.f32 v14, v2;
	v57 =	vld [tilespmem:s31+$0x0];
	v56 =	vnsel vm6, $0x0, v51;
	[tilespmem:s31+$0x20] =	vst v16  }
0xc8: {  	vm5 =	vgt.f32 v14, v8;
	v58 =	vld [tilespmem:s31+$0x30];
	v59 =	vnsel vm8, $0x0, v53;
	[tilespmem:s31+$0xFFFFFFA0] =	vst v56  }
0xc9: {  	vm7 =	vgt.f32 v14, v5;
	v61 =	vld [tilespmem:s31+$0x40];
	v15 =	vnsel vm5, $0x0, v50;
	[tilespmem:s31+$0xFFFFFFB0] =	vst v59  }
0xca: {  	vm9 =	vgt.f32 v14, v3;
	v55 =	vld [tilespmem:s31+$0x58];
	[tilespmem:s31+$0x10] =	vst v15;
	v15 =	vnsel vm7, $0x0, v52  }
0xcb: {  	vm11 =	vgt.f32 v14, v7;
	v60 =	vnsel vm9, $0x0, v54;
	[tilespmem:s31+$0xFFFFFFE0] =	vst v15;
	v15 =	vld [tilespmem:s31+$0xFFFFFFF0]  }
0xcc: {  	s16 =	sadd.s32 $0x1, s16;
	vm12 =	vgt.f32 v14, v10;
	v62 =	vld [tilespmem:s31+$0xFFFFFFD0];
	v18 =	vnsel vm11, $0x0, v57;
	[tilespmem:s31+$0xFFFFFFC0] =	vst v60  }
0xcd: {  	vm10 =	vgt.f32 v14, v13;
	p0 =	sne.s32 s16, $0x8;
	vm14 =	vgt.f32 v14, v11;
	v63 =	vnsel vm12, $0x0, v58;
	[tilespmem:s31+$0x0] =	vst v18  }
.Ltmp3:
0xce: {  	vm13 =	vgt.f32 v14, v6;
	vm15 =	vgt.f32 v14, v4;
	v14 =	vnsel vm14, $0x0, v61;
	[tilespmem:s31+$0x30] =	vst v63;
	(pc) =	sbr.rel @p0 .LBB2_2-.Ltmp3, $4  }
0xcf: {  	[tilespmem:s31+$0x40] =	vst v14;
	v16 =	vnsel vm10, $0x0, v55  }
0xd0: {  	[tilespmem:s31+$0x58] =	vst v16;
	v15 =	vnsel vm13, $0x0, v15  }
0xd1: {  	[tilespmem:s31+$0xFFFFFFF0] =	vst v15;
	v15 =	vnsel vm15, $0x0, v62  }
0xd2: {  	s13 =	sadd.s32 $0x100, s13;
	s14 =	sadd.s32 $0x100, s14;
	s15 =	sadd.s32 $0xC80, s15;
	[tilespmem:s31+$0xFFFFFFD0] =	vst v15  }
0xd3: {  	v14 =	vld [tilespmem:$0x6C00];
	_ =	sdelay $0x4  }
0xd4: {  	(xrf0) =	vmax.scan.msk.f32 $0xffff, v14;
	_ =	sdelay $0x5  }
0xd5: {  	v14, _, _ =	vpop (xrf0)  }
0xd6: {  	(v2sf) =	vpush v14, $0xF;
	_ =	sdelay $0xe  }
0xd7: {  	s13 =	spop (v2sf)  }
0xd8: {  	s13 =	scvt.f32.s32 s13;
	_ =	sdelay $0x1  }
0xd9: {  	s13 =	sadd.s32 $0x1F, s13  }
0xda: {  	s14 =	sand.u32 $0x1F, s13  }
0xdb: {  	s15 =	sshra.s32 s13, $0x1F;
	p0 =	slt.s32 s13, $0x1;
	p1 =	sne.s32 s14, $0x0  }
0xdc: {  	s31 =	sshrl.u32 s15, $0x1B;
	p0 =	por !p0, !p1  }
0xdd: {  	s14 =	simm.s32 $0x1;
	s13 =	sadd.s32 s31, s13;
	p0 =	por !p0, !p0  }
0xde: {  	s13 =	sshra.s32 s13, $0x5;
	s14 =	simm.s32 @!p0 $0x0  }
0xdf: {  	s13 =	ssub.s32 s13, s14  }
0xe0: {  	p0 =	sgt.s32 s13, $0x4  }
0xe1: {  	s14 =	simm.s32 @p0 $0x80  }
0xe2: {  	s15 =	simm.s32 @p0 $0x0;
	s16 =	simm.s32 @p0 $0x7400;
	p1 =	sne.s32 @p0 s13, $0x5  }
0xe3: {  	[tilespmem:s16], [sflag:$0x1] =	stream.indirect.gather @p0 [hbm4b:s3+s14], $0x20, s15, s14, $0xb8;
	[tilespmem:$0xB6A0] =	vst v63  }
0xe4: {  	p2 =	por !p1, !p0;
	p1 =	por p1, !p0  }
0xe5: {  	s14 =	simm.s32 @!p2 $0x48;
	s15 =	simm.s32 @!p2 $0x80;
	s16 =	simm.s32 @!p2 $0x8400  }
0xe6: {  	[tilespmem:s16], [sflag:$0x1] =	stream.indirect.gather @!p2 [hbm4b:s3+s14], $0x20, s15, s14, $0xb8;
	[tilespmem:$0xB6A0] =	vst v63  }
0xe7: {  	s14 =	simm.s32 @!p1 $0x20;
	s15 =	simm.s32 @!p1 $0x80;
	s16 =	simm.s32 @!p1 $0x8400  }
0xe8: {  	[tilespmem:s16], [sflag:$0x1] =	stream.indirect.gather @!p1 [hbm4b:s3+s14], $0x20, s15, s14, $0xb8;
	[tilespmem:$0xB6A0] =	vst v63  }
0xe9: {  	p1 =	sgt.s32 @!p0 s13, $0x2  }
0xea: {  	p2 =	por !p1, p0  }
0xeb: {  	p3 =	seq.s32 @!p2 s13, $0x3  }
0xec: {  	p4 =	por @!p0 !p3, !p1  }
0xed: {  	p4 =	por p4, p0  }
0xee: {  	s14 =	simm.s32 @!p4 $0x60;
	s15 =	simm.s32 @!p4 $0x0;
	s16 =	simm.s32 @!p4 $0x7400  }
0xef: {  	[tilespmem:s16], [sflag:$0x1] =	stream.indirect.gather @!p4 [hbm4b:s3+s14], $0x20, s15, s14, $0xb8;
	[tilespmem:$0xB6A0] =	vst v63  }
0xf0: {  	p4 =	por @!p0 p3, !p1  }
0xf1: {  	p4 =	por p4, p0  }
0xf2: {  	p4 =	seq.s32 @!p4 s13, $0x4  }
0xf3: {  	p2 =	por @!p2 !p4, p3  }
0xf4: {  	p2 =	por @!p0 p2, !p1  }
0xf5: {  	p2 =	por p2, p0  }
0xf6: {  	s14 =	simm.s32 @!p2 $0x80;
	s15 =	simm.s32 @!p2 $0x0;
	s16 =	simm.s32 @!p2 $0x7400  }
0xf7: {  	[tilespmem:s16], [sflag:$0x1] =	stream.indirect.gather @!p2 [hbm4b:s3+s14], $0x20, s15, s14, $0xb8;
	[tilespmem:$0xB6A0] =	vst v63  }
0xf8: {  	p2 =	por p1, p0  }
0xf9: {  	p3 =	seq.s32 @!p2 s13, $0x1  }
0xfa: {  	p4 =	por @!p0 !p3, p1  }
0xfb: {  	p4 =	por p4, p0  }
0xfc: {  	s14 =	simm.s32 @!p4 $0x20;
	s15 =	simm.s32 @!p4 $0x0;
	s16 =	simm.s32 @!p4 $0x7400  }
0xfd: {  	[tilespmem:s16], [sflag:$0x1] =	stream.indirect.gather @!p4 [hbm4b:s3+s14], $0x20, s15, s14, $0xb8;
	[tilespmem:$0xB6A0] =	vst v63  }
0xfe: {  	p4 =	por @!p0 p3, p1  }
0xff: {  	p4 =	por p4, p0  }
0x100: {  	p4 =	seq.s32 @!p4 s13, $0x2  }
0x101: {  	p2 =	por @!p2 !p4, p3  }
.Ltmp4:
0x102: {  	p1 =	por @!p0 p2, p1;
	(pc) =	sbr.rel .LBB2_6-.Ltmp4, $4  }
0x103: {  	p0 =	por p1, p0  }
0x104: {  	s13 =	simm.s32 @!p0 $0x40;
	s14 =	simm.s32 @!p0 $0x0;
	s15 =	simm.s32 @!p0 $0x7400  }
0x105: {  	[tilespmem:s15], [sflag:$0x1] =	stream.indirect.gather @!p0 [hbm4b:s3+s13], $0x20, s14, s13, $0xb8;
	[tilespmem:$0xB6A0] =	vst v63  }
0x106: {  	s13 =	simm.s32 $0x0  }
.LBB2_23:
0x107: {  	v17 =	vld [tilespmem:$0xA500]  }
0x108: {  	v19 =	vld [tilespmem:$0xA520]  }
0x109: {  	v20 =	vld [tilespmem:$0xA540]  }
0x10a: {  	v21 =	vld [tilespmem:$0xA560]  }
0x10b: {  	v22 =	vld [tilespmem:$0xA580]  }
0x10c: {  	v23 =	vld [tilespmem:$0xA5A0]  }
0x10d: {  	v24 =	vld [tilespmem:$0xA5C0]  }
0x10e: {  	v25 =	vld [tilespmem:$0xA5E0]  }
0x10f: {  	v26 =	vld [tilespmem:$0xA510]  }
0x110: {  	v27 =	vld [tilespmem:$0xA530]  }
0x111: {  	v28 =	vld [tilespmem:$0xA550]  }
0x112: {  	v29 =	vld [tilespmem:$0xA570]  }
0x113: {  	v30 =	vld [tilespmem:$0xA590]  }
0x114: {  	v31 =	vld [tilespmem:$0xA5B0]  }
0x115: {  	v32 =	vld [tilespmem:$0xA5D0]  }
0x116: {  	v33 =	vld [tilespmem:$0xA5F0];
	_ =	sdelay $0x1  }
0x117: {  	v17 =	vadd.f32 v19, v17;
	v19 =	vadd.f32 v21, v20  }
0x118: {  	v20 =	vadd.f32 v23, v22;
	v58 =	vadd.f32 v25, v24  }
0x119: {  	v59 =	vadd.f32 v27, v26;
	v60 =	vadd.f32 v29, v28  }
0x11a: {  	v61 =	vadd.f32 v31, v30;
	v62 =	vadd.f32 v33, v32  }
0x11b: {  	v17 =	vadd.f32 v19, v17;
	v19 =	vadd.f32 v58, v20  }
0x11c: {  	v20 =	vadd.f32 v60, v59;
	v63 =	vadd.f32 v62, v61;
	_ =	sdelay $0x1  }
0x11d: {  	s14 =	sshll.u32 s14, $0x7;
	v17 =	vadd.f32 v19, v17;
	v19 =	vadd.f32 v63, v20  }
.LBB2_25:
0x11e: {  	s15 =	sshrl.u32 s14, $0x2  }
0x11f: {  	[tilespmem:s15+$0xA600] =	vst v17  }
0x120: {  	[tilespmem:s15+$0xA610] =	vst v19  }
.LBB2_26:
0x121: {  	v20 =	vld [tilespmem:$0xB600]  }
0x122: {  	s14 =	sshrl.u32 s14, $0x2;
	(erf) = vrcp.f32 v15;
	v21 =	vld [tilespmem:$0xB610]  }
0x123: {  	v17 =	vld [tilespmem:s14+$0xA600]  }
0x124: {  	v19 =	vld [tilespmem:s14+$0xA610];
	_ =	sdelay $0x1  }
0x125: {  	v14 =	vsub.f32 v14, v15;
	_ =	sdelay $0x1  }
0x126: {  	v62 =	vmul.f32 v20, v14;
	v15 =	vadd.f32 v17, v18  }
0x127: {  	s13 =	sadd.s32 $0x1, s13;
	v14 =	vmul.f32 v21, v14;
	v16 =	vadd.f32 v19, v16  }
0x128: {  	p0 =	sne.s32 s13, $0x40;
	v15 =	vsub.f32 v15, v62  }
.Ltmp5:
0x129: {  	v14 =	vsub.f32 v16, v14;
	v63 =	vpop (erf);
	(pc) =	sbr.rel @!p0 .LBB2_27-.Ltmp5, $4  }
0x12a: {  	v15 =	vmul.f32 v15, v63  }
0x12b: {  	v14 =	vmul.f32 v14, v63  }
0x12c: {  	[tilespmem:s14+$0xA600] =	vst v15  }
0x12d: {  	[tilespmem:s14+$0xA610] =	vst v14  }
.LBB2_6:
0x12e: {  	s14 =	sshllo.u32 s13, $0x1  }
0x12f: {  	s15 =	sshll.u32 s14, $0x4  }
0x130: {  	v14 =	vld [tilespmem:s15+$0x6C00];
	_ =	sdelay $0x4  }
0x131: {  	(xrf0) =	vmax.scan.msk.f32 $0xffff, v14;
	_ =	sdelay $0x5  }
0x132: {  	v14, _, _ =	vpop (xrf0)  }
0x133: {  	(v2sf) =	vpush v14, $0xF;
	_ =	sdelay $0xe  }
0x134: {  	s16 =	spop (v2sf)  }
0x135: {  	s16 =	scvt.f32.s32 s16;
	_ =	sdelay $0x1  }
0x136: {  	s16 =	sadd.s32 $0x1F, s16  }
0x137: {  	s17 =	sand.u32 $0x1F, s16  }
0x138: {  	s18 =	sshra.s32 s16, $0x1F;
	p0 =	slt.s32 s16, $0x1;
	p1 =	sne.s32 s17, $0x0  }
0x139: {  	s21 =	sshrl.u32 s18, $0x1B;
	p0 =	por !p0, !p1  }
0x13a: {  	s17 =	simm.s32 $0x1;
	s16 =	sadd.s32 s21, s16;
	p0 =	por !p0, !p0  }
0x13b: {  	s16 =	sshra.s32 s16, $0x5;
	s17 =	simm.s32 @!p0 $0x0  }
0x13c: {  	s16 =	ssub.s32 s16, s17  }
0x13d: {  	p0 =	sgt.s32 s16, $0x4  }
0x13e: {  	s17 =	smul.u32 @p0 $0x320, s14  }
0x13f: {  	s18 =	simm.s32 @p0 $0x80;
	s19 =	simm.s32 @p0 $0x8D00;
	p1 =	sne.s32 @p0 s16, $0x5  }
0x140: {  	p2 =	por !p1, !p0;
	p1 =	por p1, !p0;
	s17 =	sshra.s32 @p0 s17, $0x2  }
0x141: {  	[tilespmem:s19], [sflag:$0x2] =	stream.indirect.gather @p0 [hbm4b:s3+s18], $0x20, s17, s18, $0xb8;
	[tilespmem:$0xB6A0] =	vst v63  }
0x142: {  	s17 =	sadd.s32 @p0 $0x80, s17;
	s18 =	simm.s32 @!p2 $0x48;
	s19 =	simm.s32 @!p2 $0x9D00  }
0x143: {  	[tilespmem:s19], [sflag:$0x2] =	stream.indirect.gather @!p2 [hbm4b:s3+s18], $0x20, s17, s18, $0xb8;
	[tilespmem:$0xB6A0] =	vst v63  }
0x144: {  	s18 =	simm.s32 @!p1 $0x20;
	s19 =	simm.s32 @!p1 $0x9D00  }
0x145: {  	[tilespmem:s19], [sflag:$0x2] =	stream.indirect.gather @!p1 [hbm4b:s3+s18], $0x20, s17, s18, $0xb8;
	[tilespmem:$0xB6A0] =	vst v63  }
0x146: {  	p1 =	sgt.s32 @!p0 s16, $0x2  }
0x147: {  	p2 =	por !p1, p0  }
0x148: {  	p3 =	seq.s32 @!p2 s16, $0x3  }
0x149: {  	p4 =	por @!p0 p3, !p1  }
0x14a: {  	p4 =	por p4, p0  }
0x14b: {  	p5 =	por @!p0 !p3, !p1;
	p4 =	seq.s32 @!p4 s16, $0x4  }
0x14c: {  	p5 =	por p5, p0;
	p2 =	por @!p2 !p4, p3  }
0x14d: {  	s17 =	smul.u32 @!p5 $0x320, s14;
	p2 =	por @!p0 p2, !p1  }
0x14e: {  	s18 =	simm.s32 @!p5 $0x60;
	p2 =	por p2, p0  }
0x14f: {  	s19 =	simm.s32 @!p5 $0x8D00;
	s17 =	sshra.s32 @!p5 s17, $0x2;
	s20 =	smul.u32 @!p2 $0x320, s14  }
0x150: {  	[tilespmem:s19], [sflag:$0x2] =	stream.indirect.gather @!p5 [hbm4b:s3+s18], $0x20, s17, s18, $0xb8;
	[tilespmem:$0xB6A0] =	vst v63  }
0x151: {  	s18 =	simm.s32 @!p2 $0x80;
	s19 =	simm.s32 @!p2 $0x8D00;
	s17 =	sshra.s32 @!p2 s20, $0x2  }
0x152: {  	[tilespmem:s19], [sflag:$0x2] =	stream.indirect.gather @!p2 [hbm4b:s3+s18], $0x20, s17, s18, $0xb8;
	[tilespmem:$0xB6A0] =	vst v63  }
0x153: {  	p2 =	por p1, p0  }
0x154: {  	p3 =	seq.s32 @!p2 s16, $0x1  }
0x155: {  	p4 =	por @!p0 p3, p1  }
0x156: {  	p4 =	por p4, p0  }
0x157: {  	p5 =	por @!p0 !p3, p1;
	p4 =	seq.s32 @!p4 s16, $0x2  }
0x158: {  	p5 =	por p5, p0;
	p2 =	por @!p2 !p4, p3  }
0x159: {  	s16 =	smul.u32 @!p5 $0x320, s14;
	p1 =	por @!p0 p2, p1  }
0x15a: {  	s22 =	sshll.u32 s13, $0x5;
	s17 =	simm.s32 @!p5 $0x20;
	p0 =	por p1, p0  }
0x15b: {  	s18 =	simm.s32 @!p5 $0x8D00;
	s16 =	sshra.s32 @!p5 s16, $0x2;
	s19 =	smul.u32 @!p0 $0x320, s14  }
0x15c: {  	[tilespmem:s18], [sflag:$0x2] =	stream.indirect.gather @!p5 [hbm4b:s3+s17], $0x20, s16, s17, $0xb8;
	[tilespmem:$0xB6A0] =	vst v63  }
0x15d: {  	s17 =	simm.s32 @!p0 $0x40;
	s18 =	simm.s32 @!p0 $0x8D00;
	s16 =	sshra.s32 @!p0 s19, $0x2  }
0x15e: {  	[tilespmem:s18], [sflag:$0x2] =	stream.indirect.gather @!p0 [hbm4b:s3+s17], $0x20, s16, s17, $0xb8;
	[tilespmem:$0xB6A0] =	vst v63  }
0x15f: {  	v14 =	vld [tilespmem:s22+$0x6C00];
	_ =	sdelay $0x4  }
0x160: {  	(xrf0) =	vmax.scan.msk.f32 $0xffff, v14;
	_ =	sdelay $0x5  }
0x161: {  	v15, _, _ =	vpop (xrf0)  }
0x162: {  	(v2sf) =	vpush v15, $0xF;
	_ =	sdelay $0xe  }
0x163: {  	s23 =	spop (v2sf)  }
0x164: {  	s16 =	scvt.f32.s32 s23;
	_ =	sdelay $0x1  }
0x165: {  	s24 =	sadd.s32 $0x1F, s16  }
0x166: {  	s25 =	sand.u32 $0x1F, s24  }
0x167: {  	s26 =	sshra.s32 s24, $0x1F;
	p3 =	slt.s32 s24, $0x1;
	p4 =	sne.s32 s25, $0x0  }
0x168: {  	s28 =	sshrl.u32 s26, $0x1B;
	p0 =	por !p3, !p4  }
0x169: {  	s19 =	simm.s32 $0x1;
	s18 =	sadd.s32 s28, s24;
	p0 =	por !p0, !p0  }
0x16a: {  	s18 =	sshra.s32 s18, $0x5;
	s19 =	simm.s32 @!p0 $0x0  }
0x16b: {  	s18 =	ssub.s32 s18, s19  }
0x16c: {  	p0 =	sgt.s32 s18, $0x4  }
0x16d: {  	s19 =	simm.s32 @p0 $0x1  }
0x16e: {  	p3 =	sne.s32 @p0 s18, $0x5;
	_ =	swait.ge @p0 [sflag:s19], $0x1000  }
0x16f: {  	p4 =	por !p3, !p0;
	[sflag:s19] =	ssyncset.done @p0 $0x0  }
0x170: {  	p1 =	sgt.s32 @!p0 s18, $0x2;
	[sflag:s19] =	ssyncadd.s32 @p0 $0xFFFFF000;
	s19 =	simm.s32 @!p4 $0x1  }
0x171: {  	p2 =	por !p1, p0;
	_ =	swait.ge @!p4 [sflag:s19], $0x900  }
0x172: {  	p3 =	por p3, !p0;
	p5 =	seq.s32 @!p2 s18, $0x3;
	[sflag:s19] =	ssyncset.done @!p4 $0x0  }
0x173: {  	[sflag:s19] =	ssyncadd.s32 @!p4 $0xFFFFF700;
	s19 =	simm.s32 @!p3 $0x1;
	p4 =	por @!p0 p5, !p1  }
0x174: {  	p6 =	por @!p0 !p5, !p1;
	_ =	swait.ge @!p3 [sflag:s19], $0x400;
	p4 =	por p4, p0  }
0x175: {  	p6 =	por p6, p0;
	[sflag:s19] =	ssyncset.done @!p3 $0x0;
	p4 =	seq.s32 @!p4 s18, $0x4  }
0x176: {  	[sflag:s19] =	ssyncadd.s32 @!p3 $0xFFFFFC00;
	s19 =	simm.s32 @!p6 $0x1;
	p2 =	por @!p2 !p4, p5  }
0x177: {  	s29 =	sand.u32 $0x1F, s16;
	_ =	swait.ge @!p6 [sflag:s19], $0xC00;
	p2 =	por @!p0 p2, !p1  }
0x178: {  	p3 =	por p1, p0;
	[sflag:s19] =	ssyncset.done @!p6 $0x0;
	p2 =	por p2, p0  }
0x179: {  	p4 =	seq.s32 @!p3 s18, $0x1;
	[sflag:s19] =	ssyncadd.s32 @!p6 $0xFFFFF400;
	s19 =	simm.s32 @!p2 $0x1  }
0x17a: {  	s30 =	sshra.s32 s16, $0x1F;
	p5 =	por @!p0 !p4, p1;
	_ =	swait.ge @!p2 [sflag:s19], $0x1000  }
0x17b: {  	p6 =	por @!p0 p4, p1;
	p5 =	por p5, p0;
	[sflag:s19] =	ssyncset.done @!p2 $0x0  }
0x17c: {  	p6 =	por p6, p0;
	[sflag:s19] =	ssyncadd.s32 @!p2 $0xFFFFF000;
	s19 =	simm.s32 @!p5 $0x1  }
0x17d: {  	s31 =	sshrl.u32 s30, $0x1B;
	p2 =	seq.s32 @!p6 s18, $0x2;
	_ =	swait.ge @!p5 [sflag:s19], $0x400  }
0x17e: {  	p6 =	sne.s32 s29, $0x0;
	p2 =	por @!p3 !p2, p4;
	[sflag:s19] =	ssyncset.done @!p5 $0x0  }
0x17f: {  	p1 =	por @!p0 p2, p1;
	[sflag:s19] =	ssyncadd.s32 @!p5 $0xFFFFFC00;
	p5 =	slt.s32 s16, $0x1  }
0x180: {  	s18 =	sadd.s32 s31, s16;
	p0 =	por p1, p0;
	p1 =	por !p5, !p6  }
0x181: {  	s19 =	simm.s32 $0x1;
	s20 =	simm.s32 @!p0 $0x1;
	p1 =	por !p1, !p1  }
0x182: {  	s18 =	sshra.s32 s18, $0x5;
	_ =	swait.ge @!p0 [sflag:s20], $0x800;
	s19 =	simm.s32 @!p1 $0x0  }
0x183: {  	[sflag:s20] =	ssyncset.done @!p0 $0x0;
	s18 =	ssub.s32 s18, s19  }
0x184: {  	[sflag:s20] =	ssyncadd.s32 @!p0 $0xFFFFF800;
	p0 =	slt.s32 s18, $0x1  }
.Ltmp6:
0x185: {  	_ = 	snop;
	(pc) =	sbr.rel @p0 .LBB2_7-.Ltmp6, $2  }
0x186: {  	_ =	sdelay $0x2  }
0x187: {  	v18 =	vimm.f32 $0.0e+00;
	s17 =	simm.s32 $0x7600;
	v15 =	vld [tilespmem:s22+$0x6400]  }
0x188: {  	v23 =	vld [tilespmem:s17+$0x180]  }
0x189: {  	v24 =	vld [tilespmem:s17+$0x190]  }
0x18a: {  	v25 =	vld [tilespmem:s17+$0x1A0]  }
0x18b: {  	v26 =	vld [tilespmem:s17+$0x1B0]  }
0x18c: {  	v16 =	vld [tilespmem:s17+$0x1C0]  }
0x18d: {  	v17 =	vld [tilespmem:s17+$0x1D0]  }
0x18e: {  	v31 =	vld [tilespmem:s17+$0x100]  }
0x18f: {  	v32 =	vld [tilespmem:s17+$0x110]  }
0x190: {  	v29 =	vld [tilespmem:s17+$0x120]  }
0x191: {  	v30 =	vld [tilespmem:s17+$0x130]  }
0x192: {  	v19 =	vld [tilespmem:s17+$0x140]  }
0x193: {  	v20 =	vld [tilespmem:s17+$0x150]  }
0x194: {  	v33 =	vld [tilespmem:s17+$0x80]  }
0x195: {  	v36 =	vld [tilespmem:s17+$0x90]  }
0x196: {  	v37 =	vld [tilespmem:s17+$0xA0]  }
0x197: {  	v38 =	vld [tilespmem:s17+$0xB0]  }
0x198: {  	v22 =	vld [tilespmem:s17+$0xC0]  }
0x199: {  	v21 =	vld [tilespmem:s17+$0xD0]  }
0x19a: {  	v39 =	vld [tilespmem:s17+$0x0]  }
0x19b: {  	v43 =	vld [tilespmem:s17+$0x10]  }
0x19c: {  	v44 =	vld [tilespmem:s17+$0x20]  }
0x19d: {  	v45 =	vld [tilespmem:s17+$0x30]  }
0x19e: {  	v27 =	vld [tilespmem:s17+$0x40]  }
0x19f: {  	v41 =	vld [tilespmem:s17+$0xFFFFFF80]  }
0x1a0: {  	v42 =	vld [tilespmem:s17+$0xFFFFFF90]  }
0x1a1: {  	v35 =	vld [tilespmem:s17+$0xFFFFFF00]  }
0x1a2: {  	v40 =	vld [tilespmem:s17+$0xFFFFFF10]  }
0x1a3: {  	v28 =	vld [tilespmem:s17+$0xFFFFFE80]  }
0x1a4: {  	v34 =	vld [tilespmem:s17+$0xFFFFFE90]  }
0x1a5: {  	v46 =	vld [tilespmem:s17+$0xFFFFFE00]  }
0x1a6: {  	v47 =	vld [tilespmem:s17+$0xFFFFFE10]  }
0x1a7: {  	v48 =	vld [tilespmem:s17+$0xFFFFFE20]  }
0x1a8: {  	v49 =	vld [tilespmem:s17+$0xFFFFFE30]  }
0x1a9: {  	v50 =	vld [tilespmem:s17+$0xFFFFFEA0]  }
0x1aa: {  	v51 =	vld [tilespmem:s17+$0xFFFFFEB0]  }
0x1ab: {  	v52 =	vld [tilespmem:s17+$0xFFFFFF20]  }
0x1ac: {  	v53 =	vld [tilespmem:s17+$0xFFFFFF30];
	v46 =	vadd.f32 v46, v18;
	v47 =	vadd.f32 v47, v18  }
0x1ad: {  	v54 =	vld [tilespmem:s17+$0xFFFFFFA0];
	v48 =	vadd.f32 v48, v18;
	v49 =	vadd.f32 v49, v18  }
0x1ae: {  	v55 =	vld [tilespmem:s17+$0xFFFFFFB0];
	v46 =	vadd.f32 v28, v46;
	v47 =	vadd.f32 v34, v47  }
0x1af: {  	v28 =	vld [tilespmem:s17+$0x50];
	v48 =	vadd.f32 v50, v48;
	v49 =	vadd.f32 v51, v49  }
0x1b0: {  	v34 =	vld [tilespmem:s17+$0xFFFFFFC0];
	v46 =	vadd.f32 v35, v46;
	v47 =	vadd.f32 v40, v47  }
0x1b1: {  	v35 =	vld [tilespmem:s17+$0xFFFFFFD0];
	v48 =	vadd.f32 v52, v48;
	v49 =	vadd.f32 v53, v49  }
0x1b2: {  	v40 =	vld [tilespmem:s17+$0xFFFFFF40];
	v46 =	vadd.f32 v41, v46;
	v47 =	vadd.f32 v42, v47  }
0x1b3: {  	v41 =	vld [tilespmem:s17+$0xFFFFFF50];
	v48 =	vadd.f32 v54, v48;
	v49 =	vadd.f32 v55, v49  }
0x1b4: {  	p0 =	sne.s32 s18, $0x1;
	v42 =	vld [tilespmem:s17+$0xFFFFFEC0];
	v39 =	vadd.f32 v39, v46;
	v60 =	vadd.f32 v43, v47  }
.Ltmp7:
0x1b5: {  	v43 =	vld [tilespmem:s17+$0xFFFFFED0];
	v61 =	vadd.f32 v44, v48;
	v62 =	vadd.f32 v45, v49;
	(pc) =	sbr.rel @!p0 .LBB2_10-.Ltmp7, $4  }
0x1b6: {  	v44 =	vld [tilespmem:s17+$0xFFFFFE40];
	v33 =	vadd.f32 v33, v39;
	v63 =	vadd.f32 v36, v60  }
0x1b7: {  	v45 =	vld [tilespmem:s17+$0xFFFFFE50];
	v36 =	vadd.f32 v37, v61;
	v37 =	vadd.f32 v38, v62  }
0x1b8: {  	v46 =	vld [tilespmem:s17+$0xFFFFFE60];
	v38 =	vadd.f32 v31, v33;
	v39 =	vadd.f32 v32, v63  }
0x1b9: {  	s18 =	sadd.s32 $0xFFFFFFFF, s18;
	v47 =	vld [tilespmem:s17+$0xFFFFFE70];
	v31 =	vimm.f32 $0.0e+00;
	v33 =	vimm.f32 $0.0e+00;
	v32 =	vimm.f32 $0.0e+00  }
.LBB2_9:
0x1ba: {  	p0 =	sne.s32 s18, $0x1;
	v48 =	vld [tilespmem:s17+$0xFFFFFEE0];
	v29 =	vadd.f32 v29, v36;
	v30 =	vadd.f32 v30, v37  }
0x1bb: {  	v49 =	vld [tilespmem:s17+$0xFFFFFEF0];
	v36 =	vadd.f32 v23, v38;
	v37 =	vadd.f32 v24, v39  }
0x1bc: {  	v23 =	vld [tilespmem:s17+$0xFFFFFF60];
	v38 =	vadd.f32 v25, v29;
	v39 =	vadd.f32 v26, v30  }
0x1bd: {  	v18 =	vadd.f32 v44, v18;
	v24 =	vadd.f32 v45, v31;
	v25 =	vld [tilespmem:s17+$0xFFFFFF70]  }
0x1be: {  	v26 =	vadd.f32 v46, v33;
	v29 =	vadd.f32 v47, v32;
	v30 =	vld [tilespmem:s17+$0xFFFFFFE0]  }
0x1bf: {  	v18 =	vadd.f32 v42, v18;
	v24 =	vadd.f32 v43, v24;
	v31 =	vld [tilespmem:s17+$0xFFFFFFF0]  }
0x1c0: {  	v26 =	vadd.f32 v48, v26;
	v29 =	vadd.f32 v49, v29;
	v32 =	vld [tilespmem:s17+$0x60]  }
0x1c1: {  	v18 =	vadd.f32 v40, v18;
	v24 =	vadd.f32 v41, v24;
	v33 =	vld [tilespmem:s17+$0x70]  }
0x1c2: {  	v23 =	vadd.f32 v23, v26;
	v25 =	vadd.f32 v25, v29;
	v26 =	vld [tilespmem:s17+$0xE0]  }
0x1c3: {  	v18 =	vadd.f32 v34, v18;
	v24 =	vadd.f32 v35, v24;
	v29 =	vld [tilespmem:s17+$0xF0]  }
0x1c4: {  	v23 =	vadd.f32 v30, v23;
	v25 =	vadd.f32 v31, v25;
	v30 =	vld [tilespmem:s17+$0x160]  }
0x1c5: {  	v18 =	vadd.f32 v27, v18;
	v24 =	vadd.f32 v28, v24;
	v27 =	vld [tilespmem:s17+$0x170]  }
0x1c6: {  	v28 =	vadd.f32 v32, v23;
	v25 =	vadd.f32 v33, v25;
	v32 =	vld [tilespmem:s17+$0x1E0]  }
0x1c7: {  	v18 =	vadd.f32 v22, v18;
	v21 =	vadd.f32 v21, v24;
	v22 =	vld [tilespmem:s17+$0x1F0];
	s17 =	sadd.s32 $0x400, s17  }
0x1c8: {  	v26 =	vadd.f32 v26, v28;
	v23 =	vld [tilespmem:s17+$0x180];
	v28 =	vadd.f32 v29, v25  }
0x1c9: {  	v18 =	vadd.f32 v19, v18;
	v19 =	vadd.f32 v20, v21;
	v24 =	vld [tilespmem:s17+$0x190]  }
0x1ca: {  	v20 =	vadd.f32 v30, v26;
	v25 =	vld [tilespmem:s17+$0x1A0];
	v21 =	vadd.f32 v27, v28  }
0x1cb: {  	v18 =	vadd.f32 v16, v18;
	v31 =	vadd.f32 v17, v19;
	v26 =	vld [tilespmem:s17+$0x1B0]  }
0x1cc: {  	v33 =	vadd.f32 v32, v20;
	v16 =	vld [tilespmem:s17+$0x1C0];
	v32 =	vadd.f32 v22, v21  }
0x1cd: {  	v17 =	vld [tilespmem:s17+$0x1D0]  }
0x1ce: {  	v48 =	vld [tilespmem:s17+$0x100]  }
0x1cf: {  	v49 =	vld [tilespmem:s17+$0x110]  }
0x1d0: {  	v29 =	vld [tilespmem:s17+$0x120]  }
0x1d1: {  	v30 =	vld [tilespmem:s17+$0x130]  }
0x1d2: {  	v19 =	vld [tilespmem:s17+$0x140]  }
0x1d3: {  	v20 =	vld [tilespmem:s17+$0x150]  }
0x1d4: {  	v46 =	vld [tilespmem:s17+$0x80]  }
0x1d5: {  	v47 =	vld [tilespmem:s17+$0x90]  }
0x1d6: {  	v50 =	vld [tilespmem:s17+$0xA0]  }
0x1d7: {  	v51 =	vld [tilespmem:s17+$0xB0]  }
0x1d8: {  	v22 =	vld [tilespmem:s17+$0xC0]  }
0x1d9: {  	v21 =	vld [tilespmem:s17+$0xD0]  }
0x1da: {  	v44 =	vld [tilespmem:s17+$0x0]  }
0x1db: {  	v45 =	vld [tilespmem:s17+$0x10]  }
0x1dc: {  	v52 =	vld [tilespmem:s17+$0x20]  }
0x1dd: {  	v53 =	vld [tilespmem:s17+$0x30]  }
0x1de: {  	v27 =	vld [tilespmem:s17+$0x40]  }
0x1df: {  	v28 =	vld [tilespmem:s17+$0x50]  }
0x1e0: {  	v42 =	vld [tilespmem:s17+$0xFFFFFF80]  }
0x1e1: {  	v43 =	vld [tilespmem:s17+$0xFFFFFF90]  }
0x1e2: {  	v35 =	vld [tilespmem:s17+$0xFFFFFF00]  }
0x1e3: {  	v40 =	vld [tilespmem:s17+$0xFFFFFF10]  }
0x1e4: {  	v34 =	vld [tilespmem:s17+$0xFFFFFE80]  }
0x1e5: {  	v41 =	vld [tilespmem:s17+$0xFFFFFE90]  }
0x1e6: {  	v54 =	vld [tilespmem:s17+$0xFFFFFE00]  }
0x1e7: {  	v55 =	vld [tilespmem:s17+$0xFFFFFE10]  }
0x1e8: {  	v56 =	vld [tilespmem:s17+$0xFFFFFE20]  }
0x1e9: {  	v57 =	vld [tilespmem:s17+$0xFFFFFE30]  }
0x1ea: {  	v58 =	vld [tilespmem:s17+$0xFFFFFEA0]  }
0x1eb: {  	v59 =	vld [tilespmem:s17+$0xFFFFFEB0]  }
0x1ec: {  	v60 =	vld [tilespmem:s17+$0xFFFFFF20]  }
0x1ed: {  	v36 =	vadd.f32 v54, v36;
	v37 =	vadd.f32 v55, v37;
	v54 =	vld [tilespmem:s17+$0xFFFFFF30]  }
0x1ee: {  	v38 =	vadd.f32 v56, v38;
	v39 =	vadd.f32 v57, v39;
	v55 =	vld [tilespmem:s17+$0xFFFFFFA0]  }
0x1ef: {  	v36 =	vadd.f32 v34, v36;
	v37 =	vadd.f32 v41, v37;
	v56 =	vld [tilespmem:s17+$0xFFFFFFB0]  }
0x1f0: {  	v38 =	vadd.f32 v58, v38;
	v39 =	vadd.f32 v59, v39;
	v34 =	vld [tilespmem:s17+$0xFFFFFFC0]  }
0x1f1: {  	v36 =	vadd.f32 v35, v36;
	v37 =	vadd.f32 v40, v37;
	v35 =	vld [tilespmem:s17+$0xFFFFFFD0]  }
0x1f2: {  	v38 =	vadd.f32 v60, v38;
	v39 =	vadd.f32 v54, v39;
	v40 =	vld [tilespmem:s17+$0xFFFFFF40]  }
0x1f3: {  	v36 =	vadd.f32 v42, v36;
	v37 =	vadd.f32 v43, v37;
	v41 =	vld [tilespmem:s17+$0xFFFFFF50]  }
0x1f4: {  	v38 =	vadd.f32 v55, v38;
	v42 =	vld [tilespmem:s17+$0xFFFFFEC0];
	v39 =	vadd.f32 v56, v39  }
.Ltmp8:
0x1f5: {  	v36 =	vadd.f32 v44, v36;
	v37 =	vadd.f32 v45, v37;
	v43 =	vld [tilespmem:s17+$0xFFFFFED0];
	(pc) =	sbr.rel @p0 .LBB2_9-.Ltmp8, $4  }
0x1f6: {  	v38 =	vadd.f32 v52, v38;
	v44 =	vld [tilespmem:s17+$0xFFFFFE40];
	v39 =	vadd.f32 v53, v39  }
0x1f7: {  	v52 =	vadd.f32 v46, v36;
	v53 =	vadd.f32 v47, v37;
	v45 =	vld [tilespmem:s17+$0xFFFFFE50]  }
0x1f8: {  	v36 =	vadd.f32 v50, v38;
	v46 =	vld [tilespmem:s17+$0xFFFFFE60];
	v37 =	vadd.f32 v51, v39  }
0x1f9: {  	s18 =	sadd.s32 $0xFFFFFFFF, s18;
	v38 =	vadd.f32 v48, v52;
	v39 =	vadd.f32 v49, v53;
	v47 =	vld [tilespmem:s17+$0xFFFFFE70]  }
.LBB2_10:
0x1fa: {  	v48 =	vld [tilespmem:s17+$0xFFFFFEE0];
	v29 =	vadd.f32 v29, v36;
	v30 =	vadd.f32 v30, v37  }
0x1fb: {  	v62 =	vld [tilespmem:s17+$0xFFFFFEF0];
	v23 =	vadd.f32 v23, v38;
	v24 =	vadd.f32 v24, v39  }
0x1fc: {  	v63 =	vld [tilespmem:s17+$0xFFFFFF60];
	v18 =	vadd.f32 v44, v18;
	v25 =	vadd.f32 v25, v29  }
0x1fd: {  	v49 =	vld [tilespmem:s17+$0xFFFFFF70];
	v26 =	vadd.f32 v26, v30;
	v31 =	vadd.f32 v45, v31  }
0x1fe: {  	v51 =	vld [tilespmem:s17+$0xFFFFFFE0];
	v50 =	vadd.f32 v46, v33;
	v32 =	vadd.f32 v47, v32  }
0x1ff: {  	v52 =	vld [tilespmem:s17+$0xFFFFFFF0];
	v18 =	vadd.f32 v42, v18;
	v31 =	vadd.f32 v43, v31  }
0x200: {  	v53 =	vld [tilespmem:s17+$0x60];
	v30 =	vadd.f32 v48, v50;
	v32 =	vadd.f32 v62, v32  }
0x201: {  	v54 =	vld [tilespmem:s17+$0x70];
	v18 =	vadd.f32 v40, v18;
	v31 =	vadd.f32 v41, v31  }
0x202: {  	v55 =	vld [tilespmem:s17+$0xE0];
	v30 =	vadd.f32 v63, v30;
	v29 =	vadd.f32 v49, v32  }
0x203: {  	v56 =	vld [tilespmem:s17+$0xF0];
	v18 =	vadd.f32 v34, v18;
	v31 =	vadd.f32 v35, v31  }
0x204: {  	v57 =	vld [tilespmem:s17+$0x160];
	v30 =	vadd.f32 v51, v30;
	v29 =	vadd.f32 v52, v29  }
0x205: {  	v58 =	vld [tilespmem:s17+$0x170];
	v18 =	vadd.f32 v27, v18;
	v28 =	vadd.f32 v28, v31  }
0x206: {  	v59 =	vld [tilespmem:s17+$0x1E0];
	v30 =	vadd.f32 v53, v30;
	v29 =	vadd.f32 v54, v29  }
0x207: {  	v60 =	vld [tilespmem:s17+$0x1F0];
	v18 =	vadd.f32 v22, v18;
	v21 =	vadd.f32 v21, v28  }
0x208: {  	v30 =	vadd.f32 v55, v30;
	v61 =	vadd.f32 v56, v29  }
0x209: {  	v18 =	vadd.f32 v19, v18;
	v20 =	vadd.f32 v20, v21  }
0x20a: {  	v19 =	vadd.f32 v57, v30;
	v62 =	vadd.f32 v58, v61  }
0x20b: {  	v16 =	vadd.f32 v16, v18;
	v17 =	vadd.f32 v17, v20  }
.Ltmp9:
0x20c: {  	v18 =	vadd.f32 v59, v19;
	v19 =	vadd.f32 v60, v62;
	(pc) =	sbr.rel .LBB2_11-.Ltmp9, $3  }
0x20d: {  	v63 =	vadd.f32 v26, v24;
	v20 =	vadd.f32 v25, v23  }
0x20e: {  	v16 =	vadd.f32 v18, v16;
	v17 =	vadd.f32 v19, v17;
	_ =	sdelay $0x1  }
0x20f: {  	v18 =	vadd.f32 v16, v20;
	v16 =	vadd.f32 v17, v63  }
.LBB2_7:
0x210: {  	v16 =	vimm.f32 $0.0e+00  }
.LBB2_11:
0x211: {  	p0 =	sne.s32 s16, $0xC8  }
.Ltmp10:
0x212: {  	_ = 	snop;
	(pc) =	sbr.rel @p0 .LBB2_13-.Ltmp10, $1  }
0x213: {  	_ =	sdelay $0x3  }
0x214: {  	v17 =	vld [tilespmem:$0x8C00]  }
0x215: {  	v19 =	vld [tilespmem:$0x8C20]  }
0x216: {  	v20 =	vld [tilespmem:$0x8C40]  }
0x217: {  	v21 =	vld [tilespmem:$0x8C60]  }
0x218: {  	v22 =	vld [tilespmem:$0x8C80]  }
0x219: {  	v23 =	vld [tilespmem:$0x8CA0]  }
0x21a: {  	v24 =	vld [tilespmem:$0x8CC0]  }
0x21b: {  	v25 =	vld [tilespmem:$0x8CE0]  }
0x21c: {  	v26 =	vld [tilespmem:$0x8C10]  }
0x21d: {  	v27 =	vld [tilespmem:$0x8C30]  }
0x21e: {  	v28 =	vld [tilespmem:$0x8C50]  }
0x21f: {  	v29 =	vld [tilespmem:$0x8C70]  }
0x220: {  	v30 =	vld [tilespmem:$0x8C90]  }
0x221: {  	v31 =	vld [tilespmem:$0x8CB0]  }
0x222: {  	v32 =	vld [tilespmem:$0x8CD0]  }
0x223: {  	v33 =	vld [tilespmem:$0x8CF0];
	_ =	sdelay $0x1  }
0x224: {  	v17 =	vadd.f32 v19, v17;
	v19 =	vadd.f32 v21, v20  }
0x225: {  	v20 =	vadd.f32 v23, v22;
	v58 =	vadd.f32 v25, v24  }
0x226: {  	v59 =	vadd.f32 v27, v26;
	v60 =	vadd.f32 v29, v28  }
.Ltmp11:
0x227: {  	v61 =	vadd.f32 v31, v30;
	v62 =	vadd.f32 v33, v32;
	(pc) =	sbr.rel .LBB2_14-.Ltmp11, $3  }
0x228: {  	v17 =	vadd.f32 v19, v17;
	v19 =	vadd.f32 v58, v20  }
0x229: {  	v20 =	vadd.f32 v60, v59;
	v63 =	vadd.f32 v62, v61;
	_ =	sdelay $0x1  }
0x22a: {  	s16 =	sshll.u32 s13, $0x8;
	v17 =	vadd.f32 v19, v17;
	v19 =	vadd.f32 v63, v20  }
.LBB2_13:
0x22b: {  	p0 =	sgt.s32 s16, $0xC7  }
.Ltmp12:
0x22c: {  	_ = 	snop;
	(pc) =	sbr.rel @p0 .LBB2_15-.Ltmp12, $2  }
0x22d: {  	_ =	sdelay $0x2  }
0x22e: {  	s16 =	sshll.u32 s13, $0x8;
	v17 =	vimm.f32 $0.0e+00;
	v19 =	vimm.f32 $0.0e+00  }
.LBB2_14:
0x22f: {  	s17 =	sshrl.u32 s16, $0x2  }
0x230: {  	[tilespmem:s17+$0xA600] =	vst v17  }
0x231: {  	[tilespmem:s17+$0xA610] =	vst v19  }
.LBB2_15:
0x232: {  	v20 =	vld [tilespmem:$0xB600]  }
0x233: {  	s16 =	sshrl.u32 s16, $0x2;
	(erf) = vrcp.f32 v15;
	v21 =	vld [tilespmem:$0xB610]  }
0x234: {  	v17 =	vld [tilespmem:s16+$0xA600]  }
0x235: {  	v19 =	vld [tilespmem:s16+$0xA610];
	_ =	sdelay $0x1  }
0x236: {  	v14 =	vsub.f32 v14, v15;
	_ =	sdelay $0x1  }
0x237: {  	v62 =	vmul.f32 v20, v14;
	v15 =	vadd.f32 v17, v18  }
0x238: {  	v14 =	vmul.f32 v21, v14;
	v16 =	vadd.f32 v19, v16  }
0x239: {  	p0 =	seq.s32 s13, $0x3F;
	v15 =	vsub.f32 v15, v62  }
.Ltmp13:
0x23a: {  	v14 =	vsub.f32 v16, v14;
	v63 =	vpop (erf);
	(pc) =	sbr.rel @p0 .LBB2_17-.Ltmp13, $4  }
0x23b: {  	v15 =	vmul.f32 v15, v63  }
0x23c: {  	v14 =	vmul.f32 v14, v63  }
0x23d: {  	[tilespmem:s16+$0xA600] =	vst v15  }
0x23e: {  	[tilespmem:s16+$0xA610] =	vst v14  }
0x23f: {  	s16 =	sshll.u32 s13, $0x1  }
0x240: {  	s16 =	sadd.s32 $0x2, s16  }
0x241: {  	s17 =	sshll.u32 s16, $0x4  }
0x242: {  	s17 =	sand.u32 $0x3FFFFFF0, s17  }
0x243: {  	v14 =	vld [tilespmem:s17+$0x6C00];
	_ =	sdelay $0x4  }
0x244: {  	(xrf0) =	vmax.scan.msk.f32 $0xffff, v14;
	_ =	sdelay $0x5  }
0x245: {  	v14, _, _ =	vpop (xrf0)  }
0x246: {  	(v2sf) =	vpush v14, $0xF;
	_ =	sdelay $0xe  }
0x247: {  	s30 =	spop (v2sf)  }
0x248: {  	s17 =	scvt.f32.s32 s30;
	_ =	sdelay $0x1  }
0x249: {  	s17 =	sadd.s32 $0x1F, s17  }
0x24a: {  	s18 =	sand.u32 $0x1F, s17  }
0x24b: {  	s19 =	sshra.s32 s17, $0x1F;
	p0 =	slt.s32 s17, $0x1;
	p1 =	sne.s32 s18, $0x0  }
0x24c: {  	s31 =	sshrl.u32 s19, $0x1B;
	p0 =	por !p0, !p1  }
0x24d: {  	s18 =	simm.s32 $0x1;
	s17 =	sadd.s32 s31, s17;
	p0 =	por !p0, !p0  }
0x24e: {  	s17 =	sshra.s32 s17, $0x5;
	s18 =	simm.s32 @!p0 $0x0  }
0x24f: {  	s17 =	ssub.s32 s17, s18  }
0x250: {  	p0 =	sgt.s32 s17, $0x4  }
0x251: {  	s18 =	smul.u32 @p0 $0x320, s16  }
0x252: {  	s19 =	simm.s32 @p0 $0x80;
	s20 =	simm.s32 @p0 $0x7400;
	p1 =	sne.s32 @p0 s17, $0x5  }
0x253: {  	p2 =	por !p1, !p0;
	p1 =	por p1, !p0;
	s18 =	sshra.s32 @p0 s18, $0x2  }
0x254: {  	[tilespmem:s20], [sflag:$0x1] =	stream.indirect.gather @p0 [hbm4b:s3+s19], $0x20, s18, s19, $0xb8;
	[tilespmem:$0xB6A0] =	vst v63  }
0x255: {  	s18 =	sadd.s32 @p0 $0x80, s18;
	s19 =	simm.s32 @!p2 $0x48;
	s20 =	simm.s32 @!p2 $0x8400  }
0x256: {  	[tilespmem:s20], [sflag:$0x1] =	stream.indirect.gather @!p2 [hbm4b:s3+s19], $0x20, s18, s19, $0xb8;
	[tilespmem:$0xB6A0] =	vst v63  }
0x257: {  	s19 =	simm.s32 @!p1 $0x20;
	s20 =	simm.s32 @!p1 $0x8400  }
0x258: {  	[tilespmem:s20], [sflag:$0x1] =	stream.indirect.gather @!p1 [hbm4b:s3+s19], $0x20, s18, s19, $0xb8;
	[tilespmem:$0xB6A0] =	vst v63  }
0x259: {  	p1 =	sgt.s32 @!p0 s17, $0x2  }
0x25a: {  	p2 =	por !p1, p0  }
0x25b: {  	p3 =	seq.s32 @!p2 s17, $0x3  }
0x25c: {  	p4 =	por @!p0 p3, !p1  }
0x25d: {  	p4 =	por p4, p0  }
0x25e: {  	p5 =	por @!p0 !p3, !p1;
	p4 =	seq.s32 @!p4 s17, $0x4  }
0x25f: {  	p5 =	por p5, p0;
	p2 =	por @!p2 !p4, p3  }
0x260: {  	s18 =	smul.u32 @!p5 $0x320, s16;
	p2 =	por @!p0 p2, !p1  }
0x261: {  	s19 =	simm.s32 @!p5 $0x60;
	p2 =	por p2, p0  }
0x262: {  	s20 =	simm.s32 @!p5 $0x7400;
	s18 =	sshra.s32 @!p5 s18, $0x2;
	s21 =	smul.u32 @!p2 $0x320, s16  }
0x263: {  	[tilespmem:s20], [sflag:$0x1] =	stream.indirect.gather @!p5 [hbm4b:s3+s19], $0x20, s18, s19, $0xb8;
	[tilespmem:$0xB6A0] =	vst v63  }
0x264: {  	s19 =	simm.s32 @!p2 $0x80;
	s20 =	simm.s32 @!p2 $0x7400;
	s18 =	sshra.s32 @!p2 s21, $0x2  }
0x265: {  	[tilespmem:s20], [sflag:$0x1] =	stream.indirect.gather @!p2 [hbm4b:s3+s19], $0x20, s18, s19, $0xb8;
	[tilespmem:$0xB6A0] =	vst v63  }
0x266: {  	p2 =	por p1, p0  }
0x267: {  	p3 =	seq.s32 @!p2 s17, $0x1  }
0x268: {  	p4 =	por @!p0 p3, p1  }
0x269: {  	p4 =	por p4, p0  }
0x26a: {  	p5 =	por @!p0 !p3, p1;
	p4 =	seq.s32 @!p4 s17, $0x2  }
0x26b: {  	p5 =	por p5, p0;
	p2 =	por @!p2 !p4, p3  }
0x26c: {  	s17 =	smul.u32 @!p5 $0x320, s16;
	p1 =	por @!p0 p2, p1  }
0x26d: {  	s18 =	simm.s32 @!p5 $0x20;
	p0 =	por p1, p0  }
0x26e: {  	s19 =	simm.s32 @!p5 $0x7400;
	s17 =	sshra.s32 @!p5 s17, $0x2;
	s16 =	smul.u32 @!p0 $0x320, s16  }
0x26f: {  	[tilespmem:s19], [sflag:$0x1] =	stream.indirect.gather @!p5 [hbm4b:s3+s18], $0x20, s17, s18, $0xb8;
	[tilespmem:$0xB6A0] =	vst v63  }
0x270: {  	s17 =	simm.s32 @!p0 $0x40;
	s18 =	simm.s32 @!p0 $0x7400;
	s16 =	sshra.s32 @!p0 s16, $0x2  }
0x271: {  	[tilespmem:s18], [sflag:$0x1] =	stream.indirect.gather @!p0 [hbm4b:s3+s17], $0x20, s16, s17, $0xb8;
	[tilespmem:$0xB6A0] =	vst v63  }
.LBB2_17:
0x272: {  	v14 =	vld [tilespmem:s15+$0x6C00];
	_ =	sdelay $0x4  }
0x273: {  	(xrf0) =	vmax.scan.msk.f32 $0xffff, v14;
	_ =	sdelay $0x5  }
0x274: {  	v15, _, _ =	vpop (xrf0)  }
0x275: {  	(v2sf) =	vpush v15, $0xF;
	_ =	sdelay $0xe  }
0x276: {  	s16 =	spop (v2sf)  }
0x277: {  	s16 =	scvt.f32.s32 s16;
	_ =	sdelay $0x1  }
0x278: {  	s17 =	sadd.s32 $0x1F, s16  }
0x279: {  	s18 =	sand.u32 $0x1F, s17  }
0x27a: {  	s19 =	sshra.s32 s17, $0x1F;
	p0 =	slt.s32 s17, $0x1;
	p1 =	sne.s32 s18, $0x0  }
0x27b: {  	s28 =	sshrl.u32 s19, $0x1B;
	p0 =	por !p0, !p1  }
0x27c: {  	s18 =	simm.s32 $0x1;
	s17 =	sadd.s32 s28, s17;
	p0 =	por !p0, !p0  }
0x27d: {  	s17 =	sshra.s32 s17, $0x5;
	s18 =	simm.s32 @!p0 $0x0  }
0x27e: {  	s17 =	ssub.s32 s17, s18  }
0x27f: {  	p0 =	sgt.s32 s17, $0x4  }
0x280: {  	s18 =	simm.s32 @p0 $0x2  }
0x281: {  	p3 =	sne.s32 @p0 s17, $0x5;
	_ =	swait.ge @p0 [sflag:s18], $0x1000  }
0x282: {  	p4 =	por !p3, !p0;
	[sflag:s18] =	ssyncset.done @p0 $0x0  }
0x283: {  	p1 =	sgt.s32 @!p0 s17, $0x2;
	[sflag:s18] =	ssyncadd.s32 @p0 $0xFFFFF000;
	s18 =	simm.s32 @!p4 $0x2  }
0x284: {  	p2 =	por !p1, p0;
	_ =	swait.ge @!p4 [sflag:s18], $0x900  }
0x285: {  	p3 =	por p3, !p0;
	p5 =	seq.s32 @!p2 s17, $0x3;
	[sflag:s18] =	ssyncset.done @!p4 $0x0  }
0x286: {  	[sflag:s18] =	ssyncadd.s32 @!p4 $0xFFFFF700;
	s18 =	simm.s32 @!p3 $0x2;
	p4 =	por @!p0 p5, !p1  }
0x287: {  	p6 =	por @!p0 !p5, !p1;
	_ =	swait.ge @!p3 [sflag:s18], $0x400;
	p4 =	por p4, p0  }
0x288: {  	p6 =	por p6, p0;
	[sflag:s18] =	ssyncset.done @!p3 $0x0;
	p4 =	seq.s32 @!p4 s17, $0x4  }
0x289: {  	[sflag:s18] =	ssyncadd.s32 @!p3 $0xFFFFFC00;
	s18 =	simm.s32 @!p6 $0x2;
	p2 =	por @!p2 !p4, p5  }
0x28a: {  	s29 =	sand.u32 $0x1F, s16;
	_ =	swait.ge @!p6 [sflag:s18], $0xC00;
	p2 =	por @!p0 p2, !p1  }
0x28b: {  	p3 =	por p1, p0;
	[sflag:s18] =	ssyncset.done @!p6 $0x0;
	p2 =	por p2, p0  }
0x28c: {  	p4 =	seq.s32 @!p3 s17, $0x1;
	[sflag:s18] =	ssyncadd.s32 @!p6 $0xFFFFF400;
	s18 =	simm.s32 @!p2 $0x2  }
0x28d: {  	s30 =	sshra.s32 s16, $0x1F;
	p5 =	por @!p0 !p4, p1;
	_ =	swait.ge @!p2 [sflag:s18], $0x1000  }
0x28e: {  	p6 =	por @!p0 p4, p1;
	p5 =	por p5, p0;
	[sflag:s18] =	ssyncset.done @!p2 $0x0  }
0x28f: {  	p6 =	por p6, p0;
	[sflag:s18] =	ssyncadd.s32 @!p2 $0xFFFFF000;
	s18 =	simm.s32 @!p5 $0x2  }
0x290: {  	s31 =	sshrl.u32 s30, $0x1B;
	p2 =	seq.s32 @!p6 s17, $0x2;
	_ =	swait.ge @!p5 [sflag:s18], $0x400  }
0x291: {  	p6 =	sne.s32 s29, $0x0;
	p2 =	por @!p3 !p2, p4;
	[sflag:s18] =	ssyncset.done @!p5 $0x0  }
0x292: {  	p1 =	por @!p0 p2, p1;
	[sflag:s18] =	ssyncadd.s32 @!p5 $0xFFFFFC00;
	p5 =	slt.s32 s16, $0x1  }
0x293: {  	s17 =	sadd.s32 s31, s16;
	p0 =	por p1, p0;
	p1 =	por !p5, !p6  }
0x294: {  	s18 =	simm.s32 $0x1;
	s19 =	simm.s32 @!p0 $0x2;
	p1 =	por !p1, !p1  }
0x295: {  	s17 =	sshra.s32 s17, $0x5;
	_ =	swait.ge @!p0 [sflag:s19], $0x800;
	s18 =	simm.s32 @!p1 $0x0  }
0x296: {  	[sflag:s19] =	ssyncset.done @!p0 $0x0;
	s17 =	ssub.s32 s17, s18  }
0x297: {  	[sflag:s19] =	ssyncadd.s32 @!p0 $0xFFFFF800;
	p0 =	slt.s32 s17, $0x1  }
.Ltmp14:
0x298: {  	_ = 	snop;
	(pc) =	sbr.rel @p0 .LBB2_18-.Ltmp14, $2  }
0x299: {  	_ =	sdelay $0x2  }
0x29a: {  	v18 =	vimm.f32 $0.0e+00;
	v15 =	vld [tilespmem:s15+$0x6400];
	s15 =	simm.s32 $0x8F00  }
0x29b: {  	v23 =	vld [tilespmem:s15+$0x180]  }
0x29c: {  	v24 =	vld [tilespmem:s15+$0x190]  }
0x29d: {  	v25 =	vld [tilespmem:s15+$0x1A0]  }
0x29e: {  	v26 =	vld [tilespmem:s15+$0x1B0]  }
0x29f: {  	v16 =	vld [tilespmem:s15+$0x1C0]  }
0x2a0: {  	v17 =	vld [tilespmem:s15+$0x1D0]  }
0x2a1: {  	v31 =	vld [tilespmem:s15+$0x100]  }
0x2a2: {  	v32 =	vld [tilespmem:s15+$0x110]  }
0x2a3: {  	v29 =	vld [tilespmem:s15+$0x120]  }
0x2a4: {  	v30 =	vld [tilespmem:s15+$0x130]  }
0x2a5: {  	v19 =	vld [tilespmem:s15+$0x140]  }
0x2a6: {  	v20 =	vld [tilespmem:s15+$0x150]  }
0x2a7: {  	v33 =	vld [tilespmem:s15+$0x80]  }
0x2a8: {  	v36 =	vld [tilespmem:s15+$0x90]  }
0x2a9: {  	v37 =	vld [tilespmem:s15+$0xA0]  }
0x2aa: {  	v38 =	vld [tilespmem:s15+$0xB0]  }
0x2ab: {  	v22 =	vld [tilespmem:s15+$0xC0]  }
0x2ac: {  	v21 =	vld [tilespmem:s15+$0xD0]  }
0x2ad: {  	v39 =	vld [tilespmem:s15+$0x0]  }
0x2ae: {  	v43 =	vld [tilespmem:s15+$0x10]  }
0x2af: {  	v44 =	vld [tilespmem:s15+$0x20]  }
0x2b0: {  	v45 =	vld [tilespmem:s15+$0x30]  }
0x2b1: {  	v27 =	vld [tilespmem:s15+$0x40]  }
0x2b2: {  	v41 =	vld [tilespmem:s15+$0xFFFFFF80]  }
0x2b3: {  	v42 =	vld [tilespmem:s15+$0xFFFFFF90]  }
0x2b4: {  	v35 =	vld [tilespmem:s15+$0xFFFFFF00]  }
0x2b5: {  	v40 =	vld [tilespmem:s15+$0xFFFFFF10]  }
0x2b6: {  	v28 =	vld [tilespmem:s15+$0xFFFFFE80]  }
0x2b7: {  	v34 =	vld [tilespmem:s15+$0xFFFFFE90]  }
0x2b8: {  	v46 =	vld [tilespmem:s15+$0xFFFFFE00]  }
0x2b9: {  	v47 =	vld [tilespmem:s15+$0xFFFFFE10]  }
0x2ba: {  	v48 =	vld [tilespmem:s15+$0xFFFFFE20]  }
0x2bb: {  	v49 =	vld [tilespmem:s15+$0xFFFFFE30]  }
0x2bc: {  	v50 =	vld [tilespmem:s15+$0xFFFFFEA0]  }
0x2bd: {  	v51 =	vld [tilespmem:s15+$0xFFFFFEB0]  }
0x2be: {  	v52 =	vld [tilespmem:s15+$0xFFFFFF20]  }
0x2bf: {  	v53 =	vld [tilespmem:s15+$0xFFFFFF30];
	v46 =	vadd.f32 v46, v18;
	v47 =	vadd.f32 v47, v18  }
0x2c0: {  	v54 =	vld [tilespmem:s15+$0xFFFFFFA0];
	v48 =	vadd.f32 v48, v18;
	v49 =	vadd.f32 v49, v18  }
0x2c1: {  	v55 =	vld [tilespmem:s15+$0xFFFFFFB0];
	v46 =	vadd.f32 v28, v46;
	v47 =	vadd.f32 v34, v47  }
0x2c2: {  	v28 =	vld [tilespmem:s15+$0x50];
	v48 =	vadd.f32 v50, v48;
	v49 =	vadd.f32 v51, v49  }
0x2c3: {  	v34 =	vld [tilespmem:s15+$0xFFFFFFC0];
	v46 =	vadd.f32 v35, v46;
	v47 =	vadd.f32 v40, v47  }
0x2c4: {  	v35 =	vld [tilespmem:s15+$0xFFFFFFD0];
	v48 =	vadd.f32 v52, v48;
	v49 =	vadd.f32 v53, v49  }
0x2c5: {  	v40 =	vld [tilespmem:s15+$0xFFFFFF40];
	v46 =	vadd.f32 v41, v46;
	v47 =	vadd.f32 v42, v47  }
0x2c6: {  	v41 =	vld [tilespmem:s15+$0xFFFFFF50];
	v48 =	vadd.f32 v54, v48;
	v49 =	vadd.f32 v55, v49  }
0x2c7: {  	p0 =	sne.s32 s17, $0x1;
	v42 =	vld [tilespmem:s15+$0xFFFFFEC0];
	v39 =	vadd.f32 v39, v46;
	v60 =	vadd.f32 v43, v47  }
.Ltmp15:
0x2c8: {  	v43 =	vld [tilespmem:s15+$0xFFFFFED0];
	v61 =	vadd.f32 v44, v48;
	v62 =	vadd.f32 v45, v49;
	(pc) =	sbr.rel @!p0 .LBB2_21-.Ltmp15, $4  }
0x2c9: {  	v44 =	vld [tilespmem:s15+$0xFFFFFE40];
	v33 =	vadd.f32 v33, v39;
	v63 =	vadd.f32 v36, v60  }
0x2ca: {  	v45 =	vld [tilespmem:s15+$0xFFFFFE50];
	v36 =	vadd.f32 v37, v61;
	v37 =	vadd.f32 v38, v62  }
0x2cb: {  	v46 =	vld [tilespmem:s15+$0xFFFFFE60];
	v38 =	vadd.f32 v31, v33;
	v39 =	vadd.f32 v32, v63  }
0x2cc: {  	s17 =	sadd.s32 $0xFFFFFFFF, s17;
	v47 =	vld [tilespmem:s15+$0xFFFFFE70];
	v31 =	vimm.f32 $0.0e+00;
	v33 =	vimm.f32 $0.0e+00;
	v32 =	vimm.f32 $0.0e+00  }
.LBB2_20:
0x2cd: {  	p0 =	sne.s32 s17, $0x1;
	v48 =	vld [tilespmem:s15+$0xFFFFFEE0];
	v29 =	vadd.f32 v29, v36;
	v30 =	vadd.f32 v30, v37  }
0x2ce: {  	v49 =	vld [tilespmem:s15+$0xFFFFFEF0];
	v36 =	vadd.f32 v23, v38;
	v37 =	vadd.f32 v24, v39  }
0x2cf: {  	v23 =	vld [tilespmem:s15+$0xFFFFFF60];
	v38 =	vadd.f32 v25, v29;
	v39 =	vadd.f32 v26, v30  }
0x2d0: {  	v18 =	vadd.f32 v44, v18;
	v24 =	vadd.f32 v45, v31;
	v25 =	vld [tilespmem:s15+$0xFFFFFF70]  }
0x2d1: {  	v26 =	vadd.f32 v46, v33;
	v29 =	vadd.f32 v47, v32;
	v30 =	vld [tilespmem:s15+$0xFFFFFFE0]  }
0x2d2: {  	v18 =	vadd.f32 v42, v18;
	v24 =	vadd.f32 v43, v24;
	v31 =	vld [tilespmem:s15+$0xFFFFFFF0]  }
0x2d3: {  	v26 =	vadd.f32 v48, v26;
	v29 =	vadd.f32 v49, v29;
	v32 =	vld [tilespmem:s15+$0x60]  }
0x2d4: {  	v18 =	vadd.f32 v40, v18;
	v24 =	vadd.f32 v41, v24;
	v33 =	vld [tilespmem:s15+$0x70]  }
0x2d5: {  	v23 =	vadd.f32 v23, v26;
	v25 =	vadd.f32 v25, v29;
	v26 =	vld [tilespmem:s15+$0xE0]  }
0x2d6: {  	v18 =	vadd.f32 v34, v18;
	v24 =	vadd.f32 v35, v24;
	v29 =	vld [tilespmem:s15+$0xF0]  }
0x2d7: {  	v23 =	vadd.f32 v30, v23;
	v25 =	vadd.f32 v31, v25;
	v30 =	vld [tilespmem:s15+$0x160]  }
0x2d8: {  	v18 =	vadd.f32 v27, v18;
	v24 =	vadd.f32 v28, v24;
	v27 =	vld [tilespmem:s15+$0x170]  }
0x2d9: {  	v28 =	vadd.f32 v32, v23;
	v25 =	vadd.f32 v33, v25;
	v32 =	vld [tilespmem:s15+$0x1E0]  }
0x2da: {  	v18 =	vadd.f32 v22, v18;
	v21 =	vadd.f32 v21, v24;
	v22 =	vld [tilespmem:s15+$0x1F0];
	s15 =	sadd.s32 $0x400, s15  }
0x2db: {  	v26 =	vadd.f32 v26, v28;
	v23 =	vld [tilespmem:s15+$0x180];
	v28 =	vadd.f32 v29, v25  }
0x2dc: {  	v18 =	vadd.f32 v19, v18;
	v19 =	vadd.f32 v20, v21;
	v24 =	vld [tilespmem:s15+$0x190]  }
0x2dd: {  	v20 =	vadd.f32 v30, v26;
	v25 =	vld [tilespmem:s15+$0x1A0];
	v21 =	vadd.f32 v27, v28  }
0x2de: {  	v18 =	vadd.f32 v16, v18;
	v31 =	vadd.f32 v17, v19;
	v26 =	vld [tilespmem:s15+$0x1B0]  }
0x2df: {  	v33 =	vadd.f32 v32, v20;
	v16 =	vld [tilespmem:s15+$0x1C0];
	v32 =	vadd.f32 v22, v21  }
0x2e0: {  	v17 =	vld [tilespmem:s15+$0x1D0]  }
0x2e1: {  	v48 =	vld [tilespmem:s15+$0x100]  }
0x2e2: {  	v49 =	vld [tilespmem:s15+$0x110]  }
0x2e3: {  	v29 =	vld [tilespmem:s15+$0x120]  }
0x2e4: {  	v30 =	vld [tilespmem:s15+$0x130]  }
0x2e5: {  	v19 =	vld [tilespmem:s15+$0x140]  }
0x2e6: {  	v20 =	vld [tilespmem:s15+$0x150]  }
0x2e7: {  	v46 =	vld [tilespmem:s15+$0x80]  }
0x2e8: {  	v47 =	vld [tilespmem:s15+$0x90]  }
0x2e9: {  	v50 =	vld [tilespmem:s15+$0xA0]  }
0x2ea: {  	v51 =	vld [tilespmem:s15+$0xB0]  }
0x2eb: {  	v22 =	vld [tilespmem:s15+$0xC0]  }
0x2ec: {  	v21 =	vld [tilespmem:s15+$0xD0]  }
0x2ed: {  	v44 =	vld [tilespmem:s15+$0x0]  }
0x2ee: {  	v45 =	vld [tilespmem:s15+$0x10]  }
0x2ef: {  	v52 =	vld [tilespmem:s15+$0x20]  }
0x2f0: {  	v53 =	vld [tilespmem:s15+$0x30]  }
0x2f1: {  	v27 =	vld [tilespmem:s15+$0x40]  }
0x2f2: {  	v28 =	vld [tilespmem:s15+$0x50]  }
0x2f3: {  	v42 =	vld [tilespmem:s15+$0xFFFFFF80]  }
0x2f4: {  	v43 =	vld [tilespmem:s15+$0xFFFFFF90]  }
0x2f5: {  	v35 =	vld [tilespmem:s15+$0xFFFFFF00]  }
0x2f6: {  	v40 =	vld [tilespmem:s15+$0xFFFFFF10]  }
0x2f7: {  	v34 =	vld [tilespmem:s15+$0xFFFFFE80]  }
0x2f8: {  	v41 =	vld [tilespmem:s15+$0xFFFFFE90]  }
0x2f9: {  	v54 =	vld [tilespmem:s15+$0xFFFFFE00]  }
0x2fa: {  	v55 =	vld [tilespmem:s15+$0xFFFFFE10]  }
0x2fb: {  	v56 =	vld [tilespmem:s15+$0xFFFFFE20]  }
0x2fc: {  	v57 =	vld [tilespmem:s15+$0xFFFFFE30]  }
0x2fd: {  	v58 =	vld [tilespmem:s15+$0xFFFFFEA0]  }
0x2fe: {  	v59 =	vld [tilespmem:s15+$0xFFFFFEB0]  }
0x2ff: {  	v60 =	vld [tilespmem:s15+$0xFFFFFF20]  }
0x300: {  	v36 =	vadd.f32 v54, v36;
	v37 =	vadd.f32 v55, v37;
	v54 =	vld [tilespmem:s15+$0xFFFFFF30]  }
0x301: {  	v38 =	vadd.f32 v56, v38;
	v39 =	vadd.f32 v57, v39;
	v55 =	vld [tilespmem:s15+$0xFFFFFFA0]  }
0x302: {  	v36 =	vadd.f32 v34, v36;
	v37 =	vadd.f32 v41, v37;
	v56 =	vld [tilespmem:s15+$0xFFFFFFB0]  }
0x303: {  	v38 =	vadd.f32 v58, v38;
	v39 =	vadd.f32 v59, v39;
	v34 =	vld [tilespmem:s15+$0xFFFFFFC0]  }
0x304: {  	v36 =	vadd.f32 v35, v36;
	v37 =	vadd.f32 v40, v37;
	v35 =	vld [tilespmem:s15+$0xFFFFFFD0]  }
0x305: {  	v38 =	vadd.f32 v60, v38;
	v39 =	vadd.f32 v54, v39;
	v40 =	vld [tilespmem:s15+$0xFFFFFF40]  }
0x306: {  	v36 =	vadd.f32 v42, v36;
	v37 =	vadd.f32 v43, v37;
	v41 =	vld [tilespmem:s15+$0xFFFFFF50]  }
0x307: {  	v38 =	vadd.f32 v55, v38;
	v42 =	vld [tilespmem:s15+$0xFFFFFEC0];
	v39 =	vadd.f32 v56, v39  }
.Ltmp16:
0x308: {  	v36 =	vadd.f32 v44, v36;
	v37 =	vadd.f32 v45, v37;
	v43 =	vld [tilespmem:s15+$0xFFFFFED0];
	(pc) =	sbr.rel @p0 .LBB2_20-.Ltmp16, $4  }
0x309: {  	v38 =	vadd.f32 v52, v38;
	v44 =	vld [tilespmem:s15+$0xFFFFFE40];
	v39 =	vadd.f32 v53, v39  }
0x30a: {  	v52 =	vadd.f32 v46, v36;
	v53 =	vadd.f32 v47, v37;
	v45 =	vld [tilespmem:s15+$0xFFFFFE50]  }
0x30b: {  	v36 =	vadd.f32 v50, v38;
	v46 =	vld [tilespmem:s15+$0xFFFFFE60];
	v37 =	vadd.f32 v51, v39  }
0x30c: {  	s17 =	sadd.s32 $0xFFFFFFFF, s17;
	v38 =	vadd.f32 v48, v52;
	v39 =	vadd.f32 v49, v53;
	v47 =	vld [tilespmem:s15+$0xFFFFFE70]  }
.LBB2_21:
0x30d: {  	v48 =	vld [tilespmem:s15+$0xFFFFFEE0];
	v29 =	vadd.f32 v29, v36;
	v30 =	vadd.f32 v30, v37  }
0x30e: {  	v62 =	vld [tilespmem:s15+$0xFFFFFEF0];
	v23 =	vadd.f32 v23, v38;
	v24 =	vadd.f32 v24, v39  }
0x30f: {  	v63 =	vld [tilespmem:s15+$0xFFFFFF60];
	v18 =	vadd.f32 v44, v18;
	v25 =	vadd.f32 v25, v29  }
0x310: {  	v49 =	vld [tilespmem:s15+$0xFFFFFF70];
	v26 =	vadd.f32 v26, v30;
	v31 =	vadd.f32 v45, v31  }
0x311: {  	v51 =	vld [tilespmem:s15+$0xFFFFFFE0];
	v50 =	vadd.f32 v46, v33;
	v32 =	vadd.f32 v47, v32  }
0x312: {  	v52 =	vld [tilespmem:s15+$0xFFFFFFF0];
	v18 =	vadd.f32 v42, v18;
	v31 =	vadd.f32 v43, v31  }
0x313: {  	v53 =	vld [tilespmem:s15+$0x60];
	v30 =	vadd.f32 v48, v50;
	v32 =	vadd.f32 v62, v32  }
0x314: {  	v54 =	vld [tilespmem:s15+$0x70];
	v18 =	vadd.f32 v40, v18;
	v31 =	vadd.f32 v41, v31  }
0x315: {  	v55 =	vld [tilespmem:s15+$0xE0];
	v30 =	vadd.f32 v63, v30;
	v29 =	vadd.f32 v49, v32  }
0x316: {  	v56 =	vld [tilespmem:s15+$0xF0];
	v18 =	vadd.f32 v34, v18;
	v31 =	vadd.f32 v35, v31  }
0x317: {  	v57 =	vld [tilespmem:s15+$0x160];
	v30 =	vadd.f32 v51, v30;
	v29 =	vadd.f32 v52, v29  }
0x318: {  	v58 =	vld [tilespmem:s15+$0x170];
	v18 =	vadd.f32 v27, v18;
	v28 =	vadd.f32 v28, v31  }
0x319: {  	v59 =	vld [tilespmem:s15+$0x1E0];
	v30 =	vadd.f32 v53, v30;
	v29 =	vadd.f32 v54, v29  }
0x31a: {  	v60 =	vld [tilespmem:s15+$0x1F0];
	v18 =	vadd.f32 v22, v18;
	v21 =	vadd.f32 v21, v28  }
0x31b: {  	v30 =	vadd.f32 v55, v30;
	v61 =	vadd.f32 v56, v29  }
0x31c: {  	v18 =	vadd.f32 v19, v18;
	v20 =	vadd.f32 v20, v21  }
0x31d: {  	v19 =	vadd.f32 v57, v30;
	v62 =	vadd.f32 v58, v61  }
0x31e: {  	v16 =	vadd.f32 v16, v18;
	v17 =	vadd.f32 v17, v20  }
.Ltmp17:
0x31f: {  	v18 =	vadd.f32 v59, v19;
	v19 =	vadd.f32 v60, v62;
	(pc) =	sbr.rel .LBB2_22-.Ltmp17, $3  }
0x320: {  	v63 =	vadd.f32 v26, v24;
	v20 =	vadd.f32 v25, v23  }
0x321: {  	v16 =	vadd.f32 v18, v16;
	v17 =	vadd.f32 v19, v17;
	_ =	sdelay $0x1  }
0x322: {  	v18 =	vadd.f32 v16, v20;
	v16 =	vadd.f32 v17, v63  }
.LBB2_18:
0x323: {  	v16 =	vimm.f32 $0.0e+00  }
.LBB2_22:
0x324: {  	p0 =	sne.s32 s16, $0xC8  }
.Ltmp18:
0x325: {  	_ = 	snop;
	(pc) =	sbr.rel @!p0 .LBB2_23-.Ltmp18, $1  }
0x326: {  	_ =	sdelay $0x3  }
0x327: {  	p0 =	sgt.s32 s16, $0xC7  }
.Ltmp19:
0x328: {  	_ = 	snop;
	(pc) =	sbr.rel @p0 .LBB2_26-.Ltmp19, $4  }
.Ltmp20:
0x329: {  	_ = 	snop;
	(pc) =	sbr.rel @!p0 .LBB2_25-.Ltmp20, $4  }
0x32a: {  	_ = 	snop  }
0x32b: {  	_ = 	snop  }
0x32c: {  	s14 =	sshll.u32 s14, $0x7;
	v17 =	vimm.f32 $0.0e+00;
	v19 =	vimm.f32 $0.0e+00  }
0x32d: {  	_ = 	snop  }
.LBB2_28:
0x32e: {  	_ =	sfence.sel $0x180000  }
0x32f: {  	[bflag:$0x0] =	sbarrier.arrive $0xFFFF  }
0x330: {  	p0 =	sne.s32 s0, $0x0;
	_ =	strace $0x90000047  }
0x331: {  	s0 =	sadd.s32 @!p0 $0x100000, s1;
	[bflag:$0x2] =	sbarrier.arrive $0xFFFF  }
0x332: {  	[sflag:s0] =	ssyncadd.tile.s32 @!p0 $0x1;
	_ =	shalt  }
.Lfunc_end2:
_tile_overlayer_lowered:
.L_overlay_start_2:
0x333: {  	(tag) =	ssettag $0x2  }
0x334: {  	s0 =	rddreg [dreg:$0x0];
	s2 =	stileid.u32  }
0x335: {  	s1 =	rddreg [dreg:$0x1];
	p0 =	sne.s32 s2, $0x0  }
0x336: {  	s3 =	rddreg [dreg:$0x2];
	[bflag:$0x3] =	sbarrier.arrive $0xFFFF;
	s2 =	simm.s32 @!p0 $0x1C03  }
0x337: {  	[timem:s3], [sflag:s2] =	dma.local @!p0 [hbm:s0], s1  }
0x338: {  	s0 =	simm.s32 @!p0 $0x3  }
0x339: {  	_ =	swait.ge @!p0 [sflag:s0], s1  }
0x33a: {  	s1 =	ssub.s32 @!p0 $0x0, s1;
	[sflag:s0] =	ssyncset.done @!p0 $0x0  }
0x33b: {  	[sflag:s0] =	ssyncadd.s32 @!p0 s1  }
0x33c: {  	[bflag:$0x3] =	sbarrier.arrive $0xFFFF  }
0x33d: {  	_ =	shalt  }

</sc_bundles>
